<compile_context>
chip_gen: v7x
topology: tpu7x:2x2x1
jax: 0.10.2.dev20260603
libtpu: 0.0.44.dev20260713+nightly
codegen_flags: <defaults>
</compile_context>

<pallas_src>
import functools

import jax
import jax.numpy as jnp
from jax import lax
from jax.experimental import pallas as pl
from jax.experimental.pallas import tpu as pltpu
from jax.experimental.pallas import tpu_sc as plsc

N = 10000
E = 320000
D_IN = 128
H1 = 32
H2 = 16
D_OUT = 2

NC = 2
NS = 16
NW = NC * NS

W = 128
STEPS = 80
HSTEPS = STEPS * NC
EPW = W * STEPS
E_PAD = EPW * NW
N_PAD = 10112
RPT = N_PAD // NS
N_SPARE = N_PAD - N
P4R = N_PAD // 4
P8R = N_PAD // 8

_f32 = jnp.float32

_SC_PARAMS = pltpu.CompilerParams(use_tc_tiling_on_sc=False,
                                  needs_layout_passes=False)


def _mesh():
    return plsc.VectorSubcoreMesh(core_axis_name="c", subcore_axis_name="s")


def _hist_body(dst_hbm, dinv_hbm, b32_hbm, b16_hbm, acc_sp, didx, ones, zeros,
               vbuf, dinvv, b32, b16, sem0, sem1, sem2, sem3):
    c = lax.axis_index("c")
    s = lax.axis_index("s")
    rbase = s * RPT
    ssem = [sem0, sem1, sem2, sem3]
    pltpu.sync_copy(dst_hbm.at[pl.ds(s * HSTEPS, HSTEPS)], didx)
    for j in range(W // 16):
        ones[pl.ds(j * 16, 16)] = jnp.ones((16,), _f32)
        zeros[pl.ds(j * 16, 16)] = jnp.zeros((16,), _f32)
    for k in range(RPT // W):
        pltpu.sync_copy(zeros, acc_sp.at[pl.ds(rbase + k * W, W)])
    pltpu.sync_copy(zeros.at[pl.ds(0, RPT % W)],
                    acc_sp.at[pl.ds(rbase + (RPT // W) * W, RPT % W)])
    plsc.subcore_barrier()

    def group(g, carry):
        for b in range(4):
            t = g * 4 + b

            @pl.when(g > 0)
            def _():
                pltpu.make_async_copy(ones, acc_sp.at[didx.at[t]],
                                      ssem[b]).wait()

            pltpu.async_copy(ones, acc_sp.at[didx.at[t]], ssem[b], add=True)
        return carry

    lax.fori_loop(0, HSTEPS // 4, group, 0)
    for b in range(4):
        pltpu.make_async_copy(ones, acc_sp.at[didx.at[0]], ssem[b]).wait()
    plsc.subcore_barrier()

    for k in range(RPT // W + 1):
        ln = W if k < RPT // W else RPT % W
        pltpu.sync_copy(acc_sp.at[pl.ds(rbase + k * W, ln)],
                        dinvv.at[pl.ds(k * W, ln)])

    def newton(k, carry):
        deg = dinvv[pl.ds(k * 16, 16)] + 1.0
        i = plsc.bitcast(deg, jnp.int32)
        y = plsc.bitcast(0x5F3759DF - lax.shift_right_logical(i, 1), _f32)
        half = deg * 0.5
        y = y * (1.5 - half * y * y)
        y = y * (1.5 - half * y * y)
        y = y * (1.5 - half * y * y)
        ridx = rbase + k * 16 + lax.iota(jnp.int32, 16)
        y = jnp.where(ridx < N, y, 0.0)
        dinvv[pl.ds(k * 16, 16)] = y
        return carry

    lax.fori_loop(0, RPT // 16 + 1, newton, 0)

    def bcast(r, carry):
        v = plsc.load_gather(dinvv, [jnp.full((16,), r, jnp.int32)])
        b32[r, pl.ds(0, 16)] = v
        b32[r, pl.ds(16, 16)] = v
        b16[r, pl.ds(0, 16)] = v
        return carry

    lax.fori_loop(0, RPT, bcast, 0)

    @pl.when(c == 0)
    def _():
        pltpu.sync_copy(dinvv.at[pl.ds(0, RPT)],
                        dinv_hbm.at[pl.ds(rbase, RPT)])
        pltpu.sync_copy(b32, b32_hbm.at[pl.ds(rbase, RPT)])
        pltpu.sync_copy(b16, b16_hbm.at[pl.ds(rbase, RPT)])


_hist = functools.partial(
    pl.kernel,
    out_type=(jax.ShapeDtypeStruct((N_PAD,), _f32),
              jax.ShapeDtypeStruct((N_PAD, H1), _f32),
              jax.ShapeDtypeStruct((N_PAD, H2), _f32)),
    mesh=_mesh(),
    compiler_params=_SC_PARAMS,
    scratch_types=[
        pltpu.VMEM_SHARED((N_PAD,), _f32),
        pltpu.VMEM((HSTEPS, W), jnp.int32),
        pltpu.VMEM((W,), _f32),
        pltpu.VMEM((W,), _f32),
        pltpu.VMEM((W,), _f32),
        pltpu.VMEM((RPT + 16,), _f32),
        pltpu.VMEM((RPT, H1), _f32),
        pltpu.VMEM((RPT, H2), _f32),
        pltpu.SemaphoreType.DMA,
        pltpu.SemaphoreType.DMA,
        pltpu.SemaphoreType.DMA,
        pltpu.SemaphoreType.DMA,
    ],
)(_hist_body)


ANBUF = 8
LOOK = ANBUF // 2
AGROUPS = STEPS // ANBUF


def _agg_body_for(D, scale):
    def agg(*refs):
        if scale:
            (xs_hbm, dinv_hbm, src_hbm, dst_hbm, out_hbm, xs_sp, acc_sp,
             sidx, didx, xbuf, dinvv, *bufs) = refs
        else:
            (xs_hbm, src_hbm, dst_hbm, out_hbm, xs_sp, acc_sp,
             sidx, didx, *bufs) = refs
        c = lax.axis_index("c")
        s = lax.axis_index("s")
        wid = s * NC + c
        rbase = s * RPT
        rows = list(bufs[:ANBUF])
        gsem = list(bufs[ANBUF:2 * ANBUF])
        ssem = list(bufs[2 * ANBUF:3 * ANBUF])
        if scale:
            pltpu.async_copy(xs_hbm.at[pl.ds(rbase, RPT)], xbuf, gsem[0])
            pltpu.async_copy(dinv_hbm.at[pl.ds(rbase, RPT)], dinvv, gsem[3])
        else:
            pltpu.async_copy(xs_hbm.at[pl.ds(rbase, RPT)],
                             xs_sp.at[pl.ds(rbase, RPT)], gsem[0])
        pltpu.async_copy(src_hbm.at[pl.ds(wid * STEPS, STEPS)], sidx, gsem[1])
        pltpu.async_copy(dst_hbm.at[pl.ds(wid * STEPS, STEPS)], didx, gsem[2])

        def zrow(i, carry):
            for j in range(D // 16):
                rows[0][i, pl.ds(j * 16, 16)] = jnp.zeros((16,), _f32)
            return carry

        lax.fori_loop(0, W, zrow, 0)
        for k in range(RPT // W):
            pltpu.async_copy(rows[0], acc_sp.at[pl.ds(rbase + k * W, W)],
                             ssem[k])
        pltpu.async_copy(rows[0].at[pl.ds(0, RPT % W)],
                         acc_sp.at[pl.ds(rbase + (RPT // W) * W, RPT % W)],
                         ssem[RPT // W])
        if scale:
            pltpu.make_async_copy(xs_hbm.at[pl.ds(rbase, RPT)], xbuf,
                                  gsem[0]).wait()
            pltpu.make_async_copy(dinv_hbm.at[pl.ds(rbase, RPT)], dinvv,
                                  gsem[3]).wait()

            def srow(r, carry):
                dv = plsc.load_gather(dinvv,
                                      [jnp.full((16,), r, jnp.int32)])
                for j in range(D // 16):
                    xbuf[r, pl.ds(j * 16, 16)] = xbuf[r, pl.ds(j * 16, 16)] * dv
                return carry

            lax.fori_loop(0, RPT, srow, 0)
            pltpu.sync_copy(xbuf, xs_sp.at[pl.ds(rbase, RPT)])
        else:
            pltpu.make_async_copy(xs_hbm.at[pl.ds(rbase, RPT)],
                                  xs_sp.at[pl.ds(rbase, RPT)], gsem[0]).wait()
        pltpu.make_async_copy(src_hbm.at[pl.ds(wid * STEPS, STEPS)], sidx,
                              gsem[1]).wait()
        pltpu.make_async_copy(dst_hbm.at[pl.ds(wid * STEPS, STEPS)], didx,
                              gsem[2]).wait()
        for k in range(RPT // W):
            pltpu.make_async_copy(rows[0], acc_sp.at[pl.ds(rbase + k * W, W)],
                                  ssem[k]).wait()
        pltpu.make_async_copy(rows[0].at[pl.ds(0, RPT % W)],
                              acc_sp.at[pl.ds(rbase + (RPT // W) * W, RPT % W)],
                              ssem[RPT // W]).wait()
        plsc.subcore_barrier()

        for t0 in range(LOOK):
            pltpu.async_copy(xs_sp.at[sidx.at[t0]], rows[t0], gsem[t0])

        def group(g, carry):
            for b in range(ANBUF):
                t = g * ANBUF + b
                bp = (b + LOOK) % ANBUF
                pltpu.make_async_copy(xs_sp.at[sidx.at[t]], rows[b],
                                      gsem[b]).wait()
                pltpu.async_copy(rows[b], acc_sp.at[didx.at[t]], ssem[b],
                                 add=True)
                if b < ANBUF - LOOK:
                    @pl.when(g > 0)
                    def _():
                        pltpu.make_async_copy(rows[bp], acc_sp.at[didx.at[t]],
                                              ssem[bp]).wait()

                    pltpu.async_copy(xs_sp.at[sidx.at[t + LOOK]], rows[bp],
                                     gsem[bp])
                else:
                    @pl.when(g < AGROUPS - 1)
                    def _():
                        pltpu.make_async_copy(rows[bp], acc_sp.at[didx.at[t]],
                                              ssem[bp]).wait()
                        pltpu.async_copy(xs_sp.at[sidx.at[t + LOOK]], rows[bp],
                                         gsem[bp])
            return carry

        lax.fori_loop(0, AGROUPS, group, 0)
        for b in range(ANBUF):
            pltpu.make_async_copy(rows[b], acc_sp.at[didx.at[0]],
                                  ssem[b]).wait()
        plsc.subcore_barrier()
        pltpu.sync_copy(acc_sp.at[pl.ds(rbase, RPT)],
                        out_hbm.at[c, pl.ds(rbase, RPT)])

    return agg


def _make_agg(D, scale):
    extra = ([pltpu.VMEM((RPT, D), _f32),
              pltpu.VMEM((RPT,), _f32)]
             if scale else [])
    return functools.partial(
        pl.kernel,
        out_type=jax.ShapeDtypeStruct((NC, N_PAD, D), _f32),
        mesh=_mesh(),
        compiler_params=_SC_PARAMS,
        scratch_types=[
            pltpu.VMEM_SHARED((N_PAD, D), _f32),
            pltpu.VMEM_SHARED((N_PAD, D), _f32),
            pltpu.VMEM((STEPS, W), jnp.int32),
            pltpu.VMEM((STEPS, W), jnp.int32),
        ] + extra
          + [pltpu.VMEM((W, D), _f32)] * ANBUF
          + [pltpu.SemaphoreType.DMA] * (2 * ANBUF),
    )(_agg_body_for(D, scale))


_agg32s = _make_agg(H1, True)
_agg16s = _make_agg(H2, True)
_agg16n = _make_agg(H2, False)


def _edges_body(ei_ref, src_ref, dst_ref):
    pad = N + lax.rem(
        lax.broadcasted_iota(jnp.int32, (E_PAD - E,), 0), N_SPARE)
    src_ref[pl.ds(0, E)] = ei_ref[0]
    dst_ref[pl.ds(0, E)] = ei_ref[1]
    src_ref[pl.ds(E, E_PAD - E)] = pad
    dst_ref[pl.ds(E, E_PAD - E)] = pad


_edges = pl.pallas_call(
    _edges_body,
    out_shape=(jax.ShapeDtypeStruct((E_PAD,), jnp.int32),
               jax.ShapeDtypeStruct((E_PAD,), jnp.int32)),
)


def _prep_body(x_ref, w1_ref, out_ref):
    out_ref[...] = jnp.dot(x_ref[...], w1_ref[...], preferred_element_type=_f32)


_prep = pl.pallas_call(
    _prep_body,
    out_shape=jax.ShapeDtypeStruct((P4R, 128), _f32),
)


def _mid1_body(agg_ref, xw_ref, dv_ref, b_ref, w_ref, out_ref):
    dv = dv_ref[...]
    t = agg_ref[0] + agg_ref[1] + dv * xw_ref[...]
    h = jnp.maximum(dv * t + b_ref[...], 0.0)
    out_ref[...] = jnp.dot(h, w_ref[...], preferred_element_type=_f32)


_mid1 = pl.pallas_call(
    _mid1_body,
    out_shape=jax.ShapeDtypeStruct((P4R, 64), _f32),
)


def _mid2_body(agg_ref, xw_ref, dv_ref, b_ref, out_ref):
    dv = dv_ref[...]
    t = agg_ref[0] + agg_ref[1] + dv * xw_ref[...]
    out_ref[...] = dv * jnp.maximum(dv * t + b_ref[...], 0.0)


_mid2 = pl.pallas_call(
    _mid2_body,
    out_shape=jax.ShapeDtypeStruct((P8R, 128), _f32),
)


def _final_body(agg_ref, xs_ref, dv_ref, w_ref, b_ref, p_ref, out_ref):
    t = agg_ref[0] + agg_ref[1] + xs_ref[...]
    z = jnp.dot(dv_ref[...] * t, w_ref[...],
                preferred_element_type=_f32) + b_ref[...]
    zsw = jnp.dot(z, p_ref[...], preferred_element_type=_f32)
    m = jnp.maximum(z, zsw)
    e = jnp.exp(z - m)
    es = e + jnp.dot(e, p_ref[...], preferred_element_type=_f32)
    out_ref[...] = (z - m) - jnp.log(es)


_final = pl.pallas_call(
    _final_body,
    out_shape=jax.ShapeDtypeStruct((P8R, 16), _f32),
)


def kernel(x, edge_index, W1, b1, W2, b2, W3, b3):
    src_p, dst_p = _edges(edge_index)
    src_p = src_p.reshape(NW * STEPS, W)
    dst_p = dst_p.reshape(NW * STEPS, W)
    x_p4 = jnp.pad(x, ((0, N_SPARE), (0, 0))).reshape(P4R, 4 * D_IN)
    w1b = jax.scipy.linalg.block_diag(W1, W1, W1, W1)
    w2b = jax.scipy.linalg.block_diag(W2, W2, W2, W2)
    w3b = jax.scipy.linalg.block_diag(*([W3] * 8))
    b1t = jnp.tile(b1, 4).reshape(1, 128)
    b2t = jnp.tile(b2, 8).reshape(1, 128)
    b3t = jnp.tile(b3, 8).reshape(1, 16)
    pswap = jnp.kron(jnp.eye(8, dtype=_f32),
                     jnp.array([[0.0, 1.0], [1.0, 0.0]], _f32))

    dinv1, db32, db16 = _hist(dst_p)
    xw1 = _prep(x_p4, w1b)
    agg1 = _agg32s(xw1.reshape(N_PAD, H1), dinv1, src_p, dst_p)
    xw2 = _mid1(agg1.reshape(NC, P4R, 128), xw1,
                db32.reshape(P4R, 128), b1t, w2b)
    xw2l = xw2.reshape(N_PAD, H2)
    agg2 = _agg16s(xw2l, dinv1, src_p, dst_p)
    xs3 = _mid2(agg2.reshape(NC, P8R, 128), xw2l.reshape(P8R, 128),
                db16.reshape(P8R, 128), b2t)
    agg3 = _agg16n(xs3.reshape(N_PAD, H2), src_p, dst_p)
    ls = _final(agg3.reshape(NC, P8R, 128), xs3, db16.reshape(P8R, 128),
                w3b, b3t, pswap)
    return ls.reshape(N_PAD, D_OUT)[:N]

# --- scband reference (transcript-rebuilt; emitter-appended) ---
"""Pipeline reference for scband-gcn-51058571215473 (READ-ONLY COPY).

The authoritative reference and input builder live on the scoring server;
editing this copy changes nothing except your own understanding.
"""

import jax, jax.numpy as jnp
import numpy as np

N = 10000
E = 320000
D_IN = 128
H1 = 32
H2 = 16
D_OUT = 2


def setup_inputs(seed: int = 0) -> dict:
    key = jax.random.key(seed)
    ks = jax.random.split(key, 8)
    x = jax.random.normal(ks[0], (N, D_IN), dtype=jnp.float32)
    edge_index = jax.random.randint(ks[1], (2, E), 0, N, dtype=jnp.int32)
    W1 = jax.random.normal(ks[2], (D_IN, H1), dtype=jnp.float32) * (1.0 / np.sqrt(D_IN))
    b1 = jnp.zeros((H1,), dtype=jnp.float32)
    W2 = jax.random.normal(ks[3], (H1, H2), dtype=jnp.float32) * (1.0 / np.sqrt(H1))
    b2 = jnp.zeros((H2,), dtype=jnp.float32)
    W3 = jax.random.normal(ks[4], (H2, D_OUT), dtype=jnp.float32) * (1.0 / np.sqrt(H2))
    b3 = jnp.zeros((D_OUT,), dtype=jnp.float32)
    return {"x": x, "edge_index": edge_index, "W1": W1, "b1": b1, "W2": W2, "b2": b2, "W3": W3, "b3": b3}


def _gcn_conv(x, src, dst, norm, W, b):
    # x' = D^{-1/2} (A + I) D^{-1/2} (x W) + b  (PyG GCNConv, add_self_loops=True)
    xw = x @ W
    msg = xw[src] * norm[:, None]
    out = jnp.zeros((N, W.shape[1]), dtype=x.dtype).at[dst].add(msg)
    return out + b


def reference(x, edge_index, W1, b1, W2, b2, W3, b3):
    # add self loops
    loop = jnp.arange(N, dtype=edge_index.dtype)
    src = jnp.concatenate([edge_index[0], loop])
    dst = jnp.concatenate([edge_index[1], loop])
    # symmetric normalization (edge_weight = 1)
    deg = jnp.zeros((N,), dtype=jnp.float32).at[dst].add(1.0)
    dinv = jnp.where(deg > 0, deg ** -0.5, 0.0)
    norm = dinv[src] * dinv[dst]
    h = jax.nn.relu(_gcn_conv(x, src, dst, norm, W1, b1))
    # dropout is identity in eval mode
    h = jax.nn.relu(_gcn_conv(h, src, dst, norm, W2, b2))
    h = _gcn_conv(h, src, dst, norm, W3, b3)
    return jax.nn.log_softmax(h, axis=1)

if __name__ == "__main__":
    import jax
    _d = setup_inputs()
    print(jax.jit(kernel)(*tuple(_d.values())))

</pallas_src>

<mosaic_0001>
#map = affine_map<(d0, d1) -> (0, 0)>
#map1 = affine_map<(d0, d1) -> (0)>
module attributes {stable_mosaic.version = 14 : i64} {
  func.func @_hist_body(%arg0: i32, %arg1: i32, %arg2: memref<2560x128xi32, #tpu.memory_space<hbm>>, %arg3: memref<10112xf32, #tpu.memory_space<hbm>>, %arg4: memref<10112x32xf32, #tpu.memory_space<hbm>>, %arg5: memref<10112x16xf32, #tpu.memory_space<hbm>>, %arg6: memref<10112xf32, #tpu.memory_space<vmem_shared>>, %arg7: memref<160x128xi32, #tpu.memory_space<vmem>>, %arg8: memref<128xf32, #tpu.memory_space<vmem>>, %arg9: memref<128xf32, #tpu.memory_space<vmem>>, %arg10: memref<128xf32, #tpu.memory_space<vmem>>, %arg11: memref<648xf32, #tpu.memory_space<vmem>>, %arg12: memref<632x32xf32, #tpu.memory_space<vmem>>, %arg13: memref<632x16xf32, #tpu.memory_space<vmem>>, %arg14: memref<!tpu.dma_semaphore, #tpu.memory_space<semaphore_mem>>, %arg15: memref<!tpu.dma_semaphore, #tpu.memory_space<semaphore_mem>>, %arg16: memref<!tpu.dma_semaphore, #tpu.memory_space<semaphore_mem>>, %arg17: memref<!tpu.dma_semaphore, #tpu.memory_space<semaphore_mem>>) attributes {dimension_semantics = [#tpu.dimension_semantics<core_parallel>, #tpu.dimension_semantics<subcore_parallel>], iteration_bounds = array<i64: 2, 16>, scalar_prefetch = 0 : i64, scratch_operands = 12 : i64, tpu.core_type = #tpu.core_type<sc_vector_subcore>, window_params = [{transform_indices = #map}, {transform_indices = #map1}, {transform_indices = #map}, {transform_indices = #map}]} {
    %mul3A = arith.constant 632 : i32
    %mul3A_0 = arith.muli %arg1, %mul3A : i32
    %mul3A_1 = arith.constant 160 : i32
    %mul3A_2 = arith.muli %arg1, %mul3A_1 : i32
    "tpu.region"() ({
      %run_scoped3A = tpu.sem_alloc : memref<!tpu.dma_semaphore, #tpu.memory_space<semaphore_mem>>
      %dma_start3A = arith.constant 0 : i32
      %dma_start3A_127 = tpu.memref_slice %arg2[%mul3A_2, %dma_start3A] : memref<2560x128xi32, #tpu.memory_space<hbm>> -> memref<160x128xi32, #tpu.memory_space<hbm>>
      %dma_start3A_128 = arith.constant 0 : i32
      %dma_start3A_129 = tpu.memref_slice %arg2[%mul3A_2, %dma_start3A_128] : memref<2560x128xi32, #tpu.memory_space<hbm>> -> memref<160x128xi32, #tpu.memory_space<hbm>>
      tpu.enqueue_dma source(%dma_start3A_129 : memref<160x128xi32, #tpu.memory_space<hbm>>) target(%arg7 : memref<160x128xi32, #tpu.memory_space<vmem>>) target_semaphore(%run_scoped3A : memref<!tpu.dma_semaphore, #tpu.memory_space<semaphore_mem>>)
      %dma_wait3A_130 = arith.constant 0 : i32
      %dma_wait3A_131 = tpu.memref_slice %arg2[%mul3A_2, %dma_wait3A_130] : memref<2560x128xi32, #tpu.memory_space<hbm>> -> memref<160x128xi32, #tpu.memory_space<hbm>>
      %dma_wait3A_132 = arith.constant 0 : i32
      %dma_wait3A_133 = tpu.memref_slice %arg2[%mul3A_2, %dma_wait3A_132] : memref<2560x128xi32, #tpu.memory_space<hbm>> -> memref<160x128xi32, #tpu.memory_space<hbm>>
      tpu.wait_dma2 semaphore(%run_scoped3A : memref<!tpu.dma_semaphore, #tpu.memory_space<semaphore_mem>>) src(%dma_wait3A_133 : memref<160x128xi32, #tpu.memory_space<hbm>>) dst(%arg7 : memref<160x128xi32, #tpu.memory_space<vmem>>)
      tpu.yield
    }) : () -> ()
    %broadcast_in_dim3A = arith.constant 1.000000e+00 : f32
    %broadcast_in_dim3A_3 = vector.broadcast %broadcast_in_dim3A : f32 to vector<16xf32>
    %swap3A = arith.constant 0 : index
    %swap3A_4 = tpu.vector_load %arg8[%swap3A] {strides = array<i32>} : memref<128xf32, #tpu.memory_space<vmem>>, vector<16xf32>,
    tpu.vector_store %arg8[%swap3A], %broadcast_in_dim3A_3 {strides = array<i32>} : memref<128xf32, #tpu.memory_space<vmem>>, vector<16xf32>,
    %broadcast_in_dim3A_5 = arith.constant 0.000000e+00 : f32
    %broadcast_in_dim3A_6 = vector.broadcast %broadcast_in_dim3A_5 : f32 to vector<16xf32>
    %swap3A_7 = arith.constant 0 : index
    %swap3A_8 = tpu.vector_load %arg9[%swap3A_7] {strides = array<i32>} : memref<128xf32, #tpu.memory_space<vmem>>, vector<16xf32>,
    tpu.vector_store %arg9[%swap3A_7], %broadcast_in_dim3A_6 {strides = array<i32>} : memref<128xf32, #tpu.memory_space<vmem>>, vector<16xf32>,
    %broadcast_in_dim3A_9 = arith.constant 1.000000e+00 : f32
    %broadcast_in_dim3A_10 = vector.broadcast %broadcast_in_dim3A_9 : f32 to vector<16xf32>
    %swap3A_11 = arith.constant 16 : index
    %swap3A_12 = tpu.vector_load %arg8[%swap3A_11] {strides = array<i32>} : memref<128xf32, #tpu.memory_space<vmem>>, vector<16xf32>,
    tpu.vector_store %arg8[%swap3A_11], %broadcast_in_dim3A_10 {strides = array<i32>} : memref<128xf32, #tpu.memory_space<vmem>>, vector<16xf32>,
    %broadcast_in_dim3A_13 = arith.constant 0.000000e+00 : f32
    %broadcast_in_dim3A_14 = vector.broadcast %broadcast_in_dim3A_13 : f32 to vector<16xf32>
    %swap3A_15 = arith.constant 16 : index
    %swap3A_16 = tpu.vector_load %arg9[%swap3A_15] {strides = array<i32>} : memref<128xf32, #tpu.memory_space<vmem>>, vector<16xf32>,
    tpu.vector_store %arg9[%swap3A_15], %broadcast_in_dim3A_14 {strides = array<i32>} : memref<128xf32, #tpu.memory_space<vmem>>, vector<16xf32>,
    %broadcast_in_dim3A_17 = arith.constant 1.000000e+00 : f32
    %broadcast_in_dim3A_18 = vector.broadcast %broadcast_in_dim3A_17 : f32 to vector<16xf32>
    %swap3A_19 = arith.constant 32 : index
    %swap3A_20 = tpu.vector_load %arg8[%swap3A_19] {strides = array<i32>} : memref<128xf32, #tpu.memory_space<vmem>>, vector<16xf32>,
    tpu.vector_store %arg8[%swap3A_19], %broadcast_in_dim3A_18 {strides = array<i32>} : memref<128xf32, #tpu.memory_space<vmem>>, vector<16xf32>,
    %broadcast_in_dim3A_21 = arith.constant 0.000000e+00 : f32
    %broadcast_in_dim3A_22 = vector.broadcast %broadcast_in_dim3A_21 : f32 to vector<16xf32>
    %swap3A_23 = arith.constant 32 : index
    %swap3A_24 = tpu.vector_load %arg9[%swap3A_23] {strides = array<i32>} : memref<128xf32, #tpu.memory_space<vmem>>, vector<16xf32>,
    tpu.vector_store %arg9[%swap3A_23], %broadcast_in_dim3A_22 {strides = array<i32>} : memref<128xf32, #tpu.memory_space<vmem>>, vector<16xf32>,
    %broadcast_in_dim3A_25 = arith.constant 1.000000e+00 : f32
    %broadcast_in_dim3A_26 = vector.broadcast %broadcast_in_dim3A_25 : f32 to vector<16xf32>
    %swap3A_27 = arith.constant 48 : index
    %swap3A_28 = tpu.vector_load %arg8[%swap3A_27] {strides = array<i32>} : memref<128xf32, #tpu.memory_space<vmem>>, vector<16xf32>,
    tpu.vector_store %arg8[%swap3A_27], %broadcast_in_dim3A_26 {strides = array<i32>} : memref<128xf32, #tpu.memory_space<vmem>>, vector<16xf32>,
    %broadcast_in_dim3A_29 = arith.constant 0.000000e+00 : f32
    %broadcast_in_dim3A_30 = vector.broadcast %broadcast_in_dim3A_29 : f32 to vector<16xf32>
    %swap3A_31 = arith.constant 48 : index
    %swap3A_32 = tpu.vector_load %arg9[%swap3A_31] {strides = array<i32>} : memref<128xf32, #tpu.memory_space<vmem>>, vector<16xf32>,
    tpu.vector_store %arg9[%swap3A_31], %broadcast_in_dim3A_30 {strides = array<i32>} : memref<128xf32, #tpu.memory_space<vmem>>, vector<16xf32>,
    %broadcast_in_dim3A_33 = arith.constant 1.000000e+00 : f32
    %broadcast_in_dim3A_34 = vector.broadcast %broadcast_in_dim3A_33 : f32 to vector<16xf32>
    %swap3A_35 = arith.constant 64 : index
    %swap3A_36 = tpu.vector_load %arg8[%swap3A_35] {strides = array<i32>} : memref<128xf32, #tpu.memory_space<vmem>>, vector<16xf32>,
    tpu.vector_store %arg8[%swap3A_35], %broadcast_in_dim3A_34 {strides = array<i32>} : memref<128xf32, #tpu.memory_space<vmem>>, vector<16xf32>,
    %broadcast_in_dim3A_37 = arith.constant 0.000000e+00 : f32
    %broadcast_in_dim3A_38 = vector.broadcast %broadcast_in_dim3A_37 : f32 to vector<16xf32>
    %swap3A_39 = arith.constant 64 : index
    %swap3A_40 = tpu.vector_load %arg9[%swap3A_39] {strides = array<i32>} : memref<128xf32, #tpu.memory_space<vmem>>, vector<16xf32>,
    tpu.vector_store %arg9[%swap3A_39], %broadcast_in_dim3A_38 {strides = array<i32>} : memref<128xf32, #tpu.memory_space<vmem>>, vector<16xf32>,
    %broadcast_in_dim3A_41 = arith.constant 1.000000e+00 : f32
    %broadcast_in_dim3A_42 = vector.broadcast %broadcast_in_dim3A_41 : f32 to vector<16xf32>
    %swap3A_43 = arith.constant 80 : index
    %swap3A_44 = tpu.vector_load %arg8[%swap3A_43] {strides = array<i32>} : memref<128xf32, #tpu.memory_space<vmem>>, vector<16xf32>,
    tpu.vector_store %arg8[%swap3A_43], %broadcast_in_dim3A_42 {strides = array<i32>} : memref<128xf32, #tpu.memory_space<vmem>>, vector<16xf32>,
    %broadcast_in_dim3A_45 = arith.constant 0.000000e+00 : f32
    %broadcast_in_dim3A_46 = vector.broadcast %broadcast_in_dim3A_45 : f32 to vector<16xf32>
    %swap3A_47 = arith.constant 80 : index
    %swap3A_48 = tpu.vector_load %arg9[%swap3A_47] {strides = array<i32>} : memref<128xf32, #tpu.memory_space<vmem>>, vector<16xf32>,
    tpu.vector_store %arg9[%swap3A_47], %broadcast_in_dim3A_46 {strides = array<i32>} : memref<128xf32, #tpu.memory_space<vmem>>, vector<16xf32>,
    %broadcast_in_dim3A_49 = arith.constant 1.000000e+00 : f32
    %broadcast_in_dim3A_50 = vector.broadcast %broadcast_in_dim3A_49 : f32 to vector<16xf32>
    %swap3A_51 = arith.constant 96 : index
    %swap3A_52 = tpu.vector_load %arg8[%swap3A_51] {strides = array<i32>} : memref<128xf32, #tpu.memory_space<vmem>>, vector<16xf32>,
    tpu.vector_store %arg8[%swap3A_51], %broadcast_in_dim3A_50 {strides = array<i32>} : memref<128xf32, #tpu.memory_space<vmem>>, vector<16xf32>,
    %broadcast_in_dim3A_53 = arith.constant 0.000000e+00 : f32
    %broadcast_in_dim3A_54 = vector.broadcast %broadcast_in_dim3A_53 : f32 to vector<16xf32>
    %swap3A_55 = arith.constant 96 : index
    %swap3A_56 = tpu.vector_load %arg9[%swap3A_55] {strides = array<i32>} : memref<128xf32, #tpu.memory_space<vmem>>, vector<16xf32>,
    tpu.vector_store %arg9[%swap3A_55], %broadcast_in_dim3A_54 {strides = array<i32>} : memref<128xf32, #tpu.memory_space<vmem>>, vector<16xf32>,
    %broadcast_in_dim3A_57 = arith.constant 1.000000e+00 : f32
    %broadcast_in_dim3A_58 = vector.broadcast %broadcast_in_dim3A_57 : f32 to vector<16xf32>
    %swap3A_59 = arith.constant 112 : index
    %swap3A_60 = tpu.vector_load %arg8[%swap3A_59] {strides = array<i32>} : memref<128xf32, #tpu.memory_space<vmem>>, vector<16xf32>,
    tpu.vector_store %arg8[%swap3A_59], %broadcast_in_dim3A_58 {strides = array<i32>} : memref<128xf32, #tpu.memory_space<vmem>>, vector<16xf32>,
    %broadcast_in_dim3A_61 = arith.constant 0.000000e+00 : f32
    %broadcast_in_dim3A_62 = vector.broadcast %broadcast_in_dim3A_61 : f32 to vector<16xf32>
    %swap3A_63 = arith.constant 112 : index
    %swap3A_64 = tpu.vector_load %arg9[%swap3A_63] {strides = array<i32>} : memref<128xf32, #tpu.memory_space<vmem>>, vector<16xf32>,
    tpu.vector_store %arg9[%swap3A_63], %broadcast_in_dim3A_62 {strides = array<i32>} : memref<128xf32, #tpu.memory_space<vmem>>, vector<16xf32>,
    %add3A = arith.constant 0 : i32
    %add3A_65 = arith.addi %mul3A_0, %add3A : i32
    "tpu.region"() ({
      %run_scoped3A = tpu.sem_alloc : memref<!tpu.dma_semaphore, #tpu.memory_space<semaphore_mem>>
      %dma_start3A = tpu.memref_slice %arg6[%add3A_65] : memref<10112xf32, #tpu.memory_space<vmem_shared>> -> memref<128xf32, #tpu.memory_space<vmem_shared>>
      %dma_start3A_127 = tpu.memref_slice %arg6[%add3A_65] : memref<10112xf32, #tpu.memory_space<vmem_shared>> -> memref<128xf32, #tpu.memory_space<vmem_shared>>
      tpu.enqueue_dma source(%arg9 : memref<128xf32, #tpu.memory_space<vmem>>) target(%dma_start3A_127 : memref<128xf32, #tpu.memory_space<vmem_shared>>) target_semaphore(%run_scoped3A : memref<!tpu.dma_semaphore, #tpu.memory_space<semaphore_mem>>)
      %dma_wait3A_128 = tpu.memref_slice %arg6[%add3A_65] : memref<10112xf32, #tpu.memory_space<vmem_shared>> -> memref<128xf32, #tpu.memory_space<vmem_shared>>
      %dma_wait3A_129 = tpu.memref_slice %arg6[%add3A_65] : memref<10112xf32, #tpu.memory_space<vmem_shared>> -> memref<128xf32, #tpu.memory_space<vmem_shared>>
      tpu.wait_dma2 semaphore(%run_scoped3A : memref<!tpu.dma_semaphore, #tpu.memory_space<semaphore_mem>>) src(%arg9 : memref<128xf32, #tpu.memory_space<vmem>>) dst(%dma_wait3A_129 : memref<128xf32, #tpu.memory_space<vmem_shared>>)
      tpu.yield
    }) : () -> ()
    %add3A_66 = arith.constant 128 : i32
    %add3A_67 = arith.addi %mul3A_0, %add3A_66 : i32
    "tpu.region"() ({
      %run_scoped3A = tpu.sem_alloc : memref<!tpu.dma_semaphore, #tpu.memory_space<semaphore_mem>>
      %dma_start3A = tpu.memref_slice %arg6[%add3A_67] : memref<10112xf32, #tpu.memory_space<vmem_shared>> -> memref<128xf32, #tpu.memory_space<vmem_shared>>
      %dma_start3A_127 = tpu.memref_slice %arg6[%add3A_67] : memref<10112xf32, #tpu.memory_space<vmem_shared>> -> memref<128xf32, #tpu.memory_space<vmem_shared>>
      tpu.enqueue_dma source(%arg9 : memref<128xf32, #tpu.memory_space<vmem>>) target(%dma_start3A_127 : memref<128xf32, #tpu.memory_space<vmem_shared>>) target_semaphore(%run_scoped3A : memref<!tpu.dma_semaphore, #tpu.memory_space<semaphore_mem>>)
      %dma_wait3A_128 = tpu.memref_slice %arg6[%add3A_67] : memref<10112xf32, #tpu.memory_space<vmem_shared>> -> memref<128xf32, #tpu.memory_space<vmem_shared>>
      %dma_wait3A_129 = tpu.memref_slice %arg6[%add3A_67] : memref<10112xf32, #tpu.memory_space<vmem_shared>> -> memref<128xf32, #tpu.memory_space<vmem_shared>>
      tpu.wait_dma2 semaphore(%run_scoped3A : memref<!tpu.dma_semaphore, #tpu.memory_space<semaphore_mem>>) src(%arg9 : memref<128xf32, #tpu.memory_space<vmem>>) dst(%dma_wait3A_129 : memref<128xf32, #tpu.memory_space<vmem_shared>>)
      tpu.yield
    }) : () -> ()
    %add3A_68 = arith.constant 256 : i32
    %add3A_69 = arith.addi %mul3A_0, %add3A_68 : i32
    "tpu.region"() ({
      %run_scoped3A = tpu.sem_alloc : memref<!tpu.dma_semaphore, #tpu.memory_space<semaphore_mem>>
      %dma_start3A = tpu.memref_slice %arg6[%add3A_69] : memref<10112xf32, #tpu.memory_space<vmem_shared>> -> memref<128xf32, #tpu.memory_space<vmem_shared>>
      %dma_start3A_127 = tpu.memref_slice %arg6[%add3A_69] : memref<10112xf32, #tpu.memory_space<vmem_shared>> -> memref<128xf32, #tpu.memory_space<vmem_shared>>
      tpu.enqueue_dma source(%arg9 : memref<128xf32, #tpu.memory_space<vmem>>) target(%dma_start3A_127 : memref<128xf32, #tpu.memory_space<vmem_shared>>) target_semaphore(%run_scoped3A : memref<!tpu.dma_semaphore, #tpu.memory_space<semaphore_mem>>)
      %dma_wait3A_128 = tpu.memref_slice %arg6[%add3A_69] : memref<10112xf32, #tpu.memory_space<vmem_shared>> -> memref<128xf32, #tpu.memory_space<vmem_shared>>
      %dma_wait3A_129 = tpu.memref_slice %arg6[%add3A_69] : memref<10112xf32, #tpu.memory_space<vmem_shared>> -> memref<128xf32, #tpu.memory_space<vmem_shared>>
      tpu.wait_dma2 semaphore(%run_scoped3A : memref<!tpu.dma_semaphore, #tpu.memory_space<semaphore_mem>>) src(%arg9 : memref<128xf32, #tpu.memory_space<vmem>>) dst(%dma_wait3A_129 : memref<128xf32, #tpu.memory_space<vmem_shared>>)
      tpu.yield
    }) : () -> ()
    %add3A_70 = arith.constant 384 : i32
    %add3A_71 = arith.addi %mul3A_0, %add3A_70 : i32
    "tpu.region"() ({
      %run_scoped3A = tpu.sem_alloc : memref<!tpu.dma_semaphore, #tpu.memory_space<semaphore_mem>>
      %dma_start3A = tpu.memref_slice %arg6[%add3A_71] : memref<10112xf32, #tpu.memory_space<vmem_shared>> -> memref<128xf32, #tpu.memory_space<vmem_shared>>
      %dma_start3A_127 = tpu.memref_slice %arg6[%add3A_71] : memref<10112xf32, #tpu.memory_space<vmem_shared>> -> memref<128xf32, #tpu.memory_space<vmem_shared>>
      tpu.enqueue_dma source(%arg9 : memref<128xf32, #tpu.memory_space<vmem>>) target(%dma_start3A_127 : memref<128xf32, #tpu.memory_space<vmem_shared>>) target_semaphore(%run_scoped3A : memref<!tpu.dma_semaphore, #tpu.memory_space<semaphore_mem>>)
      %dma_wait3A_128 = tpu.memref_slice %arg6[%add3A_71] : memref<10112xf32, #tpu.memory_space<vmem_shared>> -> memref<128xf32, #tpu.memory_space<vmem_shared>>
      %dma_wait3A_129 = tpu.memref_slice %arg6[%add3A_71] : memref<10112xf32, #tpu.memory_space<vmem_shared>> -> memref<128xf32, #tpu.memory_space<vmem_shared>>
      tpu.wait_dma2 semaphore(%run_scoped3A : memref<!tpu.dma_semaphore, #tpu.memory_space<semaphore_mem>>) src(%arg9 : memref<128xf32, #tpu.memory_space<vmem>>) dst(%dma_wait3A_129 : memref<128xf32, #tpu.memory_space<vmem_shared>>)
      tpu.yield
    }) : () -> ()
    %add3A_72 = arith.constant 512 : i32
    %add3A_73 = arith.addi %mul3A_0, %add3A_72 : i32
    "tpu.region"() ({
      %run_scoped3A = tpu.sem_alloc : memref<!tpu.dma_semaphore, #tpu.memory_space<semaphore_mem>>
      %dma_start3A = arith.constant 0 : i32
      %dma_start3A_127 = tpu.memref_slice %arg9[%dma_start3A] : memref<128xf32, #tpu.memory_space<vmem>> -> memref<120xf32, #tpu.memory_space<vmem>>
      %dma_start3A_128 = tpu.memref_slice %arg6[%add3A_73] : memref<10112xf32, #tpu.memory_space<vmem_shared>> -> memref<120xf32, #tpu.memory_space<vmem_shared>>
      %dma_start3A_129 = tpu.memref_slice %arg6[%add3A_73] : memref<10112xf32, #tpu.memory_space<vmem_shared>> -> memref<120xf32, #tpu.memory_space<vmem_shared>>
      %dma_start3A_130 = arith.constant 0 : i32
      %dma_start3A_131 = tpu.memref_slice %arg9[%dma_start3A_130] : memref<128xf32, #tpu.memory_space<vmem>> -> memref<120xf32, #tpu.memory_space<vmem>>
      tpu.enqueue_dma source(%dma_start3A_131 : memref<120xf32, #tpu.memory_space<vmem>>) target(%dma_start3A_129 : memref<120xf32, #tpu.memory_space<vmem_shared>>) target_semaphore(%run_scoped3A : memref<!tpu.dma_semaphore, #tpu.memory_space<semaphore_mem>>)
      %dma_wait3A_132 = arith.constant 0 : i32
      %dma_wait3A_133 = tpu.memref_slice %arg9[%dma_wait3A_132] : memref<128xf32, #tpu.memory_space<vmem>> -> memref<120xf32, #tpu.memory_space<vmem>>
      %dma_wait3A_134 = tpu.memref_slice %arg6[%add3A_73] : memref<10112xf32, #tpu.memory_space<vmem_shared>> -> memref<120xf32, #tpu.memory_space<vmem_shared>>
      %dma_wait3A_135 = tpu.memref_slice %arg6[%add3A_73] : memref<10112xf32, #tpu.memory_space<vmem_shared>> -> memref<120xf32, #tpu.memory_space<vmem_shared>>
      %dma_wait3A_136 = arith.constant 0 : i32
      %dma_wait3A_137 = tpu.memref_slice %arg9[%dma_wait3A_136] : memref<128xf32, #tpu.memory_space<vmem>> -> memref<120xf32, #tpu.memory_space<vmem>>
      tpu.wait_dma2 semaphore(%run_scoped3A : memref<!tpu.dma_semaphore, #tpu.memory_space<semaphore_mem>>) src(%dma_wait3A_137 : memref<120xf32, #tpu.memory_space<vmem>>) dst(%dma_wait3A_135 : memref<120xf32, #tpu.memory_space<vmem_shared>>)
      tpu.yield
    }) : () -> ()
    %barrier3A = arith.constant 0 : index
    tpu.barrier barrier_id(%barrier3A)
    %scan3A = arith.constant 0 : i32
    %scan3A_74 = arith.constant 0 : i32
    %scan3A_75 = arith.constant 40 : i32
    %scan3A_76 = arith.addi %scan3A_74, %scan3A_75 : i32
    %scan3A_77 = arith.constant 1 : i32
    scf.for %scan3A_127 = %scan3A_74 to %scan3A_76 step %scan3A_77  : i32 {
      %mul3A_128 = arith.constant 4 : i32
      %mul3A_129 = arith.muli %scan3A_127, %mul3A_128 : i32
      %add3A_130 = arith.constant 0 : i32
      %add3A_131 = arith.addi %mul3A_129, %add3A_130 : i32
      %gt3A = arith.constant 0 : i32
      %gt3A_132 = arith.cmpi sgt, %scan3A_127, %gt3A : i32
      %convert_element_type3A_133 = arith.extui %gt3A_132 : i1 to i32
      %cond3A_134 = arith.constant 0 : i32
      %cond3A_135 = arith.cmpi ne, %convert_element_type3A_133, %cond3A_134 : i32
      scf.if %cond3A_135 {
        %dma_wait3A_182 = arith.constant 0 : i32
        %dma_wait3A_183 = tpu.memref_slice %arg7[%add3A_131, %dma_wait3A_182] : memref<160x128xi32, #tpu.memory_space<vmem>> -> memref<1x128xi32, #tpu.memory_space<vmem>>
        %dma_wait3A_184 = tpu.memref_squeeze %dma_wait3A_183 : memref<1x128xi32, #tpu.memory_space<vmem>> -> memref<128xi32, #tpu.memory_space<vmem>>
        %dma_wait3A_185 = arith.constant 0 : i32
        %dma_wait3A_186 = tpu.memref_slice %arg6[%dma_wait3A_185] : memref<10112xf32, #tpu.memory_space<vmem_shared>> -> memref<10112xf32, #tpu.memory_space<vmem_shared>>
        tpu.wait_indirect_dma semaphore(%arg14 : memref<!tpu.dma_semaphore, #tpu.memory_space<semaphore_mem>>) src(%arg8 : memref<128xf32, #tpu.memory_space<vmem>>) dst(%dma_wait3A_186 : memref<10112xf32, #tpu.memory_space<vmem_shared>>)
      } else {
      }
      %dma_start3A = arith.constant 0 : i32
      %dma_start3A_136 = tpu.memref_slice %arg7[%add3A_131, %dma_start3A] : memref<160x128xi32, #tpu.memory_space<vmem>> -> memref<1x128xi32, #tpu.memory_space<vmem>>
      %dma_start3A_137 = tpu.memref_squeeze %dma_start3A_136 : memref<1x128xi32, #tpu.memory_space<vmem>> -> memref<128xi32, #tpu.memory_space<vmem>>
      %dma_start3A_138 = arith.constant 0 : i32
      %dma_start3A_139 = tpu.memref_slice %arg6[%dma_start3A_138] : memref<10112xf32, #tpu.memory_space<vmem_shared>> -> memref<10112xf32, #tpu.memory_space<vmem_shared>>
      tpu.enqueue_indirect_dma source(%arg8 : memref<128xf32, #tpu.memory_space<vmem>>) target(%dma_start3A_139 : memref<10112xf32, #tpu.memory_space<vmem_shared>>) offsets(%dma_start3A_137 : memref<128xi32, #tpu.memory_space<vmem>>) semaphore(%arg14 : memref<!tpu.dma_semaphore, #tpu.memory_space<semaphore_mem>>) {add = true}
      %mul3A_140 = arith.constant 4 : i32
      %mul3A_141 = arith.muli %scan3A_127, %mul3A_140 : i32
      %add3A_142 = arith.constant 1 : i32
      %add3A_143 = arith.addi %mul3A_141, %add3A_142 : i32
      %gt3A_144 = arith.constant 0 : i32
      %gt3A_145 = arith.cmpi sgt, %scan3A_127, %gt3A_144 : i32
      %convert_element_type3A_146 = arith.extui %gt3A_145 : i1 to i32
      %cond3A_147 = arith.constant 0 : i32
      %cond3A_148 = arith.cmpi ne, %convert_element_type3A_146, %cond3A_147 : i32
      scf.if %cond3A_148 {
        %dma_wait3A_182 = arith.constant 0 : i32
        %dma_wait3A_183 = tpu.memref_slice %arg7[%add3A_143, %dma_wait3A_182] : memref<160x128xi32, #tpu.memory_space<vmem>> -> memref<1x128xi32, #tpu.memory_space<vmem>>
        %dma_wait3A_184 = tpu.memref_squeeze %dma_wait3A_183 : memref<1x128xi32, #tpu.memory_space<vmem>> -> memref<128xi32, #tpu.memory_space<vmem>>
        %dma_wait3A_185 = arith.constant 0 : i32
        %dma_wait3A_186 = tpu.memref_slice %arg6[%dma_wait3A_185] : memref<10112xf32, #tpu.memory_space<vmem_shared>> -> memref<10112xf32, #tpu.memory_space<vmem_shared>>
        tpu.wait_indirect_dma semaphore(%arg15 : memref<!tpu.dma_semaphore, #tpu.memory_space<semaphore_mem>>) src(%arg8 : memref<128xf32, #tpu.memory_space<vmem>>) dst(%dma_wait3A_186 : memref<10112xf32, #tpu.memory_space<vmem_shared>>)
      } else {
      }
      %dma_start3A_149 = arith.constant 0 : i32
      %dma_start3A_150 = tpu.memref_slice %arg7[%add3A_143, %dma_start3A_149] : memref<160x128xi32, #tpu.memory_space<vmem>> -> memref<1x128xi32, #tpu.memory_space<vmem>>
      %dma_start3A_151 = tpu.memref_squeeze %dma_start3A_150 : memref<1x128xi32, #tpu.memory_space<vmem>> -> memref<128xi32, #tpu.memory_space<vmem>>
      %dma_start3A_152 = arith.constant 0 : i32
      %dma_start3A_153 = tpu.memref_slice %arg6[%dma_start3A_152] : memref<10112xf32, #tpu.memory_space<vmem_shared>> -> memref<10112xf32, #tpu.memory_space<vmem_shared>>
      tpu.enqueue_indirect_dma source(%arg8 : memref<128xf32, #tpu.memory_space<vmem>>) target(%dma_start3A_153 : memref<10112xf32, #tpu.memory_space<vmem_shared>>) offsets(%dma_start3A_151 : memref<128xi32, #tpu.memory_space<vmem>>) semaphore(%arg15 : memref<!tpu.dma_semaphore, #tpu.memory_space<semaphore_mem>>) {add = true}
      %mul3A_154 = arith.constant 4 : i32
      %mul3A_155 = arith.muli %scan3A_127, %mul3A_154 : i32
      %add3A_156 = arith.constant 2 : i32
      %add3A_157 = arith.addi %mul3A_155, %add3A_156 : i32
      %gt3A_158 = arith.constant 0 : i32
      %gt3A_159 = arith.cmpi sgt, %scan3A_127, %gt3A_158 : i32
      %convert_element_type3A_160 = arith.extui %gt3A_159 : i1 to i32
      %cond3A_161 = arith.constant 0 : i32
      %cond3A_162 = arith.cmpi ne, %convert_element_type3A_160, %cond3A_161 : i32
      scf.if %cond3A_162 {
        %dma_wait3A_182 = arith.constant 0 : i32
        %dma_wait3A_183 = tpu.memref_slice %arg7[%add3A_157, %dma_wait3A_182] : memref<160x128xi32, #tpu.memory_space<vmem>> -> memref<1x128xi32, #tpu.memory_space<vmem>>
        %dma_wait3A_184 = tpu.memref_squeeze %dma_wait3A_183 : memref<1x128xi32, #tpu.memory_space<vmem>> -> memref<128xi32, #tpu.memory_space<vmem>>
        %dma_wait3A_185 = arith.constant 0 : i32
        %dma_wait3A_186 = tpu.memref_slice %arg6[%dma_wait3A_185] : memref<10112xf32, #tpu.memory_space<vmem_shared>> -> memref<10112xf32, #tpu.memory_space<vmem_shared>>
        tpu.wait_indirect_dma semaphore(%arg16 : memref<!tpu.dma_semaphore, #tpu.memory_space<semaphore_mem>>) src(%arg8 : memref<128xf32, #tpu.memory_space<vmem>>) dst(%dma_wait3A_186 : memref<10112xf32, #tpu.memory_space<vmem_shared>>)
      } else {
      }
      %dma_start3A_163 = arith.constant 0 : i32
      %dma_start3A_164 = tpu.memref_slice %arg7[%add3A_157, %dma_start3A_163] : memref<160x128xi32, #tpu.memory_space<vmem>> -> memref<1x128xi32, #tpu.memory_space<vmem>>
      %dma_start3A_165 = tpu.memref_squeeze %dma_start3A_164 : memref<1x128xi32, #tpu.memory_space<vmem>> -> memref<128xi32, #tpu.memory_space<vmem>>
      %dma_start3A_166 = arith.constant 0 : i32
      %dma_start3A_167 = tpu.memref_slice %arg6[%dma_start3A_166] : memref<10112xf32, #tpu.memory_space<vmem_shared>> -> memref<10112xf32, #tpu.memory_space<vmem_shared>>
      tpu.enqueue_indirect_dma source(%arg8 : memref<128xf32, #tpu.memory_space<vmem>>) target(%dma_start3A_167 : memref<10112xf32, #tpu.memory_space<vmem_shared>>) offsets(%dma_start3A_165 : memref<128xi32, #tpu.memory_space<vmem>>) semaphore(%arg16 : memref<!tpu.dma_semaphore, #tpu.memory_space<semaphore_mem>>) {add = true}
      %mul3A_168 = arith.constant 4 : i32
      %mul3A_169 = arith.muli %scan3A_127, %mul3A_168 : i32
      %add3A_170 = arith.constant 3 : i32
      %add3A_171 = arith.addi %mul3A_169, %add3A_170 : i32
      %gt3A_172 = arith.constant 0 : i32
      %gt3A_173 = arith.cmpi sgt, %scan3A_127, %gt3A_172 : i32
      %convert_element_type3A_174 = arith.extui %gt3A_173 : i1 to i32
      %cond3A_175 = arith.constant 0 : i32
      %cond3A_176 = arith.cmpi ne, %convert_element_type3A_174, %cond3A_175 : i32
      scf.if %cond3A_176 {
        %dma_wait3A_182 = arith.constant 0 : i32
        %dma_wait3A_183 = tpu.memref_slice %arg7[%add3A_171, %dma_wait3A_182] : memref<160x128xi32, #tpu.memory_space<vmem>> -> memref<1x128xi32, #tpu.memory_space<vmem>>
        %dma_wait3A_184 = tpu.memref_squeeze %dma_wait3A_183 : memref<1x128xi32, #tpu.memory_space<vmem>> -> memref<128xi32, #tpu.memory_space<vmem>>
        %dma_wait3A_185 = arith.constant 0 : i32
        %dma_wait3A_186 = tpu.memref_slice %arg6[%dma_wait3A_185] : memref<10112xf32, #tpu.memory_space<vmem_shared>> -> memref<10112xf32, #tpu.memory_space<vmem_shared>>
        tpu.wait_indirect_dma semaphore(%arg17 : memref<!tpu.dma_semaphore, #tpu.memory_space<semaphore_mem>>) src(%arg8 : memref<128xf32, #tpu.memory_space<vmem>>) dst(%dma_wait3A_186 : memref<10112xf32, #tpu.memory_space<vmem_shared>>)
      } else {
      }
      %dma_start3A_177 = arith.constant 0 : i32
      %dma_start3A_178 = tpu.memref_slice %arg7[%add3A_171, %dma_start3A_177] : memref<160x128xi32, #tpu.memory_space<vmem>> -> memref<1x128xi32, #tpu.memory_space<vmem>>
      %dma_start3A_179 = tpu.memref_squeeze %dma_start3A_178 : memref<1x128xi32, #tpu.memory_space<vmem>> -> memref<128xi32, #tpu.memory_space<vmem>>
      %dma_start3A_180 = arith.constant 0 : i32
      %dma_start3A_181 = tpu.memref_slice %arg6[%dma_start3A_180] : memref<10112xf32, #tpu.memory_space<vmem_shared>> -> memref<10112xf32, #tpu.memory_space<vmem_shared>>
      tpu.enqueue_indirect_dma source(%arg8 : memref<128xf32, #tpu.memory_space<vmem>>) target(%dma_start3A_181 : memref<10112xf32, #tpu.memory_space<vmem_shared>>) offsets(%dma_start3A_179 : memref<128xi32, #tpu.memory_space<vmem>>) semaphore(%arg17 : memref<!tpu.dma_semaphore, #tpu.memory_space<semaphore_mem>>) {add = true}
    }
    %scan3A_78 = arith.constant 40 : i32
    %dma_wait3A = arith.constant 0 : i32
    %dma_wait3A_79 = arith.constant 0 : i32
    %dma_wait3A_80 = tpu.memref_slice %arg7[%dma_wait3A, %dma_wait3A_79] : memref<160x128xi32, #tpu.memory_space<vmem>> -> memref<1x128xi32, #tpu.memory_space<vmem>>
    %dma_wait3A_81 = tpu.memref_squeeze %dma_wait3A_80 : memref<1x128xi32, #tpu.memory_space<vmem>> -> memref<128xi32, #tpu.memory_space<vmem>>
    %dma_wait3A_82 = arith.constant 0 : i32
    %dma_wait3A_83 = tpu.memref_slice %arg6[%dma_wait3A_82] : memref<10112xf32, #tpu.memory_space<vmem_shared>> -> memref<10112xf32, #tpu.memory_space<vmem_shared>>
    tpu.wait_indirect_dma semaphore(%arg14 : memref<!tpu.dma_semaphore, #tpu.memory_space<semaphore_mem>>) src(%arg8 : memref<128xf32, #tpu.memory_space<vmem>>) dst(%dma_wait3A_83 : memref<10112xf32, #tpu.memory_space<vmem_shared>>)
    %dma_wait3A_84 = arith.constant 0 : i32
    %dma_wait3A_85 = arith.constant 0 : i32
    %dma_wait3A_86 = tpu.memref_slice %arg7[%dma_wait3A_84, %dma_wait3A_85] : memref<160x128xi32, #tpu.memory_space<vmem>> -> memref<1x128xi32, #tpu.memory_space<vmem>>
    %dma_wait3A_87 = tpu.memref_squeeze %dma_wait3A_86 : memref<1x128xi32, #tpu.memory_space<vmem>> -> memref<128xi32, #tpu.memory_space<vmem>>
    %dma_wait3A_88 = arith.constant 0 : i32
    %dma_wait3A_89 = tpu.memref_slice %arg6[%dma_wait3A_88] : memref<10112xf32, #tpu.memory_space<vmem_shared>> -> memref<10112xf32, #tpu.memory_space<vmem_shared>>
    tpu.wait_indirect_dma semaphore(%arg15 : memref<!tpu.dma_semaphore, #tpu.memory_space<semaphore_mem>>) src(%arg8 : memref<128xf32, #tpu.memory_space<vmem>>) dst(%dma_wait3A_89 : memref<10112xf32, #tpu.memory_space<vmem_shared>>)
    %dma_wait3A_90 = arith.constant 0 : i32
    %dma_wait3A_91 = arith.constant 0 : i32
    %dma_wait3A_92 = tpu.memref_slice %arg7[%dma_wait3A_90, %dma_wait3A_91] : memref<160x128xi32, #tpu.memory_space<vmem>> -> memref<1x128xi32, #tpu.memory_space<vmem>>
    %dma_wait3A_93 = tpu.memref_squeeze %dma_wait3A_92 : memref<1x128xi32, #tpu.memory_space<vmem>> -> memref<128xi32, #tpu.memory_space<vmem>>
    %dma_wait3A_94 = arith.constant 0 : i32
    %dma_wait3A_95 = tpu.memref_slice %arg6[%dma_wait3A_94] : memref<10112xf32, #tpu.memory_space<vmem_shared>> -> memref<10112xf32, #tpu.memory_space<vmem_shared>>
    tpu.wait_indirect_dma semaphore(%arg16 : memref<!tpu.dma_semaphore, #tpu.memory_space<semaphore_mem>>) src(%arg8 : memref<128xf32, #tpu.memory_space<vmem>>) dst(%dma_wait3A_95 : memref<10112xf32, #tpu.memory_space<vmem_shared>>)
    %dma_wait3A_96 = arith.constant 0 : i32
    %dma_wait3A_97 = arith.constant 0 : i32
    %dma_wait3A_98 = tpu.memref_slice %arg7[%dma_wait3A_96, %dma_wait3A_97] : memref<160x128xi32, #tpu.memory_space<vmem>> -> memref<1x128xi32, #tpu.memory_space<vmem>>
    %dma_wait3A_99 = tpu.memref_squeeze %dma_wait3A_98 : memref<1x128xi32, #tpu.memory_space<vmem>> -> memref<128xi32, #tpu.memory_space<vmem>>
    %dma_wait3A_100 = arith.constant 0 : i32
    %dma_wait3A_101 = tpu.memref_slice %arg6[%dma_wait3A_100] : memref<10112xf32, #tpu.memory_space<vmem_shared>> -> memref<10112xf32, #tpu.memory_space<vmem_shared>>
    tpu.wait_indirect_dma semaphore(%arg17 : memref<!tpu.dma_semaphore, #tpu.memory_space<semaphore_mem>>) src(%arg8 : memref<128xf32, #tpu.memory_space<vmem>>) dst(%dma_wait3A_101 : memref<10112xf32, #tpu.memory_space<vmem_shared>>)
    %barrier3A_102 = arith.constant 0 : index
    tpu.barrier barrier_id(%barrier3A_102)
    %add3A_103 = arith.constant 0 : i32
    %add3A_104 = arith.addi %mul3A_0, %add3A_103 : i32
    "tpu.region"() ({
      %run_scoped3A = tpu.sem_alloc : memref<!tpu.dma_semaphore, #tpu.memory_space<semaphore_mem>>
      %dma_start3A = arith.constant 0 : i32
      %dma_start3A_127 = tpu.memref_slice %arg11[%dma_start3A] : memref<648xf32, #tpu.memory_space<vmem>> -> memref<128xf32, #tpu.memory_space<vmem>>
      %dma_start3A_128 = tpu.memref_slice %arg6[%add3A_104] : memref<10112xf32, #tpu.memory_space<vmem_shared>> -> memref<128xf32, #tpu.memory_space<vmem_shared>>
      %dma_start3A_129 = arith.constant 0 : i32
      %dma_start3A_130 = tpu.memref_slice %arg11[%dma_start3A_129] : memref<648xf32, #tpu.memory_space<vmem>> -> memref<128xf32, #tpu.memory_space<vmem>>
      %dma_start3A_131 = tpu.memref_slice %arg6[%add3A_104] : memref<10112xf32, #tpu.memory_space<vmem_shared>> -> memref<128xf32, #tpu.memory_space<vmem_shared>>
      tpu.enqueue_dma source(%dma_start3A_131 : memref<128xf32, #tpu.memory_space<vmem_shared>>) target(%dma_start3A_130 : memref<128xf32, #tpu.memory_space<vmem>>) target_semaphore(%run_scoped3A : memref<!tpu.dma_semaphore, #tpu.memory_space<semaphore_mem>>)
      %dma_wait3A_132 = arith.constant 0 : i32
      %dma_wait3A_133 = tpu.memref_slice %arg11[%dma_wait3A_132] : memref<648xf32, #tpu.memory_space<vmem>> -> memref<128xf32, #tpu.memory_space<vmem>>
      %dma_wait3A_134 = tpu.memref_slice %arg6[%add3A_104] : memref<10112xf32, #tpu.memory_space<vmem_shared>> -> memref<128xf32, #tpu.memory_space<vmem_shared>>
      %dma_wait3A_135 = arith.constant 0 : i32
      %dma_wait3A_136 = tpu.memref_slice %arg11[%dma_wait3A_135] : memref<648xf32, #tpu.memory_space<vmem>> -> memref<128xf32, #tpu.memory_space<vmem>>
      %dma_wait3A_137 = tpu.memref_slice %arg6[%add3A_104] : memref<10112xf32, #tpu.memory_space<vmem_shared>> -> memref<128xf32, #tpu.memory_space<vmem_shared>>
      tpu.wait_dma2 semaphore(%run_scoped3A : memref<!tpu.dma_semaphore, #tpu.memory_space<semaphore_mem>>) src(%dma_wait3A_137 : memref<128xf32, #tpu.memory_space<vmem_shared>>) dst(%dma_wait3A_136 : memref<128xf32, #tpu.memory_space<vmem>>)
      tpu.yield
    }) : () -> ()
    %add3A_105 = arith.constant 128 : i32
    %add3A_106 = arith.addi %mul3A_0, %add3A_105 : i32
    "tpu.region"() ({
      %run_scoped3A = tpu.sem_alloc : memref<!tpu.dma_semaphore, #tpu.memory_space<semaphore_mem>>
      %dma_start3A = arith.constant 128 : i32
      %dma_start3A_127 = tpu.memref_slice %arg11[%dma_start3A] : memref<648xf32, #tpu.memory_space<vmem>> -> memref<128xf32, #tpu.memory_space<vmem>>
      %dma_start3A_128 = tpu.memref_slice %arg6[%add3A_106] : memref<10112xf32, #tpu.memory_space<vmem_shared>> -> memref<128xf32, #tpu.memory_space<vmem_shared>>
      %dma_start3A_129 = arith.constant 128 : i32
      %dma_start3A_130 = tpu.memref_slice %arg11[%dma_start3A_129] : memref<648xf32, #tpu.memory_space<vmem>> -> memref<128xf32, #tpu.memory_space<vmem>>
      %dma_start3A_131 = tpu.memref_slice %arg6[%add3A_106] : memref<10112xf32, #tpu.memory_space<vmem_shared>> -> memref<128xf32, #tpu.memory_space<vmem_shared>>
      tpu.enqueue_dma source(%dma_start3A_131 : memref<128xf32, #tpu.memory_space<vmem_shared>>) target(%dma_start3A_130 : memref<128xf32, #tpu.memory_space<vmem>>) target_semaphore(%run_scoped3A : memref<!tpu.dma_semaphore, #tpu.memory_space<semaphore_mem>>)
      %dma_wait3A_132 = arith.constant 128 : i32
      %dma_wait3A_133 = tpu.memref_slice %arg11[%dma_wait3A_132] : memref<648xf32, #tpu.memory_space<vmem>> -> memref<128xf32, #tpu.memory_space<vmem>>
      %dma_wait3A_134 = tpu.memref_slice %arg6[%add3A_106] : memref<10112xf32, #tpu.memory_space<vmem_shared>> -> memref<128xf32, #tpu.memory_space<vmem_shared>>
      %dma_wait3A_135 = arith.constant 128 : i32
      %dma_wait3A_136 = tpu.memref_slice %arg11[%dma_wait3A_135] : memref<648xf32, #tpu.memory_space<vmem>> -> memref<128xf32, #tpu.memory_space<vmem>>
      %dma_wait3A_137 = tpu.memref_slice %arg6[%add3A_106] : memref<10112xf32, #tpu.memory_space<vmem_shared>> -> memref<128xf32, #tpu.memory_space<vmem_shared>>
      tpu.wait_dma2 semaphore(%run_scoped3A : memref<!tpu.dma_semaphore, #tpu.memory_space<semaphore_mem>>) src(%dma_wait3A_137 : memref<128xf32, #tpu.memory_space<vmem_shared>>) dst(%dma_wait3A_136 : memref<128xf32, #tpu.memory_space<vmem>>)
      tpu.yield
    }) : () -> ()
    %add3A_107 = arith.constant 256 : i32
    %add3A_108 = arith.addi %mul3A_0, %add3A_107 : i32
    "tpu.region"() ({
      %run_scoped3A = tpu.sem_alloc : memref<!tpu.dma_semaphore, #tpu.memory_space<semaphore_mem>>
      %dma_start3A = arith.constant 256 : i32
      %dma_start3A_127 = tpu.memref_slice %arg11[%dma_start3A] : memref<648xf32, #tpu.memory_space<vmem>> -> memref<128xf32, #tpu.memory_space<vmem>>
      %dma_start3A_128 = tpu.memref_slice %arg6[%add3A_108] : memref<10112xf32, #tpu.memory_space<vmem_shared>> -> memref<128xf32, #tpu.memory_space<vmem_shared>>
      %dma_start3A_129 = arith.constant 256 : i32
      %dma_start3A_130 = tpu.memref_slice %arg11[%dma_start3A_129] : memref<648xf32, #tpu.memory_space<vmem>> -> memref<128xf32, #tpu.memory_space<vmem>>
      %dma_start3A_131 = tpu.memref_slice %arg6[%add3A_108] : memref<10112xf32, #tpu.memory_space<vmem_shared>> -> memref<128xf32, #tpu.memory_space<vmem_shared>>
      tpu.enqueue_dma source(%dma_start3A_131 : memref<128xf32, #tpu.memory_space<vmem_shared>>) target(%dma_start3A_130 : memref<128xf32, #tpu.memory_space<vmem>>) target_semaphore(%run_scoped3A : memref<!tpu.dma_semaphore, #tpu.memory_space<semaphore_mem>>)
      %dma_wait3A_132 = arith.constant 256 : i32
      %dma_wait3A_133 = tpu.memref_slice %arg11[%dma_wait3A_132] : memref<648xf32, #tpu.memory_space<vmem>> -> memref<128xf32, #tpu.memory_space<vmem>>
      %dma_wait3A_134 = tpu.memref_slice %arg6[%add3A_108] : memref<10112xf32, #tpu.memory_space<vmem_shared>> -> memref<128xf32, #tpu.memory_space<vmem_shared>>
      %dma_wait3A_135 = arith.constant 256 : i32
      %dma_wait3A_136 = tpu.memref_slice %arg11[%dma_wait3A_135] : memref<648xf32, #tpu.memory_space<vmem>> -> memref<128xf32, #tpu.memory_space<vmem>>
      %dma_wait3A_137 = tpu.memref_slice %arg6[%add3A_108] : memref<10112xf32, #tpu.memory_space<vmem_shared>> -> memref<128xf32, #tpu.memory_space<vmem_shared>>
      tpu.wait_dma2 semaphore(%run_scoped3A : memref<!tpu.dma_semaphore, #tpu.memory_space<semaphore_mem>>) src(%dma_wait3A_137 : memref<128xf32, #tpu.memory_space<vmem_shared>>) dst(%dma_wait3A_136 : memref<128xf32, #tpu.memory_space<vmem>>)
      tpu.yield
    }) : () -> ()
    %add3A_109 = arith.constant 384 : i32
    %add3A_110 = arith.addi %mul3A_0, %add3A_109 : i32
    "tpu.region"() ({
      %run_scoped3A = tpu.sem_alloc : memref<!tpu.dma_semaphore, #tpu.memory_space<semaphore_mem>>
      %dma_start3A = arith.constant 384 : i32
      %dma_start3A_127 = tpu.memref_slice %arg11[%dma_start3A] : memref<648xf32, #tpu.memory_space<vmem>> -> memref<128xf32, #tpu.memory_space<vmem>>
      %dma_start3A_128 = tpu.memref_slice %arg6[%add3A_110] : memref<10112xf32, #tpu.memory_space<vmem_shared>> -> memref<128xf32, #tpu.memory_space<vmem_shared>>
      %dma_start3A_129 = arith.constant 384 : i32
      %dma_start3A_130 = tpu.memref_slice %arg11[%dma_start3A_129] : memref<648xf32, #tpu.memory_space<vmem>> -> memref<128xf32, #tpu.memory_space<vmem>>
      %dma_start3A_131 = tpu.memref_slice %arg6[%add3A_110] : memref<10112xf32, #tpu.memory_space<vmem_shared>> -> memref<128xf32, #tpu.memory_space<vmem_shared>>
      tpu.enqueue_dma source(%dma_start3A_131 : memref<128xf32, #tpu.memory_space<vmem_shared>>) target(%dma_start3A_130 : memref<128xf32, #tpu.memory_space<vmem>>) target_semaphore(%run_scoped3A : memref<!tpu.dma_semaphore, #tpu.memory_space<semaphore_mem>>)
      %dma_wait3A_132 = arith.constant 384 : i32
      %dma_wait3A_133 = tpu.memref_slice %arg11[%dma_wait3A_132] : memref<648xf32, #tpu.memory_space<vmem>> -> memref<128xf32, #tpu.memory_space<vmem>>
      %dma_wait3A_134 = tpu.memref_slice %arg6[%add3A_110] : memref<10112xf32, #tpu.memory_space<vmem_shared>> -> memref<128xf32, #tpu.memory_space<vmem_shared>>
      %dma_wait3A_135 = arith.constant 384 : i32
      %dma_wait3A_136 = tpu.memref_slice %arg11[%dma_wait3A_135] : memref<648xf32, #tpu.memory_space<vmem>> -> memref<128xf32, #tpu.memory_space<vmem>>
      %dma_wait3A_137 = tpu.memref_slice %arg6[%add3A_110] : memref<10112xf32, #tpu.memory_space<vmem_shared>> -> memref<128xf32, #tpu.memory_space<vmem_shared>>
      tpu.wait_dma2 semaphore(%run_scoped3A : memref<!tpu.dma_semaphore, #tpu.memory_space<semaphore_mem>>) src(%dma_wait3A_137 : memref<128xf32, #tpu.memory_space<vmem_shared>>) dst(%dma_wait3A_136 : memref<128xf32, #tpu.memory_space<vmem>>)
      tpu.yield
    }) : () -> ()
    %add3A_111 = arith.constant 512 : i32
    %add3A_112 = arith.addi %mul3A_0, %add3A_111 : i32
    "tpu.region"() ({
      %run_scoped3A = tpu.sem_alloc : memref<!tpu.dma_semaphore, #tpu.memory_space<semaphore_mem>>
      %dma_start3A = arith.constant 512 : i32
      %dma_start3A_127 = tpu.memref_slice %arg11[%dma_start3A] : memref<648xf32, #tpu.memory_space<vmem>> -> memref<120xf32, #tpu.memory_space<vmem>>
      %dma_start3A_128 = tpu.memref_slice %arg6[%add3A_112] : memref<10112xf32, #tpu.memory_space<vmem_shared>> -> memref<120xf32, #tpu.memory_space<vmem_shared>>
      %dma_start3A_129 = arith.constant 512 : i32
      %dma_start3A_130 = tpu.memref_slice %arg11[%dma_start3A_129] : memref<648xf32, #tpu.memory_space<vmem>> -> memref<120xf32, #tpu.memory_space<vmem>>
      %dma_start3A_131 = tpu.memref_slice %arg6[%add3A_112] : memref<10112xf32, #tpu.memory_space<vmem_shared>> -> memref<120xf32, #tpu.memory_space<vmem_shared>>
      tpu.enqueue_dma source(%dma_start3A_131 : memref<120xf32, #tpu.memory_space<vmem_shared>>) target(%dma_start3A_130 : memref<120xf32, #tpu.memory_space<vmem>>) target_semaphore(%run_scoped3A : memref<!tpu.dma_semaphore, #tpu.memory_space<semaphore_mem>>)
      %dma_wait3A_132 = arith.constant 512 : i32
      %dma_wait3A_133 = tpu.memref_slice %arg11[%dma_wait3A_132] : memref<648xf32, #tpu.memory_space<vmem>> -> memref<120xf32, #tpu.memory_space<vmem>>
      %dma_wait3A_134 = tpu.memref_slice %arg6[%add3A_112] : memref<10112xf32, #tpu.memory_space<vmem_shared>> -> memref<120xf32, #tpu.memory_space<vmem_shared>>
      %dma_wait3A_135 = arith.constant 512 : i32
      %dma_wait3A_136 = tpu.memref_slice %arg11[%dma_wait3A_135] : memref<648xf32, #tpu.memory_space<vmem>> -> memref<120xf32, #tpu.memory_space<vmem>>
      %dma_wait3A_137 = tpu.memref_slice %arg6[%add3A_112] : memref<10112xf32, #tpu.memory_space<vmem_shared>> -> memref<120xf32, #tpu.memory_space<vmem_shared>>
      tpu.wait_dma2 semaphore(%run_scoped3A : memref<!tpu.dma_semaphore, #tpu.memory_space<semaphore_mem>>) src(%dma_wait3A_137 : memref<120xf32, #tpu.memory_space<vmem_shared>>) dst(%dma_wait3A_136 : memref<120xf32, #tpu.memory_space<vmem>>)
      tpu.yield
    }) : () -> ()
    %scan3A_113 = arith.constant 0 : i32
    %scan3A_114 = arith.constant 0 : i32
    %scan3A_115 = arith.constant 40 : i32
    %scan3A_116 = arith.addi %scan3A_114, %scan3A_115 : i32
    %scan3A_117 = arith.constant 1 : i32
    scf.for %scan3A_127 = %scan3A_114 to %scan3A_116 step %scan3A_117  : i32 {
      %mul3A_128 = arith.constant 16 : i32
      %mul3A_129 = arith.muli %scan3A_127, %mul3A_128 : i32
      %get3A = arith.index_cast %mul3A_129 : i32 to index
      %get3A_130 = tpu.vector_load %arg11[%get3A] {strides = array<i32>} : memref<648xf32, #tpu.memory_space<vmem>>, vector<16xf32>,
      %add3A_131 = arith.constant 1.000000e+00 : f32
      %add3A_132 = vector.broadcast %add3A_131 : f32 to vector<16xf32>
      %add3A_133 = arith.addf %get3A_130, %add3A_132 : vector<16xf32>
      %bitcast3A = vector.bitcast %add3A_133 : vector<16xf32> to vector<16xi32>
      %shift_right_logical3A = arith.constant 1 : i32
      %shift_right_logical3A_134 = vector.broadcast %shift_right_logical3A : i32 to vector<16xi32>
      %shift_right_logical3A_135 = arith.shrui %bitcast3A, %shift_right_logical3A_134 : vector<16xi32>
      %sub3A = arith.constant 1597463007 : i32
      %sub3A_136 = vector.broadcast %sub3A : i32 to vector<16xi32>
      %sub3A_137 = arith.subi %sub3A_136, %shift_right_logical3A_135 : vector<16xi32>
      %bitcast3A_138 = vector.bitcast %sub3A_137 : vector<16xi32> to vector<16xf32>
      %mul3A_139 = arith.constant 5.000000e-01 : f32
      %mul3A_140 = vector.broadcast %mul3A_139 : f32 to vector<16xf32>
      %mul3A_141 = arith.mulf %add3A_133, %mul3A_140 : vector<16xf32>
      %mul3A_142 = arith.mulf %mul3A_141, %bitcast3A_138 : vector<16xf32>
      %mul3A_143 = arith.mulf %mul3A_142, %bitcast3A_138 : vector<16xf32>
      %sub3A_144 = arith.constant 1.500000e+00 : f32
      %sub3A_145 = vector.broadcast %sub3A_144 : f32 to vector<16xf32>
      %sub3A_146 = arith.subf %sub3A_145, %mul3A_143 : vector<16xf32>
      %mul3A_147 = arith.mulf %bitcast3A_138, %sub3A_146 : vector<16xf32>
      %mul3A_148 = arith.mulf %mul3A_141, %mul3A_147 : vector<16xf32>
      %mul3A_149 = arith.mulf %mul3A_148, %mul3A_147 : vector<16xf32>
      %sub3A_150 = arith.constant 1.500000e+00 : f32
      %sub3A_151 = vector.broadcast %sub3A_150 : f32 to vector<16xf32>
      %sub3A_152 = arith.subf %sub3A_151, %mul3A_149 : vector<16xf32>
      %mul3A_153 = arith.mulf %mul3A_147, %sub3A_152 : vector<16xf32>
      %mul3A_154 = arith.mulf %mul3A_141, %mul3A_153 : vector<16xf32>
      %mul3A_155 = arith.mulf %mul3A_154, %mul3A_153 : vector<16xf32>
      %sub3A_156 = arith.constant 1.500000e+00 : f32
      %sub3A_157 = vector.broadcast %sub3A_156 : f32 to vector<16xf32>
      %sub3A_158 = arith.subf %sub3A_157, %mul3A_155 : vector<16xf32>
      %mul3A_159 = arith.mulf %mul3A_153, %sub3A_158 : vector<16xf32>
      %mul3A_160 = arith.constant 16 : i32
      %mul3A_161 = arith.muli %scan3A_127, %mul3A_160 : i32
      %add3A_162 = arith.addi %mul3A_0, %mul3A_161 : i32
      %iota3A = tpu.iota {dimensions = array<i32: 0>} : vector<16xi32>
      %add3A_163 = vector.broadcast %add3A_162 : i32 to vector<16xi32>
      %add3A_164 = arith.addi %add3A_163, %iota3A : vector<16xi32>
      %lt3A = arith.constant 10000 : i32
      %lt3A_165 = vector.broadcast %lt3A : i32 to vector<16xi32>
      %lt3A_166 = arith.cmpi slt, %add3A_164, %lt3A_165 : vector<16xi32>
      %jit3A = arith.constant 0.000000e+00 : f32
      %broadcast_in_dim3A_167 = vector.broadcast %jit3A : f32 to vector<16xf32>
      %select_n3A = arith.select %lt3A_166, %mul3A_159, %broadcast_in_dim3A_167 : vector<16xi1>, vector<16xf32>
      %mul3A_168 = arith.constant 16 : i32
      %mul3A_169 = arith.muli %scan3A_127, %mul3A_168 : i32
      %swap3A_170 = arith.index_cast %mul3A_169 : i32 to index
      %swap3A_171 = tpu.vector_load %arg11[%swap3A_170] {strides = array<i32>} : memref<648xf32, #tpu.memory_space<vmem>>, vector<16xf32>,
      tpu.vector_store %arg11[%swap3A_170], %select_n3A {strides = array<i32>} : memref<648xf32, #tpu.memory_space<vmem>>, vector<16xf32>,
    }
    %scan3A_118 = arith.constant 40 : i32
    %scan3A_119 = arith.constant 0 : i32
    %scan3A_120 = arith.constant 0 : i32
    %scan3A_121 = arith.constant 632 : i32
    %scan3A_122 = arith.addi %scan3A_120, %scan3A_121 : i32
    %scan3A_123 = arith.constant 1 : i32
    scf.for %scan3A_127 = %scan3A_120 to %scan3A_122 step %scan3A_123  : i32 {
      %broadcast_in_dim3A_128 = vector.broadcast %scan3A_127 : i32 to vector<16xi32>
      %gather3A = tpu.vector_load_idx %arg11[%broadcast_in_dim3A_128] : memref<648xf32, #tpu.memory_space<vmem>>[vector<16xi32>], vector<16xf32>,
      %swap3A_129 = arith.index_cast %scan3A_127 : i32 to index
      %swap3A_130 = arith.constant 0 : index
      %swap3A_131 = tpu.vector_load %arg12[%swap3A_129, %swap3A_130] {strides = array<i32>} : memref<632x32xf32, #tpu.memory_space<vmem>>, vector<16xf32>,
      tpu.vector_store %arg12[%swap3A_129, %swap3A_130], %gather3A {strides = array<i32>} : memref<632x32xf32, #tpu.memory_space<vmem>>, vector<16xf32>,
      %swap3A_132 = arith.index_cast %scan3A_127 : i32 to index
      %swap3A_133 = arith.constant 16 : index
      %swap3A_134 = tpu.vector_load %arg12[%swap3A_132, %swap3A_133] {strides = array<i32>} : memref<632x32xf32, #tpu.memory_space<vmem>>, vector<16xf32>,
      tpu.vector_store %arg12[%swap3A_132, %swap3A_133], %gather3A {strides = array<i32>} : memref<632x32xf32, #tpu.memory_space<vmem>>, vector<16xf32>,
      %swap3A_135 = arith.index_cast %scan3A_127 : i32 to index
      %swap3A_136 = arith.constant 0 : index
      %swap3A_137 = tpu.vector_load %arg13[%swap3A_135, %swap3A_136] {strides = array<i32>} : memref<632x16xf32, #tpu.memory_space<vmem>>, vector<16xf32>,
      tpu.vector_store %arg13[%swap3A_135, %swap3A_136], %gather3A {strides = array<i32>} : memref<632x16xf32, #tpu.memory_space<vmem>>, vector<16xf32>,
    }
    %scan3A_124 = arith.constant 632 : i32
    %eq3A = arith.constant 0 : i32
    %eq3A_125 = arith.cmpi eq, %arg0, %eq3A : i32
    %convert_element_type3A = arith.extui %eq3A_125 : i1 to i32
    %cond3A = arith.constant 0 : i32
    %cond3A_126 = arith.cmpi ne, %convert_element_type3A, %cond3A : i32
    scf.if %cond3A_126 {
      "tpu.region"() ({
        %run_scoped3A = tpu.sem_alloc : memref<!tpu.dma_semaphore, #tpu.memory_space<semaphore_mem>>
        %dma_start3A = arith.constant 0 : i32
        %dma_start3A_127 = tpu.memref_slice %arg11[%dma_start3A] : memref<648xf32, #tpu.memory_space<vmem>> -> memref<632xf32, #tpu.memory_space<vmem>>
        %dma_start3A_128 = tpu.memref_slice %arg3[%mul3A_0] : memref<10112xf32, #tpu.memory_space<hbm>> -> memref<632xf32, #tpu.memory_space<hbm>>
        %dma_start3A_129 = tpu.memref_slice %arg3[%mul3A_0] : memref<10112xf32, #tpu.memory_space<hbm>> -> memref<632xf32, #tpu.memory_space<hbm>>
        %dma_start3A_130 = arith.constant 0 : i32
        %dma_start3A_131 = tpu.memref_slice %arg11[%dma_start3A_130] : memref<648xf32, #tpu.memory_space<vmem>> -> memref<632xf32, #tpu.memory_space<vmem>>
        tpu.enqueue_dma source(%dma_start3A_131 : memref<632xf32, #tpu.memory_space<vmem>>) target(%dma_start3A_129 : memref<632xf32, #tpu.memory_space<hbm>>) target_semaphore(%run_scoped3A : memref<!tpu.dma_semaphore, #tpu.memory_space<semaphore_mem>>)
        %dma_wait3A_132 = arith.constant 0 : i32
        %dma_wait3A_133 = tpu.memref_slice %arg11[%dma_wait3A_132] : memref<648xf32, #tpu.memory_space<vmem>> -> memref<632xf32, #tpu.memory_space<vmem>>
        %dma_wait3A_134 = tpu.memref_slice %arg3[%mul3A_0] : memref<10112xf32, #tpu.memory_space<hbm>> -> memref<632xf32, #tpu.memory_space<hbm>>
        %dma_wait3A_135 = tpu.memref_slice %arg3[%mul3A_0] : memref<10112xf32, #tpu.memory_space<hbm>> -> memref<632xf32, #tpu.memory_space<hbm>>
        %dma_wait3A_136 = arith.constant 0 : i32
        %dma_wait3A_137 = tpu.memref_slice %arg11[%dma_wait3A_136] : memref<648xf32, #tpu.memory_space<vmem>> -> memref<632xf32, #tpu.memory_space<vmem>>
        tpu.wait_dma2 semaphore(%run_scoped3A : memref<!tpu.dma_semaphore, #tpu.memory_space<semaphore_mem>>) src(%dma_wait3A_137 : memref<632xf32, #tpu.memory_space<vmem>>) dst(%dma_wait3A_135 : memref<632xf32, #tpu.memory_space<hbm>>)
        tpu.yield
      }) : () -> ()
      "tpu.region"() ({
        %run_scoped3A = tpu.sem_alloc : memref<!tpu.dma_semaphore, #tpu.memory_space<semaphore_mem>>
        %dma_start3A = arith.constant 0 : i32
        %dma_start3A_127 = tpu.memref_slice %arg4[%mul3A_0, %dma_start3A] : memref<10112x32xf32, #tpu.memory_space<hbm>> -> memref<632x32xf32, #tpu.memory_space<hbm>>
        %dma_start3A_128 = arith.constant 0 : i32
        %dma_start3A_129 = tpu.memref_slice %arg4[%mul3A_0, %dma_start3A_128] : memref<10112x32xf32, #tpu.memory_space<hbm>> -> memref<632x32xf32, #tpu.memory_space<hbm>>
        tpu.enqueue_dma source(%arg12 : memref<632x32xf32, #tpu.memory_space<vmem>>) target(%dma_start3A_129 : memref<632x32xf32, #tpu.memory_space<hbm>>) target_semaphore(%run_scoped3A : memref<!tpu.dma_semaphore, #tpu.memory_space<semaphore_mem>>)
        %dma_wait3A_130 = arith.constant 0 : i32
        %dma_wait3A_131 = tpu.memref_slice %arg4[%mul3A_0, %dma_wait3A_130] : memref<10112x32xf32, #tpu.memory_space<hbm>> -> memref<632x32xf32, #tpu.memory_space<hbm>>
        %dma_wait3A_132 = arith.constant 0 : i32
        %dma_wait3A_133 = tpu.memref_slice %arg4[%mul3A_0, %dma_wait3A_132] : memref<10112x32xf32, #tpu.memory_space<hbm>> -> memref<632x32xf32, #tpu.memory_space<hbm>>
        tpu.wait_dma2 semaphore(%run_scoped3A : memref<!tpu.dma_semaphore, #tpu.memory_space<semaphore_mem>>) src(%arg12 : memref<632x32xf32, #tpu.memory_space<vmem>>) dst(%dma_wait3A_133 : memref<632x32xf32, #tpu.memory_space<hbm>>)
        tpu.yield
      }) : () -> ()
      "tpu.region"() ({
        %run_scoped3A = tpu.sem_alloc : memref<!tpu.dma_semaphore, #tpu.memory_space<semaphore_mem>>
        %dma_start3A = arith.constant 0 : i32
        %dma_start3A_127 = tpu.memref_slice %arg5[%mul3A_0, %dma_start3A] : memref<10112x16xf32, #tpu.memory_space<hbm>> -> memref<632x16xf32, #tpu.memory_space<hbm>>
        %dma_start3A_128 = arith.constant 0 : i32
        %dma_start3A_129 = tpu.memref_slice %arg5[%mul3A_0, %dma_start3A_128] : memref<10112x16xf32, #tpu.memory_space<hbm>> -> memref<632x16xf32, #tpu.memory_space<hbm>>
        tpu.enqueue_dma source(%arg13 : memref<632x16xf32, #tpu.memory_space<vmem>>) target(%dma_start3A_129 : memref<632x16xf32, #tpu.memory_space<hbm>>) target_semaphore(%run_scoped3A : memref<!tpu.dma_semaphore, #tpu.memory_space<semaphore_mem>>)
        %dma_wait3A_130 = arith.constant 0 : i32
        %dma_wait3A_131 = tpu.memref_slice %arg5[%mul3A_0, %dma_wait3A_130] : memref<10112x16xf32, #tpu.memory_space<hbm>> -> memref<632x16xf32, #tpu.memory_space<hbm>>
        %dma_wait3A_132 = arith.constant 0 : i32
        %dma_wait3A_133 = tpu.memref_slice %arg5[%mul3A_0, %dma_wait3A_132] : memref<10112x16xf32, #tpu.memory_space<hbm>> -> memref<632x16xf32, #tpu.memory_space<hbm>>
        tpu.wait_dma2 semaphore(%run_scoped3A : memref<!tpu.dma_semaphore, #tpu.memory_space<semaphore_mem>>) src(%arg13 : memref<632x16xf32, #tpu.memory_space<vmem>>) dst(%dma_wait3A_133 : memref<632x16xf32, #tpu.memory_space<hbm>>)
        tpu.yield
      }) : () -> ()
    } else {
    }
    return
  }
}

#map = affine_map<(d0, d1) -> (0, 0)>
#map1 = affine_map<(d0, d1) -> (0)>
#map2 = affine_map<(d0, d1) -> (0, 0, 0)>
module attributes {stable_mosaic.version = 14 : i64} {
  func.func @agg(%arg0: i32, %arg1: i32, %arg2: memref<10112x32xf32, #tpu.memory_space<hbm>>, %arg3: memref<10112xf32, #tpu.memory_space<hbm>>, %arg4: memref<2560x128xi32, #tpu.memory_space<hbm>>, %arg5: memref<2560x128xi32, #tpu.memory_space<hbm>>, %arg6: memref<2x10112x32xf32, #tpu.memory_space<hbm>>, %arg7: memref<10112x32xf32, #tpu.memory_space<vmem_shared>>, %arg8: memref<10112x32xf32, #tpu.memory_space<vmem_shared>>, %arg9: memref<80x128xi32, #tpu.memory_space<vmem>>, %arg10: memref<80x128xi32, #tpu.memory_space<vmem>>, %arg11: memref<632x32xf32, #tpu.memory_space<vmem>>, %arg12: memref<632xf32, #tpu.memory_space<vmem>>, %arg13: memref<128x32xf32, #tpu.memory_space<vmem>>, %arg14: memref<128x32xf32, #tpu.memory_space<vmem>>, %arg15: memref<128x32xf32, #tpu.memory_space<vmem>>, %arg16: memref<128x32xf32, #tpu.memory_space<vmem>>, %arg17: memref<128x32xf32, #tpu.memory_space<vmem>>, %arg18: memref<128x32xf32, #tpu.memory_space<vmem>>, %arg19: memref<128x32xf32, #tpu.memory_space<vmem>>, %arg20: memref<128x32xf32, #tpu.memory_space<vmem>>, %arg21: memref<!tpu.dma_semaphore, #tpu.memory_space<semaphore_mem>>, %arg22: memref<!tpu.dma_semaphore, #tpu.memory_space<semaphore_mem>>, %arg23: memref<!tpu.dma_semaphore, #tpu.memory_space<semaphore_mem>>, %arg24: memref<!tpu.dma_semaphore, #tpu.memory_space<semaphore_mem>>, %arg25: memref<!tpu.dma_semaphore, #tpu.memory_space<semaphore_mem>>, %arg26: memref<!tpu.dma_semaphore, #tpu.memory_space<semaphore_mem>>, %arg27: memref<!tpu.dma_semaphore, #tpu.memory_space<semaphore_mem>>, %arg28: memref<!tpu.dma_semaphore, #tpu.memory_space<semaphore_mem>>, %arg29: memref<!tpu.dma_semaphore, #tpu.memory_space<semaphore_mem>>, %arg30: memref<!tpu.dma_semaphore, #tpu.memory_space<semaphore_mem>>, %arg31: memref<!tpu.dma_semaphore, #tpu.memory_space<semaphore_mem>>, %arg32: memref<!tpu.dma_semaphore, #tpu.memory_space<semaphore_mem>>, %arg33: memref<!tpu.dma_semaphore, #tpu.memory_space<semaphore_mem>>, %arg34: memref<!tpu.dma_semaphore, #tpu.memory_space<semaphore_mem>>, %arg35: memref<!tpu.dma_semaphore, #tpu.memory_space<semaphore_mem>>, %arg36: memref<!tpu.dma_semaphore, #tpu.memory_space<semaphore_mem>>) attributes {dimension_semantics = [#tpu.dimension_semantics<core_parallel>, #tpu.dimension_semantics<subcore_parallel>], iteration_bounds = array<i64: 2, 16>, scalar_prefetch = 0 : i64, scratch_operands = 30 : i64, tpu.core_type = #tpu.core_type<sc_vector_subcore>, window_params = [{transform_indices = #map}, {transform_indices = #map1}, {transform_indices = #map}, {transform_indices = #map}, {transform_indices = #map2}]} {
    %mul3A = arith.constant 2 : i32
    %mul3A_0 = arith.muli %arg1, %mul3A : i32
    %add3A = arith.addi %mul3A_0, %arg0 : i32
    %mul3A_1 = arith.constant 632 : i32
    %mul3A_2 = arith.muli %arg1, %mul3A_1 : i32
    %dma_start3A = arith.constant 0 : i32
    %dma_start3A_3 = tpu.memref_slice %arg2[%mul3A_2, %dma_start3A] : memref<10112x32xf32, #tpu.memory_space<hbm>> -> memref<632x32xf32, #tpu.memory_space<hbm>>
    %dma_start3A_4 = arith.constant 0 : i32
    %dma_start3A_5 = tpu.memref_slice %arg2[%mul3A_2, %dma_start3A_4] : memref<10112x32xf32, #tpu.memory_space<hbm>> -> memref<632x32xf32, #tpu.memory_space<hbm>>
    tpu.enqueue_dma source(%dma_start3A_5 : memref<632x32xf32, #tpu.memory_space<hbm>>) target(%arg11 : memref<632x32xf32, #tpu.memory_space<vmem>>) target_semaphore(%arg21 : memref<!tpu.dma_semaphore, #tpu.memory_space<semaphore_mem>>)
    %dma_start3A_6 = tpu.memref_slice %arg3[%mul3A_2] : memref<10112xf32, #tpu.memory_space<hbm>> -> memref<632xf32, #tpu.memory_space<hbm>>
    %dma_start3A_7 = tpu.memref_slice %arg3[%mul3A_2] : memref<10112xf32, #tpu.memory_space<hbm>> -> memref<632xf32, #tpu.memory_space<hbm>>
    tpu.enqueue_dma source(%dma_start3A_7 : memref<632xf32, #tpu.memory_space<hbm>>) target(%arg12 : memref<632xf32, #tpu.memory_space<vmem>>) target_semaphore(%arg24 : memref<!tpu.dma_semaphore, #tpu.memory_space<semaphore_mem>>)
    %mul3A_8 = arith.constant 80 : i32
    %mul3A_9 = arith.muli %add3A, %mul3A_8 : i32
    %dma_start3A_10 = arith.constant 0 : i32
    %dma_start3A_11 = tpu.memref_slice %arg4[%mul3A_9, %dma_start3A_10] : memref<2560x128xi32, #tpu.memory_space<hbm>> -> memref<80x128xi32, #tpu.memory_space<hbm>>
    %dma_start3A_12 = arith.constant 0 : i32
    %dma_start3A_13 = tpu.memref_slice %arg4[%mul3A_9, %dma_start3A_12] : memref<2560x128xi32, #tpu.memory_space<hbm>> -> memref<80x128xi32, #tpu.memory_space<hbm>>
    tpu.enqueue_dma source(%dma_start3A_13 : memref<80x128xi32, #tpu.memory_space<hbm>>) target(%arg9 : memref<80x128xi32, #tpu.memory_space<vmem>>) target_semaphore(%arg22 : memref<!tpu.dma_semaphore, #tpu.memory_space<semaphore_mem>>)
    %mul3A_14 = arith.constant 80 : i32
    %mul3A_15 = arith.muli %add3A, %mul3A_14 : i32
    %dma_start3A_16 = arith.constant 0 : i32
    %dma_start3A_17 = tpu.memref_slice %arg5[%mul3A_15, %dma_start3A_16] : memref<2560x128xi32, #tpu.memory_space<hbm>> -> memref<80x128xi32, #tpu.memory_space<hbm>>
    %dma_start3A_18 = arith.constant 0 : i32
    %dma_start3A_19 = tpu.memref_slice %arg5[%mul3A_15, %dma_start3A_18] : memref<2560x128xi32, #tpu.memory_space<hbm>> -> memref<80x128xi32, #tpu.memory_space<hbm>>
    tpu.enqueue_dma source(%dma_start3A_19 : memref<80x128xi32, #tpu.memory_space<hbm>>) target(%arg10 : memref<80x128xi32, #tpu.memory_space<vmem>>) target_semaphore(%arg23 : memref<!tpu.dma_semaphore, #tpu.memory_space<semaphore_mem>>)
    %scan3A = arith.constant 0 : i32
    %scan3A_20 = arith.constant 0 : i32
    %scan3A_21 = arith.constant 128 : i32
    %scan3A_22 = arith.addi %scan3A_20, %scan3A_21 : i32
    %scan3A_23 = arith.constant 1 : i32
    scf.for %scan3A_211 = %scan3A_20 to %scan3A_22 step %scan3A_23  : i32 {
      %broadcast_in_dim3A = arith.constant 0.000000e+00 : f32
      %broadcast_in_dim3A_212 = vector.broadcast %broadcast_in_dim3A : f32 to vector<16xf32>
      %swap3A = arith.index_cast %scan3A_211 : i32 to index
      %swap3A_213 = arith.constant 0 : index
      %swap3A_214 = tpu.vector_load %arg13[%swap3A, %swap3A_213] {strides = array<i32>} : memref<128x32xf32, #tpu.memory_space<vmem>>, vector<16xf32>,
      tpu.vector_store %arg13[%swap3A, %swap3A_213], %broadcast_in_dim3A_212 {strides = array<i32>} : memref<128x32xf32, #tpu.memory_space<vmem>>, vector<16xf32>,
      %broadcast_in_dim3A_215 = arith.constant 0.000000e+00 : f32
      %broadcast_in_dim3A_216 = vector.broadcast %broadcast_in_dim3A_215 : f32 to vector<16xf32>
      %swap3A_217 = arith.index_cast %scan3A_211 : i32 to index
      %swap3A_218 = arith.constant 16 : index
      %swap3A_219 = tpu.vector_load %arg13[%swap3A_217, %swap3A_218] {strides = array<i32>} : memref<128x32xf32, #tpu.memory_space<vmem>>, vector<16xf32>,
      tpu.vector_store %arg13[%swap3A_217, %swap3A_218], %broadcast_in_dim3A_216 {strides = array<i32>} : memref<128x32xf32, #tpu.memory_space<vmem>>, vector<16xf32>,
    }
    %scan3A_24 = arith.constant 128 : i32
    %add3A_25 = arith.constant 0 : i32
    %add3A_26 = arith.addi %mul3A_2, %add3A_25 : i32
    %dma_start3A_27 = arith.constant 0 : i32
    %dma_start3A_28 = tpu.memref_slice %arg8[%add3A_26, %dma_start3A_27] : memref<10112x32xf32, #tpu.memory_space<vmem_shared>> -> memref<128x32xf32, #tpu.memory_space<vmem_shared>>
    %dma_start3A_29 = arith.constant 0 : i32
    %dma_start3A_30 = tpu.memref_slice %arg8[%add3A_26, %dma_start3A_29] : memref<10112x32xf32, #tpu.memory_space<vmem_shared>> -> memref<128x32xf32, #tpu.memory_space<vmem_shared>>
    tpu.enqueue_dma source(%arg13 : memref<128x32xf32, #tpu.memory_space<vmem>>) target(%dma_start3A_30 : memref<128x32xf32, #tpu.memory_space<vmem_shared>>) target_semaphore(%arg29 : memref<!tpu.dma_semaphore, #tpu.memory_space<semaphore_mem>>)
    %add3A_31 = arith.constant 128 : i32
    %add3A_32 = arith.addi %mul3A_2, %add3A_31 : i32
    %dma_start3A_33 = arith.constant 0 : i32
    %dma_start3A_34 = tpu.memref_slice %arg8[%add3A_32, %dma_start3A_33] : memref<10112x32xf32, #tpu.memory_space<vmem_shared>> -> memref<128x32xf32, #tpu.memory_space<vmem_shared>>
    %dma_start3A_35 = arith.constant 0 : i32
    %dma_start3A_36 = tpu.memref_slice %arg8[%add3A_32, %dma_start3A_35] : memref<10112x32xf32, #tpu.memory_space<vmem_shared>> -> memref<128x32xf32, #tpu.memory_space<vmem_shared>>
    tpu.enqueue_dma source(%arg13 : memref<128x32xf32, #tpu.memory_space<vmem>>) target(%dma_start3A_36 : memref<128x32xf32, #tpu.memory_space<vmem_shared>>) target_semaphore(%arg30 : memref<!tpu.dma_semaphore, #tpu.memory_space<semaphore_mem>>)
    %add3A_37 = arith.constant 256 : i32
    %add3A_38 = arith.addi %mul3A_2, %add3A_37 : i32
    %dma_start3A_39 = arith.constant 0 : i32
    %dma_start3A_40 = tpu.memref_slice %arg8[%add3A_38, %dma_start3A_39] : memref<10112x32xf32, #tpu.memory_space<vmem_shared>> -> memref<128x32xf32, #tpu.memory_space<vmem_shared>>
    %dma_start3A_41 = arith.constant 0 : i32
    %dma_start3A_42 = tpu.memref_slice %arg8[%add3A_38, %dma_start3A_41] : memref<10112x32xf32, #tpu.memory_space<vmem_shared>> -> memref<128x32xf32, #tpu.memory_space<vmem_shared>>
    tpu.enqueue_dma source(%arg13 : memref<128x32xf32, #tpu.memory_space<vmem>>) target(%dma_start3A_42 : memref<128x32xf32, #tpu.memory_space<vmem_shared>>) target_semaphore(%arg31 : memref<!tpu.dma_semaphore, #tpu.memory_space<semaphore_mem>>)
    %add3A_43 = arith.constant 384 : i32
    %add3A_44 = arith.addi %mul3A_2, %add3A_43 : i32
    %dma_start3A_45 = arith.constant 0 : i32
    %dma_start3A_46 = tpu.memref_slice %arg8[%add3A_44, %dma_start3A_45] : memref<10112x32xf32, #tpu.memory_space<vmem_shared>> -> memref<128x32xf32, #tpu.memory_space<vmem_shared>>
    %dma_start3A_47 = arith.constant 0 : i32
    %dma_start3A_48 = tpu.memref_slice %arg8[%add3A_44, %dma_start3A_47] : memref<10112x32xf32, #tpu.memory_space<vmem_shared>> -> memref<128x32xf32, #tpu.memory_space<vmem_shared>>
    tpu.enqueue_dma source(%arg13 : memref<128x32xf32, #tpu.memory_space<vmem>>) target(%dma_start3A_48 : memref<128x32xf32, #tpu.memory_space<vmem_shared>>) target_semaphore(%arg32 : memref<!tpu.dma_semaphore, #tpu.memory_space<semaphore_mem>>)
    %add3A_49 = arith.constant 512 : i32
    %add3A_50 = arith.addi %mul3A_2, %add3A_49 : i32
    %dma_start3A_51 = arith.constant 0 : i32
    %dma_start3A_52 = arith.constant 0 : i32
    %dma_start3A_53 = tpu.memref_slice %arg13[%dma_start3A_51, %dma_start3A_52] : memref<128x32xf32, #tpu.memory_space<vmem>> -> memref<120x32xf32, #tpu.memory_space<vmem>>
    %dma_start3A_54 = arith.constant 0 : i32
    %dma_start3A_55 = tpu.memref_slice %arg8[%add3A_50, %dma_start3A_54] : memref<10112x32xf32, #tpu.memory_space<vmem_shared>> -> memref<120x32xf32, #tpu.memory_space<vmem_shared>>
    %dma_start3A_56 = arith.constant 0 : i32
    %dma_start3A_57 = tpu.memref_slice %arg8[%add3A_50, %dma_start3A_56] : memref<10112x32xf32, #tpu.memory_space<vmem_shared>> -> memref<120x32xf32, #tpu.memory_space<vmem_shared>>
    %dma_start3A_58 = arith.constant 0 : i32
    %dma_start3A_59 = arith.constant 0 : i32
    %dma_start3A_60 = tpu.memref_slice %arg13[%dma_start3A_58, %dma_start3A_59] : memref<128x32xf32, #tpu.memory_space<vmem>> -> memref<120x32xf32, #tpu.memory_space<vmem>>
    tpu.enqueue_dma source(%dma_start3A_60 : memref<120x32xf32, #tpu.memory_space<vmem>>) target(%dma_start3A_57 : memref<120x32xf32, #tpu.memory_space<vmem_shared>>) target_semaphore(%arg33 : memref<!tpu.dma_semaphore, #tpu.memory_space<semaphore_mem>>)
    %dma_wait3A = arith.constant 0 : i32
    %dma_wait3A_61 = tpu.memref_slice %arg2[%mul3A_2, %dma_wait3A] : memref<10112x32xf32, #tpu.memory_space<hbm>> -> memref<632x32xf32, #tpu.memory_space<hbm>>
    %dma_wait3A_62 = arith.constant 0 : i32
    %dma_wait3A_63 = tpu.memref_slice %arg2[%mul3A_2, %dma_wait3A_62] : memref<10112x32xf32, #tpu.memory_space<hbm>> -> memref<632x32xf32, #tpu.memory_space<hbm>>
    tpu.wait_dma2 semaphore(%arg21 : memref<!tpu.dma_semaphore, #tpu.memory_space<semaphore_mem>>) src(%dma_wait3A_63 : memref<632x32xf32, #tpu.memory_space<hbm>>) dst(%arg11 : memref<632x32xf32, #tpu.memory_space<vmem>>)
    %dma_wait3A_64 = tpu.memref_slice %arg3[%mul3A_2] : memref<10112xf32, #tpu.memory_space<hbm>> -> memref<632xf32, #tpu.memory_space<hbm>>
    %dma_wait3A_65 = tpu.memref_slice %arg3[%mul3A_2] : memref<10112xf32, #tpu.memory_space<hbm>> -> memref<632xf32, #tpu.memory_space<hbm>>
    tpu.wait_dma2 semaphore(%arg24 : memref<!tpu.dma_semaphore, #tpu.memory_space<semaphore_mem>>) src(%dma_wait3A_65 : memref<632xf32, #tpu.memory_space<hbm>>) dst(%arg12 : memref<632xf32, #tpu.memory_space<vmem>>)
    %scan3A_66 = arith.constant 0 : i32
    %scan3A_67 = arith.constant 0 : i32
    %scan3A_68 = arith.constant 632 : i32
    %scan3A_69 = arith.addi %scan3A_67, %scan3A_68 : i32
    %scan3A_70 = arith.constant 1 : i32
    scf.for %scan3A_211 = %scan3A_67 to %scan3A_69 step %scan3A_70  : i32 {
      %broadcast_in_dim3A = vector.broadcast %scan3A_211 : i32 to vector<16xi32>
      %gather3A = tpu.vector_load_idx %arg12[%broadcast_in_dim3A] : memref<632xf32, #tpu.memory_space<vmem>>[vector<16xi32>], vector<16xf32>,
      %get3A = arith.index_cast %scan3A_211 : i32 to index
      %get3A_212 = arith.constant 0 : index
      %get3A_213 = tpu.vector_load %arg11[%get3A, %get3A_212] {strides = array<i32>} : memref<632x32xf32, #tpu.memory_space<vmem>>, vector<16xf32>,
      %mul3A_214 = arith.mulf %get3A_213, %gather3A : vector<16xf32>
      %swap3A = arith.index_cast %scan3A_211 : i32 to index
      %swap3A_215 = arith.constant 0 : index
      %swap3A_216 = tpu.vector_load %arg11[%swap3A, %swap3A_215] {strides = array<i32>} : memref<632x32xf32, #tpu.memory_space<vmem>>, vector<16xf32>,
      tpu.vector_store %arg11[%swap3A, %swap3A_215], %mul3A_214 {strides = array<i32>} : memref<632x32xf32, #tpu.memory_space<vmem>>, vector<16xf32>,
      %get3A_217 = arith.index_cast %scan3A_211 : i32 to index
      %get3A_218 = arith.constant 16 : index
      %get3A_219 = tpu.vector_load %arg11[%get3A_217, %get3A_218] {strides = array<i32>} : memref<632x32xf32, #tpu.memory_space<vmem>>, vector<16xf32>,
      %mul3A_220 = arith.mulf %get3A_219, %gather3A : vector<16xf32>
      %swap3A_221 = arith.index_cast %scan3A_211 : i32 to index
      %swap3A_222 = arith.constant 16 : index
      %swap3A_223 = tpu.vector_load %arg11[%swap3A_221, %swap3A_222] {strides = array<i32>} : memref<632x32xf32, #tpu.memory_space<vmem>>, vector<16xf32>,
      tpu.vector_store %arg11[%swap3A_221, %swap3A_222], %mul3A_220 {strides = array<i32>} : memref<632x32xf32, #tpu.memory_space<vmem>>, vector<16xf32>,
    }
    %scan3A_71 = arith.constant 632 : i32
    "tpu.region"() ({
      %run_scoped3A = tpu.sem_alloc : memref<!tpu.dma_semaphore, #tpu.memory_space<semaphore_mem>>
      %dma_start3A_211 = arith.constant 0 : i32
      %dma_start3A_212 = tpu.memref_slice %arg7[%mul3A_2, %dma_start3A_211] : memref<10112x32xf32, #tpu.memory_space<vmem_shared>> -> memref<632x32xf32, #tpu.memory_space<vmem_shared>>
      %dma_start3A_213 = arith.constant 0 : i32
      %dma_start3A_214 = tpu.memref_slice %arg7[%mul3A_2, %dma_start3A_213] : memref<10112x32xf32, #tpu.memory_space<vmem_shared>> -> memref<632x32xf32, #tpu.memory_space<vmem_shared>>
      tpu.enqueue_dma source(%arg11 : memref<632x32xf32, #tpu.memory_space<vmem>>) target(%dma_start3A_214 : memref<632x32xf32, #tpu.memory_space<vmem_shared>>) target_semaphore(%run_scoped3A : memref<!tpu.dma_semaphore, #tpu.memory_space<semaphore_mem>>)
      %dma_wait3A_215 = arith.constant 0 : i32
      %dma_wait3A_216 = tpu.memref_slice %arg7[%mul3A_2, %dma_wait3A_215] : memref<10112x32xf32, #tpu.memory_space<vmem_shared>> -> memref<632x32xf32, #tpu.memory_space<vmem_shared>>
      %dma_wait3A_217 = arith.constant 0 : i32
      %dma_wait3A_218 = tpu.memref_slice %arg7[%mul3A_2, %dma_wait3A_217] : memref<10112x32xf32, #tpu.memory_space<vmem_shared>> -> memref<632x32xf32, #tpu.memory_space<vmem_shared>>
      tpu.wait_dma2 semaphore(%run_scoped3A : memref<!tpu.dma_semaphore, #tpu.memory_space<semaphore_mem>>) src(%arg11 : memref<632x32xf32, #tpu.memory_space<vmem>>) dst(%dma_wait3A_218 : memref<632x32xf32, #tpu.memory_space<vmem_shared>>)
      tpu.yield
    }) : () -> ()
    %mul3A_72 = arith.constant 80 : i32
    %mul3A_73 = arith.muli %add3A, %mul3A_72 : i32
    %dma_wait3A_74 = arith.constant 0 : i32
    %dma_wait3A_75 = tpu.memref_slice %arg4[%mul3A_73, %dma_wait3A_74] : memref<2560x128xi32, #tpu.memory_space<hbm>> -> memref<80x128xi32, #tpu.memory_space<hbm>>
    %dma_wait3A_76 = arith.constant 0 : i32
    %dma_wait3A_77 = tpu.memref_slice %arg4[%mul3A_73, %dma_wait3A_76] : memref<2560x128xi32, #tpu.memory_space<hbm>> -> memref<80x128xi32, #tpu.memory_space<hbm>>
    tpu.wait_dma2 semaphore(%arg22 : memref<!tpu.dma_semaphore, #tpu.memory_space<semaphore_mem>>) src(%dma_wait3A_77 : memref<80x128xi32, #tpu.memory_space<hbm>>) dst(%arg9 : memref<80x128xi32, #tpu.memory_space<vmem>>)
    %mul3A_78 = arith.constant 80 : i32
    %mul3A_79 = arith.muli %add3A, %mul3A_78 : i32
    %dma_wait3A_80 = arith.constant 0 : i32
    %dma_wait3A_81 = tpu.memref_slice %arg5[%mul3A_79, %dma_wait3A_80] : memref<2560x128xi32, #tpu.memory_space<hbm>> -> memref<80x128xi32, #tpu.memory_space<hbm>>
    %dma_wait3A_82 = arith.constant 0 : i32
    %dma_wait3A_83 = tpu.memref_slice %arg5[%mul3A_79, %dma_wait3A_82] : memref<2560x128xi32, #tpu.memory_space<hbm>> -> memref<80x128xi32, #tpu.memory_space<hbm>>
    tpu.wait_dma2 semaphore(%arg23 : memref<!tpu.dma_semaphore, #tpu.memory_space<semaphore_mem>>) src(%dma_wait3A_83 : memref<80x128xi32, #tpu.memory_space<hbm>>) dst(%arg10 : memref<80x128xi32, #tpu.memory_space<vmem>>)
    %add3A_84 = arith.constant 0 : i32
    %add3A_85 = arith.addi %mul3A_2, %add3A_84 : i32
    %dma_wait3A_86 = arith.constant 0 : i32
    %dma_wait3A_87 = tpu.memref_slice %arg8[%add3A_85, %dma_wait3A_86] : memref<10112x32xf32, #tpu.memory_space<vmem_shared>> -> memref<128x32xf32, #tpu.memory_space<vmem_shared>>
    %dma_wait3A_88 = arith.constant 0 : i32
    %dma_wait3A_89 = tpu.memref_slice %arg8[%add3A_85, %dma_wait3A_88] : memref<10112x32xf32, #tpu.memory_space<vmem_shared>> -> memref<128x32xf32, #tpu.memory_space<vmem_shared>>
    tpu.wait_dma2 semaphore(%arg29 : memref<!tpu.dma_semaphore, #tpu.memory_space<semaphore_mem>>) src(%arg13 : memref<128x32xf32, #tpu.memory_space<vmem>>) dst(%dma_wait3A_89 : memref<128x32xf32, #tpu.memory_space<vmem_shared>>)
    %add3A_90 = arith.constant 128 : i32
    %add3A_91 = arith.addi %mul3A_2, %add3A_90 : i32
    %dma_wait3A_92 = arith.constant 0 : i32
    %dma_wait3A_93 = tpu.memref_slice %arg8[%add3A_91, %dma_wait3A_92] : memref<10112x32xf32, #tpu.memory_space<vmem_shared>> -> memref<128x32xf32, #tpu.memory_space<vmem_shared>>
    %dma_wait3A_94 = arith.constant 0 : i32
    %dma_wait3A_95 = tpu.memref_slice %arg8[%add3A_91, %dma_wait3A_94] : memref<10112x32xf32, #tpu.memory_space<vmem_shared>> -> memref<128x32xf32, #tpu.memory_space<vmem_shared>>
    tpu.wait_dma2 semaphore(%arg30 : memref<!tpu.dma_semaphore, #tpu.memory_space<semaphore_mem>>) src(%arg13 : memref<128x32xf32, #tpu.memory_space<vmem>>) dst(%dma_wait3A_95 : memref<128x32xf32, #tpu.memory_space<vmem_shared>>)
    %add3A_96 = arith.constant 256 : i32
    %add3A_97 = arith.addi %mul3A_2, %add3A_96 : i32
    %dma_wait3A_98 = arith.constant 0 : i32
    %dma_wait3A_99 = tpu.memref_slice %arg8[%add3A_97, %dma_wait3A_98] : memref<10112x32xf32, #tpu.memory_space<vmem_shared>> -> memref<128x32xf32, #tpu.memory_space<vmem_shared>>
    %dma_wait3A_100 = arith.constant 0 : i32
    %dma_wait3A_101 = tpu.memref_slice %arg8[%add3A_97, %dma_wait3A_100] : memref<10112x32xf32, #tpu.memory_space<vmem_shared>> -> memref<128x32xf32, #tpu.memory_space<vmem_shared>>
    tpu.wait_dma2 semaphore(%arg31 : memref<!tpu.dma_semaphore, #tpu.memory_space<semaphore_mem>>) src(%arg13 : memref<128x32xf32, #tpu.memory_space<vmem>>) dst(%dma_wait3A_101 : memref<128x32xf32, #tpu.memory_space<vmem_shared>>)
    %add3A_102 = arith.constant 384 : i32
    %add3A_103 = arith.addi %mul3A_2, %add3A_102 : i32
    %dma_wait3A_104 = arith.constant 0 : i32
    %dma_wait3A_105 = tpu.memref_slice %arg8[%add3A_103, %dma_wait3A_104] : memref<10112x32xf32, #tpu.memory_space<vmem_shared>> -> memref<128x32xf32, #tpu.memory_space<vmem_shared>>
    %dma_wait3A_106 = arith.constant 0 : i32
    %dma_wait3A_107 = tpu.memref_slice %arg8[%add3A_103, %dma_wait3A_106] : memref<10112x32xf32, #tpu.memory_space<vmem_shared>> -> memref<128x32xf32, #tpu.memory_space<vmem_shared>>
    tpu.wait_dma2 semaphore(%arg32 : memref<!tpu.dma_semaphore, #tpu.memory_space<semaphore_mem>>) src(%arg13 : memref<128x32xf32, #tpu.memory_space<vmem>>) dst(%dma_wait3A_107 : memref<128x32xf32, #tpu.memory_space<vmem_shared>>)
    %add3A_108 = arith.constant 512 : i32
    %add3A_109 = arith.addi %mul3A_2, %add3A_108 : i32
    %dma_wait3A_110 = arith.constant 0 : i32
    %dma_wait3A_111 = arith.constant 0 : i32
    %dma_wait3A_112 = tpu.memref_slice %arg13[%dma_wait3A_110, %dma_wait3A_111] : memref<128x32xf32, #tpu.memory_space<vmem>> -> memref<120x32xf32, #tpu.memory_space<vmem>>
    %dma_wait3A_113 = arith.constant 0 : i32
    %dma_wait3A_114 = tpu.memref_slice %arg8[%add3A_109, %dma_wait3A_113] : memref<10112x32xf32, #tpu.memory_space<vmem_shared>> -> memref<120x32xf32, #tpu.memory_space<vmem_shared>>
    %dma_wait3A_115 = arith.constant 0 : i32
    %dma_wait3A_116 = tpu.memref_slice %arg8[%add3A_109, %dma_wait3A_115] : memref<10112x32xf32, #tpu.memory_space<vmem_shared>> -> memref<120x32xf32, #tpu.memory_space<vmem_shared>>
    %dma_wait3A_117 = arith.constant 0 : i32
    %dma_wait3A_118 = arith.constant 0 : i32
    %dma_wait3A_119 = tpu.memref_slice %arg13[%dma_wait3A_117, %dma_wait3A_118] : memref<128x32xf32, #tpu.memory_space<vmem>> -> memref<120x32xf32, #tpu.memory_space<vmem>>
    tpu.wait_dma2 semaphore(%arg33 : memref<!tpu.dma_semaphore, #tpu.memory_space<semaphore_mem>>) src(%dma_wait3A_119 : memref<120x32xf32, #tpu.memory_space<vmem>>) dst(%dma_wait3A_116 : memref<120x32xf32, #tpu.memory_space<vmem_shared>>)
    %barrier3A = arith.constant 0 : index
    tpu.barrier barrier_id(%barrier3A)
    %dma_start3A_120 = arith.constant 0 : i32
    %dma_start3A_121 = arith.constant 0 : i32
    %dma_start3A_122 = tpu.memref_slice %arg9[%dma_start3A_120, %dma_start3A_121] : memref<80x128xi32, #tpu.memory_space<vmem>> -> memref<1x128xi32, #tpu.memory_space<vmem>>
    %dma_start3A_123 = tpu.memref_squeeze %dma_start3A_122 : memref<1x128xi32, #tpu.memory_space<vmem>> -> memref<128xi32, #tpu.memory_space<vmem>>
    %dma_start3A_124 = arith.constant 0 : i32
    %dma_start3A_125 = arith.constant 0 : i32
    %dma_start3A_126 = tpu.memref_slice %arg7[%dma_start3A_124, %dma_start3A_125] : memref<10112x32xf32, #tpu.memory_space<vmem_shared>> -> memref<10112x32xf32, #tpu.memory_space<vmem_shared>>
    tpu.enqueue_indirect_dma source(%dma_start3A_126 : memref<10112x32xf32, #tpu.memory_space<vmem_shared>>) target(%arg13 : memref<128x32xf32, #tpu.memory_space<vmem>>) offsets(%dma_start3A_123 : memref<128xi32, #tpu.memory_space<vmem>>) semaphore(%arg21 : memref<!tpu.dma_semaphore, #tpu.memory_space<semaphore_mem>>)
    %dma_start3A_127 = arith.constant 1 : i32
    %dma_start3A_128 = arith.constant 0 : i32
    %dma_start3A_129 = tpu.memref_slice %arg9[%dma_start3A_127, %dma_start3A_128] : memref<80x128xi32, #tpu.memory_space<vmem>> -> memref<1x128xi32, #tpu.memory_space<vmem>>
    %dma_start3A_130 = tpu.memref_squeeze %dma_start3A_129 : memref<1x128xi32, #tpu.memory_space<vmem>> -> memref<128xi32, #tpu.memory_space<vmem>>
    %dma_start3A_131 = arith.constant 0 : i32
    %dma_start3A_132 = arith.constant 0 : i32
    %dma_start3A_133 = tpu.memref_slice %arg7[%dma_start3A_131, %dma_start3A_132] : memref<10112x32xf32, #tpu.memory_space<vmem_shared>> -> memref<10112x32xf32, #tpu.memory_space<vmem_shared>>
    tpu.enqueue_indirect_dma source(%dma_start3A_133 : memref<10112x32xf32, #tpu.memory_space<vmem_shared>>) target(%arg14 : memref<128x32xf32, #tpu.memory_space<vmem>>) offsets(%dma_start3A_130 : memref<128xi32, #tpu.memory_space<vmem>>) semaphore(%arg22 : memref<!tpu.dma_semaphore, #tpu.memory_space<semaphore_mem>>)
    %dma_start3A_134 = arith.constant 2 : i32
    %dma_start3A_135 = arith.constant 0 : i32
    %dma_start3A_136 = tpu.memref_slice %arg9[%dma_start3A_134, %dma_start3A_135] : memref<80x128xi32, #tpu.memory_space<vmem>> -> memref<1x128xi32, #tpu.memory_space<vmem>>
    %dma_start3A_137 = tpu.memref_squeeze %dma_start3A_136 : memref<1x128xi32, #tpu.memory_space<vmem>> -> memref<128xi32, #tpu.memory_space<vmem>>
    %dma_start3A_138 = arith.constant 0 : i32
    %dma_start3A_139 = arith.constant 0 : i32
    %dma_start3A_140 = tpu.memref_slice %arg7[%dma_start3A_138, %dma_start3A_139] : memref<10112x32xf32, #tpu.memory_space<vmem_shared>> -> memref<10112x32xf32, #tpu.memory_space<vmem_shared>>
    tpu.enqueue_indirect_dma source(%dma_start3A_140 : memref<10112x32xf32, #tpu.memory_space<vmem_shared>>) target(%arg15 : memref<128x32xf32, #tpu.memory_space<vmem>>) offsets(%dma_start3A_137 : memref<128xi32, #tpu.memory_space<vmem>>) semaphore(%arg23 : memref<!tpu.dma_semaphore, #tpu.memory_space<semaphore_mem>>)
    %dma_start3A_141 = arith.constant 3 : i32
    %dma_start3A_142 = arith.constant 0 : i32
    %dma_start3A_143 = tpu.memref_slice %arg9[%dma_start3A_141, %dma_start3A_142] : memref<80x128xi32, #tpu.memory_space<vmem>> -> memref<1x128xi32, #tpu.memory_space<vmem>>
    %dma_start3A_144 = tpu.memref_squeeze %dma_start3A_143 : memref<1x128xi32, #tpu.memory_space<vmem>> -> memref<128xi32, #tpu.memory_space<vmem>>
    %dma_start3A_145 = arith.constant 0 : i32
    %dma_start3A_146 = arith.constant 0 : i32
    %dma_start3A_147 = tpu.memref_slice %arg7[%dma_start3A_145, %dma_start3A_146] : memref<10112x32xf32, #tpu.memory_space<vmem_shared>> -> memref<10112x32xf32, #tpu.memory_space<vmem_shared>>
    tpu.enqueue_indirect_dma source(%dma_start3A_147 : memref<10112x32xf32, #tpu.memory_space<vmem_shared>>) target(%arg16 : memref<128x32xf32, #tpu.memory_space<vmem>>) offsets(%dma_start3A_144 : memref<128xi32, #tpu.memory_space<vmem>>) semaphore(%arg24 : memref<!tpu.dma_semaphore, #tpu.memory_space<semaphore_mem>>)
    %scan3A_148 = arith.constant 0 : i32
    %scan3A_149 = arith.constant 0 : i32
    %scan3A_150 = arith.constant 10 : i32
    %scan3A_151 = arith.addi %scan3A_149, %scan3A_150 : i32
    %scan3A_152 = arith.constant 1 : i32
    scf.for %scan3A_211 = %scan3A_149 to %scan3A_151 step %scan3A_152  : i32 {
      %mul3A_212 = arith.constant 8 : i32
      %mul3A_213 = arith.muli %scan3A_211, %mul3A_212 : i32
      %add3A_214 = arith.constant 0 : i32
      %add3A_215 = arith.addi %mul3A_213, %add3A_214 : i32
      %dma_wait3A_216 = arith.constant 0 : i32
      %dma_wait3A_217 = tpu.memref_slice %arg9[%add3A_215, %dma_wait3A_216] : memref<80x128xi32, #tpu.memory_space<vmem>> -> memref<1x128xi32, #tpu.memory_space<vmem>>
      %dma_wait3A_218 = tpu.memref_squeeze %dma_wait3A_217 : memref<1x128xi32, #tpu.memory_space<vmem>> -> memref<128xi32, #tpu.memory_space<vmem>>
      %dma_wait3A_219 = arith.constant 0 : i32
      %dma_wait3A_220 = arith.constant 0 : i32
      %dma_wait3A_221 = tpu.memref_slice %arg7[%dma_wait3A_219, %dma_wait3A_220] : memref<10112x32xf32, #tpu.memory_space<vmem_shared>> -> memref<10112x32xf32, #tpu.memory_space<vmem_shared>>
      tpu.wait_indirect_dma semaphore(%arg21 : memref<!tpu.dma_semaphore, #tpu.memory_space<semaphore_mem>>) src(%dma_wait3A_221 : memref<10112x32xf32, #tpu.memory_space<vmem_shared>>) dst(%arg13 : memref<128x32xf32, #tpu.memory_space<vmem>>)
      %dma_start3A_222 = arith.constant 0 : i32
      %dma_start3A_223 = tpu.memref_slice %arg10[%add3A_215, %dma_start3A_222] : memref<80x128xi32, #tpu.memory_space<vmem>> -> memref<1x128xi32, #tpu.memory_space<vmem>>
      %dma_start3A_224 = tpu.memref_squeeze %dma_start3A_223 : memref<1x128xi32, #tpu.memory_space<vmem>> -> memref<128xi32, #tpu.memory_space<vmem>>
      %dma_start3A_225 = arith.constant 0 : i32
      %dma_start3A_226 = arith.constant 0 : i32
      %dma_start3A_227 = tpu.memref_slice %arg8[%dma_start3A_225, %dma_start3A_226] : memref<10112x32xf32, #tpu.memory_space<vmem_shared>> -> memref<10112x32xf32, #tpu.memory_space<vmem_shared>>
      tpu.enqueue_indirect_dma source(%arg13 : memref<128x32xf32, #tpu.memory_space<vmem>>) target(%dma_start3A_227 : memref<10112x32xf32, #tpu.memory_space<vmem_shared>>) offsets(%dma_start3A_224 : memref<128xi32, #tpu.memory_space<vmem>>) semaphore(%arg29 : memref<!tpu.dma_semaphore, #tpu.memory_space<semaphore_mem>>) {add = true}
      %gt3A = arith.constant 0 : i32
      %gt3A_228 = arith.cmpi sgt, %scan3A_211, %gt3A : i32
      %convert_element_type3A = arith.extui %gt3A_228 : i1 to i32
      %cond3A = arith.constant 0 : i32
      %cond3A_229 = arith.cmpi ne, %convert_element_type3A, %cond3A : i32
      scf.if %cond3A_229 {
        %dma_wait3A_408 = arith.constant 0 : i32
        %dma_wait3A_409 = tpu.memref_slice %arg10[%add3A_215, %dma_wait3A_408] : memref<80x128xi32, #tpu.memory_space<vmem>> -> memref<1x128xi32, #tpu.memory_space<vmem>>
        %dma_wait3A_410 = tpu.memref_squeeze %dma_wait3A_409 : memref<1x128xi32, #tpu.memory_space<vmem>> -> memref<128xi32, #tpu.memory_space<vmem>>
        %dma_wait3A_411 = arith.constant 0 : i32
        %dma_wait3A_412 = arith.constant 0 : i32
        %dma_wait3A_413 = tpu.memref_slice %arg8[%dma_wait3A_411, %dma_wait3A_412] : memref<10112x32xf32, #tpu.memory_space<vmem_shared>> -> memref<10112x32xf32, #tpu.memory_space<vmem_shared>>
        tpu.wait_indirect_dma semaphore(%arg33 : memref<!tpu.dma_semaphore, #tpu.memory_space<semaphore_mem>>) src(%arg17 : memref<128x32xf32, #tpu.memory_space<vmem>>) dst(%dma_wait3A_413 : memref<10112x32xf32, #tpu.memory_space<vmem_shared>>)
      } else {
      }
      %add3A_230 = arith.constant 4 : i32
      %add3A_231 = arith.addi %add3A_215, %add3A_230 : i32
      %dma_start3A_232 = arith.constant 0 : i32
      %dma_start3A_233 = tpu.memref_slice %arg9[%add3A_231, %dma_start3A_232] : memref<80x128xi32, #tpu.memory_space<vmem>> -> memref<1x128xi32, #tpu.memory_space<vmem>>
      %dma_start3A_234 = tpu.memref_squeeze %dma_start3A_233 : memref<1x128xi32, #tpu.memory_space<vmem>> -> memref<128xi32, #tpu.memory_space<vmem>>
      %dma_start3A_235 = arith.constant 0 : i32
      %dma_start3A_236 = arith.constant 0 : i32
      %dma_start3A_237 = tpu.memref_slice %arg7[%dma_start3A_235, %dma_start3A_236] : memref<10112x32xf32, #tpu.memory_space<vmem_shared>> -> memref<10112x32xf32, #tpu.memory_space<vmem_shared>>
      tpu.enqueue_indirect_dma source(%dma_start3A_237 : memref<10112x32xf32, #tpu.memory_space<vmem_shared>>) target(%arg17 : memref<128x32xf32, #tpu.memory_space<vmem>>) offsets(%dma_start3A_234 : memref<128xi32, #tpu.memory_space<vmem>>) semaphore(%arg25 : memref<!tpu.dma_semaphore, #tpu.memory_space<semaphore_mem>>)
      %mul3A_238 = arith.constant 8 : i32
      %mul3A_239 = arith.muli %scan3A_211, %mul3A_238 : i32
      %add3A_240 = arith.constant 1 : i32
      %add3A_241 = arith.addi %mul3A_239, %add3A_240 : i32
      %dma_wait3A_242 = arith.constant 0 : i32
      %dma_wait3A_243 = tpu.memref_slice %arg9[%add3A_241, %dma_wait3A_242] : memref<80x128xi32, #tpu.memory_space<vmem>> -> memref<1x128xi32, #tpu.memory_space<vmem>>
      %dma_wait3A_244 = tpu.memref_squeeze %dma_wait3A_243 : memref<1x128xi32, #tpu.memory_space<vmem>> -> memref<128xi32, #tpu.memory_space<vmem>>
      %dma_wait3A_245 = arith.constant 0 : i32
      %dma_wait3A_246 = arith.constant 0 : i32
      %dma_wait3A_247 = tpu.memref_slice %arg7[%dma_wait3A_245, %dma_wait3A_246] : memref<10112x32xf32, #tpu.memory_space<vmem_shared>> -> memref<10112x32xf32, #tpu.memory_space<vmem_shared>>
      tpu.wait_indirect_dma semaphore(%arg22 : memref<!tpu.dma_semaphore, #tpu.memory_space<semaphore_mem>>) src(%dma_wait3A_247 : memref<10112x32xf32, #tpu.memory_space<vmem_shared>>) dst(%arg14 : memref<128x32xf32, #tpu.memory_space<vmem>>)
      %dma_start3A_248 = arith.constant 0 : i32
      %dma_start3A_249 = tpu.memref_slice %arg10[%add3A_241, %dma_start3A_248] : memref<80x128xi32, #tpu.memory_space<vmem>> -> memref<1x128xi32, #tpu.memory_space<vmem>>
      %dma_start3A_250 = tpu.memref_squeeze %dma_start3A_249 : memref<1x128xi32, #tpu.memory_space<vmem>> -> memref<128xi32, #tpu.memory_space<vmem>>
      %dma_start3A_251 = arith.constant 0 : i32
      %dma_start3A_252 = arith.constant 0 : i32
      %dma_start3A_253 = tpu.memref_slice %arg8[%dma_start3A_251, %dma_start3A_252] : memref<10112x32xf32, #tpu.memory_space<vmem_shared>> -> memref<10112x32xf32, #tpu.memory_space<vmem_shared>>
      tpu.enqueue_indirect_dma source(%arg14 : memref<128x32xf32, #tpu.memory_space<vmem>>) target(%dma_start3A_253 : memref<10112x32xf32, #tpu.memory_space<vmem_shared>>) offsets(%dma_start3A_250 : memref<128xi32, #tpu.memory_space<vmem>>) semaphore(%arg30 : memref<!tpu.dma_semaphore, #tpu.memory_space<semaphore_mem>>) {add = true}
      %gt3A_254 = arith.constant 0 : i32
      %gt3A_255 = arith.cmpi sgt, %scan3A_211, %gt3A_254 : i32
      %convert_element_type3A_256 = arith.extui %gt3A_255 : i1 to i32
      %cond3A_257 = arith.constant 0 : i32
      %cond3A_258 = arith.cmpi ne, %convert_element_type3A_256, %cond3A_257 : i32
      scf.if %cond3A_258 {
        %dma_wait3A_408 = arith.constant 0 : i32
        %dma_wait3A_409 = tpu.memref_slice %arg10[%add3A_241, %dma_wait3A_408] : memref<80x128xi32, #tpu.memory_space<vmem>> -> memref<1x128xi32, #tpu.memory_space<vmem>>
        %dma_wait3A_410 = tpu.memref_squeeze %dma_wait3A_409 : memref<1x128xi32, #tpu.memory_space<vmem>> -> memref<128xi32, #tpu.memory_space<vmem>>
        %dma_wait3A_411 = arith.constant 0 : i32
        %dma_wait3A_412 = arith.constant 0 : i32
        %dma_wait3A_413 = tpu.memref_slice %arg8[%dma_wait3A_411, %dma_wait3A_412] : memref<10112x32xf32, #tpu.memory_space<vmem_shared>> -> memref<10112x32xf32, #tpu.memory_space<vmem_shared>>
        tpu.wait_indirect_dma semaphore(%arg34 : memref<!tpu.dma_semaphore, #tpu.memory_space<semaphore_mem>>) src(%arg18 : memref<128x32xf32, #tpu.memory_space<vmem>>) dst(%dma_wait3A_413 : memref<10112x32xf32, #tpu.memory_space<vmem_shared>>)
      } else {
      }
      %add3A_259 = arith.constant 4 : i32
      %add3A_260 = arith.addi %add3A_241, %add3A_259 : i32
      %dma_start3A_261 = arith.constant 0 : i32
      %dma_start3A_262 = tpu.memref_slice %arg9[%add3A_260, %dma_start3A_261] : memref<80x128xi32, #tpu.memory_space<vmem>> -> memref<1x128xi32, #tpu.memory_space<vmem>>
      %dma_start3A_263 = tpu.memref_squeeze %dma_start3A_262 : memref<1x128xi32, #tpu.memory_space<vmem>> -> memref<128xi32, #tpu.memory_space<vmem>>
      %dma_start3A_264 = arith.constant 0 : i32
      %dma_start3A_265 = arith.constant 0 : i32
      %dma_start3A_266 = tpu.memref_slice %arg7[%dma_start3A_264, %dma_start3A_265] : memref<10112x32xf32, #tpu.memory_space<vmem_shared>> -> memref<10112x32xf32, #tpu.memory_space<vmem_shared>>
      tpu.enqueue_indirect_dma source(%dma_start3A_266 : memref<10112x32xf32, #tpu.memory_space<vmem_shared>>) target(%arg18 : memref<128x32xf32, #tpu.memory_space<vmem>>) offsets(%dma_start3A_263 : memref<128xi32, #tpu.memory_space<vmem>>) semaphore(%arg26 : memref<!tpu.dma_semaphore, #tpu.memory_space<semaphore_mem>>)
      %mul3A_267 = arith.constant 8 : i32
      %mul3A_268 = arith.muli %scan3A_211, %mul3A_267 : i32
      %add3A_269 = arith.constant 2 : i32
      %add3A_270 = arith.addi %mul3A_268, %add3A_269 : i32
      %dma_wait3A_271 = arith.constant 0 : i32
      %dma_wait3A_272 = tpu.memref_slice %arg9[%add3A_270, %dma_wait3A_271] : memref<80x128xi32, #tpu.memory_space<vmem>> -> memref<1x128xi32, #tpu.memory_space<vmem>>
      %dma_wait3A_273 = tpu.memref_squeeze %dma_wait3A_272 : memref<1x128xi32, #tpu.memory_space<vmem>> -> memref<128xi32, #tpu.memory_space<vmem>>
      %dma_wait3A_274 = arith.constant 0 : i32
      %dma_wait3A_275 = arith.constant 0 : i32
      %dma_wait3A_276 = tpu.memref_slice %arg7[%dma_wait3A_274, %dma_wait3A_275] : memref<10112x32xf32, #tpu.memory_space<vmem_shared>> -> memref<10112x32xf32, #tpu.memory_space<vmem_shared>>
      tpu.wait_indirect_dma semaphore(%arg23 : memref<!tpu.dma_semaphore, #tpu.memory_space<semaphore_mem>>) src(%dma_wait3A_276 : memref<10112x32xf32, #tpu.memory_space<vmem_shared>>) dst(%arg15 : memref<128x32xf32, #tpu.memory_space<vmem>>)
      %dma_start3A_277 = arith.constant 0 : i32
      %dma_start3A_278 = tpu.memref_slice %arg10[%add3A_270, %dma_start3A_277] : memref<80x128xi32, #tpu.memory_space<vmem>> -> memref<1x128xi32, #tpu.memory_space<vmem>>
      %dma_start3A_279 = tpu.memref_squeeze %dma_start3A_278 : memref<1x128xi32, #tpu.memory_space<vmem>> -> memref<128xi32, #tpu.memory_space<vmem>>
      %dma_start3A_280 = arith.constant 0 : i32
      %dma_start3A_281 = arith.constant 0 : i32
      %dma_start3A_282 = tpu.memref_slice %arg8[%dma_start3A_280, %dma_start3A_281] : memref<10112x32xf32, #tpu.memory_space<vmem_shared>> -> memref<10112x32xf32, #tpu.memory_space<vmem_shared>>
      tpu.enqueue_indirect_dma source(%arg15 : memref<128x32xf32, #tpu.memory_space<vmem>>) target(%dma_start3A_282 : memref<10112x32xf32, #tpu.memory_space<vmem_shared>>) offsets(%dma_start3A_279 : memref<128xi32, #tpu.memory_space<vmem>>) semaphore(%arg31 : memref<!tpu.dma_semaphore, #tpu.memory_space<semaphore_mem>>) {add = true}
      %gt3A_283 = arith.constant 0 : i32
      %gt3A_284 = arith.cmpi sgt, %scan3A_211, %gt3A_283 : i32
      %convert_element_type3A_285 = arith.extui %gt3A_284 : i1 to i32
      %cond3A_286 = arith.constant 0 : i32
      %cond3A_287 = arith.cmpi ne, %convert_element_type3A_285, %cond3A_286 : i32
      scf.if %cond3A_287 {
        %dma_wait3A_408 = arith.constant 0 : i32
        %dma_wait3A_409 = tpu.memref_slice %arg10[%add3A_270, %dma_wait3A_408] : memref<80x128xi32, #tpu.memory_space<vmem>> -> memref<1x128xi32, #tpu.memory_space<vmem>>
        %dma_wait3A_410 = tpu.memref_squeeze %dma_wait3A_409 : memref<1x128xi32, #tpu.memory_space<vmem>> -> memref<128xi32, #tpu.memory_space<vmem>>
        %dma_wait3A_411 = arith.constant 0 : i32
        %dma_wait3A_412 = arith.constant 0 : i32
        %dma_wait3A_413 = tpu.memref_slice %arg8[%dma_wait3A_411, %dma_wait3A_412] : memref<10112x32xf32, #tpu.memory_space<vmem_shared>> -> memref<10112x32xf32, #tpu.memory_space<vmem_shared>>
        tpu.wait_indirect_dma semaphore(%arg35 : memref<!tpu.dma_semaphore, #tpu.memory_space<semaphore_mem>>) src(%arg19 : memref<128x32xf32, #tpu.memory_space<vmem>>) dst(%dma_wait3A_413 : memref<10112x32xf32, #tpu.memory_space<vmem_shared>>)
      } else {
      }
      %add3A_288 = arith.constant 4 : i32
      %add3A_289 = arith.addi %add3A_270, %add3A_288 : i32
      %dma_start3A_290 = arith.constant 0 : i32
      %dma_start3A_291 = tpu.memref_slice %arg9[%add3A_289, %dma_start3A_290] : memref<80x128xi32, #tpu.memory_space<vmem>> -> memref<1x128xi32, #tpu.memory_space<vmem>>
      %dma_start3A_292 = tpu.memref_squeeze %dma_start3A_291 : memref<1x128xi32, #tpu.memory_space<vmem>> -> memref<128xi32, #tpu.memory_space<vmem>>
      %dma_start3A_293 = arith.constant 0 : i32
      %dma_start3A_294 = arith.constant 0 : i32
      %dma_start3A_295 = tpu.memref_slice %arg7[%dma_start3A_293, %dma_start3A_294] : memref<10112x32xf32, #tpu.memory_space<vmem_shared>> -> memref<10112x32xf32, #tpu.memory_space<vmem_shared>>
      tpu.enqueue_indirect_dma source(%dma_start3A_295 : memref<10112x32xf32, #tpu.memory_space<vmem_shared>>) target(%arg19 : memref<128x32xf32, #tpu.memory_space<vmem>>) offsets(%dma_start3A_292 : memref<128xi32, #tpu.memory_space<vmem>>) semaphore(%arg27 : memref<!tpu.dma_semaphore, #tpu.memory_space<semaphore_mem>>)
      %mul3A_296 = arith.constant 8 : i32
      %mul3A_297 = arith.muli %scan3A_211, %mul3A_296 : i32
      %add3A_298 = arith.constant 3 : i32
      %add3A_299 = arith.addi %mul3A_297, %add3A_298 : i32
      %dma_wait3A_300 = arith.constant 0 : i32
      %dma_wait3A_301 = tpu.memref_slice %arg9[%add3A_299, %dma_wait3A_300] : memref<80x128xi32, #tpu.memory_space<vmem>> -> memref<1x128xi32, #tpu.memory_space<vmem>>
      %dma_wait3A_302 = tpu.memref_squeeze %dma_wait3A_301 : memref<1x128xi32, #tpu.memory_space<vmem>> -> memref<128xi32, #tpu.memory_space<vmem>>
      %dma_wait3A_303 = arith.constant 0 : i32
      %dma_wait3A_304 = arith.constant 0 : i32
      %dma_wait3A_305 = tpu.memref_slice %arg7[%dma_wait3A_303, %dma_wait3A_304] : memref<10112x32xf32, #tpu.memory_space<vmem_shared>> -> memref<10112x32xf32, #tpu.memory_space<vmem_shared>>
      tpu.wait_indirect_dma semaphore(%arg24 : memref<!tpu.dma_semaphore, #tpu.memory_space<semaphore_mem>>) src(%dma_wait3A_305 : memref<10112x32xf32, #tpu.memory_space<vmem_shared>>) dst(%arg16 : memref<128x32xf32, #tpu.memory_space<vmem>>)
      %dma_start3A_306 = arith.constant 0 : i32
      %dma_start3A_307 = tpu.memref_slice %arg10[%add3A_299, %dma_start3A_306] : memref<80x128xi32, #tpu.memory_space<vmem>> -> memref<1x128xi32, #tpu.memory_space<vmem>>
      %dma_start3A_308 = tpu.memref_squeeze %dma_start3A_307 : memref<1x128xi32, #tpu.memory_space<vmem>> -> memref<128xi32, #tpu.memory_space<vmem>>
      %dma_start3A_309 = arith.constant 0 : i32
      %dma_start3A_310 = arith.constant 0 : i32
      %dma_start3A_311 = tpu.memref_slice %arg8[%dma_start3A_309, %dma_start3A_310] : memref<10112x32xf32, #tpu.memory_space<vmem_shared>> -> memref<10112x32xf32, #tpu.memory_space<vmem_shared>>
      tpu.enqueue_indirect_dma source(%arg16 : memref<128x32xf32, #tpu.memory_space<vmem>>) target(%dma_start3A_311 : memref<10112x32xf32, #tpu.memory_space<vmem_shared>>) offsets(%dma_start3A_308 : memref<128xi32, #tpu.memory_space<vmem>>) semaphore(%arg32 : memref<!tpu.dma_semaphore, #tpu.memory_space<semaphore_mem>>) {add = true}
      %gt3A_312 = arith.constant 0 : i32
      %gt3A_313 = arith.cmpi sgt, %scan3A_211, %gt3A_312 : i32
      %convert_element_type3A_314 = arith.extui %gt3A_313 : i1 to i32
      %cond3A_315 = arith.constant 0 : i32
      %cond3A_316 = arith.cmpi ne, %convert_element_type3A_314, %cond3A_315 : i32
      scf.if %cond3A_316 {
        %dma_wait3A_408 = arith.constant 0 : i32
        %dma_wait3A_409 = tpu.memref_slice %arg10[%add3A_299, %dma_wait3A_408] : memref<80x128xi32, #tpu.memory_space<vmem>> -> memref<1x128xi32, #tpu.memory_space<vmem>>
        %dma_wait3A_410 = tpu.memref_squeeze %dma_wait3A_409 : memref<1x128xi32, #tpu.memory_space<vmem>> -> memref<128xi32, #tpu.memory_space<vmem>>
        %dma_wait3A_411 = arith.constant 0 : i32
        %dma_wait3A_412 = arith.constant 0 : i32
        %dma_wait3A_413 = tpu.memref_slice %arg8[%dma_wait3A_411, %dma_wait3A_412] : memref<10112x32xf32, #tpu.memory_space<vmem_shared>> -> memref<10112x32xf32, #tpu.memory_space<vmem_shared>>
        tpu.wait_indirect_dma semaphore(%arg36 : memref<!tpu.dma_semaphore, #tpu.memory_space<semaphore_mem>>) src(%arg20 : memref<128x32xf32, #tpu.memory_space<vmem>>) dst(%dma_wait3A_413 : memref<10112x32xf32, #tpu.memory_space<vmem_shared>>)
      } else {
      }
      %add3A_317 = arith.constant 4 : i32
      %add3A_318 = arith.addi %add3A_299, %add3A_317 : i32
      %dma_start3A_319 = arith.constant 0 : i32
      %dma_start3A_320 = tpu.memref_slice %arg9[%add3A_318, %dma_start3A_319] : memref<80x128xi32, #tpu.memory_space<vmem>> -> memref<1x128xi32, #tpu.memory_space<vmem>>
      %dma_start3A_321 = tpu.memref_squeeze %dma_start3A_320 : memref<1x128xi32, #tpu.memory_space<vmem>> -> memref<128xi32, #tpu.memory_space<vmem>>
      %dma_start3A_322 = arith.constant 0 : i32
      %dma_start3A_323 = arith.constant 0 : i32
      %dma_start3A_324 = tpu.memref_slice %arg7[%dma_start3A_322, %dma_start3A_323] : memref<10112x32xf32, #tpu.memory_space<vmem_shared>> -> memref<10112x32xf32, #tpu.memory_space<vmem_shared>>
      tpu.enqueue_indirect_dma source(%dma_start3A_324 : memref<10112x32xf32, #tpu.memory_space<vmem_shared>>) target(%arg20 : memref<128x32xf32, #tpu.memory_space<vmem>>) offsets(%dma_start3A_321 : memref<128xi32, #tpu.memory_space<vmem>>) semaphore(%arg28 : memref<!tpu.dma_semaphore, #tpu.memory_space<semaphore_mem>>)
      %mul3A_325 = arith.constant 8 : i32
      %mul3A_326 = arith.muli %scan3A_211, %mul3A_325 : i32
      %add3A_327 = arith.constant 4 : i32
      %add3A_328 = arith.addi %mul3A_326, %add3A_327 : i32
      %dma_wait3A_329 = arith.constant 0 : i32
      %dma_wait3A_330 = tpu.memref_slice %arg9[%add3A_328, %dma_wait3A_329] : memref<80x128xi32, #tpu.memory_space<vmem>> -> memref<1x128xi32, #tpu.memory_space<vmem>>
      %dma_wait3A_331 = tpu.memref_squeeze %dma_wait3A_330 : memref<1x128xi32, #tpu.memory_space<vmem>> -> memref<128xi32, #tpu.memory_space<vmem>>
      %dma_wait3A_332 = arith.constant 0 : i32
      %dma_wait3A_333 = arith.constant 0 : i32
      %dma_wait3A_334 = tpu.memref_slice %arg7[%dma_wait3A_332, %dma_wait3A_333] : memref<10112x32xf32, #tpu.memory_space<vmem_shared>> -> memref<10112x32xf32, #tpu.memory_space<vmem_shared>>
      tpu.wait_indirect_dma semaphore(%arg25 : memref<!tpu.dma_semaphore, #tpu.memory_space<semaphore_mem>>) src(%dma_wait3A_334 : memref<10112x32xf32, #tpu.memory_space<vmem_shared>>) dst(%arg17 : memref<128x32xf32, #tpu.memory_space<vmem>>)
      %dma_start3A_335 = arith.constant 0 : i32
      %dma_start3A_336 = tpu.memref_slice %arg10[%add3A_328, %dma_start3A_335] : memref<80x128xi32, #tpu.memory_space<vmem>> -> memref<1x128xi32, #tpu.memory_space<vmem>>
      %dma_start3A_337 = tpu.memref_squeeze %dma_start3A_336 : memref<1x128xi32, #tpu.memory_space<vmem>> -> memref<128xi32, #tpu.memory_space<vmem>>
      %dma_start3A_338 = arith.constant 0 : i32
      %dma_start3A_339 = arith.constant 0 : i32
      %dma_start3A_340 = tpu.memref_slice %arg8[%dma_start3A_338, %dma_start3A_339] : memref<10112x32xf32, #tpu.memory_space<vmem_shared>> -> memref<10112x32xf32, #tpu.memory_space<vmem_shared>>
      tpu.enqueue_indirect_dma source(%arg17 : memref<128x32xf32, #tpu.memory_space<vmem>>) target(%dma_start3A_340 : memref<10112x32xf32, #tpu.memory_space<vmem_shared>>) offsets(%dma_start3A_337 : memref<128xi32, #tpu.memory_space<vmem>>) semaphore(%arg33 : memref<!tpu.dma_semaphore, #tpu.memory_space<semaphore_mem>>) {add = true}
      %lt3A = arith.constant 9 : i32
      %lt3A_341 = arith.cmpi slt, %scan3A_211, %lt3A : i32
      %convert_element_type3A_342 = arith.extui %lt3A_341 : i1 to i32
      %cond3A_343 = arith.constant 0 : i32
      %cond3A_344 = arith.cmpi ne, %convert_element_type3A_342, %cond3A_343 : i32
      scf.if %cond3A_344 {
        %dma_wait3A_408 = arith.constant 0 : i32
        %dma_wait3A_409 = tpu.memref_slice %arg10[%add3A_328, %dma_wait3A_408] : memref<80x128xi32, #tpu.memory_space<vmem>> -> memref<1x128xi32, #tpu.memory_space<vmem>>
        %dma_wait3A_410 = tpu.memref_squeeze %dma_wait3A_409 : memref<1x128xi32, #tpu.memory_space<vmem>> -> memref<128xi32, #tpu.memory_space<vmem>>
        %dma_wait3A_411 = arith.constant 0 : i32
        %dma_wait3A_412 = arith.constant 0 : i32
        %dma_wait3A_413 = tpu.memref_slice %arg8[%dma_wait3A_411, %dma_wait3A_412] : memref<10112x32xf32, #tpu.memory_space<vmem_shared>> -> memref<10112x32xf32, #tpu.memory_space<vmem_shared>>
        tpu.wait_indirect_dma semaphore(%arg29 : memref<!tpu.dma_semaphore, #tpu.memory_space<semaphore_mem>>) src(%arg13 : memref<128x32xf32, #tpu.memory_space<vmem>>) dst(%dma_wait3A_413 : memref<10112x32xf32, #tpu.memory_space<vmem_shared>>)
        %add3A_414 = arith.constant 4 : i32
        %add3A_415 = arith.addi %add3A_328, %add3A_414 : i32
        %dma_start3A_416 = arith.constant 0 : i32
        %dma_start3A_417 = tpu.memref_slice %arg9[%add3A_415, %dma_start3A_416] : memref<80x128xi32, #tpu.memory_space<vmem>> -> memref<1x128xi32, #tpu.memory_space<vmem>>
        %dma_start3A_418 = tpu.memref_squeeze %dma_start3A_417 : memref<1x128xi32, #tpu.memory_space<vmem>> -> memref<128xi32, #tpu.memory_space<vmem>>
        %dma_start3A_419 = arith.constant 0 : i32
        %dma_start3A_420 = arith.constant 0 : i32
        %dma_start3A_421 = tpu.memref_slice %arg7[%dma_start3A_419, %dma_start3A_420] : memref<10112x32xf32, #tpu.memory_space<vmem_shared>> -> memref<10112x32xf32, #tpu.memory_space<vmem_shared>>
        tpu.enqueue_indirect_dma source(%dma_start3A_421 : memref<10112x32xf32, #tpu.memory_space<vmem_shared>>) target(%arg13 : memref<128x32xf32, #tpu.memory_space<vmem>>) offsets(%dma_start3A_418 : memref<128xi32, #tpu.memory_space<vmem>>) semaphore(%arg21 : memref<!tpu.dma_semaphore, #tpu.memory_space<semaphore_mem>>)
      } else {
      }
      %mul3A_345 = arith.constant 8 : i32
      %mul3A_346 = arith.muli %scan3A_211, %mul3A_345 : i32
      %add3A_347 = arith.constant 5 : i32
      %add3A_348 = arith.addi %mul3A_346, %add3A_347 : i32
      %dma_wait3A_349 = arith.constant 0 : i32
      %dma_wait3A_350 = tpu.memref_slice %arg9[%add3A_348, %dma_wait3A_349] : memref<80x128xi32, #tpu.memory_space<vmem>> -> memref<1x128xi32, #tpu.memory_space<vmem>>
      %dma_wait3A_351 = tpu.memref_squeeze %dma_wait3A_350 : memref<1x128xi32, #tpu.memory_space<vmem>> -> memref<128xi32, #tpu.memory_space<vmem>>
      %dma_wait3A_352 = arith.constant 0 : i32
      %dma_wait3A_353 = arith.constant 0 : i32
      %dma_wait3A_354 = tpu.memref_slice %arg7[%dma_wait3A_352, %dma_wait3A_353] : memref<10112x32xf32, #tpu.memory_space<vmem_shared>> -> memref<10112x32xf32, #tpu.memory_space<vmem_shared>>
      tpu.wait_indirect_dma semaphore(%arg26 : memref<!tpu.dma_semaphore, #tpu.memory_space<semaphore_mem>>) src(%dma_wait3A_354 : memref<10112x32xf32, #tpu.memory_space<vmem_shared>>) dst(%arg18 : memref<128x32xf32, #tpu.memory_space<vmem>>)
      %dma_start3A_355 = arith.constant 0 : i32
      %dma_start3A_356 = tpu.memref_slice %arg10[%add3A_348, %dma_start3A_355] : memref<80x128xi32, #tpu.memory_space<vmem>> -> memref<1x128xi32, #tpu.memory_space<vmem>>
      %dma_start3A_357 = tpu.memref_squeeze %dma_start3A_356 : memref<1x128xi32, #tpu.memory_space<vmem>> -> memref<128xi32, #tpu.memory_space<vmem>>
      %dma_start3A_358 = arith.constant 0 : i32
      %dma_start3A_359 = arith.constant 0 : i32
      %dma_start3A_360 = tpu.memref_slice %arg8[%dma_start3A_358, %dma_start3A_359] : memref<10112x32xf32, #tpu.memory_space<vmem_shared>> -> memref<10112x32xf32, #tpu.memory_space<vmem_shared>>
      tpu.enqueue_indirect_dma source(%arg18 : memref<128x32xf32, #tpu.memory_space<vmem>>) target(%dma_start3A_360 : memref<10112x32xf32, #tpu.memory_space<vmem_shared>>) offsets(%dma_start3A_357 : memref<128xi32, #tpu.memory_space<vmem>>) semaphore(%arg34 : memref<!tpu.dma_semaphore, #tpu.memory_space<semaphore_mem>>) {add = true}
      %lt3A_361 = arith.constant 9 : i32
      %lt3A_362 = arith.cmpi slt, %scan3A_211, %lt3A_361 : i32
      %convert_element_type3A_363 = arith.extui %lt3A_362 : i1 to i32
      %cond3A_364 = arith.constant 0 : i32
      %cond3A_365 = arith.cmpi ne, %convert_element_type3A_363, %cond3A_364 : i32
      scf.if %cond3A_365 {
        %dma_wait3A_408 = arith.constant 0 : i32
        %dma_wait3A_409 = tpu.memref_slice %arg10[%add3A_348, %dma_wait3A_408] : memref<80x128xi32, #tpu.memory_space<vmem>> -> memref<1x128xi32, #tpu.memory_space<vmem>>
        %dma_wait3A_410 = tpu.memref_squeeze %dma_wait3A_409 : memref<1x128xi32, #tpu.memory_space<vmem>> -> memref<128xi32, #tpu.memory_space<vmem>>
        %dma_wait3A_411 = arith.constant 0 : i32
        %dma_wait3A_412 = arith.constant 0 : i32
        %dma_wait3A_413 = tpu.memref_slice %arg8[%dma_wait3A_411, %dma_wait3A_412] : memref<10112x32xf32, #tpu.memory_space<vmem_shared>> -> memref<10112x32xf32, #tpu.memory_space<vmem_shared>>
        tpu.wait_indirect_dma semaphore(%arg30 : memref<!tpu.dma_semaphore, #tpu.memory_space<semaphore_mem>>) src(%arg14 : memref<128x32xf32, #tpu.memory_space<vmem>>) dst(%dma_wait3A_413 : memref<10112x32xf32, #tpu.memory_space<vmem_shared>>)
        %add3A_414 = arith.constant 4 : i32
        %add3A_415 = arith.addi %add3A_348, %add3A_414 : i32
        %dma_start3A_416 = arith.constant 0 : i32
        %dma_start3A_417 = tpu.memref_slice %arg9[%add3A_415, %dma_start3A_416] : memref<80x128xi32, #tpu.memory_space<vmem>> -> memref<1x128xi32, #tpu.memory_space<vmem>>
        %dma_start3A_418 = tpu.memref_squeeze %dma_start3A_417 : memref<1x128xi32, #tpu.memory_space<vmem>> -> memref<128xi32, #tpu.memory_space<vmem>>
        %dma_start3A_419 = arith.constant 0 : i32
        %dma_start3A_420 = arith.constant 0 : i32
        %dma_start3A_421 = tpu.memref_slice %arg7[%dma_start3A_419, %dma_start3A_420] : memref<10112x32xf32, #tpu.memory_space<vmem_shared>> -> memref<10112x32xf32, #tpu.memory_space<vmem_shared>>
        tpu.enqueue_indirect_dma source(%dma_start3A_421 : memref<10112x32xf32, #tpu.memory_space<vmem_shared>>) target(%arg14 : memref<128x32xf32, #tpu.memory_space<vmem>>) offsets(%dma_start3A_418 : memref<128xi32, #tpu.memory_space<vmem>>) semaphore(%arg22 : memref<!tpu.dma_semaphore, #tpu.memory_space<semaphore_mem>>)
      } else {
      }
      %mul3A_366 = arith.constant 8 : i32
      %mul3A_367 = arith.muli %scan3A_211, %mul3A_366 : i32
      %add3A_368 = arith.constant 6 : i32
      %add3A_369 = arith.addi %mul3A_367, %add3A_368 : i32
      %dma_wait3A_370 = arith.constant 0 : i32
      %dma_wait3A_371 = tpu.memref_slice %arg9[%add3A_369, %dma_wait3A_370] : memref<80x128xi32, #tpu.memory_space<vmem>> -> memref<1x128xi32, #tpu.memory_space<vmem>>
      %dma_wait3A_372 = tpu.memref_squeeze %dma_wait3A_371 : memref<1x128xi32, #tpu.memory_space<vmem>> -> memref<128xi32, #tpu.memory_space<vmem>>
      %dma_wait3A_373 = arith.constant 0 : i32
      %dma_wait3A_374 = arith.constant 0 : i32
      %dma_wait3A_375 = tpu.memref_slice %arg7[%dma_wait3A_373, %dma_wait3A_374] : memref<10112x32xf32, #tpu.memory_space<vmem_shared>> -> memref<10112x32xf32, #tpu.memory_space<vmem_shared>>
      tpu.wait_indirect_dma semaphore(%arg27 : memref<!tpu.dma_semaphore, #tpu.memory_space<semaphore_mem>>) src(%dma_wait3A_375 : memref<10112x32xf32, #tpu.memory_space<vmem_shared>>) dst(%arg19 : memref<128x32xf32, #tpu.memory_space<vmem>>)
      %dma_start3A_376 = arith.constant 0 : i32
      %dma_start3A_377 = tpu.memref_slice %arg10[%add3A_369, %dma_start3A_376] : memref<80x128xi32, #tpu.memory_space<vmem>> -> memref<1x128xi32, #tpu.memory_space<vmem>>
      %dma_start3A_378 = tpu.memref_squeeze %dma_start3A_377 : memref<1x128xi32, #tpu.memory_space<vmem>> -> memref<128xi32, #tpu.memory_space<vmem>>
      %dma_start3A_379 = arith.constant 0 : i32
      %dma_start3A_380 = arith.constant 0 : i32
      %dma_start3A_381 = tpu.memref_slice %arg8[%dma_start3A_379, %dma_start3A_380] : memref<10112x32xf32, #tpu.memory_space<vmem_shared>> -> memref<10112x32xf32, #tpu.memory_space<vmem_shared>>
      tpu.enqueue_indirect_dma source(%arg19 : memref<128x32xf32, #tpu.memory_space<vmem>>) target(%dma_start3A_381 : memref<10112x32xf32, #tpu.memory_space<vmem_shared>>) offsets(%dma_start3A_378 : memref<128xi32, #tpu.memory_space<vmem>>) semaphore(%arg35 : memref<!tpu.dma_semaphore, #tpu.memory_space<semaphore_mem>>) {add = true}
      %lt3A_382 = arith.constant 9 : i32
      %lt3A_383 = arith.cmpi slt, %scan3A_211, %lt3A_382 : i32
      %convert_element_type3A_384 = arith.extui %lt3A_383 : i1 to i32
      %cond3A_385 = arith.constant 0 : i32
      %cond3A_386 = arith.cmpi ne, %convert_element_type3A_384, %cond3A_385 : i32
      scf.if %cond3A_386 {
        %dma_wait3A_408 = arith.constant 0 : i32
        %dma_wait3A_409 = tpu.memref_slice %arg10[%add3A_369, %dma_wait3A_408] : memref<80x128xi32, #tpu.memory_space<vmem>> -> memref<1x128xi32, #tpu.memory_space<vmem>>
        %dma_wait3A_410 = tpu.memref_squeeze %dma_wait3A_409 : memref<1x128xi32, #tpu.memory_space<vmem>> -> memref<128xi32, #tpu.memory_space<vmem>>
        %dma_wait3A_411 = arith.constant 0 : i32
        %dma_wait3A_412 = arith.constant 0 : i32
        %dma_wait3A_413 = tpu.memref_slice %arg8[%dma_wait3A_411, %dma_wait3A_412] : memref<10112x32xf32, #tpu.memory_space<vmem_shared>> -> memref<10112x32xf32, #tpu.memory_space<vmem_shared>>
        tpu.wait_indirect_dma semaphore(%arg31 : memref<!tpu.dma_semaphore, #tpu.memory_space<semaphore_mem>>) src(%arg15 : memref<128x32xf32, #tpu.memory_space<vmem>>) dst(%dma_wait3A_413 : memref<10112x32xf32, #tpu.memory_space<vmem_shared>>)
        %add3A_414 = arith.constant 4 : i32
        %add3A_415 = arith.addi %add3A_369, %add3A_414 : i32
        %dma_start3A_416 = arith.constant 0 : i32
        %dma_start3A_417 = tpu.memref_slice %arg9[%add3A_415, %dma_start3A_416] : memref<80x128xi32, #tpu.memory_space<vmem>> -> memref<1x128xi32, #tpu.memory_space<vmem>>
        %dma_start3A_418 = tpu.memref_squeeze %dma_start3A_417 : memref<1x128xi32, #tpu.memory_space<vmem>> -> memref<128xi32, #tpu.memory_space<vmem>>
        %dma_start3A_419 = arith.constant 0 : i32
        %dma_start3A_420 = arith.constant 0 : i32
        %dma_start3A_421 = tpu.memref_slice %arg7[%dma_start3A_419, %dma_start3A_420] : memref<10112x32xf32, #tpu.memory_space<vmem_shared>> -> memref<10112x32xf32, #tpu.memory_space<vmem_shared>>
        tpu.enqueue_indirect_dma source(%dma_start3A_421 : memref<10112x32xf32, #tpu.memory_space<vmem_shared>>) target(%arg15 : memref<128x32xf32, #tpu.memory_space<vmem>>) offsets(%dma_start3A_418 : memref<128xi32, #tpu.memory_space<vmem>>) semaphore(%arg23 : memref<!tpu.dma_semaphore, #tpu.memory_space<semaphore_mem>>)
      } else {
      }
      %mul3A_387 = arith.constant 8 : i32
      %mul3A_388 = arith.muli %scan3A_211, %mul3A_387 : i32
      %add3A_389 = arith.constant 7 : i32
      %add3A_390 = arith.addi %mul3A_388, %add3A_389 : i32
      %dma_wait3A_391 = arith.constant 0 : i32
      %dma_wait3A_392 = tpu.memref_slice %arg9[%add3A_390, %dma_wait3A_391] : memref<80x128xi32, #tpu.memory_space<vmem>> -> memref<1x128xi32, #tpu.memory_space<vmem>>
      %dma_wait3A_393 = tpu.memref_squeeze %dma_wait3A_392 : memref<1x128xi32, #tpu.memory_space<vmem>> -> memref<128xi32, #tpu.memory_space<vmem>>
      %dma_wait3A_394 = arith.constant 0 : i32
      %dma_wait3A_395 = arith.constant 0 : i32
      %dma_wait3A_396 = tpu.memref_slice %arg7[%dma_wait3A_394, %dma_wait3A_395] : memref<10112x32xf32, #tpu.memory_space<vmem_shared>> -> memref<10112x32xf32, #tpu.memory_space<vmem_shared>>
      tpu.wait_indirect_dma semaphore(%arg28 : memref<!tpu.dma_semaphore, #tpu.memory_space<semaphore_mem>>) src(%dma_wait3A_396 : memref<10112x32xf32, #tpu.memory_space<vmem_shared>>) dst(%arg20 : memref<128x32xf32, #tpu.memory_space<vmem>>)
      %dma_start3A_397 = arith.constant 0 : i32
      %dma_start3A_398 = tpu.memref_slice %arg10[%add3A_390, %dma_start3A_397] : memref<80x128xi32, #tpu.memory_space<vmem>> -> memref<1x128xi32, #tpu.memory_space<vmem>>
      %dma_start3A_399 = tpu.memref_squeeze %dma_start3A_398 : memref<1x128xi32, #tpu.memory_space<vmem>> -> memref<128xi32, #tpu.memory_space<vmem>>
      %dma_start3A_400 = arith.constant 0 : i32
      %dma_start3A_401 = arith.constant 0 : i32
      %dma_start3A_402 = tpu.memref_slice %arg8[%dma_start3A_400, %dma_start3A_401] : memref<10112x32xf32, #tpu.memory_space<vmem_shared>> -> memref<10112x32xf32, #tpu.memory_space<vmem_shared>>
      tpu.enqueue_indirect_dma source(%arg20 : memref<128x32xf32, #tpu.memory_space<vmem>>) target(%dma_start3A_402 : memref<10112x32xf32, #tpu.memory_space<vmem_shared>>) offsets(%dma_start3A_399 : memref<128xi32, #tpu.memory_space<vmem>>) semaphore(%arg36 : memref<!tpu.dma_semaphore, #tpu.memory_space<semaphore_mem>>) {add = true}
      %lt3A_403 = arith.constant 9 : i32
      %lt3A_404 = arith.cmpi slt, %scan3A_211, %lt3A_403 : i32
      %convert_element_type3A_405 = arith.extui %lt3A_404 : i1 to i32
      %cond3A_406 = arith.constant 0 : i32
      %cond3A_407 = arith.cmpi ne, %convert_element_type3A_405, %cond3A_406 : i32
      scf.if %cond3A_407 {
        %dma_wait3A_408 = arith.constant 0 : i32
        %dma_wait3A_409 = tpu.memref_slice %arg10[%add3A_390, %dma_wait3A_408] : memref<80x128xi32, #tpu.memory_space<vmem>> -> memref<1x128xi32, #tpu.memory_space<vmem>>
        %dma_wait3A_410 = tpu.memref_squeeze %dma_wait3A_409 : memref<1x128xi32, #tpu.memory_space<vmem>> -> memref<128xi32, #tpu.memory_space<vmem>>
        %dma_wait3A_411 = arith.constant 0 : i32
        %dma_wait3A_412 = arith.constant 0 : i32
        %dma_wait3A_413 = tpu.memref_slice %arg8[%dma_wait3A_411, %dma_wait3A_412] : memref<10112x32xf32, #tpu.memory_space<vmem_shared>> -> memref<10112x32xf32, #tpu.memory_space<vmem_shared>>
        tpu.wait_indirect_dma semaphore(%arg32 : memref<!tpu.dma_semaphore, #tpu.memory_space<semaphore_mem>>) src(%arg16 : memref<128x32xf32, #tpu.memory_space<vmem>>) dst(%dma_wait3A_413 : memref<10112x32xf32, #tpu.memory_space<vmem_shared>>)
        %add3A_414 = arith.constant 4 : i32
        %add3A_415 = arith.addi %add3A_390, %add3A_414 : i32
        %dma_start3A_416 = arith.constant 0 : i32
        %dma_start3A_417 = tpu.memref_slice %arg9[%add3A_415, %dma_start3A_416] : memref<80x128xi32, #tpu.memory_space<vmem>> -> memref<1x128xi32, #tpu.memory_space<vmem>>
        %dma_start3A_418 = tpu.memref_squeeze %dma_start3A_417 : memref<1x128xi32, #tpu.memory_space<vmem>> -> memref<128xi32, #tpu.memory_space<vmem>>
        %dma_start3A_419 = arith.constant 0 : i32
        %dma_start3A_420 = arith.constant 0 : i32
        %dma_start3A_421 = tpu.memref_slice %arg7[%dma_start3A_419, %dma_start3A_420] : memref<10112x32xf32, #tpu.memory_space<vmem_shared>> -> memref<10112x32xf32, #tpu.memory_space<vmem_shared>>
        tpu.enqueue_indirect_dma source(%dma_start3A_421 : memref<10112x32xf32, #tpu.memory_space<vmem_shared>>) target(%arg16 : memref<128x32xf32, #tpu.memory_space<vmem>>) offsets(%dma_start3A_418 : memref<128xi32, #tpu.memory_space<vmem>>) semaphore(%arg24 : memref<!tpu.dma_semaphore, #tpu.memory_space<semaphore_mem>>)
      } else {
      }
    }
    %scan3A_153 = arith.constant 10 : i32
    %dma_wait3A_154 = arith.constant 0 : i32
    %dma_wait3A_155 = arith.constant 0 : i32
    %dma_wait3A_156 = tpu.memref_slice %arg10[%dma_wait3A_154, %dma_wait3A_155] : memref<80x128xi32, #tpu.memory_space<vmem>> -> memref<1x128xi32, #tpu.memory_space<vmem>>
    %dma_wait3A_157 = tpu.memref_squeeze %dma_wait3A_156 : memref<1x128xi32, #tpu.memory_space<vmem>> -> memref<128xi32, #tpu.memory_space<vmem>>
    %dma_wait3A_158 = arith.constant 0 : i32
    %dma_wait3A_159 = arith.constant 0 : i32
    %dma_wait3A_160 = tpu.memref_slice %arg8[%dma_wait3A_158, %dma_wait3A_159] : memref<10112x32xf32, #tpu.memory_space<vmem_shared>> -> memref<10112x32xf32, #tpu.memory_space<vmem_shared>>
    tpu.wait_indirect_dma semaphore(%arg29 : memref<!tpu.dma_semaphore, #tpu.memory_space<semaphore_mem>>) src(%arg13 : memref<128x32xf32, #tpu.memory_space<vmem>>) dst(%dma_wait3A_160 : memref<10112x32xf32, #tpu.memory_space<vmem_shared>>)
    %dma_wait3A_161 = arith.constant 0 : i32
    %dma_wait3A_162 = arith.constant 0 : i32
    %dma_wait3A_163 = tpu.memref_slice %arg10[%dma_wait3A_161, %dma_wait3A_162] : memref<80x128xi32, #tpu.memory_space<vmem>> -> memref<1x128xi32, #tpu.memory_space<vmem>>
    %dma_wait3A_164 = tpu.memref_squeeze %dma_wait3A_163 : memref<1x128xi32, #tpu.memory_space<vmem>> -> memref<128xi32, #tpu.memory_space<vmem>>
    %dma_wait3A_165 = arith.constant 0 : i32
    %dma_wait3A_166 = arith.constant 0 : i32
    %dma_wait3A_167 = tpu.memref_slice %arg8[%dma_wait3A_165, %dma_wait3A_166] : memref<10112x32xf32, #tpu.memory_space<vmem_shared>> -> memref<10112x32xf32, #tpu.memory_space<vmem_shared>>
    tpu.wait_indirect_dma semaphore(%arg30 : memref<!tpu.dma_semaphore, #tpu.memory_space<semaphore_mem>>) src(%arg14 : memref<128x32xf32, #tpu.memory_space<vmem>>) dst(%dma_wait3A_167 : memref<10112x32xf32, #tpu.memory_space<vmem_shared>>)
    %dma_wait3A_168 = arith.constant 0 : i32
    %dma_wait3A_169 = arith.constant 0 : i32
    %dma_wait3A_170 = tpu.memref_slice %arg10[%dma_wait3A_168, %dma_wait3A_169] : memref<80x128xi32, #tpu.memory_space<vmem>> -> memref<1x128xi32, #tpu.memory_space<vmem>>
    %dma_wait3A_171 = tpu.memref_squeeze %dma_wait3A_170 : memref<1x128xi32, #tpu.memory_space<vmem>> -> memref<128xi32, #tpu.memory_space<vmem>>
    %dma_wait3A_172 = arith.constant 0 : i32
    %dma_wait3A_173 = arith.constant 0 : i32
    %dma_wait3A_174 = tpu.memref_slice %arg8[%dma_wait3A_172, %dma_wait3A_173] : memref<10112x32xf32, #tpu.memory_space<vmem_shared>> -> memref<10112x32xf32, #tpu.memory_space<vmem_shared>>
    tpu.wait_indirect_dma semaphore(%arg31 : memref<!tpu.dma_semaphore, #tpu.memory_space<semaphore_mem>>) src(%arg15 : memref<128x32xf32, #tpu.memory_space<vmem>>) dst(%dma_wait3A_174 : memref<10112x32xf32, #tpu.memory_space<vmem_shared>>)
    %dma_wait3A_175 = arith.constant 0 : i32
    %dma_wait3A_176 = arith.constant 0 : i32
    %dma_wait3A_177 = tpu.memref_slice %arg10[%dma_wait3A_175, %dma_wait3A_176] : memref<80x128xi32, #tpu.memory_space<vmem>> -> memref<1x128xi32, #tpu.memory_space<vmem>>
    %dma_wait3A_178 = tpu.memref_squeeze %dma_wait3A_177 : memref<1x128xi32, #tpu.memory_space<vmem>> -> memref<128xi32, #tpu.memory_space<vmem>>
    %dma_wait3A_179 = arith.constant 0 : i32
    %dma_wait3A_180 = arith.constant 0 : i32
    %dma_wait3A_181 = tpu.memref_slice %arg8[%dma_wait3A_179, %dma_wait3A_180] : memref<10112x32xf32, #tpu.memory_space<vmem_shared>> -> memref<10112x32xf32, #tpu.memory_space<vmem_shared>>
    tpu.wait_indirect_dma semaphore(%arg32 : memref<!tpu.dma_semaphore, #tpu.memory_space<semaphore_mem>>) src(%arg16 : memref<128x32xf32, #tpu.memory_space<vmem>>) dst(%dma_wait3A_181 : memref<10112x32xf32, #tpu.memory_space<vmem_shared>>)
    %dma_wait3A_182 = arith.constant 0 : i32
    %dma_wait3A_183 = arith.constant 0 : i32
    %dma_wait3A_184 = tpu.memref_slice %arg10[%dma_wait3A_182, %dma_wait3A_183] : memref<80x128xi32, #tpu.memory_space<vmem>> -> memref<1x128xi32, #tpu.memory_space<vmem>>
    %dma_wait3A_185 = tpu.memref_squeeze %dma_wait3A_184 : memref<1x128xi32, #tpu.memory_space<vmem>> -> memref<128xi32, #tpu.memory_space<vmem>>
    %dma_wait3A_186 = arith.constant 0 : i32
    %dma_wait3A_187 = arith.constant 0 : i32
    %dma_wait3A_188 = tpu.memref_slice %arg8[%dma_wait3A_186, %dma_wait3A_187] : memref<10112x32xf32, #tpu.memory_space<vmem_shared>> -> memref<10112x32xf32, #tpu.memory_space<vmem_shared>>
    tpu.wait_indirect_dma semaphore(%arg33 : memref<!tpu.dma_semaphore, #tpu.memory_space<semaphore_mem>>) src(%arg17 : memref<128x32xf32, #tpu.memory_space<vmem>>) dst(%dma_wait3A_188 : memref<10112x32xf32, #tpu.memory_space<vmem_shared>>)
    %dma_wait3A_189 = arith.constant 0 : i32
    %dma_wait3A_190 = arith.constant 0 : i32
    %dma_wait3A_191 = tpu.memref_slice %arg10[%dma_wait3A_189, %dma_wait3A_190] : memref<80x128xi32, #tpu.memory_space<vmem>> -> memref<1x128xi32, #tpu.memory_space<vmem>>
    %dma_wait3A_192 = tpu.memref_squeeze %dma_wait3A_191 : memref<1x128xi32, #tpu.memory_space<vmem>> -> memref<128xi32, #tpu.memory_space<vmem>>
    %dma_wait3A_193 = arith.constant 0 : i32
    %dma_wait3A_194 = arith.constant 0 : i32
    %dma_wait3A_195 = tpu.memref_slice %arg8[%dma_wait3A_193, %dma_wait3A_194] : memref<10112x32xf32, #tpu.memory_space<vmem_shared>> -> memref<10112x32xf32, #tpu.memory_space<vmem_shared>>
    tpu.wait_indirect_dma semaphore(%arg34 : memref<!tpu.dma_semaphore, #tpu.memory_space<semaphore_mem>>) src(%arg18 : memref<128x32xf32, #tpu.memory_space<vmem>>) dst(%dma_wait3A_195 : memref<10112x32xf32, #tpu.memory_space<vmem_shared>>)
    %dma_wait3A_196 = arith.constant 0 : i32
    %dma_wait3A_197 = arith.constant 0 : i32
    %dma_wait3A_198 = tpu.memref_slice %arg10[%dma_wait3A_196, %dma_wait3A_197] : memref<80x128xi32, #tpu.memory_space<vmem>> -> memref<1x128xi32, #tpu.memory_space<vmem>>
    %dma_wait3A_199 = tpu.memref_squeeze %dma_wait3A_198 : memref<1x128xi32, #tpu.memory_space<vmem>> -> memref<128xi32, #tpu.memory_space<vmem>>
    %dma_wait3A_200 = arith.constant 0 : i32
    %dma_wait3A_201 = arith.constant 0 : i32
    %dma_wait3A_202 = tpu.memref_slice %arg8[%dma_wait3A_200, %dma_wait3A_201] : memref<10112x32xf32, #tpu.memory_space<vmem_shared>> -> memref<10112x32xf32, #tpu.memory_space<vmem_shared>>
    tpu.wait_indirect_dma semaphore(%arg35 : memref<!tpu.dma_semaphore, #tpu.memory_space<semaphore_mem>>) src(%arg19 : memref<128x32xf32, #tpu.memory_space<vmem>>) dst(%dma_wait3A_202 : memref<10112x32xf32, #tpu.memory_space<vmem_shared>>)
    %dma_wait3A_203 = arith.constant 0 : i32
    %dma_wait3A_204 = arith.constant 0 : i32
    %dma_wait3A_205 = tpu.memref_slice %arg10[%dma_wait3A_203, %dma_wait3A_204] : memref<80x128xi32, #tpu.memory_space<vmem>> -> memref<1x128xi32, #tpu.memory_space<vmem>>
    %dma_wait3A_206 = tpu.memref_squeeze %dma_wait3A_205 : memref<1x128xi32, #tpu.memory_space<vmem>> -> memref<128xi32, #tpu.memory_space<vmem>>
    %dma_wait3A_207 = arith.constant 0 : i32
    %dma_wait3A_208 = arith.constant 0 : i32
    %dma_wait3A_209 = tpu.memref_slice %arg8[%dma_wait3A_207, %dma_wait3A_208] : memref<10112x32xf32, #tpu.memory_space<vmem_shared>> -> memref<10112x32xf32, #tpu.memory_space<vmem_shared>>
    tpu.wait_indirect_dma semaphore(%arg36 : memref<!tpu.dma_semaphore, #tpu.memory_space<semaphore_mem>>) src(%arg20 : memref<128x32xf32, #tpu.memory_space<vmem>>) dst(%dma_wait3A_209 : memref<10112x32xf32, #tpu.memory_space<vmem_shared>>)
    %barrier3A_210 = arith.constant 0 : index
    tpu.barrier barrier_id(%barrier3A_210)
    "tpu.region"() ({
      %run_scoped3A = tpu.sem_alloc : memref<!tpu.dma_semaphore, #tpu.memory_space<semaphore_mem>>
      %dma_start3A_211 = arith.constant 0 : i32
      %dma_start3A_212 = tpu.memref_slice %arg6[%arg0, %mul3A_2, %dma_start3A_211] : memref<2x10112x32xf32, #tpu.memory_space<hbm>> -> memref<1x632x32xf32, #tpu.memory_space<hbm>>
      %dma_start3A_213 = tpu.memref_squeeze %dma_start3A_212 : memref<1x632x32xf32, #tpu.memory_space<hbm>> -> memref<632x32xf32, #tpu.memory_space<hbm>>
      %dma_start3A_214 = arith.constant 0 : i32
      %dma_start3A_215 = tpu.memref_slice %arg8[%mul3A_2, %dma_start3A_214] : memref<10112x32xf32, #tpu.memory_space<vmem_shared>> -> memref<632x32xf32, #tpu.memory_space<vmem_shared>>
      tpu.enqueue_dma source(%dma_start3A_215 : memref<632x32xf32, #tpu.memory_space<vmem_shared>>) target(%dma_start3A_213 : memref<632x32xf32, #tpu.memory_space<hbm>>) target_semaphore(%run_scoped3A : memref<!tpu.dma_semaphore, #tpu.memory_space<semaphore_mem>>)
      %dma_wait3A_216 = arith.constant 0 : i32
      %dma_wait3A_217 = tpu.memref_slice %arg6[%arg0, %mul3A_2, %dma_wait3A_216] : memref<2x10112x32xf32, #tpu.memory_space<hbm>> -> memref<1x632x32xf32, #tpu.memory_space<hbm>>
      %dma_wait3A_218 = tpu.memref_squeeze %dma_wait3A_217 : memref<1x632x32xf32, #tpu.memory_space<hbm>> -> memref<632x32xf32, #tpu.memory_space<hbm>>
      %dma_wait3A_219 = arith.constant 0 : i32
      %dma_wait3A_220 = tpu.memref_slice %arg8[%mul3A_2, %dma_wait3A_219] : memref<10112x32xf32, #tpu.memory_space<vmem_shared>> -> memref<632x32xf32, #tpu.memory_space<vmem_shared>>
      tpu.wait_dma2 semaphore(%run_scoped3A : memref<!tpu.dma_semaphore, #tpu.memory_space<semaphore_mem>>) src(%dma_wait3A_220 : memref<632x32xf32, #tpu.memory_space<vmem_shared>>) dst(%dma_wait3A_218 : memref<632x32xf32, #tpu.memory_space<hbm>>)
      tpu.yield
    }) : () -> ()
    return
  }
}

#map = affine_map<(d0, d1) -> (0, 0)>
#map1 = affine_map<(d0, d1) -> (0, 0, 0)>
module attributes {stable_mosaic.version = 14 : i64} {
  func.func @agg(%arg0: i32, %arg1: i32, %arg2: memref<10112x16xf32, #tpu.memory_space<hbm>>, %arg3: memref<2560x128xi32, #tpu.memory_space<hbm>>, %arg4: memref<2560x128xi32, #tpu.memory_space<hbm>>, %arg5: memref<2x10112x16xf32, #tpu.memory_space<hbm>>, %arg6: memref<10112x16xf32, #tpu.memory_space<vmem_shared>>, %arg7: memref<10112x16xf32, #tpu.memory_space<vmem_shared>>, %arg8: memref<80x128xi32, #tpu.memory_space<vmem>>, %arg9: memref<80x128xi32, #tpu.memory_space<vmem>>, %arg10: memref<128x16xf32, #tpu.memory_space<vmem>>, %arg11: memref<128x16xf32, #tpu.memory_space<vmem>>, %arg12: memref<128x16xf32, #tpu.memory_space<vmem>>, %arg13: memref<128x16xf32, #tpu.memory_space<vmem>>, %arg14: memref<128x16xf32, #tpu.memory_space<vmem>>, %arg15: memref<128x16xf32, #tpu.memory_space<vmem>>, %arg16: memref<128x16xf32, #tpu.memory_space<vmem>>, %arg17: memref<128x16xf32, #tpu.memory_space<vmem>>, %arg18: memref<!tpu.dma_semaphore, #tpu.memory_space<semaphore_mem>>, %arg19: memref<!tpu.dma_semaphore, #tpu.memory_space<semaphore_mem>>, %arg20: memref<!tpu.dma_semaphore, #tpu.memory_space<semaphore_mem>>, %arg21: memref<!tpu.dma_semaphore, #tpu.memory_space<semaphore_mem>>, %arg22: memref<!tpu.dma_semaphore, #tpu.memory_space<semaphore_mem>>, %arg23: memref<!tpu.dma_semaphore, #tpu.memory_space<semaphore_mem>>, %arg24: memref<!tpu.dma_semaphore, #tpu.memory_space<semaphore_mem>>, %arg25: memref<!tpu.dma_semaphore, #tpu.memory_space<semaphore_mem>>, %arg26: memref<!tpu.dma_semaphore, #tpu.memory_space<semaphore_mem>>, %arg27: memref<!tpu.dma_semaphore, #tpu.memory_space<semaphore_mem>>, %arg28: memref<!tpu.dma_semaphore, #tpu.memory_space<semaphore_mem>>, %arg29: memref<!tpu.dma_semaphore, #tpu.memory_space<semaphore_mem>>, %arg30: memref<!tpu.dma_semaphore, #tpu.memory_space<semaphore_mem>>, %arg31: memref<!tpu.dma_semaphore, #tpu.memory_space<semaphore_mem>>, %arg32: memref<!tpu.dma_semaphore, #tpu.memory_space<semaphore_mem>>, %arg33: memref<!tpu.dma_semaphore, #tpu.memory_space<semaphore_mem>>) attributes {dimension_semantics = [#tpu.dimension_semantics<core_parallel>, #tpu.dimension_semantics<subcore_parallel>], iteration_bounds = array<i64: 2, 16>, scalar_prefetch = 0 : i64, scratch_operands = 28 : i64, tpu.core_type = #tpu.core_type<sc_vector_subcore>, window_params = [{transform_indices = #map}, {transform_indices = #map}, {transform_indices = #map}, {transform_indices = #map1}]} {
    %mul3A = arith.constant 2 : i32
    %mul3A_0 = arith.muli %arg1, %mul3A : i32
    %add3A = arith.addi %mul3A_0, %arg0 : i32
    %mul3A_1 = arith.constant 632 : i32
    %mul3A_2 = arith.muli %arg1, %mul3A_1 : i32
    %dma_start3A = arith.constant 0 : i32
    %dma_start3A_3 = tpu.memref_slice %arg6[%mul3A_2, %dma_start3A] : memref<10112x16xf32, #tpu.memory_space<vmem_shared>> -> memref<632x16xf32, #tpu.memory_space<vmem_shared>>
    %dma_start3A_4 = arith.constant 0 : i32
    %dma_start3A_5 = tpu.memref_slice %arg2[%mul3A_2, %dma_start3A_4] : memref<10112x16xf32, #tpu.memory_space<hbm>> -> memref<632x16xf32, #tpu.memory_space<hbm>>
    tpu.enqueue_dma source(%dma_start3A_5 : memref<632x16xf32, #tpu.memory_space<hbm>>) target(%dma_start3A_3 : memref<632x16xf32, #tpu.memory_space<vmem_shared>>) target_semaphore(%arg18 : memref<!tpu.dma_semaphore, #tpu.memory_space<semaphore_mem>>)
    %mul3A_6 = arith.constant 80 : i32
    %mul3A_7 = arith.muli %add3A, %mul3A_6 : i32
    %dma_start3A_8 = arith.constant 0 : i32
    %dma_start3A_9 = tpu.memref_slice %arg3[%mul3A_7, %dma_start3A_8] : memref<2560x128xi32, #tpu.memory_space<hbm>> -> memref<80x128xi32, #tpu.memory_space<hbm>>
    %dma_start3A_10 = arith.constant 0 : i32
    %dma_start3A_11 = tpu.memref_slice %arg3[%mul3A_7, %dma_start3A_10] : memref<2560x128xi32, #tpu.memory_space<hbm>> -> memref<80x128xi32, #tpu.memory_space<hbm>>
    tpu.enqueue_dma source(%dma_start3A_11 : memref<80x128xi32, #tpu.memory_space<hbm>>) target(%arg8 : memref<80x128xi32, #tpu.memory_space<vmem>>) target_semaphore(%arg19 : memref<!tpu.dma_semaphore, #tpu.memory_space<semaphore_mem>>)
    %mul3A_12 = arith.constant 80 : i32
    %mul3A_13 = arith.muli %add3A, %mul3A_12 : i32
    %dma_start3A_14 = arith.constant 0 : i32
    %dma_start3A_15 = tpu.memref_slice %arg4[%mul3A_13, %dma_start3A_14] : memref<2560x128xi32, #tpu.memory_space<hbm>> -> memref<80x128xi32, #tpu.memory_space<hbm>>
    %dma_start3A_16 = arith.constant 0 : i32
    %dma_start3A_17 = tpu.memref_slice %arg4[%mul3A_13, %dma_start3A_16] : memref<2560x128xi32, #tpu.memory_space<hbm>> -> memref<80x128xi32, #tpu.memory_space<hbm>>
    tpu.enqueue_dma source(%dma_start3A_17 : memref<80x128xi32, #tpu.memory_space<hbm>>) target(%arg9 : memref<80x128xi32, #tpu.memory_space<vmem>>) target_semaphore(%arg20 : memref<!tpu.dma_semaphore, #tpu.memory_space<semaphore_mem>>)
    %scan3A = arith.constant 0 : i32
    %scan3A_18 = arith.constant 0 : i32
    %scan3A_19 = arith.constant 128 : i32
    %scan3A_20 = arith.addi %scan3A_18, %scan3A_19 : i32
    %scan3A_21 = arith.constant 1 : i32
    scf.for %scan3A_201 = %scan3A_18 to %scan3A_20 step %scan3A_21  : i32 {
      %broadcast_in_dim3A = arith.constant 0.000000e+00 : f32
      %broadcast_in_dim3A_202 = vector.broadcast %broadcast_in_dim3A : f32 to vector<16xf32>
      %swap3A = arith.index_cast %scan3A_201 : i32 to index
      %swap3A_203 = arith.constant 0 : index
      %swap3A_204 = tpu.vector_load %arg10[%swap3A, %swap3A_203] {strides = array<i32>} : memref<128x16xf32, #tpu.memory_space<vmem>>, vector<16xf32>,
      tpu.vector_store %arg10[%swap3A, %swap3A_203], %broadcast_in_dim3A_202 {strides = array<i32>} : memref<128x16xf32, #tpu.memory_space<vmem>>, vector<16xf32>,
    }
    %scan3A_22 = arith.constant 128 : i32
    %add3A_23 = arith.constant 0 : i32
    %add3A_24 = arith.addi %mul3A_2, %add3A_23 : i32
    %dma_start3A_25 = arith.constant 0 : i32
    %dma_start3A_26 = tpu.memref_slice %arg7[%add3A_24, %dma_start3A_25] : memref<10112x16xf32, #tpu.memory_space<vmem_shared>> -> memref<128x16xf32, #tpu.memory_space<vmem_shared>>
    %dma_start3A_27 = arith.constant 0 : i32
    %dma_start3A_28 = tpu.memref_slice %arg7[%add3A_24, %dma_start3A_27] : memref<10112x16xf32, #tpu.memory_space<vmem_shared>> -> memref<128x16xf32, #tpu.memory_space<vmem_shared>>
    tpu.enqueue_dma source(%arg10 : memref<128x16xf32, #tpu.memory_space<vmem>>) target(%dma_start3A_28 : memref<128x16xf32, #tpu.memory_space<vmem_shared>>) target_semaphore(%arg26 : memref<!tpu.dma_semaphore, #tpu.memory_space<semaphore_mem>>)
    %add3A_29 = arith.constant 128 : i32
    %add3A_30 = arith.addi %mul3A_2, %add3A_29 : i32
    %dma_start3A_31 = arith.constant 0 : i32
    %dma_start3A_32 = tpu.memref_slice %arg7[%add3A_30, %dma_start3A_31] : memref<10112x16xf32, #tpu.memory_space<vmem_shared>> -> memref<128x16xf32, #tpu.memory_space<vmem_shared>>
    %dma_start3A_33 = arith.constant 0 : i32
    %dma_start3A_34 = tpu.memref_slice %arg7[%add3A_30, %dma_start3A_33] : memref<10112x16xf32, #tpu.memory_space<vmem_shared>> -> memref<128x16xf32, #tpu.memory_space<vmem_shared>>
    tpu.enqueue_dma source(%arg10 : memref<128x16xf32, #tpu.memory_space<vmem>>) target(%dma_start3A_34 : memref<128x16xf32, #tpu.memory_space<vmem_shared>>) target_semaphore(%arg27 : memref<!tpu.dma_semaphore, #tpu.memory_space<semaphore_mem>>)
    %add3A_35 = arith.constant 256 : i32
    %add3A_36 = arith.addi %mul3A_2, %add3A_35 : i32
    %dma_start3A_37 = arith.constant 0 : i32
    %dma_start3A_38 = tpu.memref_slice %arg7[%add3A_36, %dma_start3A_37] : memref<10112x16xf32, #tpu.memory_space<vmem_shared>> -> memref<128x16xf32, #tpu.memory_space<vmem_shared>>
    %dma_start3A_39 = arith.constant 0 : i32
    %dma_start3A_40 = tpu.memref_slice %arg7[%add3A_36, %dma_start3A_39] : memref<10112x16xf32, #tpu.memory_space<vmem_shared>> -> memref<128x16xf32, #tpu.memory_space<vmem_shared>>
    tpu.enqueue_dma source(%arg10 : memref<128x16xf32, #tpu.memory_space<vmem>>) target(%dma_start3A_40 : memref<128x16xf32, #tpu.memory_space<vmem_shared>>) target_semaphore(%arg28 : memref<!tpu.dma_semaphore, #tpu.memory_space<semaphore_mem>>)
    %add3A_41 = arith.constant 384 : i32
    %add3A_42 = arith.addi %mul3A_2, %add3A_41 : i32
    %dma_start3A_43 = arith.constant 0 : i32
    %dma_start3A_44 = tpu.memref_slice %arg7[%add3A_42, %dma_start3A_43] : memref<10112x16xf32, #tpu.memory_space<vmem_shared>> -> memref<128x16xf32, #tpu.memory_space<vmem_shared>>
    %dma_start3A_45 = arith.constant 0 : i32
    %dma_start3A_46 = tpu.memref_slice %arg7[%add3A_42, %dma_start3A_45] : memref<10112x16xf32, #tpu.memory_space<vmem_shared>> -> memref<128x16xf32, #tpu.memory_space<vmem_shared>>
    tpu.enqueue_dma source(%arg10 : memref<128x16xf32, #tpu.memory_space<vmem>>) target(%dma_start3A_46 : memref<128x16xf32, #tpu.memory_space<vmem_shared>>) target_semaphore(%arg29 : memref<!tpu.dma_semaphore, #tpu.memory_space<semaphore_mem>>)
    %add3A_47 = arith.constant 512 : i32
    %add3A_48 = arith.addi %mul3A_2, %add3A_47 : i32
    %dma_start3A_49 = arith.constant 0 : i32
    %dma_start3A_50 = arith.constant 0 : i32
    %dma_start3A_51 = tpu.memref_slice %arg10[%dma_start3A_49, %dma_start3A_50] : memref<128x16xf32, #tpu.memory_space<vmem>> -> memref<120x16xf32, #tpu.memory_space<vmem>>
    %dma_start3A_52 = arith.constant 0 : i32
    %dma_start3A_53 = tpu.memref_slice %arg7[%add3A_48, %dma_start3A_52] : memref<10112x16xf32, #tpu.memory_space<vmem_shared>> -> memref<120x16xf32, #tpu.memory_space<vmem_shared>>
    %dma_start3A_54 = arith.constant 0 : i32
    %dma_start3A_55 = tpu.memref_slice %arg7[%add3A_48, %dma_start3A_54] : memref<10112x16xf32, #tpu.memory_space<vmem_shared>> -> memref<120x16xf32, #tpu.memory_space<vmem_shared>>
    %dma_start3A_56 = arith.constant 0 : i32
    %dma_start3A_57 = arith.constant 0 : i32
    %dma_start3A_58 = tpu.memref_slice %arg10[%dma_start3A_56, %dma_start3A_57] : memref<128x16xf32, #tpu.memory_space<vmem>> -> memref<120x16xf32, #tpu.memory_space<vmem>>
    tpu.enqueue_dma source(%dma_start3A_58 : memref<120x16xf32, #tpu.memory_space<vmem>>) target(%dma_start3A_55 : memref<120x16xf32, #tpu.memory_space<vmem_shared>>) target_semaphore(%arg30 : memref<!tpu.dma_semaphore, #tpu.memory_space<semaphore_mem>>)
    %dma_wait3A = arith.constant 0 : i32
    %dma_wait3A_59 = tpu.memref_slice %arg6[%mul3A_2, %dma_wait3A] : memref<10112x16xf32, #tpu.memory_space<vmem_shared>> -> memref<632x16xf32, #tpu.memory_space<vmem_shared>>
    %dma_wait3A_60 = arith.constant 0 : i32
    %dma_wait3A_61 = tpu.memref_slice %arg2[%mul3A_2, %dma_wait3A_60] : memref<10112x16xf32, #tpu.memory_space<hbm>> -> memref<632x16xf32, #tpu.memory_space<hbm>>
    tpu.wait_dma2 semaphore(%arg18 : memref<!tpu.dma_semaphore, #tpu.memory_space<semaphore_mem>>) src(%dma_wait3A_61 : memref<632x16xf32, #tpu.memory_space<hbm>>) dst(%dma_wait3A_59 : memref<632x16xf32, #tpu.memory_space<vmem_shared>>)
    %mul3A_62 = arith.constant 80 : i32
    %mul3A_63 = arith.muli %add3A, %mul3A_62 : i32
    %dma_wait3A_64 = arith.constant 0 : i32
    %dma_wait3A_65 = tpu.memref_slice %arg3[%mul3A_63, %dma_wait3A_64] : memref<2560x128xi32, #tpu.memory_space<hbm>> -> memref<80x128xi32, #tpu.memory_space<hbm>>
    %dma_wait3A_66 = arith.constant 0 : i32
    %dma_wait3A_67 = tpu.memref_slice %arg3[%mul3A_63, %dma_wait3A_66] : memref<2560x128xi32, #tpu.memory_space<hbm>> -> memref<80x128xi32, #tpu.memory_space<hbm>>
    tpu.wait_dma2 semaphore(%arg19 : memref<!tpu.dma_semaphore, #tpu.memory_space<semaphore_mem>>) src(%dma_wait3A_67 : memref<80x128xi32, #tpu.memory_space<hbm>>) dst(%arg8 : memref<80x128xi32, #tpu.memory_space<vmem>>)
    %mul3A_68 = arith.constant 80 : i32
    %mul3A_69 = arith.muli %add3A, %mul3A_68 : i32
    %dma_wait3A_70 = arith.constant 0 : i32
    %dma_wait3A_71 = tpu.memref_slice %arg4[%mul3A_69, %dma_wait3A_70] : memref<2560x128xi32, #tpu.memory_space<hbm>> -> memref<80x128xi32, #tpu.memory_space<hbm>>
    %dma_wait3A_72 = arith.constant 0 : i32
    %dma_wait3A_73 = tpu.memref_slice %arg4[%mul3A_69, %dma_wait3A_72] : memref<2560x128xi32, #tpu.memory_space<hbm>> -> memref<80x128xi32, #tpu.memory_space<hbm>>
    tpu.wait_dma2 semaphore(%arg20 : memref<!tpu.dma_semaphore, #tpu.memory_space<semaphore_mem>>) src(%dma_wait3A_73 : memref<80x128xi32, #tpu.memory_space<hbm>>) dst(%arg9 : memref<80x128xi32, #tpu.memory_space<vmem>>)
    %add3A_74 = arith.constant 0 : i32
    %add3A_75 = arith.addi %mul3A_2, %add3A_74 : i32
    %dma_wait3A_76 = arith.constant 0 : i32
    %dma_wait3A_77 = tpu.memref_slice %arg7[%add3A_75, %dma_wait3A_76] : memref<10112x16xf32, #tpu.memory_space<vmem_shared>> -> memref<128x16xf32, #tpu.memory_space<vmem_shared>>
    %dma_wait3A_78 = arith.constant 0 : i32
    %dma_wait3A_79 = tpu.memref_slice %arg7[%add3A_75, %dma_wait3A_78] : memref<10112x16xf32, #tpu.memory_space<vmem_shared>> -> memref<128x16xf32, #tpu.memory_space<vmem_shared>>
    tpu.wait_dma2 semaphore(%arg26 : memref<!tpu.dma_semaphore, #tpu.memory_space<semaphore_mem>>) src(%arg10 : memref<128x16xf32, #tpu.memory_space<vmem>>) dst(%dma_wait3A_79 : memref<128x16xf32, #tpu.memory_space<vmem_shared>>)
    %add3A_80 = arith.constant 128 : i32
    %add3A_81 = arith.addi %mul3A_2, %add3A_80 : i32
    %dma_wait3A_82 = arith.constant 0 : i32
    %dma_wait3A_83 = tpu.memref_slice %arg7[%add3A_81, %dma_wait3A_82] : memref<10112x16xf32, #tpu.memory_space<vmem_shared>> -> memref<128x16xf32, #tpu.memory_space<vmem_shared>>
    %dma_wait3A_84 = arith.constant 0 : i32
    %dma_wait3A_85 = tpu.memref_slice %arg7[%add3A_81, %dma_wait3A_84] : memref<10112x16xf32, #tpu.memory_space<vmem_shared>> -> memref<128x16xf32, #tpu.memory_space<vmem_shared>>
    tpu.wait_dma2 semaphore(%arg27 : memref<!tpu.dma_semaphore, #tpu.memory_space<semaphore_mem>>) src(%arg10 : memref<128x16xf32, #tpu.memory_space<vmem>>) dst(%dma_wait3A_85 : memref<128x16xf32, #tpu.memory_space<vmem_shared>>)
    %add3A_86 = arith.constant 256 : i32
    %add3A_87 = arith.addi %mul3A_2, %add3A_86 : i32
    %dma_wait3A_88 = arith.constant 0 : i32
    %dma_wait3A_89 = tpu.memref_slice %arg7[%add3A_87, %dma_wait3A_88] : memref<10112x16xf32, #tpu.memory_space<vmem_shared>> -> memref<128x16xf32, #tpu.memory_space<vmem_shared>>
    %dma_wait3A_90 = arith.constant 0 : i32
    %dma_wait3A_91 = tpu.memref_slice %arg7[%add3A_87, %dma_wait3A_90] : memref<10112x16xf32, #tpu.memory_space<vmem_shared>> -> memref<128x16xf32, #tpu.memory_space<vmem_shared>>
    tpu.wait_dma2 semaphore(%arg28 : memref<!tpu.dma_semaphore, #tpu.memory_space<semaphore_mem>>) src(%arg10 : memref<128x16xf32, #tpu.memory_space<vmem>>) dst(%dma_wait3A_91 : memref<128x16xf32, #tpu.memory_space<vmem_shared>>)
    %add3A_92 = arith.constant 384 : i32
    %add3A_93 = arith.addi %mul3A_2, %add3A_92 : i32
    %dma_wait3A_94 = arith.constant 0 : i32
    %dma_wait3A_95 = tpu.memref_slice %arg7[%add3A_93, %dma_wait3A_94] : memref<10112x16xf32, #tpu.memory_space<vmem_shared>> -> memref<128x16xf32, #tpu.memory_space<vmem_shared>>
    %dma_wait3A_96 = arith.constant 0 : i32
    %dma_wait3A_97 = tpu.memref_slice %arg7[%add3A_93, %dma_wait3A_96] : memref<10112x16xf32, #tpu.memory_space<vmem_shared>> -> memref<128x16xf32, #tpu.memory_space<vmem_shared>>
    tpu.wait_dma2 semaphore(%arg29 : memref<!tpu.dma_semaphore, #tpu.memory_space<semaphore_mem>>) src(%arg10 : memref<128x16xf32, #tpu.memory_space<vmem>>) dst(%dma_wait3A_97 : memref<128x16xf32, #tpu.memory_space<vmem_shared>>)
    %add3A_98 = arith.constant 512 : i32
    %add3A_99 = arith.addi %mul3A_2, %add3A_98 : i32
    %dma_wait3A_100 = arith.constant 0 : i32
    %dma_wait3A_101 = arith.constant 0 : i32
    %dma_wait3A_102 = tpu.memref_slice %arg10[%dma_wait3A_100, %dma_wait3A_101] : memref<128x16xf32, #tpu.memory_space<vmem>> -> memref<120x16xf32, #tpu.memory_space<vmem>>
    %dma_wait3A_103 = arith.constant 0 : i32
    %dma_wait3A_104 = tpu.memref_slice %arg7[%add3A_99, %dma_wait3A_103] : memref<10112x16xf32, #tpu.memory_space<vmem_shared>> -> memref<120x16xf32, #tpu.memory_space<vmem_shared>>
    %dma_wait3A_105 = arith.constant 0 : i32
    %dma_wait3A_106 = tpu.memref_slice %arg7[%add3A_99, %dma_wait3A_105] : memref<10112x16xf32, #tpu.memory_space<vmem_shared>> -> memref<120x16xf32, #tpu.memory_space<vmem_shared>>
    %dma_wait3A_107 = arith.constant 0 : i32
    %dma_wait3A_108 = arith.constant 0 : i32
    %dma_wait3A_109 = tpu.memref_slice %arg10[%dma_wait3A_107, %dma_wait3A_108] : memref<128x16xf32, #tpu.memory_space<vmem>> -> memref<120x16xf32, #tpu.memory_space<vmem>>
    tpu.wait_dma2 semaphore(%arg30 : memref<!tpu.dma_semaphore, #tpu.memory_space<semaphore_mem>>) src(%dma_wait3A_109 : memref<120x16xf32, #tpu.memory_space<vmem>>) dst(%dma_wait3A_106 : memref<120x16xf32, #tpu.memory_space<vmem_shared>>)
    %barrier3A = arith.constant 0 : index
    tpu.barrier barrier_id(%barrier3A)
    %dma_start3A_110 = arith.constant 0 : i32
    %dma_start3A_111 = arith.constant 0 : i32
    %dma_start3A_112 = tpu.memref_slice %arg8[%dma_start3A_110, %dma_start3A_111] : memref<80x128xi32, #tpu.memory_space<vmem>> -> memref<1x128xi32, #tpu.memory_space<vmem>>
    %dma_start3A_113 = tpu.memref_squeeze %dma_start3A_112 : memref<1x128xi32, #tpu.memory_space<vmem>> -> memref<128xi32, #tpu.memory_space<vmem>>
    %dma_start3A_114 = arith.constant 0 : i32
    %dma_start3A_115 = arith.constant 0 : i32
    %dma_start3A_116 = tpu.memref_slice %arg6[%dma_start3A_114, %dma_start3A_115] : memref<10112x16xf32, #tpu.memory_space<vmem_shared>> -> memref<10112x16xf32, #tpu.memory_space<vmem_shared>>
    tpu.enqueue_indirect_dma source(%dma_start3A_116 : memref<10112x16xf32, #tpu.memory_space<vmem_shared>>) target(%arg10 : memref<128x16xf32, #tpu.memory_space<vmem>>) offsets(%dma_start3A_113 : memref<128xi32, #tpu.memory_space<vmem>>) semaphore(%arg18 : memref<!tpu.dma_semaphore, #tpu.memory_space<semaphore_mem>>)
    %dma_start3A_117 = arith.constant 1 : i32
    %dma_start3A_118 = arith.constant 0 : i32
    %dma_start3A_119 = tpu.memref_slice %arg8[%dma_start3A_117, %dma_start3A_118] : memref<80x128xi32, #tpu.memory_space<vmem>> -> memref<1x128xi32, #tpu.memory_space<vmem>>
    %dma_start3A_120 = tpu.memref_squeeze %dma_start3A_119 : memref<1x128xi32, #tpu.memory_space<vmem>> -> memref<128xi32, #tpu.memory_space<vmem>>
    %dma_start3A_121 = arith.constant 0 : i32
    %dma_start3A_122 = arith.constant 0 : i32
    %dma_start3A_123 = tpu.memref_slice %arg6[%dma_start3A_121, %dma_start3A_122] : memref<10112x16xf32, #tpu.memory_space<vmem_shared>> -> memref<10112x16xf32, #tpu.memory_space<vmem_shared>>
    tpu.enqueue_indirect_dma source(%dma_start3A_123 : memref<10112x16xf32, #tpu.memory_space<vmem_shared>>) target(%arg11 : memref<128x16xf32, #tpu.memory_space<vmem>>) offsets(%dma_start3A_120 : memref<128xi32, #tpu.memory_space<vmem>>) semaphore(%arg19 : memref<!tpu.dma_semaphore, #tpu.memory_space<semaphore_mem>>)
    %dma_start3A_124 = arith.constant 2 : i32
    %dma_start3A_125 = arith.constant 0 : i32
    %dma_start3A_126 = tpu.memref_slice %arg8[%dma_start3A_124, %dma_start3A_125] : memref<80x128xi32, #tpu.memory_space<vmem>> -> memref<1x128xi32, #tpu.memory_space<vmem>>
    %dma_start3A_127 = tpu.memref_squeeze %dma_start3A_126 : memref<1x128xi32, #tpu.memory_space<vmem>> -> memref<128xi32, #tpu.memory_space<vmem>>
    %dma_start3A_128 = arith.constant 0 : i32
    %dma_start3A_129 = arith.constant 0 : i32
    %dma_start3A_130 = tpu.memref_slice %arg6[%dma_start3A_128, %dma_start3A_129] : memref<10112x16xf32, #tpu.memory_space<vmem_shared>> -> memref<10112x16xf32, #tpu.memory_space<vmem_shared>>
    tpu.enqueue_indirect_dma source(%dma_start3A_130 : memref<10112x16xf32, #tpu.memory_space<vmem_shared>>) target(%arg12 : memref<128x16xf32, #tpu.memory_space<vmem>>) offsets(%dma_start3A_127 : memref<128xi32, #tpu.memory_space<vmem>>) semaphore(%arg20 : memref<!tpu.dma_semaphore, #tpu.memory_space<semaphore_mem>>)
    %dma_start3A_131 = arith.constant 3 : i32
    %dma_start3A_132 = arith.constant 0 : i32
    %dma_start3A_133 = tpu.memref_slice %arg8[%dma_start3A_131, %dma_start3A_132] : memref<80x128xi32, #tpu.memory_space<vmem>> -> memref<1x128xi32, #tpu.memory_space<vmem>>
    %dma_start3A_134 = tpu.memref_squeeze %dma_start3A_133 : memref<1x128xi32, #tpu.memory_space<vmem>> -> memref<128xi32, #tpu.memory_space<vmem>>
    %dma_start3A_135 = arith.constant 0 : i32
    %dma_start3A_136 = arith.constant 0 : i32
    %dma_start3A_137 = tpu.memref_slice %arg6[%dma_start3A_135, %dma_start3A_136] : memref<10112x16xf32, #tpu.memory_space<vmem_shared>> -> memref<10112x16xf32, #tpu.memory_space<vmem_shared>>
    tpu.enqueue_indirect_dma source(%dma_start3A_137 : memref<10112x16xf32, #tpu.memory_space<vmem_shared>>) target(%arg13 : memref<128x16xf32, #tpu.memory_space<vmem>>) offsets(%dma_start3A_134 : memref<128xi32, #tpu.memory_space<vmem>>) semaphore(%arg21 : memref<!tpu.dma_semaphore, #tpu.memory_space<semaphore_mem>>)
    %scan3A_138 = arith.constant 0 : i32
    %scan3A_139 = arith.constant 0 : i32
    %scan3A_140 = arith.constant 10 : i32
    %scan3A_141 = arith.addi %scan3A_139, %scan3A_140 : i32
    %scan3A_142 = arith.constant 1 : i32
    scf.for %scan3A_201 = %scan3A_139 to %scan3A_141 step %scan3A_142  : i32 {
      %mul3A_202 = arith.constant 8 : i32
      %mul3A_203 = arith.muli %scan3A_201, %mul3A_202 : i32
      %add3A_204 = arith.constant 0 : i32
      %add3A_205 = arith.addi %mul3A_203, %add3A_204 : i32
      %dma_wait3A_206 = arith.constant 0 : i32
      %dma_wait3A_207 = tpu.memref_slice %arg8[%add3A_205, %dma_wait3A_206] : memref<80x128xi32, #tpu.memory_space<vmem>> -> memref<1x128xi32, #tpu.memory_space<vmem>>
      %dma_wait3A_208 = tpu.memref_squeeze %dma_wait3A_207 : memref<1x128xi32, #tpu.memory_space<vmem>> -> memref<128xi32, #tpu.memory_space<vmem>>
      %dma_wait3A_209 = arith.constant 0 : i32
      %dma_wait3A_210 = arith.constant 0 : i32
      %dma_wait3A_211 = tpu.memref_slice %arg6[%dma_wait3A_209, %dma_wait3A_210] : memref<10112x16xf32, #tpu.memory_space<vmem_shared>> -> memref<10112x16xf32, #tpu.memory_space<vmem_shared>>
      tpu.wait_indirect_dma semaphore(%arg18 : memref<!tpu.dma_semaphore, #tpu.memory_space<semaphore_mem>>) src(%dma_wait3A_211 : memref<10112x16xf32, #tpu.memory_space<vmem_shared>>) dst(%arg10 : memref<128x16xf32, #tpu.memory_space<vmem>>)
      %dma_start3A_212 = arith.constant 0 : i32
      %dma_start3A_213 = tpu.memref_slice %arg9[%add3A_205, %dma_start3A_212] : memref<80x128xi32, #tpu.memory_space<vmem>> -> memref<1x128xi32, #tpu.memory_space<vmem>>
      %dma_start3A_214 = tpu.memref_squeeze %dma_start3A_213 : memref<1x128xi32, #tpu.memory_space<vmem>> -> memref<128xi32, #tpu.memory_space<vmem>>
      %dma_start3A_215 = arith.constant 0 : i32
      %dma_start3A_216 = arith.constant 0 : i32
      %dma_start3A_217 = tpu.memref_slice %arg7[%dma_start3A_215, %dma_start3A_216] : memref<10112x16xf32, #tpu.memory_space<vmem_shared>> -> memref<10112x16xf32, #tpu.memory_space<vmem_shared>>
      tpu.enqueue_indirect_dma source(%arg10 : memref<128x16xf32, #tpu.memory_space<vmem>>) target(%dma_start3A_217 : memref<10112x16xf32, #tpu.memory_space<vmem_shared>>) offsets(%dma_start3A_214 : memref<128xi32, #tpu.memory_space<vmem>>) semaphore(%arg26 : memref<!tpu.dma_semaphore, #tpu.memory_space<semaphore_mem>>) {add = true}
      %gt3A = arith.constant 0 : i32
      %gt3A_218 = arith.cmpi sgt, %scan3A_201, %gt3A : i32
      %convert_element_type3A = arith.extui %gt3A_218 : i1 to i32
      %cond3A = arith.constant 0 : i32
      %cond3A_219 = arith.cmpi ne, %convert_element_type3A, %cond3A : i32
      scf.if %cond3A_219 {
        %dma_wait3A_398 = arith.constant 0 : i32
        %dma_wait3A_399 = tpu.memref_slice %arg9[%add3A_205, %dma_wait3A_398] : memref<80x128xi32, #tpu.memory_space<vmem>> -> memref<1x128xi32, #tpu.memory_space<vmem>>
        %dma_wait3A_400 = tpu.memref_squeeze %dma_wait3A_399 : memref<1x128xi32, #tpu.memory_space<vmem>> -> memref<128xi32, #tpu.memory_space<vmem>>
        %dma_wait3A_401 = arith.constant 0 : i32
        %dma_wait3A_402 = arith.constant 0 : i32
        %dma_wait3A_403 = tpu.memref_slice %arg7[%dma_wait3A_401, %dma_wait3A_402] : memref<10112x16xf32, #tpu.memory_space<vmem_shared>> -> memref<10112x16xf32, #tpu.memory_space<vmem_shared>>
        tpu.wait_indirect_dma semaphore(%arg30 : memref<!tpu.dma_semaphore, #tpu.memory_space<semaphore_mem>>) src(%arg14 : memref<128x16xf32, #tpu.memory_space<vmem>>) dst(%dma_wait3A_403 : memref<10112x16xf32, #tpu.memory_space<vmem_shared>>)
      } else {
      }
      %add3A_220 = arith.constant 4 : i32
      %add3A_221 = arith.addi %add3A_205, %add3A_220 : i32
      %dma_start3A_222 = arith.constant 0 : i32
      %dma_start3A_223 = tpu.memref_slice %arg8[%add3A_221, %dma_start3A_222] : memref<80x128xi32, #tpu.memory_space<vmem>> -> memref<1x128xi32, #tpu.memory_space<vmem>>
      %dma_start3A_224 = tpu.memref_squeeze %dma_start3A_223 : memref<1x128xi32, #tpu.memory_space<vmem>> -> memref<128xi32, #tpu.memory_space<vmem>>
      %dma_start3A_225 = arith.constant 0 : i32
      %dma_start3A_226 = arith.constant 0 : i32
      %dma_start3A_227 = tpu.memref_slice %arg6[%dma_start3A_225, %dma_start3A_226] : memref<10112x16xf32, #tpu.memory_space<vmem_shared>> -> memref<10112x16xf32, #tpu.memory_space<vmem_shared>>
      tpu.enqueue_indirect_dma source(%dma_start3A_227 : memref<10112x16xf32, #tpu.memory_space<vmem_shared>>) target(%arg14 : memref<128x16xf32, #tpu.memory_space<vmem>>) offsets(%dma_start3A_224 : memref<128xi32, #tpu.memory_space<vmem>>) semaphore(%arg22 : memref<!tpu.dma_semaphore, #tpu.memory_space<semaphore_mem>>)
      %mul3A_228 = arith.constant 8 : i32
      %mul3A_229 = arith.muli %scan3A_201, %mul3A_228 : i32
      %add3A_230 = arith.constant 1 : i32
      %add3A_231 = arith.addi %mul3A_229, %add3A_230 : i32
      %dma_wait3A_232 = arith.constant 0 : i32
      %dma_wait3A_233 = tpu.memref_slice %arg8[%add3A_231, %dma_wait3A_232] : memref<80x128xi32, #tpu.memory_space<vmem>> -> memref<1x128xi32, #tpu.memory_space<vmem>>
      %dma_wait3A_234 = tpu.memref_squeeze %dma_wait3A_233 : memref<1x128xi32, #tpu.memory_space<vmem>> -> memref<128xi32, #tpu.memory_space<vmem>>
      %dma_wait3A_235 = arith.constant 0 : i32
      %dma_wait3A_236 = arith.constant 0 : i32
      %dma_wait3A_237 = tpu.memref_slice %arg6[%dma_wait3A_235, %dma_wait3A_236] : memref<10112x16xf32, #tpu.memory_space<vmem_shared>> -> memref<10112x16xf32, #tpu.memory_space<vmem_shared>>
      tpu.wait_indirect_dma semaphore(%arg19 : memref<!tpu.dma_semaphore, #tpu.memory_space<semaphore_mem>>) src(%dma_wait3A_237 : memref<10112x16xf32, #tpu.memory_space<vmem_shared>>) dst(%arg11 : memref<128x16xf32, #tpu.memory_space<vmem>>)
      %dma_start3A_238 = arith.constant 0 : i32
      %dma_start3A_239 = tpu.memref_slice %arg9[%add3A_231, %dma_start3A_238] : memref<80x128xi32, #tpu.memory_space<vmem>> -> memref<1x128xi32, #tpu.memory_space<vmem>>
      %dma_start3A_240 = tpu.memref_squeeze %dma_start3A_239 : memref<1x128xi32, #tpu.memory_space<vmem>> -> memref<128xi32, #tpu.memory_space<vmem>>
      %dma_start3A_241 = arith.constant 0 : i32
      %dma_start3A_242 = arith.constant 0 : i32
      %dma_start3A_243 = tpu.memref_slice %arg7[%dma_start3A_241, %dma_start3A_242] : memref<10112x16xf32, #tpu.memory_space<vmem_shared>> -> memref<10112x16xf32, #tpu.memory_space<vmem_shared>>
      tpu.enqueue_indirect_dma source(%arg11 : memref<128x16xf32, #tpu.memory_space<vmem>>) target(%dma_start3A_243 : memref<10112x16xf32, #tpu.memory_space<vmem_shared>>) offsets(%dma_start3A_240 : memref<128xi32, #tpu.memory_space<vmem>>) semaphore(%arg27 : memref<!tpu.dma_semaphore, #tpu.memory_space<semaphore_mem>>) {add = true}
      %gt3A_244 = arith.constant 0 : i32
      %gt3A_245 = arith.cmpi sgt, %scan3A_201, %gt3A_244 : i32
      %convert_element_type3A_246 = arith.extui %gt3A_245 : i1 to i32
      %cond3A_247 = arith.constant 0 : i32
      %cond3A_248 = arith.cmpi ne, %convert_element_type3A_246, %cond3A_247 : i32
      scf.if %cond3A_248 {
        %dma_wait3A_398 = arith.constant 0 : i32
        %dma_wait3A_399 = tpu.memref_slice %arg9[%add3A_231, %dma_wait3A_398] : memref<80x128xi32, #tpu.memory_space<vmem>> -> memref<1x128xi32, #tpu.memory_space<vmem>>
        %dma_wait3A_400 = tpu.memref_squeeze %dma_wait3A_399 : memref<1x128xi32, #tpu.memory_space<vmem>> -> memref<128xi32, #tpu.memory_space<vmem>>
        %dma_wait3A_401 = arith.constant 0 : i32
        %dma_wait3A_402 = arith.constant 0 : i32
        %dma_wait3A_403 = tpu.memref_slice %arg7[%dma_wait3A_401, %dma_wait3A_402] : memref<10112x16xf32, #tpu.memory_space<vmem_shared>> -> memref<10112x16xf32, #tpu.memory_space<vmem_shared>>
        tpu.wait_indirect_dma semaphore(%arg31 : memref<!tpu.dma_semaphore, #tpu.memory_space<semaphore_mem>>) src(%arg15 : memref<128x16xf32, #tpu.memory_space<vmem>>) dst(%dma_wait3A_403 : memref<10112x16xf32, #tpu.memory_space<vmem_shared>>)
      } else {
      }
      %add3A_249 = arith.constant 4 : i32
      %add3A_250 = arith.addi %add3A_231, %add3A_249 : i32
      %dma_start3A_251 = arith.constant 0 : i32
      %dma_start3A_252 = tpu.memref_slice %arg8[%add3A_250, %dma_start3A_251] : memref<80x128xi32, #tpu.memory_space<vmem>> -> memref<1x128xi32, #tpu.memory_space<vmem>>
      %dma_start3A_253 = tpu.memref_squeeze %dma_start3A_252 : memref<1x128xi32, #tpu.memory_space<vmem>> -> memref<128xi32, #tpu.memory_space<vmem>>
      %dma_start3A_254 = arith.constant 0 : i32
      %dma_start3A_255 = arith.constant 0 : i32
      %dma_start3A_256 = tpu.memref_slice %arg6[%dma_start3A_254, %dma_start3A_255] : memref<10112x16xf32, #tpu.memory_space<vmem_shared>> -> memref<10112x16xf32, #tpu.memory_space<vmem_shared>>
      tpu.enqueue_indirect_dma source(%dma_start3A_256 : memref<10112x16xf32, #tpu.memory_space<vmem_shared>>) target(%arg15 : memref<128x16xf32, #tpu.memory_space<vmem>>) offsets(%dma_start3A_253 : memref<128xi32, #tpu.memory_space<vmem>>) semaphore(%arg23 : memref<!tpu.dma_semaphore, #tpu.memory_space<semaphore_mem>>)
      %mul3A_257 = arith.constant 8 : i32
      %mul3A_258 = arith.muli %scan3A_201, %mul3A_257 : i32
      %add3A_259 = arith.constant 2 : i32
      %add3A_260 = arith.addi %mul3A_258, %add3A_259 : i32
      %dma_wait3A_261 = arith.constant 0 : i32
      %dma_wait3A_262 = tpu.memref_slice %arg8[%add3A_260, %dma_wait3A_261] : memref<80x128xi32, #tpu.memory_space<vmem>> -> memref<1x128xi32, #tpu.memory_space<vmem>>
      %dma_wait3A_263 = tpu.memref_squeeze %dma_wait3A_262 : memref<1x128xi32, #tpu.memory_space<vmem>> -> memref<128xi32, #tpu.memory_space<vmem>>
      %dma_wait3A_264 = arith.constant 0 : i32
      %dma_wait3A_265 = arith.constant 0 : i32
      %dma_wait3A_266 = tpu.memref_slice %arg6[%dma_wait3A_264, %dma_wait3A_265] : memref<10112x16xf32, #tpu.memory_space<vmem_shared>> -> memref<10112x16xf32, #tpu.memory_space<vmem_shared>>
      tpu.wait_indirect_dma semaphore(%arg20 : memref<!tpu.dma_semaphore, #tpu.memory_space<semaphore_mem>>) src(%dma_wait3A_266 : memref<10112x16xf32, #tpu.memory_space<vmem_shared>>) dst(%arg12 : memref<128x16xf32, #tpu.memory_space<vmem>>)
      %dma_start3A_267 = arith.constant 0 : i32
      %dma_start3A_268 = tpu.memref_slice %arg9[%add3A_260, %dma_start3A_267] : memref<80x128xi32, #tpu.memory_space<vmem>> -> memref<1x128xi32, #tpu.memory_space<vmem>>
      %dma_start3A_269 = tpu.memref_squeeze %dma_start3A_268 : memref<1x128xi32, #tpu.memory_space<vmem>> -> memref<128xi32, #tpu.memory_space<vmem>>
      %dma_start3A_270 = arith.constant 0 : i32
      %dma_start3A_271 = arith.constant 0 : i32
      %dma_start3A_272 = tpu.memref_slice %arg7[%dma_start3A_270, %dma_start3A_271] : memref<10112x16xf32, #tpu.memory_space<vmem_shared>> -> memref<10112x16xf32, #tpu.memory_space<vmem_shared>>
      tpu.enqueue_indirect_dma source(%arg12 : memref<128x16xf32, #tpu.memory_space<vmem>>) target(%dma_start3A_272 : memref<10112x16xf32, #tpu.memory_space<vmem_shared>>) offsets(%dma_start3A_269 : memref<128xi32, #tpu.memory_space<vmem>>) semaphore(%arg28 : memref<!tpu.dma_semaphore, #tpu.memory_space<semaphore_mem>>) {add = true}
      %gt3A_273 = arith.constant 0 : i32
      %gt3A_274 = arith.cmpi sgt, %scan3A_201, %gt3A_273 : i32
      %convert_element_type3A_275 = arith.extui %gt3A_274 : i1 to i32
      %cond3A_276 = arith.constant 0 : i32
      %cond3A_277 = arith.cmpi ne, %convert_element_type3A_275, %cond3A_276 : i32
      scf.if %cond3A_277 {
        %dma_wait3A_398 = arith.constant 0 : i32
        %dma_wait3A_399 = tpu.memref_slice %arg9[%add3A_260, %dma_wait3A_398] : memref<80x128xi32, #tpu.memory_space<vmem>> -> memref<1x128xi32, #tpu.memory_space<vmem>>
        %dma_wait3A_400 = tpu.memref_squeeze %dma_wait3A_399 : memref<1x128xi32, #tpu.memory_space<vmem>> -> memref<128xi32, #tpu.memory_space<vmem>>
        %dma_wait3A_401 = arith.constant 0 : i32
        %dma_wait3A_402 = arith.constant 0 : i32
        %dma_wait3A_403 = tpu.memref_slice %arg7[%dma_wait3A_401, %dma_wait3A_402] : memref<10112x16xf32, #tpu.memory_space<vmem_shared>> -> memref<10112x16xf32, #tpu.memory_space<vmem_shared>>
        tpu.wait_indirect_dma semaphore(%arg32 : memref<!tpu.dma_semaphore, #tpu.memory_space<semaphore_mem>>) src(%arg16 : memref<128x16xf32, #tpu.memory_space<vmem>>) dst(%dma_wait3A_403 : memref<10112x16xf32, #tpu.memory_space<vmem_shared>>)
      } else {
      }
      %add3A_278 = arith.constant 4 : i32
      %add3A_279 = arith.addi %add3A_260, %add3A_278 : i32
      %dma_start3A_280 = arith.constant 0 : i32
      %dma_start3A_281 = tpu.memref_slice %arg8[%add3A_279, %dma_start3A_280] : memref<80x128xi32, #tpu.memory_space<vmem>> -> memref<1x128xi32, #tpu.memory_space<vmem>>
      %dma_start3A_282 = tpu.memref_squeeze %dma_start3A_281 : memref<1x128xi32, #tpu.memory_space<vmem>> -> memref<128xi32, #tpu.memory_space<vmem>>
      %dma_start3A_283 = arith.constant 0 : i32
      %dma_start3A_284 = arith.constant 0 : i32
      %dma_start3A_285 = tpu.memref_slice %arg6[%dma_start3A_283, %dma_start3A_284] : memref<10112x16xf32, #tpu.memory_space<vmem_shared>> -> memref<10112x16xf32, #tpu.memory_space<vmem_shared>>
      tpu.enqueue_indirect_dma source(%dma_start3A_285 : memref<10112x16xf32, #tpu.memory_space<vmem_shared>>) target(%arg16 : memref<128x16xf32, #tpu.memory_space<vmem>>) offsets(%dma_start3A_282 : memref<128xi32, #tpu.memory_space<vmem>>) semaphore(%arg24 : memref<!tpu.dma_semaphore, #tpu.memory_space<semaphore_mem>>)
      %mul3A_286 = arith.constant 8 : i32
      %mul3A_287 = arith.muli %scan3A_201, %mul3A_286 : i32
      %add3A_288 = arith.constant 3 : i32
      %add3A_289 = arith.addi %mul3A_287, %add3A_288 : i32
      %dma_wait3A_290 = arith.constant 0 : i32
      %dma_wait3A_291 = tpu.memref_slice %arg8[%add3A_289, %dma_wait3A_290] : memref<80x128xi32, #tpu.memory_space<vmem>> -> memref<1x128xi32, #tpu.memory_space<vmem>>
      %dma_wait3A_292 = tpu.memref_squeeze %dma_wait3A_291 : memref<1x128xi32, #tpu.memory_space<vmem>> -> memref<128xi32, #tpu.memory_space<vmem>>
      %dma_wait3A_293 = arith.constant 0 : i32
      %dma_wait3A_294 = arith.constant 0 : i32
      %dma_wait3A_295 = tpu.memref_slice %arg6[%dma_wait3A_293, %dma_wait3A_294] : memref<10112x16xf32, #tpu.memory_space<vmem_shared>> -> memref<10112x16xf32, #tpu.memory_space<vmem_shared>>
      tpu.wait_indirect_dma semaphore(%arg21 : memref<!tpu.dma_semaphore, #tpu.memory_space<semaphore_mem>>) src(%dma_wait3A_295 : memref<10112x16xf32, #tpu.memory_space<vmem_shared>>) dst(%arg13 : memref<128x16xf32, #tpu.memory_space<vmem>>)
      %dma_start3A_296 = arith.constant 0 : i32
      %dma_start3A_297 = tpu.memref_slice %arg9[%add3A_289, %dma_start3A_296] : memref<80x128xi32, #tpu.memory_space<vmem>> -> memref<1x128xi32, #tpu.memory_space<vmem>>
      %dma_start3A_298 = tpu.memref_squeeze %dma_start3A_297 : memref<1x128xi32, #tpu.memory_space<vmem>> -> memref<128xi32, #tpu.memory_space<vmem>>
      %dma_start3A_299 = arith.constant 0 : i32
      %dma_start3A_300 = arith.constant 0 : i32
      %dma_start3A_301 = tpu.memref_slice %arg7[%dma_start3A_299, %dma_start3A_300] : memref<10112x16xf32, #tpu.memory_space<vmem_shared>> -> memref<10112x16xf32, #tpu.memory_space<vmem_shared>>
      tpu.enqueue_indirect_dma source(%arg13 : memref<128x16xf32, #tpu.memory_space<vmem>>) target(%dma_start3A_301 : memref<10112x16xf32, #tpu.memory_space<vmem_shared>>) offsets(%dma_start3A_298 : memref<128xi32, #tpu.memory_space<vmem>>) semaphore(%arg29 : memref<!tpu.dma_semaphore, #tpu.memory_space<semaphore_mem>>) {add = true}
      %gt3A_302 = arith.constant 0 : i32
      %gt3A_303 = arith.cmpi sgt, %scan3A_201, %gt3A_302 : i32
      %convert_element_type3A_304 = arith.extui %gt3A_303 : i1 to i32
      %cond3A_305 = arith.constant 0 : i32
      %cond3A_306 = arith.cmpi ne, %convert_element_type3A_304, %cond3A_305 : i32
      scf.if %cond3A_306 {
        %dma_wait3A_398 = arith.constant 0 : i32
        %dma_wait3A_399 = tpu.memref_slice %arg9[%add3A_289, %dma_wait3A_398] : memref<80x128xi32, #tpu.memory_space<vmem>> -> memref<1x128xi32, #tpu.memory_space<vmem>>
        %dma_wait3A_400 = tpu.memref_squeeze %dma_wait3A_399 : memref<1x128xi32, #tpu.memory_space<vmem>> -> memref<128xi32, #tpu.memory_space<vmem>>
        %dma_wait3A_401 = arith.constant 0 : i32
        %dma_wait3A_402 = arith.constant 0 : i32
        %dma_wait3A_403 = tpu.memref_slice %arg7[%dma_wait3A_401, %dma_wait3A_402] : memref<10112x16xf32, #tpu.memory_space<vmem_shared>> -> memref<10112x16xf32, #tpu.memory_space<vmem_shared>>
        tpu.wait_indirect_dma semaphore(%arg33 : memref<!tpu.dma_semaphore, #tpu.memory_space<semaphore_mem>>) src(%arg17 : memref<128x16xf32, #tpu.memory_space<vmem>>) dst(%dma_wait3A_403 : memref<10112x16xf32, #tpu.memory_space<vmem_shared>>)
      } else {
      }
      %add3A_307 = arith.constant 4 : i32
      %add3A_308 = arith.addi %add3A_289, %add3A_307 : i32
      %dma_start3A_309 = arith.constant 0 : i32
      %dma_start3A_310 = tpu.memref_slice %arg8[%add3A_308, %dma_start3A_309] : memref<80x128xi32, #tpu.memory_space<vmem>> -> memref<1x128xi32, #tpu.memory_space<vmem>>
      %dma_start3A_311 = tpu.memref_squeeze %dma_start3A_310 : memref<1x128xi32, #tpu.memory_space<vmem>> -> memref<128xi32, #tpu.memory_space<vmem>>
      %dma_start3A_312 = arith.constant 0 : i32
      %dma_start3A_313 = arith.constant 0 : i32
      %dma_start3A_314 = tpu.memref_slice %arg6[%dma_start3A_312, %dma_start3A_313] : memref<10112x16xf32, #tpu.memory_space<vmem_shared>> -> memref<10112x16xf32, #tpu.memory_space<vmem_shared>>
      tpu.enqueue_indirect_dma source(%dma_start3A_314 : memref<10112x16xf32, #tpu.memory_space<vmem_shared>>) target(%arg17 : memref<128x16xf32, #tpu.memory_space<vmem>>) offsets(%dma_start3A_311 : memref<128xi32, #tpu.memory_space<vmem>>) semaphore(%arg25 : memref<!tpu.dma_semaphore, #tpu.memory_space<semaphore_mem>>)
      %mul3A_315 = arith.constant 8 : i32
      %mul3A_316 = arith.muli %scan3A_201, %mul3A_315 : i32
      %add3A_317 = arith.constant 4 : i32
      %add3A_318 = arith.addi %mul3A_316, %add3A_317 : i32
      %dma_wait3A_319 = arith.constant 0 : i32
      %dma_wait3A_320 = tpu.memref_slice %arg8[%add3A_318, %dma_wait3A_319] : memref<80x128xi32, #tpu.memory_space<vmem>> -> memref<1x128xi32, #tpu.memory_space<vmem>>
      %dma_wait3A_321 = tpu.memref_squeeze %dma_wait3A_320 : memref<1x128xi32, #tpu.memory_space<vmem>> -> memref<128xi32, #tpu.memory_space<vmem>>
      %dma_wait3A_322 = arith.constant 0 : i32
      %dma_wait3A_323 = arith.constant 0 : i32
      %dma_wait3A_324 = tpu.memref_slice %arg6[%dma_wait3A_322, %dma_wait3A_323] : memref<10112x16xf32, #tpu.memory_space<vmem_shared>> -> memref<10112x16xf32, #tpu.memory_space<vmem_shared>>
      tpu.wait_indirect_dma semaphore(%arg22 : memref<!tpu.dma_semaphore, #tpu.memory_space<semaphore_mem>>) src(%dma_wait3A_324 : memref<10112x16xf32, #tpu.memory_space<vmem_shared>>) dst(%arg14 : memref<128x16xf32, #tpu.memory_space<vmem>>)
      %dma_start3A_325 = arith.constant 0 : i32
      %dma_start3A_326 = tpu.memref_slice %arg9[%add3A_318, %dma_start3A_325] : memref<80x128xi32, #tpu.memory_space<vmem>> -> memref<1x128xi32, #tpu.memory_space<vmem>>
      %dma_start3A_327 = tpu.memref_squeeze %dma_start3A_326 : memref<1x128xi32, #tpu.memory_space<vmem>> -> memref<128xi32, #tpu.memory_space<vmem>>
      %dma_start3A_328 = arith.constant 0 : i32
      %dma_start3A_329 = arith.constant 0 : i32
      %dma_start3A_330 = tpu.memref_slice %arg7[%dma_start3A_328, %dma_start3A_329] : memref<10112x16xf32, #tpu.memory_space<vmem_shared>> -> memref<10112x16xf32, #tpu.memory_space<vmem_shared>>
      tpu.enqueue_indirect_dma source(%arg14 : memref<128x16xf32, #tpu.memory_space<vmem>>) target(%dma_start3A_330 : memref<10112x16xf32, #tpu.memory_space<vmem_shared>>) offsets(%dma_start3A_327 : memref<128xi32, #tpu.memory_space<vmem>>) semaphore(%arg30 : memref<!tpu.dma_semaphore, #tpu.memory_space<semaphore_mem>>) {add = true}
      %lt3A = arith.constant 9 : i32
      %lt3A_331 = arith.cmpi slt, %scan3A_201, %lt3A : i32
      %convert_element_type3A_332 = arith.extui %lt3A_331 : i1 to i32
      %cond3A_333 = arith.constant 0 : i32
      %cond3A_334 = arith.cmpi ne, %convert_element_type3A_332, %cond3A_333 : i32
      scf.if %cond3A_334 {
        %dma_wait3A_398 = arith.constant 0 : i32
        %dma_wait3A_399 = tpu.memref_slice %arg9[%add3A_318, %dma_wait3A_398] : memref<80x128xi32, #tpu.memory_space<vmem>> -> memref<1x128xi32, #tpu.memory_space<vmem>>
        %dma_wait3A_400 = tpu.memref_squeeze %dma_wait3A_399 : memref<1x128xi32, #tpu.memory_space<vmem>> -> memref<128xi32, #tpu.memory_space<vmem>>
        %dma_wait3A_401 = arith.constant 0 : i32
        %dma_wait3A_402 = arith.constant 0 : i32
        %dma_wait3A_403 = tpu.memref_slice %arg7[%dma_wait3A_401, %dma_wait3A_402] : memref<10112x16xf32, #tpu.memory_space<vmem_shared>> -> memref<10112x16xf32, #tpu.memory_space<vmem_shared>>
        tpu.wait_indirect_dma semaphore(%arg26 : memref<!tpu.dma_semaphore, #tpu.memory_space<semaphore_mem>>) src(%arg10 : memref<128x16xf32, #tpu.memory_space<vmem>>) dst(%dma_wait3A_403 : memref<10112x16xf32, #tpu.memory_space<vmem_shared>>)
        %add3A_404 = arith.constant 4 : i32
        %add3A_405 = arith.addi %add3A_318, %add3A_404 : i32
        %dma_start3A_406 = arith.constant 0 : i32
        %dma_start3A_407 = tpu.memref_slice %arg8[%add3A_405, %dma_start3A_406] : memref<80x128xi32, #tpu.memory_space<vmem>> -> memref<1x128xi32, #tpu.memory_space<vmem>>
        %dma_start3A_408 = tpu.memref_squeeze %dma_start3A_407 : memref<1x128xi32, #tpu.memory_space<vmem>> -> memref<128xi32, #tpu.memory_space<vmem>>
        %dma_start3A_409 = arith.constant 0 : i32
        %dma_start3A_410 = arith.constant 0 : i32
        %dma_start3A_411 = tpu.memref_slice %arg6[%dma_start3A_409, %dma_start3A_410] : memref<10112x16xf32, #tpu.memory_space<vmem_shared>> -> memref<10112x16xf32, #tpu.memory_space<vmem_shared>>
        tpu.enqueue_indirect_dma source(%dma_start3A_411 : memref<10112x16xf32, #tpu.memory_space<vmem_shared>>) target(%arg10 : memref<128x16xf32, #tpu.memory_space<vmem>>) offsets(%dma_start3A_408 : memref<128xi32, #tpu.memory_space<vmem>>) semaphore(%arg18 : memref<!tpu.dma_semaphore, #tpu.memory_space<semaphore_mem>>)
      } else {
      }
      %mul3A_335 = arith.constant 8 : i32
      %mul3A_336 = arith.muli %scan3A_201, %mul3A_335 : i32
      %add3A_337 = arith.constant 5 : i32
      %add3A_338 = arith.addi %mul3A_336, %add3A_337 : i32
      %dma_wait3A_339 = arith.constant 0 : i32
      %dma_wait3A_340 = tpu.memref_slice %arg8[%add3A_338, %dma_wait3A_339] : memref<80x128xi32, #tpu.memory_space<vmem>> -> memref<1x128xi32, #tpu.memory_space<vmem>>
      %dma_wait3A_341 = tpu.memref_squeeze %dma_wait3A_340 : memref<1x128xi32, #tpu.memory_space<vmem>> -> memref<128xi32, #tpu.memory_space<vmem>>
      %dma_wait3A_342 = arith.constant 0 : i32
      %dma_wait3A_343 = arith.constant 0 : i32
      %dma_wait3A_344 = tpu.memref_slice %arg6[%dma_wait3A_342, %dma_wait3A_343] : memref<10112x16xf32, #tpu.memory_space<vmem_shared>> -> memref<10112x16xf32, #tpu.memory_space<vmem_shared>>
      tpu.wait_indirect_dma semaphore(%arg23 : memref<!tpu.dma_semaphore, #tpu.memory_space<semaphore_mem>>) src(%dma_wait3A_344 : memref<10112x16xf32, #tpu.memory_space<vmem_shared>>) dst(%arg15 : memref<128x16xf32, #tpu.memory_space<vmem>>)
      %dma_start3A_345 = arith.constant 0 : i32
      %dma_start3A_346 = tpu.memref_slice %arg9[%add3A_338, %dma_start3A_345] : memref<80x128xi32, #tpu.memory_space<vmem>> -> memref<1x128xi32, #tpu.memory_space<vmem>>
      %dma_start3A_347 = tpu.memref_squeeze %dma_start3A_346 : memref<1x128xi32, #tpu.memory_space<vmem>> -> memref<128xi32, #tpu.memory_space<vmem>>
      %dma_start3A_348 = arith.constant 0 : i32
      %dma_start3A_349 = arith.constant 0 : i32
      %dma_start3A_350 = tpu.memref_slice %arg7[%dma_start3A_348, %dma_start3A_349] : memref<10112x16xf32, #tpu.memory_space<vmem_shared>> -> memref<10112x16xf32, #tpu.memory_space<vmem_shared>>
      tpu.enqueue_indirect_dma source(%arg15 : memref<128x16xf32, #tpu.memory_space<vmem>>) target(%dma_start3A_350 : memref<10112x16xf32, #tpu.memory_space<vmem_shared>>) offsets(%dma_start3A_347 : memref<128xi32, #tpu.memory_space<vmem>>) semaphore(%arg31 : memref<!tpu.dma_semaphore, #tpu.memory_space<semaphore_mem>>) {add = true}
      %lt3A_351 = arith.constant 9 : i32
      %lt3A_352 = arith.cmpi slt, %scan3A_201, %lt3A_351 : i32
      %convert_element_type3A_353 = arith.extui %lt3A_352 : i1 to i32
      %cond3A_354 = arith.constant 0 : i32
      %cond3A_355 = arith.cmpi ne, %convert_element_type3A_353, %cond3A_354 : i32
      scf.if %cond3A_355 {
        %dma_wait3A_398 = arith.constant 0 : i32
        %dma_wait3A_399 = tpu.memref_slice %arg9[%add3A_338, %dma_wait3A_398] : memref<80x128xi32, #tpu.memory_space<vmem>> -> memref<1x128xi32, #tpu.memory_space<vmem>>
        %dma_wait3A_400 = tpu.memref_squeeze %dma_wait3A_399 : memref<1x128xi32, #tpu.memory_space<vmem>> -> memref<128xi32, #tpu.memory_space<vmem>>
        %dma_wait3A_401 = arith.constant 0 : i32
        %dma_wait3A_402 = arith.constant 0 : i32
        %dma_wait3A_403 = tpu.memref_slice %arg7[%dma_wait3A_401, %dma_wait3A_402] : memref<10112x16xf32, #tpu.memory_space<vmem_shared>> -> memref<10112x16xf32, #tpu.memory_space<vmem_shared>>
        tpu.wait_indirect_dma semaphore(%arg27 : memref<!tpu.dma_semaphore, #tpu.memory_space<semaphore_mem>>) src(%arg11 : memref<128x16xf32, #tpu.memory_space<vmem>>) dst(%dma_wait3A_403 : memref<10112x16xf32, #tpu.memory_space<vmem_shared>>)
        %add3A_404 = arith.constant 4 : i32
        %add3A_405 = arith.addi %add3A_338, %add3A_404 : i32
        %dma_start3A_406 = arith.constant 0 : i32
        %dma_start3A_407 = tpu.memref_slice %arg8[%add3A_405, %dma_start3A_406] : memref<80x128xi32, #tpu.memory_space<vmem>> -> memref<1x128xi32, #tpu.memory_space<vmem>>
        %dma_start3A_408 = tpu.memref_squeeze %dma_start3A_407 : memref<1x128xi32, #tpu.memory_space<vmem>> -> memref<128xi32, #tpu.memory_space<vmem>>
        %dma_start3A_409 = arith.constant 0 : i32
        %dma_start3A_410 = arith.constant 0 : i32
        %dma_start3A_411 = tpu.memref_slice %arg6[%dma_start3A_409, %dma_start3A_410] : memref<10112x16xf32, #tpu.memory_space<vmem_shared>> -> memref<10112x16xf32, #tpu.memory_space<vmem_shared>>
        tpu.enqueue_indirect_dma source(%dma_start3A_411 : memref<10112x16xf32, #tpu.memory_space<vmem_shared>>) target(%arg11 : memref<128x16xf32, #tpu.memory_space<vmem>>) offsets(%dma_start3A_408 : memref<128xi32, #tpu.memory_space<vmem>>) semaphore(%arg19 : memref<!tpu.dma_semaphore, #tpu.memory_space<semaphore_mem>>)
      } else {
      }
      %mul3A_356 = arith.constant 8 : i32
      %mul3A_357 = arith.muli %scan3A_201, %mul3A_356 : i32
      %add3A_358 = arith.constant 6 : i32
      %add3A_359 = arith.addi %mul3A_357, %add3A_358 : i32
      %dma_wait3A_360 = arith.constant 0 : i32
      %dma_wait3A_361 = tpu.memref_slice %arg8[%add3A_359, %dma_wait3A_360] : memref<80x128xi32, #tpu.memory_space<vmem>> -> memref<1x128xi32, #tpu.memory_space<vmem>>
      %dma_wait3A_362 = tpu.memref_squeeze %dma_wait3A_361 : memref<1x128xi32, #tpu.memory_space<vmem>> -> memref<128xi32, #tpu.memory_space<vmem>>
      %dma_wait3A_363 = arith.constant 0 : i32
      %dma_wait3A_364 = arith.constant 0 : i32
      %dma_wait3A_365 = tpu.memref_slice %arg6[%dma_wait3A_363, %dma_wait3A_364] : memref<10112x16xf32, #tpu.memory_space<vmem_shared>> -> memref<10112x16xf32, #tpu.memory_space<vmem_shared>>
      tpu.wait_indirect_dma semaphore(%arg24 : memref<!tpu.dma_semaphore, #tpu.memory_space<semaphore_mem>>) src(%dma_wait3A_365 : memref<10112x16xf32, #tpu.memory_space<vmem_shared>>) dst(%arg16 : memref<128x16xf32, #tpu.memory_space<vmem>>)
      %dma_start3A_366 = arith.constant 0 : i32
      %dma_start3A_367 = tpu.memref_slice %arg9[%add3A_359, %dma_start3A_366] : memref<80x128xi32, #tpu.memory_space<vmem>> -> memref<1x128xi32, #tpu.memory_space<vmem>>
      %dma_start3A_368 = tpu.memref_squeeze %dma_start3A_367 : memref<1x128xi32, #tpu.memory_space<vmem>> -> memref<128xi32, #tpu.memory_space<vmem>>
      %dma_start3A_369 = arith.constant 0 : i32
      %dma_start3A_370 = arith.constant 0 : i32
      %dma_start3A_371 = tpu.memref_slice %arg7[%dma_start3A_369, %dma_start3A_370] : memref<10112x16xf32, #tpu.memory_space<vmem_shared>> -> memref<10112x16xf32, #tpu.memory_space<vmem_shared>>
      tpu.enqueue_indirect_dma source(%arg16 : memref<128x16xf32, #tpu.memory_space<vmem>>) target(%dma_start3A_371 : memref<10112x16xf32, #tpu.memory_space<vmem_shared>>) offsets(%dma_start3A_368 : memref<128xi32, #tpu.memory_space<vmem>>) semaphore(%arg32 : memref<!tpu.dma_semaphore, #tpu.memory_space<semaphore_mem>>) {add = true}
      %lt3A_372 = arith.constant 9 : i32
      %lt3A_373 = arith.cmpi slt, %scan3A_201, %lt3A_372 : i32
      %convert_element_type3A_374 = arith.extui %lt3A_373 : i1 to i32
      %cond3A_375 = arith.constant 0 : i32
      %cond3A_376 = arith.cmpi ne, %convert_element_type3A_374, %cond3A_375 : i32
      scf.if %cond3A_376 {
        %dma_wait3A_398 = arith.constant 0 : i32
        %dma_wait3A_399 = tpu.memref_slice %arg9[%add3A_359, %dma_wait3A_398] : memref<80x128xi32, #tpu.memory_space<vmem>> -> memref<1x128xi32, #tpu.memory_space<vmem>>
        %dma_wait3A_400 = tpu.memref_squeeze %dma_wait3A_399 : memref<1x128xi32, #tpu.memory_space<vmem>> -> memref<128xi32, #tpu.memory_space<vmem>>
        %dma_wait3A_401 = arith.constant 0 : i32
        %dma_wait3A_402 = arith.constant 0 : i32
        %dma_wait3A_403 = tpu.memref_slice %arg7[%dma_wait3A_401, %dma_wait3A_402] : memref<10112x16xf32, #tpu.memory_space<vmem_shared>> -> memref<10112x16xf32, #tpu.memory_space<vmem_shared>>
        tpu.wait_indirect_dma semaphore(%arg28 : memref<!tpu.dma_semaphore, #tpu.memory_space<semaphore_mem>>) src(%arg12 : memref<128x16xf32, #tpu.memory_space<vmem>>) dst(%dma_wait3A_403 : memref<10112x16xf32, #tpu.memory_space<vmem_shared>>)
        %add3A_404 = arith.constant 4 : i32
        %add3A_405 = arith.addi %add3A_359, %add3A_404 : i32
        %dma_start3A_406 = arith.constant 0 : i32
        %dma_start3A_407 = tpu.memref_slice %arg8[%add3A_405, %dma_start3A_406] : memref<80x128xi32, #tpu.memory_space<vmem>> -> memref<1x128xi32, #tpu.memory_space<vmem>>
        %dma_start3A_408 = tpu.memref_squeeze %dma_start3A_407 : memref<1x128xi32, #tpu.memory_space<vmem>> -> memref<128xi32, #tpu.memory_space<vmem>>
        %dma_start3A_409 = arith.constant 0 : i32
        %dma_start3A_410 = arith.constant 0 : i32
        %dma_start3A_411 = tpu.memref_slice %arg6[%dma_start3A_409, %dma_start3A_410] : memref<10112x16xf32, #tpu.memory_space<vmem_shared>> -> memref<10112x16xf32, #tpu.memory_space<vmem_shared>>
        tpu.enqueue_indirect_dma source(%dma_start3A_411 : memref<10112x16xf32, #tpu.memory_space<vmem_shared>>) target(%arg12 : memref<128x16xf32, #tpu.memory_space<vmem>>) offsets(%dma_start3A_408 : memref<128xi32, #tpu.memory_space<vmem>>) semaphore(%arg20 : memref<!tpu.dma_semaphore, #tpu.memory_space<semaphore_mem>>)
      } else {
      }
      %mul3A_377 = arith.constant 8 : i32
      %mul3A_378 = arith.muli %scan3A_201, %mul3A_377 : i32
      %add3A_379 = arith.constant 7 : i32
      %add3A_380 = arith.addi %mul3A_378, %add3A_379 : i32
      %dma_wait3A_381 = arith.constant 0 : i32
      %dma_wait3A_382 = tpu.memref_slice %arg8[%add3A_380, %dma_wait3A_381] : memref<80x128xi32, #tpu.memory_space<vmem>> -> memref<1x128xi32, #tpu.memory_space<vmem>>
      %dma_wait3A_383 = tpu.memref_squeeze %dma_wait3A_382 : memref<1x128xi32, #tpu.memory_space<vmem>> -> memref<128xi32, #tpu.memory_space<vmem>>
      %dma_wait3A_384 = arith.constant 0 : i32
      %dma_wait3A_385 = arith.constant 0 : i32
      %dma_wait3A_386 = tpu.memref_slice %arg6[%dma_wait3A_384, %dma_wait3A_385] : memref<10112x16xf32, #tpu.memory_space<vmem_shared>> -> memref<10112x16xf32, #tpu.memory_space<vmem_shared>>
      tpu.wait_indirect_dma semaphore(%arg25 : memref<!tpu.dma_semaphore, #tpu.memory_space<semaphore_mem>>) src(%dma_wait3A_386 : memref<10112x16xf32, #tpu.memory_space<vmem_shared>>) dst(%arg17 : memref<128x16xf32, #tpu.memory_space<vmem>>)
      %dma_start3A_387 = arith.constant 0 : i32
      %dma_start3A_388 = tpu.memref_slice %arg9[%add3A_380, %dma_start3A_387] : memref<80x128xi32, #tpu.memory_space<vmem>> -> memref<1x128xi32, #tpu.memory_space<vmem>>
      %dma_start3A_389 = tpu.memref_squeeze %dma_start3A_388 : memref<1x128xi32, #tpu.memory_space<vmem>> -> memref<128xi32, #tpu.memory_space<vmem>>
      %dma_start3A_390 = arith.constant 0 : i32
      %dma_start3A_391 = arith.constant 0 : i32
      %dma_start3A_392 = tpu.memref_slice %arg7[%dma_start3A_390, %dma_start3A_391] : memref<10112x16xf32, #tpu.memory_space<vmem_shared>> -> memref<10112x16xf32, #tpu.memory_space<vmem_shared>>
      tpu.enqueue_indirect_dma source(%arg17 : memref<128x16xf32, #tpu.memory_space<vmem>>) target(%dma_start3A_392 : memref<10112x16xf32, #tpu.memory_space<vmem_shared>>) offsets(%dma_start3A_389 : memref<128xi32, #tpu.memory_space<vmem>>) semaphore(%arg33 : memref<!tpu.dma_semaphore, #tpu.memory_space<semaphore_mem>>) {add = true}
      %lt3A_393 = arith.constant 9 : i32
      %lt3A_394 = arith.cmpi slt, %scan3A_201, %lt3A_393 : i32
      %convert_element_type3A_395 = arith.extui %lt3A_394 : i1 to i32
      %cond3A_396 = arith.constant 0 : i32
      %cond3A_397 = arith.cmpi ne, %convert_element_type3A_395, %cond3A_396 : i32
      scf.if %cond3A_397 {
        %dma_wait3A_398 = arith.constant 0 : i32
        %dma_wait3A_399 = tpu.memref_slice %arg9[%add3A_380, %dma_wait3A_398] : memref<80x128xi32, #tpu.memory_space<vmem>> -> memref<1x128xi32, #tpu.memory_space<vmem>>
        %dma_wait3A_400 = tpu.memref_squeeze %dma_wait3A_399 : memref<1x128xi32, #tpu.memory_space<vmem>> -> memref<128xi32, #tpu.memory_space<vmem>>
        %dma_wait3A_401 = arith.constant 0 : i32
        %dma_wait3A_402 = arith.constant 0 : i32
        %dma_wait3A_403 = tpu.memref_slice %arg7[%dma_wait3A_401, %dma_wait3A_402] : memref<10112x16xf32, #tpu.memory_space<vmem_shared>> -> memref<10112x16xf32, #tpu.memory_space<vmem_shared>>
        tpu.wait_indirect_dma semaphore(%arg29 : memref<!tpu.dma_semaphore, #tpu.memory_space<semaphore_mem>>) src(%arg13 : memref<128x16xf32, #tpu.memory_space<vmem>>) dst(%dma_wait3A_403 : memref<10112x16xf32, #tpu.memory_space<vmem_shared>>)
        %add3A_404 = arith.constant 4 : i32
        %add3A_405 = arith.addi %add3A_380, %add3A_404 : i32
        %dma_start3A_406 = arith.constant 0 : i32
        %dma_start3A_407 = tpu.memref_slice %arg8[%add3A_405, %dma_start3A_406] : memref<80x128xi32, #tpu.memory_space<vmem>> -> memref<1x128xi32, #tpu.memory_space<vmem>>
        %dma_start3A_408 = tpu.memref_squeeze %dma_start3A_407 : memref<1x128xi32, #tpu.memory_space<vmem>> -> memref<128xi32, #tpu.memory_space<vmem>>
        %dma_start3A_409 = arith.constant 0 : i32
        %dma_start3A_410 = arith.constant 0 : i32
        %dma_start3A_411 = tpu.memref_slice %arg6[%dma_start3A_409, %dma_start3A_410] : memref<10112x16xf32, #tpu.memory_space<vmem_shared>> -> memref<10112x16xf32, #tpu.memory_space<vmem_shared>>
        tpu.enqueue_indirect_dma source(%dma_start3A_411 : memref<10112x16xf32, #tpu.memory_space<vmem_shared>>) target(%arg13 : memref<128x16xf32, #tpu.memory_space<vmem>>) offsets(%dma_start3A_408 : memref<128xi32, #tpu.memory_space<vmem>>) semaphore(%arg21 : memref<!tpu.dma_semaphore, #tpu.memory_space<semaphore_mem>>)
      } else {
      }
    }
    %scan3A_143 = arith.constant 10 : i32
    %dma_wait3A_144 = arith.constant 0 : i32
    %dma_wait3A_145 = arith.constant 0 : i32
    %dma_wait3A_146 = tpu.memref_slice %arg9[%dma_wait3A_144, %dma_wait3A_145] : memref<80x128xi32, #tpu.memory_space<vmem>> -> memref<1x128xi32, #tpu.memory_space<vmem>>
    %dma_wait3A_147 = tpu.memref_squeeze %dma_wait3A_146 : memref<1x128xi32, #tpu.memory_space<vmem>> -> memref<128xi32, #tpu.memory_space<vmem>>
    %dma_wait3A_148 = arith.constant 0 : i32
    %dma_wait3A_149 = arith.constant 0 : i32
    %dma_wait3A_150 = tpu.memref_slice %arg7[%dma_wait3A_148, %dma_wait3A_149] : memref<10112x16xf32, #tpu.memory_space<vmem_shared>> -> memref<10112x16xf32, #tpu.memory_space<vmem_shared>>
    tpu.wait_indirect_dma semaphore(%arg26 : memref<!tpu.dma_semaphore, #tpu.memory_space<semaphore_mem>>) src(%arg10 : memref<128x16xf32, #tpu.memory_space<vmem>>) dst(%dma_wait3A_150 : memref<10112x16xf32, #tpu.memory_space<vmem_shared>>)
    %dma_wait3A_151 = arith.constant 0 : i32
    %dma_wait3A_152 = arith.constant 0 : i32
    %dma_wait3A_153 = tpu.memref_slice %arg9[%dma_wait3A_151, %dma_wait3A_152] : memref<80x128xi32, #tpu.memory_space<vmem>> -> memref<1x128xi32, #tpu.memory_space<vmem>>
    %dma_wait3A_154 = tpu.memref_squeeze %dma_wait3A_153 : memref<1x128xi32, #tpu.memory_space<vmem>> -> memref<128xi32, #tpu.memory_space<vmem>>
    %dma_wait3A_155 = arith.constant 0 : i32
    %dma_wait3A_156 = arith.constant 0 : i32
    %dma_wait3A_157 = tpu.memref_slice %arg7[%dma_wait3A_155, %dma_wait3A_156] : memref<10112x16xf32, #tpu.memory_space<vmem_shared>> -> memref<10112x16xf32, #tpu.memory_space<vmem_shared>>
    tpu.wait_indirect_dma semaphore(%arg27 : memref<!tpu.dma_semaphore, #tpu.memory_space<semaphore_mem>>) src(%arg11 : memref<128x16xf32, #tpu.memory_space<vmem>>) dst(%dma_wait3A_157 : memref<10112x16xf32, #tpu.memory_space<vmem_shared>>)
    %dma_wait3A_158 = arith.constant 0 : i32
    %dma_wait3A_159 = arith.constant 0 : i32
    %dma_wait3A_160 = tpu.memref_slice %arg9[%dma_wait3A_158, %dma_wait3A_159] : memref<80x128xi32, #tpu.memory_space<vmem>> -> memref<1x128xi32, #tpu.memory_space<vmem>>
    %dma_wait3A_161 = tpu.memref_squeeze %dma_wait3A_160 : memref<1x128xi32, #tpu.memory_space<vmem>> -> memref<128xi32, #tpu.memory_space<vmem>>
    %dma_wait3A_162 = arith.constant 0 : i32
    %dma_wait3A_163 = arith.constant 0 : i32
    %dma_wait3A_164 = tpu.memref_slice %arg7[%dma_wait3A_162, %dma_wait3A_163] : memref<10112x16xf32, #tpu.memory_space<vmem_shared>> -> memref<10112x16xf32, #tpu.memory_space<vmem_shared>>
    tpu.wait_indirect_dma semaphore(%arg28 : memref<!tpu.dma_semaphore, #tpu.memory_space<semaphore_mem>>) src(%arg12 : memref<128x16xf32, #tpu.memory_space<vmem>>) dst(%dma_wait3A_164 : memref<10112x16xf32, #tpu.memory_space<vmem_shared>>)
    %dma_wait3A_165 = arith.constant 0 : i32
    %dma_wait3A_166 = arith.constant 0 : i32
    %dma_wait3A_167 = tpu.memref_slice %arg9[%dma_wait3A_165, %dma_wait3A_166] : memref<80x128xi32, #tpu.memory_space<vmem>> -> memref<1x128xi32, #tpu.memory_space<vmem>>
    %dma_wait3A_168 = tpu.memref_squeeze %dma_wait3A_167 : memref<1x128xi32, #tpu.memory_space<vmem>> -> memref<128xi32, #tpu.memory_space<vmem>>
    %dma_wait3A_169 = arith.constant 0 : i32
    %dma_wait3A_170 = arith.constant 0 : i32
    %dma_wait3A_171 = tpu.memref_slice %arg7[%dma_wait3A_169, %dma_wait3A_170] : memref<10112x16xf32, #tpu.memory_space<vmem_shared>> -> memref<10112x16xf32, #tpu.memory_space<vmem_shared>>
    tpu.wait_indirect_dma semaphore(%arg29 : memref<!tpu.dma_semaphore, #tpu.memory_space<semaphore_mem>>) src(%arg13 : memref<128x16xf32, #tpu.memory_space<vmem>>) dst(%dma_wait3A_171 : memref<10112x16xf32, #tpu.memory_space<vmem_shared>>)
    %dma_wait3A_172 = arith.constant 0 : i32
    %dma_wait3A_173 = arith.constant 0 : i32
    %dma_wait3A_174 = tpu.memref_slice %arg9[%dma_wait3A_172, %dma_wait3A_173] : memref<80x128xi32, #tpu.memory_space<vmem>> -> memref<1x128xi32, #tpu.memory_space<vmem>>
    %dma_wait3A_175 = tpu.memref_squeeze %dma_wait3A_174 : memref<1x128xi32, #tpu.memory_space<vmem>> -> memref<128xi32, #tpu.memory_space<vmem>>
    %dma_wait3A_176 = arith.constant 0 : i32
    %dma_wait3A_177 = arith.constant 0 : i32
    %dma_wait3A_178 = tpu.memref_slice %arg7[%dma_wait3A_176, %dma_wait3A_177] : memref<10112x16xf32, #tpu.memory_space<vmem_shared>> -> memref<10112x16xf32, #tpu.memory_space<vmem_shared>>
    tpu.wait_indirect_dma semaphore(%arg30 : memref<!tpu.dma_semaphore, #tpu.memory_space<semaphore_mem>>) src(%arg14 : memref<128x16xf32, #tpu.memory_space<vmem>>) dst(%dma_wait3A_178 : memref<10112x16xf32, #tpu.memory_space<vmem_shared>>)
    %dma_wait3A_179 = arith.constant 0 : i32
    %dma_wait3A_180 = arith.constant 0 : i32
    %dma_wait3A_181 = tpu.memref_slice %arg9[%dma_wait3A_179, %dma_wait3A_180] : memref<80x128xi32, #tpu.memory_space<vmem>> -> memref<1x128xi32, #tpu.memory_space<vmem>>
    %dma_wait3A_182 = tpu.memref_squeeze %dma_wait3A_181 : memref<1x128xi32, #tpu.memory_space<vmem>> -> memref<128xi32, #tpu.memory_space<vmem>>
    %dma_wait3A_183 = arith.constant 0 : i32
    %dma_wait3A_184 = arith.constant 0 : i32
    %dma_wait3A_185 = tpu.memref_slice %arg7[%dma_wait3A_183, %dma_wait3A_184] : memref<10112x16xf32, #tpu.memory_space<vmem_shared>> -> memref<10112x16xf32, #tpu.memory_space<vmem_shared>>
    tpu.wait_indirect_dma semaphore(%arg31 : memref<!tpu.dma_semaphore, #tpu.memory_space<semaphore_mem>>) src(%arg15 : memref<128x16xf32, #tpu.memory_space<vmem>>) dst(%dma_wait3A_185 : memref<10112x16xf32, #tpu.memory_space<vmem_shared>>)
    %dma_wait3A_186 = arith.constant 0 : i32
    %dma_wait3A_187 = arith.constant 0 : i32
    %dma_wait3A_188 = tpu.memref_slice %arg9[%dma_wait3A_186, %dma_wait3A_187] : memref<80x128xi32, #tpu.memory_space<vmem>> -> memref<1x128xi32, #tpu.memory_space<vmem>>
    %dma_wait3A_189 = tpu.memref_squeeze %dma_wait3A_188 : memref<1x128xi32, #tpu.memory_space<vmem>> -> memref<128xi32, #tpu.memory_space<vmem>>
    %dma_wait3A_190 = arith.constant 0 : i32
    %dma_wait3A_191 = arith.constant 0 : i32
    %dma_wait3A_192 = tpu.memref_slice %arg7[%dma_wait3A_190, %dma_wait3A_191] : memref<10112x16xf32, #tpu.memory_space<vmem_shared>> -> memref<10112x16xf32, #tpu.memory_space<vmem_shared>>
    tpu.wait_indirect_dma semaphore(%arg32 : memref<!tpu.dma_semaphore, #tpu.memory_space<semaphore_mem>>) src(%arg16 : memref<128x16xf32, #tpu.memory_space<vmem>>) dst(%dma_wait3A_192 : memref<10112x16xf32, #tpu.memory_space<vmem_shared>>)
    %dma_wait3A_193 = arith.constant 0 : i32
    %dma_wait3A_194 = arith.constant 0 : i32
    %dma_wait3A_195 = tpu.memref_slice %arg9[%dma_wait3A_193, %dma_wait3A_194] : memref<80x128xi32, #tpu.memory_space<vmem>> -> memref<1x128xi32, #tpu.memory_space<vmem>>
    %dma_wait3A_196 = tpu.memref_squeeze %dma_wait3A_195 : memref<1x128xi32, #tpu.memory_space<vmem>> -> memref<128xi32, #tpu.memory_space<vmem>>
    %dma_wait3A_197 = arith.constant 0 : i32
    %dma_wait3A_198 = arith.constant 0 : i32
    %dma_wait3A_199 = tpu.memref_slice %arg7[%dma_wait3A_197, %dma_wait3A_198] : memref<10112x16xf32, #tpu.memory_space<vmem_shared>> -> memref<10112x16xf32, #tpu.memory_space<vmem_shared>>
    tpu.wait_indirect_dma semaphore(%arg33 : memref<!tpu.dma_semaphore, #tpu.memory_space<semaphore_mem>>) src(%arg17 : memref<128x16xf32, #tpu.memory_space<vmem>>) dst(%dma_wait3A_199 : memref<10112x16xf32, #tpu.memory_space<vmem_shared>>)
    %barrier3A_200 = arith.constant 0 : index
    tpu.barrier barrier_id(%barrier3A_200)
    "tpu.region"() ({
      %run_scoped3A = tpu.sem_alloc : memref<!tpu.dma_semaphore, #tpu.memory_space<semaphore_mem>>
      %dma_start3A_201 = arith.constant 0 : i32
      %dma_start3A_202 = tpu.memref_slice %arg5[%arg0, %mul3A_2, %dma_start3A_201] : memref<2x10112x16xf32, #tpu.memory_space<hbm>> -> memref<1x632x16xf32, #tpu.memory_space<hbm>>
      %dma_start3A_203 = tpu.memref_squeeze %dma_start3A_202 : memref<1x632x16xf32, #tpu.memory_space<hbm>> -> memref<632x16xf32, #tpu.memory_space<hbm>>
      %dma_start3A_204 = arith.constant 0 : i32
      %dma_start3A_205 = tpu.memref_slice %arg7[%mul3A_2, %dma_start3A_204] : memref<10112x16xf32, #tpu.memory_space<vmem_shared>> -> memref<632x16xf32, #tpu.memory_space<vmem_shared>>
      tpu.enqueue_dma source(%dma_start3A_205 : memref<632x16xf32, #tpu.memory_space<vmem_shared>>) target(%dma_start3A_203 : memref<632x16xf32, #tpu.memory_space<hbm>>) target_semaphore(%run_scoped3A : memref<!tpu.dma_semaphore, #tpu.memory_space<semaphore_mem>>)
      %dma_wait3A_206 = arith.constant 0 : i32
      %dma_wait3A_207 = tpu.memref_slice %arg5[%arg0, %mul3A_2, %dma_wait3A_206] : memref<2x10112x16xf32, #tpu.memory_space<hbm>> -> memref<1x632x16xf32, #tpu.memory_space<hbm>>
      %dma_wait3A_208 = tpu.memref_squeeze %dma_wait3A_207 : memref<1x632x16xf32, #tpu.memory_space<hbm>> -> memref<632x16xf32, #tpu.memory_space<hbm>>
      %dma_wait3A_209 = arith.constant 0 : i32
      %dma_wait3A_210 = tpu.memref_slice %arg7[%mul3A_2, %dma_wait3A_209] : memref<10112x16xf32, #tpu.memory_space<vmem_shared>> -> memref<632x16xf32, #tpu.memory_space<vmem_shared>>
      tpu.wait_dma2 semaphore(%run_scoped3A : memref<!tpu.dma_semaphore, #tpu.memory_space<semaphore_mem>>) src(%dma_wait3A_210 : memref<632x16xf32, #tpu.memory_space<vmem_shared>>) dst(%dma_wait3A_208 : memref<632x16xf32, #tpu.memory_space<hbm>>)
      tpu.yield
    }) : () -> ()
    return
  }
}

#map = affine_map<(d0, d1) -> (0, 0)>
#map1 = affine_map<(d0, d1) -> (0)>
#map2 = affine_map<(d0, d1) -> (0, 0, 0)>
module attributes {stable_mosaic.version = 14 : i64} {
  func.func @agg(%arg0: i32, %arg1: i32, %arg2: memref<10112x16xf32, #tpu.memory_space<hbm>>, %arg3: memref<10112xf32, #tpu.memory_space<hbm>>, %arg4: memref<2560x128xi32, #tpu.memory_space<hbm>>, %arg5: memref<2560x128xi32, #tpu.memory_space<hbm>>, %arg6: memref<2x10112x16xf32, #tpu.memory_space<hbm>>, %arg7: memref<10112x16xf32, #tpu.memory_space<vmem_shared>>, %arg8: memref<10112x16xf32, #tpu.memory_space<vmem_shared>>, %arg9: memref<80x128xi32, #tpu.memory_space<vmem>>, %arg10: memref<80x128xi32, #tpu.memory_space<vmem>>, %arg11: memref<632x16xf32, #tpu.memory_space<vmem>>, %arg12: memref<632xf32, #tpu.memory_space<vmem>>, %arg13: memref<128x16xf32, #tpu.memory_space<vmem>>, %arg14: memref<128x16xf32, #tpu.memory_space<vmem>>, %arg15: memref<128x16xf32, #tpu.memory_space<vmem>>, %arg16: memref<128x16xf32, #tpu.memory_space<vmem>>, %arg17: memref<128x16xf32, #tpu.memory_space<vmem>>, %arg18: memref<128x16xf32, #tpu.memory_space<vmem>>, %arg19: memref<128x16xf32, #tpu.memory_space<vmem>>, %arg20: memref<128x16xf32, #tpu.memory_space<vmem>>, %arg21: memref<!tpu.dma_semaphore, #tpu.memory_space<semaphore_mem>>, %arg22: memref<!tpu.dma_semaphore, #tpu.memory_space<semaphore_mem>>, %arg23: memref<!tpu.dma_semaphore, #tpu.memory_space<semaphore_mem>>, %arg24: memref<!tpu.dma_semaphore, #tpu.memory_space<semaphore_mem>>, %arg25: memref<!tpu.dma_semaphore, #tpu.memory_space<semaphore_mem>>, %arg26: memref<!tpu.dma_semaphore, #tpu.memory_space<semaphore_mem>>, %arg27: memref<!tpu.dma_semaphore, #tpu.memory_space<semaphore_mem>>, %arg28: memref<!tpu.dma_semaphore, #tpu.memory_space<semaphore_mem>>, %arg29: memref<!tpu.dma_semaphore, #tpu.memory_space<semaphore_mem>>, %arg30: memref<!tpu.dma_semaphore, #tpu.memory_space<semaphore_mem>>, %arg31: memref<!tpu.dma_semaphore, #tpu.memory_space<semaphore_mem>>, %arg32: memref<!tpu.dma_semaphore, #tpu.memory_space<semaphore_mem>>, %arg33: memref<!tpu.dma_semaphore, #tpu.memory_space<semaphore_mem>>, %arg34: memref<!tpu.dma_semaphore, #tpu.memory_space<semaphore_mem>>, %arg35: memref<!tpu.dma_semaphore, #tpu.memory_space<semaphore_mem>>, %arg36: memref<!tpu.dma_semaphore, #tpu.memory_space<semaphore_mem>>) attributes {dimension_semantics = [#tpu.dimension_semantics<core_parallel>, #tpu.dimension_semantics<subcore_parallel>], iteration_bounds = array<i64: 2, 16>, scalar_prefetch = 0 : i64, scratch_operands = 30 : i64, tpu.core_type = #tpu.core_type<sc_vector_subcore>, window_params = [{transform_indices = #map}, {transform_indices = #map1}, {transform_indices = #map}, {transform_indices = #map}, {transform_indices = #map2}]} {
    %mul3A = arith.constant 2 : i32
    %mul3A_0 = arith.muli %arg1, %mul3A : i32
    %add3A = arith.addi %mul3A_0, %arg0 : i32
    %mul3A_1 = arith.constant 632 : i32
    %mul3A_2 = arith.muli %arg1, %mul3A_1 : i32
    %dma_start3A = arith.constant 0 : i32
    %dma_start3A_3 = tpu.memref_slice %arg2[%mul3A_2, %dma_start3A] : memref<10112x16xf32, #tpu.memory_space<hbm>> -> memref<632x16xf32, #tpu.memory_space<hbm>>
    %dma_start3A_4 = arith.constant 0 : i32
    %dma_start3A_5 = tpu.memref_slice %arg2[%mul3A_2, %dma_start3A_4] : memref<10112x16xf32, #tpu.memory_space<hbm>> -> memref<632x16xf32, #tpu.memory_space<hbm>>
    tpu.enqueue_dma source(%dma_start3A_5 : memref<632x16xf32, #tpu.memory_space<hbm>>) target(%arg11 : memref<632x16xf32, #tpu.memory_space<vmem>>) target_semaphore(%arg21 : memref<!tpu.dma_semaphore, #tpu.memory_space<semaphore_mem>>)
    %dma_start3A_6 = tpu.memref_slice %arg3[%mul3A_2] : memref<10112xf32, #tpu.memory_space<hbm>> -> memref<632xf32, #tpu.memory_space<hbm>>
    %dma_start3A_7 = tpu.memref_slice %arg3[%mul3A_2] : memref<10112xf32, #tpu.memory_space<hbm>> -> memref<632xf32, #tpu.memory_space<hbm>>
    tpu.enqueue_dma source(%dma_start3A_7 : memref<632xf32, #tpu.memory_space<hbm>>) target(%arg12 : memref<632xf32, #tpu.memory_space<vmem>>) target_semaphore(%arg24 : memref<!tpu.dma_semaphore, #tpu.memory_space<semaphore_mem>>)
    %mul3A_8 = arith.constant 80 : i32
    %mul3A_9 = arith.muli %add3A, %mul3A_8 : i32
    %dma_start3A_10 = arith.constant 0 : i32
    %dma_start3A_11 = tpu.memref_slice %arg4[%mul3A_9, %dma_start3A_10] : memref<2560x128xi32, #tpu.memory_space<hbm>> -> memref<80x128xi32, #tpu.memory_space<hbm>>
    %dma_start3A_12 = arith.constant 0 : i32
    %dma_start3A_13 = tpu.memref_slice %arg4[%mul3A_9, %dma_start3A_12] : memref<2560x128xi32, #tpu.memory_space<hbm>> -> memref<80x128xi32, #tpu.memory_space<hbm>>
    tpu.enqueue_dma source(%dma_start3A_13 : memref<80x128xi32, #tpu.memory_space<hbm>>) target(%arg9 : memref<80x128xi32, #tpu.memory_space<vmem>>) target_semaphore(%arg22 : memref<!tpu.dma_semaphore, #tpu.memory_space<semaphore_mem>>)
    %mul3A_14 = arith.constant 80 : i32
    %mul3A_15 = arith.muli %add3A, %mul3A_14 : i32
    %dma_start3A_16 = arith.constant 0 : i32
    %dma_start3A_17 = tpu.memref_slice %arg5[%mul3A_15, %dma_start3A_16] : memref<2560x128xi32, #tpu.memory_space<hbm>> -> memref<80x128xi32, #tpu.memory_space<hbm>>
    %dma_start3A_18 = arith.constant 0 : i32
    %dma_start3A_19 = tpu.memref_slice %arg5[%mul3A_15, %dma_start3A_18] : memref<2560x128xi32, #tpu.memory_space<hbm>> -> memref<80x128xi32, #tpu.memory_space<hbm>>
    tpu.enqueue_dma source(%dma_start3A_19 : memref<80x128xi32, #tpu.memory_space<hbm>>) target(%arg10 : memref<80x128xi32, #tpu.memory_space<vmem>>) target_semaphore(%arg23 : memref<!tpu.dma_semaphore, #tpu.memory_space<semaphore_mem>>)
    %scan3A = arith.constant 0 : i32
    %scan3A_20 = arith.constant 0 : i32
    %scan3A_21 = arith.constant 128 : i32
    %scan3A_22 = arith.addi %scan3A_20, %scan3A_21 : i32
    %scan3A_23 = arith.constant 1 : i32
    scf.for %scan3A_211 = %scan3A_20 to %scan3A_22 step %scan3A_23  : i32 {
      %broadcast_in_dim3A = arith.constant 0.000000e+00 : f32
      %broadcast_in_dim3A_212 = vector.broadcast %broadcast_in_dim3A : f32 to vector<16xf32>
      %swap3A = arith.index_cast %scan3A_211 : i32 to index
      %swap3A_213 = arith.constant 0 : index
      %swap3A_214 = tpu.vector_load %arg13[%swap3A, %swap3A_213] {strides = array<i32>} : memref<128x16xf32, #tpu.memory_space<vmem>>, vector<16xf32>,
      tpu.vector_store %arg13[%swap3A, %swap3A_213], %broadcast_in_dim3A_212 {strides = array<i32>} : memref<128x16xf32, #tpu.memory_space<vmem>>, vector<16xf32>,
    }
    %scan3A_24 = arith.constant 128 : i32
    %add3A_25 = arith.constant 0 : i32
    %add3A_26 = arith.addi %mul3A_2, %add3A_25 : i32
    %dma_start3A_27 = arith.constant 0 : i32
    %dma_start3A_28 = tpu.memref_slice %arg8[%add3A_26, %dma_start3A_27] : memref<10112x16xf32, #tpu.memory_space<vmem_shared>> -> memref<128x16xf32, #tpu.memory_space<vmem_shared>>
    %dma_start3A_29 = arith.constant 0 : i32
    %dma_start3A_30 = tpu.memref_slice %arg8[%add3A_26, %dma_start3A_29] : memref<10112x16xf32, #tpu.memory_space<vmem_shared>> -> memref<128x16xf32, #tpu.memory_space<vmem_shared>>
    tpu.enqueue_dma source(%arg13 : memref<128x16xf32, #tpu.memory_space<vmem>>) target(%dma_start3A_30 : memref<128x16xf32, #tpu.memory_space<vmem_shared>>) target_semaphore(%arg29 : memref<!tpu.dma_semaphore, #tpu.memory_space<semaphore_mem>>)
    %add3A_31 = arith.constant 128 : i32
    %add3A_32 = arith.addi %mul3A_2, %add3A_31 : i32
    %dma_start3A_33 = arith.constant 0 : i32
    %dma_start3A_34 = tpu.memref_slice %arg8[%add3A_32, %dma_start3A_33] : memref<10112x16xf32, #tpu.memory_space<vmem_shared>> -> memref<128x16xf32, #tpu.memory_space<vmem_shared>>
    %dma_start3A_35 = arith.constant 0 : i32
    %dma_start3A_36 = tpu.memref_slice %arg8[%add3A_32, %dma_start3A_35] : memref<10112x16xf32, #tpu.memory_space<vmem_shared>> -> memref<128x16xf32, #tpu.memory_space<vmem_shared>>
    tpu.enqueue_dma source(%arg13 : memref<128x16xf32, #tpu.memory_space<vmem>>) target(%dma_start3A_36 : memref<128x16xf32, #tpu.memory_space<vmem_shared>>) target_semaphore(%arg30 : memref<!tpu.dma_semaphore, #tpu.memory_space<semaphore_mem>>)
    %add3A_37 = arith.constant 256 : i32
    %add3A_38 = arith.addi %mul3A_2, %add3A_37 : i32
    %dma_start3A_39 = arith.constant 0 : i32
    %dma_start3A_40 = tpu.memref_slice %arg8[%add3A_38, %dma_start3A_39] : memref<10112x16xf32, #tpu.memory_space<vmem_shared>> -> memref<128x16xf32, #tpu.memory_space<vmem_shared>>
    %dma_start3A_41 = arith.constant 0 : i32
    %dma_start3A_42 = tpu.memref_slice %arg8[%add3A_38, %dma_start3A_41] : memref<10112x16xf32, #tpu.memory_space<vmem_shared>> -> memref<128x16xf32, #tpu.memory_space<vmem_shared>>
    tpu.enqueue_dma source(%arg13 : memref<128x16xf32, #tpu.memory_space<vmem>>) target(%dma_start3A_42 : memref<128x16xf32, #tpu.memory_space<vmem_shared>>) target_semaphore(%arg31 : memref<!tpu.dma_semaphore, #tpu.memory_space<semaphore_mem>>)
    %add3A_43 = arith.constant 384 : i32
    %add3A_44 = arith.addi %mul3A_2, %add3A_43 : i32
    %dma_start3A_45 = arith.constant 0 : i32
    %dma_start3A_46 = tpu.memref_slice %arg8[%add3A_44, %dma_start3A_45] : memref<10112x16xf32, #tpu.memory_space<vmem_shared>> -> memref<128x16xf32, #tpu.memory_space<vmem_shared>>
    %dma_start3A_47 = arith.constant 0 : i32
    %dma_start3A_48 = tpu.memref_slice %arg8[%add3A_44, %dma_start3A_47] : memref<10112x16xf32, #tpu.memory_space<vmem_shared>> -> memref<128x16xf32, #tpu.memory_space<vmem_shared>>
    tpu.enqueue_dma source(%arg13 : memref<128x16xf32, #tpu.memory_space<vmem>>) target(%dma_start3A_48 : memref<128x16xf32, #tpu.memory_space<vmem_shared>>) target_semaphore(%arg32 : memref<!tpu.dma_semaphore, #tpu.memory_space<semaphore_mem>>)
    %add3A_49 = arith.constant 512 : i32
    %add3A_50 = arith.addi %mul3A_2, %add3A_49 : i32
    %dma_start3A_51 = arith.constant 0 : i32
    %dma_start3A_52 = arith.constant 0 : i32
    %dma_start3A_53 = tpu.memref_slice %arg13[%dma_start3A_51, %dma_start3A_52] : memref<128x16xf32, #tpu.memory_space<vmem>> -> memref<120x16xf32, #tpu.memory_space<vmem>>
    %dma_start3A_54 = arith.constant 0 : i32
    %dma_start3A_55 = tpu.memref_slice %arg8[%add3A_50, %dma_start3A_54] : memref<10112x16xf32, #tpu.memory_space<vmem_shared>> -> memref<120x16xf32, #tpu.memory_space<vmem_shared>>
    %dma_start3A_56 = arith.constant 0 : i32
    %dma_start3A_57 = tpu.memref_slice %arg8[%add3A_50, %dma_start3A_56] : memref<10112x16xf32, #tpu.memory_space<vmem_shared>> -> memref<120x16xf32, #tpu.memory_space<vmem_shared>>
    %dma_start3A_58 = arith.constant 0 : i32
    %dma_start3A_59 = arith.constant 0 : i32
    %dma_start3A_60 = tpu.memref_slice %arg13[%dma_start3A_58, %dma_start3A_59] : memref<128x16xf32, #tpu.memory_space<vmem>> -> memref<120x16xf32, #tpu.memory_space<vmem>>
    tpu.enqueue_dma source(%dma_start3A_60 : memref<120x16xf32, #tpu.memory_space<vmem>>) target(%dma_start3A_57 : memref<120x16xf32, #tpu.memory_space<vmem_shared>>) target_semaphore(%arg33 : memref<!tpu.dma_semaphore, #tpu.memory_space<semaphore_mem>>)
    %dma_wait3A = arith.constant 0 : i32
    %dma_wait3A_61 = tpu.memref_slice %arg2[%mul3A_2, %dma_wait3A] : memref<10112x16xf32, #tpu.memory_space<hbm>> -> memref<632x16xf32, #tpu.memory_space<hbm>>
    %dma_wait3A_62 = arith.constant 0 : i32
    %dma_wait3A_63 = tpu.memref_slice %arg2[%mul3A_2, %dma_wait3A_62] : memref<10112x16xf32, #tpu.memory_space<hbm>> -> memref<632x16xf32, #tpu.memory_space<hbm>>
    tpu.wait_dma2 semaphore(%arg21 : memref<!tpu.dma_semaphore, #tpu.memory_space<semaphore_mem>>) src(%dma_wait3A_63 : memref<632x16xf32, #tpu.memory_space<hbm>>) dst(%arg11 : memref<632x16xf32, #tpu.memory_space<vmem>>)
    %dma_wait3A_64 = tpu.memref_slice %arg3[%mul3A_2] : memref<10112xf32, #tpu.memory_space<hbm>> -> memref<632xf32, #tpu.memory_space<hbm>>
    %dma_wait3A_65 = tpu.memref_slice %arg3[%mul3A_2] : memref<10112xf32, #tpu.memory_space<hbm>> -> memref<632xf32, #tpu.memory_space<hbm>>
    tpu.wait_dma2 semaphore(%arg24 : memref<!tpu.dma_semaphore, #tpu.memory_space<semaphore_mem>>) src(%dma_wait3A_65 : memref<632xf32, #tpu.memory_space<hbm>>) dst(%arg12 : memref<632xf32, #tpu.memory_space<vmem>>)
    %scan3A_66 = arith.constant 0 : i32
    %scan3A_67 = arith.constant 0 : i32
    %scan3A_68 = arith.constant 632 : i32
    %scan3A_69 = arith.addi %scan3A_67, %scan3A_68 : i32
    %scan3A_70 = arith.constant 1 : i32
    scf.for %scan3A_211 = %scan3A_67 to %scan3A_69 step %scan3A_70  : i32 {
      %broadcast_in_dim3A = vector.broadcast %scan3A_211 : i32 to vector<16xi32>
      %gather3A = tpu.vector_load_idx %arg12[%broadcast_in_dim3A] : memref<632xf32, #tpu.memory_space<vmem>>[vector<16xi32>], vector<16xf32>,
      %get3A = arith.index_cast %scan3A_211 : i32 to index
      %get3A_212 = arith.constant 0 : index
      %get3A_213 = tpu.vector_load %arg11[%get3A, %get3A_212] {strides = array<i32>} : memref<632x16xf32, #tpu.memory_space<vmem>>, vector<16xf32>,
      %mul3A_214 = arith.mulf %get3A_213, %gather3A : vector<16xf32>
      %swap3A = arith.index_cast %scan3A_211 : i32 to index
      %swap3A_215 = arith.constant 0 : index
      %swap3A_216 = tpu.vector_load %arg11[%swap3A, %swap3A_215] {strides = array<i32>} : memref<632x16xf32, #tpu.memory_space<vmem>>, vector<16xf32>,
      tpu.vector_store %arg11[%swap3A, %swap3A_215], %mul3A_214 {strides = array<i32>} : memref<632x16xf32, #tpu.memory_space<vmem>>, vector<16xf32>,
    }
    %scan3A_71 = arith.constant 632 : i32
    "tpu.region"() ({
      %run_scoped3A = tpu.sem_alloc : memref<!tpu.dma_semaphore, #tpu.memory_space<semaphore_mem>>
      %dma_start3A_211 = arith.constant 0 : i32
      %dma_start3A_212 = tpu.memref_slice %arg7[%mul3A_2, %dma_start3A_211] : memref<10112x16xf32, #tpu.memory_space<vmem_shared>> -> memref<632x16xf32, #tpu.memory_space<vmem_shared>>
      %dma_start3A_213 = arith.constant 0 : i32
      %dma_start3A_214 = tpu.memref_slice %arg7[%mul3A_2, %dma_start3A_213] : memref<10112x16xf32, #tpu.memory_space<vmem_shared>> -> memref<632x16xf32, #tpu.memory_space<vmem_shared>>
      tpu.enqueue_dma source(%arg11 : memref<632x16xf32, #tpu.memory_space<vmem>>) target(%dma_start3A_214 : memref<632x16xf32, #tpu.memory_space<vmem_shared>>) target_semaphore(%run_scoped3A : memref<!tpu.dma_semaphore, #tpu.memory_space<semaphore_mem>>)
      %dma_wait3A_215 = arith.constant 0 : i32
      %dma_wait3A_216 = tpu.memref_slice %arg7[%mul3A_2, %dma_wait3A_215] : memref<10112x16xf32, #tpu.memory_space<vmem_shared>> -> memref<632x16xf32, #tpu.memory_space<vmem_shared>>
      %dma_wait3A_217 = arith.constant 0 : i32
      %dma_wait3A_218 = tpu.memref_slice %arg7[%mul3A_2, %dma_wait3A_217] : memref<10112x16xf32, #tpu.memory_space<vmem_shared>> -> memref<632x16xf32, #tpu.memory_space<vmem_shared>>
      tpu.wait_dma2 semaphore(%run_scoped3A : memref<!tpu.dma_semaphore, #tpu.memory_space<semaphore_mem>>) src(%arg11 : memref<632x16xf32, #tpu.memory_space<vmem>>) dst(%dma_wait3A_218 : memref<632x16xf32, #tpu.memory_space<vmem_shared>>)
      tpu.yield
    }) : () -> ()
    %mul3A_72 = arith.constant 80 : i32
    %mul3A_73 = arith.muli %add3A, %mul3A_72 : i32
    %dma_wait3A_74 = arith.constant 0 : i32
    %dma_wait3A_75 = tpu.memref_slice %arg4[%mul3A_73, %dma_wait3A_74] : memref<2560x128xi32, #tpu.memory_space<hbm>> -> memref<80x128xi32, #tpu.memory_space<hbm>>
    %dma_wait3A_76 = arith.constant 0 : i32
    %dma_wait3A_77 = tpu.memref_slice %arg4[%mul3A_73, %dma_wait3A_76] : memref<2560x128xi32, #tpu.memory_space<hbm>> -> memref<80x128xi32, #tpu.memory_space<hbm>>
    tpu.wait_dma2 semaphore(%arg22 : memref<!tpu.dma_semaphore, #tpu.memory_space<semaphore_mem>>) src(%dma_wait3A_77 : memref<80x128xi32, #tpu.memory_space<hbm>>) dst(%arg9 : memref<80x128xi32, #tpu.memory_space<vmem>>)
    %mul3A_78 = arith.constant 80 : i32
    %mul3A_79 = arith.muli %add3A, %mul3A_78 : i32
    %dma_wait3A_80 = arith.constant 0 : i32
    %dma_wait3A_81 = tpu.memref_slice %arg5[%mul3A_79, %dma_wait3A_80] : memref<2560x128xi32, #tpu.memory_space<hbm>> -> memref<80x128xi32, #tpu.memory_space<hbm>>
    %dma_wait3A_82 = arith.constant 0 : i32
    %dma_wait3A_83 = tpu.memref_slice %arg5[%mul3A_79, %dma_wait3A_82] : memref<2560x128xi32, #tpu.memory_space<hbm>> -> memref<80x128xi32, #tpu.memory_space<hbm>>
    tpu.wait_dma2 semaphore(%arg23 : memref<!tpu.dma_semaphore, #tpu.memory_space<semaphore_mem>>) src(%dma_wait3A_83 : memref<80x128xi32, #tpu.memory_space<hbm>>) dst(%arg10 : memref<80x128xi32, #tpu.memory_space<vmem>>)
    %add3A_84 = arith.constant 0 : i32
    %add3A_85 = arith.addi %mul3A_2, %add3A_84 : i32
    %dma_wait3A_86 = arith.constant 0 : i32
    %dma_wait3A_87 = tpu.memref_slice %arg8[%add3A_85, %dma_wait3A_86] : memref<10112x16xf32, #tpu.memory_space<vmem_shared>> -> memref<128x16xf32, #tpu.memory_space<vmem_shared>>
    %dma_wait3A_88 = arith.constant 0 : i32
    %dma_wait3A_89 = tpu.memref_slice %arg8[%add3A_85, %dma_wait3A_88] : memref<10112x16xf32, #tpu.memory_space<vmem_shared>> -> memref<128x16xf32, #tpu.memory_space<vmem_shared>>
    tpu.wait_dma2 semaphore(%arg29 : memref<!tpu.dma_semaphore, #tpu.memory_space<semaphore_mem>>) src(%arg13 : memref<128x16xf32, #tpu.memory_space<vmem>>) dst(%dma_wait3A_89 : memref<128x16xf32, #tpu.memory_space<vmem_shared>>)
    %add3A_90 = arith.constant 128 : i32
    %add3A_91 = arith.addi %mul3A_2, %add3A_90 : i32
    %dma_wait3A_92 = arith.constant 0 : i32
    %dma_wait3A_93 = tpu.memref_slice %arg8[%add3A_91, %dma_wait3A_92] : memref<10112x16xf32, #tpu.memory_space<vmem_shared>> -> memref<128x16xf32, #tpu.memory_space<vmem_shared>>
    %dma_wait3A_94 = arith.constant 0 : i32
    %dma_wait3A_95 = tpu.memref_slice %arg8[%add3A_91, %dma_wait3A_94] : memref<10112x16xf32, #tpu.memory_space<vmem_shared>> -> memref<128x16xf32, #tpu.memory_space<vmem_shared>>
    tpu.wait_dma2 semaphore(%arg30 : memref<!tpu.dma_semaphore, #tpu.memory_space<semaphore_mem>>) src(%arg13 : memref<128x16xf32, #tpu.memory_space<vmem>>) dst(%dma_wait3A_95 : memref<128x16xf32, #tpu.memory_space<vmem_shared>>)
    %add3A_96 = arith.constant 256 : i32
    %add3A_97 = arith.addi %mul3A_2, %add3A_96 : i32
    %dma_wait3A_98 = arith.constant 0 : i32
    %dma_wait3A_99 = tpu.memref_slice %arg8[%add3A_97, %dma_wait3A_98] : memref<10112x16xf32, #tpu.memory_space<vmem_shared>> -> memref<128x16xf32, #tpu.memory_space<vmem_shared>>
    %dma_wait3A_100 = arith.constant 0 : i32
    %dma_wait3A_101 = tpu.memref_slice %arg8[%add3A_97, %dma_wait3A_100] : memref<10112x16xf32, #tpu.memory_space<vmem_shared>> -> memref<128x16xf32, #tpu.memory_space<vmem_shared>>
    tpu.wait_dma2 semaphore(%arg31 : memref<!tpu.dma_semaphore, #tpu.memory_space<semaphore_mem>>) src(%arg13 : memref<128x16xf32, #tpu.memory_space<vmem>>) dst(%dma_wait3A_101 : memref<128x16xf32, #tpu.memory_space<vmem_shared>>)
    %add3A_102 = arith.constant 384 : i32
    %add3A_103 = arith.addi %mul3A_2, %add3A_102 : i32
    %dma_wait3A_104 = arith.constant 0 : i32
    %dma_wait3A_105 = tpu.memref_slice %arg8[%add3A_103, %dma_wait3A_104] : memref<10112x16xf32, #tpu.memory_space<vmem_shared>> -> memref<128x16xf32, #tpu.memory_space<vmem_shared>>
    %dma_wait3A_106 = arith.constant 0 : i32
    %dma_wait3A_107 = tpu.memref_slice %arg8[%add3A_103, %dma_wait3A_106] : memref<10112x16xf32, #tpu.memory_space<vmem_shared>> -> memref<128x16xf32, #tpu.memory_space<vmem_shared>>
    tpu.wait_dma2 semaphore(%arg32 : memref<!tpu.dma_semaphore, #tpu.memory_space<semaphore_mem>>) src(%arg13 : memref<128x16xf32, #tpu.memory_space<vmem>>) dst(%dma_wait3A_107 : memref<128x16xf32, #tpu.memory_space<vmem_shared>>)
    %add3A_108 = arith.constant 512 : i32
    %add3A_109 = arith.addi %mul3A_2, %add3A_108 : i32
    %dma_wait3A_110 = arith.constant 0 : i32
    %dma_wait3A_111 = arith.constant 0 : i32
    %dma_wait3A_112 = tpu.memref_slice %arg13[%dma_wait3A_110, %dma_wait3A_111] : memref<128x16xf32, #tpu.memory_space<vmem>> -> memref<120x16xf32, #tpu.memory_space<vmem>>
    %dma_wait3A_113 = arith.constant 0 : i32
    %dma_wait3A_114 = tpu.memref_slice %arg8[%add3A_109, %dma_wait3A_113] : memref<10112x16xf32, #tpu.memory_space<vmem_shared>> -> memref<120x16xf32, #tpu.memory_space<vmem_shared>>
    %dma_wait3A_115 = arith.constant 0 : i32
    %dma_wait3A_116 = tpu.memref_slice %arg8[%add3A_109, %dma_wait3A_115] : memref<10112x16xf32, #tpu.memory_space<vmem_shared>> -> memref<120x16xf32, #tpu.memory_space<vmem_shared>>
    %dma_wait3A_117 = arith.constant 0 : i32
    %dma_wait3A_118 = arith.constant 0 : i32
    %dma_wait3A_119 = tpu.memref_slice %arg13[%dma_wait3A_117, %dma_wait3A_118] : memref<128x16xf32, #tpu.memory_space<vmem>> -> memref<120x16xf32, #tpu.memory_space<vmem>>
    tpu.wait_dma2 semaphore(%arg33 : memref<!tpu.dma_semaphore, #tpu.memory_space<semaphore_mem>>) src(%dma_wait3A_119 : memref<120x16xf32, #tpu.memory_space<vmem>>) dst(%dma_wait3A_116 : memref<120x16xf32, #tpu.memory_space<vmem_shared>>)
    %barrier3A = arith.constant 0 : index
    tpu.barrier barrier_id(%barrier3A)
    %dma_start3A_120 = arith.constant 0 : i32
    %dma_start3A_121 = arith.constant 0 : i32
    %dma_start3A_122 = tpu.memref_slice %arg9[%dma_start3A_120, %dma_start3A_121] : memref<80x128xi32, #tpu.memory_space<vmem>> -> memref<1x128xi32, #tpu.memory_space<vmem>>
    %dma_start3A_123 = tpu.memref_squeeze %dma_start3A_122 : memref<1x128xi32, #tpu.memory_space<vmem>> -> memref<128xi32, #tpu.memory_space<vmem>>
    %dma_start3A_124 = arith.constant 0 : i32
    %dma_start3A_125 = arith.constant 0 : i32
    %dma_start3A_126 = tpu.memref_slice %arg7[%dma_start3A_124, %dma_start3A_125] : memref<10112x16xf32, #tpu.memory_space<vmem_shared>> -> memref<10112x16xf32, #tpu.memory_space<vmem_shared>>
    tpu.enqueue_indirect_dma source(%dma_start3A_126 : memref<10112x16xf32, #tpu.memory_space<vmem_shared>>) target(%arg13 : memref<128x16xf32, #tpu.memory_space<vmem>>) offsets(%dma_start3A_123 : memref<128xi32, #tpu.memory_space<vmem>>) semaphore(%arg21 : memref<!tpu.dma_semaphore, #tpu.memory_space<semaphore_mem>>)
    %dma_start3A_127 = arith.constant 1 : i32
    %dma_start3A_128 = arith.constant 0 : i32
    %dma_start3A_129 = tpu.memref_slice %arg9[%dma_start3A_127, %dma_start3A_128] : memref<80x128xi32, #tpu.memory_space<vmem>> -> memref<1x128xi32, #tpu.memory_space<vmem>>
    %dma_start3A_130 = tpu.memref_squeeze %dma_start3A_129 : memref<1x128xi32, #tpu.memory_space<vmem>> -> memref<128xi32, #tpu.memory_space<vmem>>
    %dma_start3A_131 = arith.constant 0 : i32
    %dma_start3A_132 = arith.constant 0 : i32
    %dma_start3A_133 = tpu.memref_slice %arg7[%dma_start3A_131, %dma_start3A_132] : memref<10112x16xf32, #tpu.memory_space<vmem_shared>> -> memref<10112x16xf32, #tpu.memory_space<vmem_shared>>
    tpu.enqueue_indirect_dma source(%dma_start3A_133 : memref<10112x16xf32, #tpu.memory_space<vmem_shared>>) target(%arg14 : memref<128x16xf32, #tpu.memory_space<vmem>>) offsets(%dma_start3A_130 : memref<128xi32, #tpu.memory_space<vmem>>) semaphore(%arg22 : memref<!tpu.dma_semaphore, #tpu.memory_space<semaphore_mem>>)
    %dma_start3A_134 = arith.constant 2 : i32
    %dma_start3A_135 = arith.constant 0 : i32
    %dma_start3A_136 = tpu.memref_slice %arg9[%dma_start3A_134, %dma_start3A_135] : memref<80x128xi32, #tpu.memory_space<vmem>> -> memref<1x128xi32, #tpu.memory_space<vmem>>
    %dma_start3A_137 = tpu.memref_squeeze %dma_start3A_136 : memref<1x128xi32, #tpu.memory_space<vmem>> -> memref<128xi32, #tpu.memory_space<vmem>>
    %dma_start3A_138 = arith.constant 0 : i32
    %dma_start3A_139 = arith.constant 0 : i32
    %dma_start3A_140 = tpu.memref_slice %arg7[%dma_start3A_138, %dma_start3A_139] : memref<10112x16xf32, #tpu.memory_space<vmem_shared>> -> memref<10112x16xf32, #tpu.memory_space<vmem_shared>>
    tpu.enqueue_indirect_dma source(%dma_start3A_140 : memref<10112x16xf32, #tpu.memory_space<vmem_shared>>) target(%arg15 : memref<128x16xf32, #tpu.memory_space<vmem>>) offsets(%dma_start3A_137 : memref<128xi32, #tpu.memory_space<vmem>>) semaphore(%arg23 : memref<!tpu.dma_semaphore, #tpu.memory_space<semaphore_mem>>)
    %dma_start3A_141 = arith.constant 3 : i32
    %dma_start3A_142 = arith.constant 0 : i32
    %dma_start3A_143 = tpu.memref_slice %arg9[%dma_start3A_141, %dma_start3A_142] : memref<80x128xi32, #tpu.memory_space<vmem>> -> memref<1x128xi32, #tpu.memory_space<vmem>>
    %dma_start3A_144 = tpu.memref_squeeze %dma_start3A_143 : memref<1x128xi32, #tpu.memory_space<vmem>> -> memref<128xi32, #tpu.memory_space<vmem>>
    %dma_start3A_145 = arith.constant 0 : i32
    %dma_start3A_146 = arith.constant 0 : i32
    %dma_start3A_147 = tpu.memref_slice %arg7[%dma_start3A_145, %dma_start3A_146] : memref<10112x16xf32, #tpu.memory_space<vmem_shared>> -> memref<10112x16xf32, #tpu.memory_space<vmem_shared>>
    tpu.enqueue_indirect_dma source(%dma_start3A_147 : memref<10112x16xf32, #tpu.memory_space<vmem_shared>>) target(%arg16 : memref<128x16xf32, #tpu.memory_space<vmem>>) offsets(%dma_start3A_144 : memref<128xi32, #tpu.memory_space<vmem>>) semaphore(%arg24 : memref<!tpu.dma_semaphore, #tpu.memory_space<semaphore_mem>>)
    %scan3A_148 = arith.constant 0 : i32
    %scan3A_149 = arith.constant 0 : i32
    %scan3A_150 = arith.constant 10 : i32
    %scan3A_151 = arith.addi %scan3A_149, %scan3A_150 : i32
    %scan3A_152 = arith.constant 1 : i32
    scf.for %scan3A_211 = %scan3A_149 to %scan3A_151 step %scan3A_152  : i32 {
      %mul3A_212 = arith.constant 8 : i32
      %mul3A_213 = arith.muli %scan3A_211, %mul3A_212 : i32
      %add3A_214 = arith.constant 0 : i32
      %add3A_215 = arith.addi %mul3A_213, %add3A_214 : i32
      %dma_wait3A_216 = arith.constant 0 : i32
      %dma_wait3A_217 = tpu.memref_slice %arg9[%add3A_215, %dma_wait3A_216] : memref<80x128xi32, #tpu.memory_space<vmem>> -> memref<1x128xi32, #tpu.memory_space<vmem>>
      %dma_wait3A_218 = tpu.memref_squeeze %dma_wait3A_217 : memref<1x128xi32, #tpu.memory_space<vmem>> -> memref<128xi32, #tpu.memory_space<vmem>>
      %dma_wait3A_219 = arith.constant 0 : i32
      %dma_wait3A_220 = arith.constant 0 : i32
      %dma_wait3A_221 = tpu.memref_slice %arg7[%dma_wait3A_219, %dma_wait3A_220] : memref<10112x16xf32, #tpu.memory_space<vmem_shared>> -> memref<10112x16xf32, #tpu.memory_space<vmem_shared>>
      tpu.wait_indirect_dma semaphore(%arg21 : memref<!tpu.dma_semaphore, #tpu.memory_space<semaphore_mem>>) src(%dma_wait3A_221 : memref<10112x16xf32, #tpu.memory_space<vmem_shared>>) dst(%arg13 : memref<128x16xf32, #tpu.memory_space<vmem>>)
      %dma_start3A_222 = arith.constant 0 : i32
      %dma_start3A_223 = tpu.memref_slice %arg10[%add3A_215, %dma_start3A_222] : memref<80x128xi32, #tpu.memory_space<vmem>> -> memref<1x128xi32, #tpu.memory_space<vmem>>
      %dma_start3A_224 = tpu.memref_squeeze %dma_start3A_223 : memref<1x128xi32, #tpu.memory_space<vmem>> -> memref<128xi32, #tpu.memory_space<vmem>>
      %dma_start3A_225 = arith.constant 0 : i32
      %dma_start3A_226 = arith.constant 0 : i32
      %dma_start3A_227 = tpu.memref_slice %arg8[%dma_start3A_225, %dma_start3A_226] : memref<10112x16xf32, #tpu.memory_space<vmem_shared>> -> memref<10112x16xf32, #tpu.memory_space<vmem_shared>>
      tpu.enqueue_indirect_dma source(%arg13 : memref<128x16xf32, #tpu.memory_space<vmem>>) target(%dma_start3A_227 : memref<10112x16xf32, #tpu.memory_space<vmem_shared>>) offsets(%dma_start3A_224 : memref<128xi32, #tpu.memory_space<vmem>>) semaphore(%arg29 : memref<!tpu.dma_semaphore, #tpu.memory_space<semaphore_mem>>) {add = true}
      %gt3A = arith.constant 0 : i32
      %gt3A_228 = arith.cmpi sgt, %scan3A_211, %gt3A : i32
      %convert_element_type3A = arith.extui %gt3A_228 : i1 to i32
      %cond3A = arith.constant 0 : i32
      %cond3A_229 = arith.cmpi ne, %convert_element_type3A, %cond3A : i32
      scf.if %cond3A_229 {
        %dma_wait3A_408 = arith.constant 0 : i32
        %dma_wait3A_409 = tpu.memref_slice %arg10[%add3A_215, %dma_wait3A_408] : memref<80x128xi32, #tpu.memory_space<vmem>> -> memref<1x128xi32, #tpu.memory_space<vmem>>
        %dma_wait3A_410 = tpu.memref_squeeze %dma_wait3A_409 : memref<1x128xi32, #tpu.memory_space<vmem>> -> memref<128xi32, #tpu.memory_space<vmem>>
        %dma_wait3A_411 = arith.constant 0 : i32
        %dma_wait3A_412 = arith.constant 0 : i32
        %dma_wait3A_413 = tpu.memref_slice %arg8[%dma_wait3A_411, %dma_wait3A_412] : memref<10112x16xf32, #tpu.memory_space<vmem_shared>> -> memref<10112x16xf32, #tpu.memory_space<vmem_shared>>
        tpu.wait_indirect_dma semaphore(%arg33 : memref<!tpu.dma_semaphore, #tpu.memory_space<semaphore_mem>>) src(%arg17 : memref<128x16xf32, #tpu.memory_space<vmem>>) dst(%dma_wait3A_413 : memref<10112x16xf32, #tpu.memory_space<vmem_shared>>)
      } else {
      }
      %add3A_230 = arith.constant 4 : i32
      %add3A_231 = arith.addi %add3A_215, %add3A_230 : i32
      %dma_start3A_232 = arith.constant 0 : i32
      %dma_start3A_233 = tpu.memref_slice %arg9[%add3A_231, %dma_start3A_232] : memref<80x128xi32, #tpu.memory_space<vmem>> -> memref<1x128xi32, #tpu.memory_space<vmem>>
      %dma_start3A_234 = tpu.memref_squeeze %dma_start3A_233 : memref<1x128xi32, #tpu.memory_space<vmem>> -> memref<128xi32, #tpu.memory_space<vmem>>
      %dma_start3A_235 = arith.constant 0 : i32
      %dma_start3A_236 = arith.constant 0 : i32
      %dma_start3A_237 = tpu.memref_slice %arg7[%dma_start3A_235, %dma_start3A_236] : memref<10112x16xf32, #tpu.memory_space<vmem_shared>> -> memref<10112x16xf32, #tpu.memory_space<vmem_shared>>
      tpu.enqueue_indirect_dma source(%dma_start3A_237 : memref<10112x16xf32, #tpu.memory_space<vmem_shared>>) target(%arg17 : memref<128x16xf32, #tpu.memory_space<vmem>>) offsets(%dma_start3A_234 : memref<128xi32, #tpu.memory_space<vmem>>) semaphore(%arg25 : memref<!tpu.dma_semaphore, #tpu.memory_space<semaphore_mem>>)
      %mul3A_238 = arith.constant 8 : i32
      %mul3A_239 = arith.muli %scan3A_211, %mul3A_238 : i32
      %add3A_240 = arith.constant 1 : i32
      %add3A_241 = arith.addi %mul3A_239, %add3A_240 : i32
      %dma_wait3A_242 = arith.constant 0 : i32
      %dma_wait3A_243 = tpu.memref_slice %arg9[%add3A_241, %dma_wait3A_242] : memref<80x128xi32, #tpu.memory_space<vmem>> -> memref<1x128xi32, #tpu.memory_space<vmem>>
      %dma_wait3A_244 = tpu.memref_squeeze %dma_wait3A_243 : memref<1x128xi32, #tpu.memory_space<vmem>> -> memref<128xi32, #tpu.memory_space<vmem>>
      %dma_wait3A_245 = arith.constant 0 : i32
      %dma_wait3A_246 = arith.constant 0 : i32
      %dma_wait3A_247 = tpu.memref_slice %arg7[%dma_wait3A_245, %dma_wait3A_246] : memref<10112x16xf32, #tpu.memory_space<vmem_shared>> -> memref<10112x16xf32, #tpu.memory_space<vmem_shared>>
      tpu.wait_indirect_dma semaphore(%arg22 : memref<!tpu.dma_semaphore, #tpu.memory_space<semaphore_mem>>) src(%dma_wait3A_247 : memref<10112x16xf32, #tpu.memory_space<vmem_shared>>) dst(%arg14 : memref<128x16xf32, #tpu.memory_space<vmem>>)
      %dma_start3A_248 = arith.constant 0 : i32
      %dma_start3A_249 = tpu.memref_slice %arg10[%add3A_241, %dma_start3A_248] : memref<80x128xi32, #tpu.memory_space<vmem>> -> memref<1x128xi32, #tpu.memory_space<vmem>>
      %dma_start3A_250 = tpu.memref_squeeze %dma_start3A_249 : memref<1x128xi32, #tpu.memory_space<vmem>> -> memref<128xi32, #tpu.memory_space<vmem>>
      %dma_start3A_251 = arith.constant 0 : i32
      %dma_start3A_252 = arith.constant 0 : i32
      %dma_start3A_253 = tpu.memref_slice %arg8[%dma_start3A_251, %dma_start3A_252] : memref<10112x16xf32, #tpu.memory_space<vmem_shared>> -> memref<10112x16xf32, #tpu.memory_space<vmem_shared>>
      tpu.enqueue_indirect_dma source(%arg14 : memref<128x16xf32, #tpu.memory_space<vmem>>) target(%dma_start3A_253 : memref<10112x16xf32, #tpu.memory_space<vmem_shared>>) offsets(%dma_start3A_250 : memref<128xi32, #tpu.memory_space<vmem>>) semaphore(%arg30 : memref<!tpu.dma_semaphore, #tpu.memory_space<semaphore_mem>>) {add = true}
      %gt3A_254 = arith.constant 0 : i32
      %gt3A_255 = arith.cmpi sgt, %scan3A_211, %gt3A_254 : i32
      %convert_element_type3A_256 = arith.extui %gt3A_255 : i1 to i32
      %cond3A_257 = arith.constant 0 : i32
      %cond3A_258 = arith.cmpi ne, %convert_element_type3A_256, %cond3A_257 : i32
      scf.if %cond3A_258 {
        %dma_wait3A_408 = arith.constant 0 : i32
        %dma_wait3A_409 = tpu.memref_slice %arg10[%add3A_241, %dma_wait3A_408] : memref<80x128xi32, #tpu.memory_space<vmem>> -> memref<1x128xi32, #tpu.memory_space<vmem>>
        %dma_wait3A_410 = tpu.memref_squeeze %dma_wait3A_409 : memref<1x128xi32, #tpu.memory_space<vmem>> -> memref<128xi32, #tpu.memory_space<vmem>>
        %dma_wait3A_411 = arith.constant 0 : i32
        %dma_wait3A_412 = arith.constant 0 : i32
        %dma_wait3A_413 = tpu.memref_slice %arg8[%dma_wait3A_411, %dma_wait3A_412] : memref<10112x16xf32, #tpu.memory_space<vmem_shared>> -> memref<10112x16xf32, #tpu.memory_space<vmem_shared>>
        tpu.wait_indirect_dma semaphore(%arg34 : memref<!tpu.dma_semaphore, #tpu.memory_space<semaphore_mem>>) src(%arg18 : memref<128x16xf32, #tpu.memory_space<vmem>>) dst(%dma_wait3A_413 : memref<10112x16xf32, #tpu.memory_space<vmem_shared>>)
      } else {
      }
      %add3A_259 = arith.constant 4 : i32
      %add3A_260 = arith.addi %add3A_241, %add3A_259 : i32
      %dma_start3A_261 = arith.constant 0 : i32
      %dma_start3A_262 = tpu.memref_slice %arg9[%add3A_260, %dma_start3A_261] : memref<80x128xi32, #tpu.memory_space<vmem>> -> memref<1x128xi32, #tpu.memory_space<vmem>>
      %dma_start3A_263 = tpu.memref_squeeze %dma_start3A_262 : memref<1x128xi32, #tpu.memory_space<vmem>> -> memref<128xi32, #tpu.memory_space<vmem>>
      %dma_start3A_264 = arith.constant 0 : i32
      %dma_start3A_265 = arith.constant 0 : i32
      %dma_start3A_266 = tpu.memref_slice %arg7[%dma_start3A_264, %dma_start3A_265] : memref<10112x16xf32, #tpu.memory_space<vmem_shared>> -> memref<10112x16xf32, #tpu.memory_space<vmem_shared>>
      tpu.enqueue_indirect_dma source(%dma_start3A_266 : memref<10112x16xf32, #tpu.memory_space<vmem_shared>>) target(%arg18 : memref<128x16xf32, #tpu.memory_space<vmem>>) offsets(%dma_start3A_263 : memref<128xi32, #tpu.memory_space<vmem>>) semaphore(%arg26 : memref<!tpu.dma_semaphore, #tpu.memory_space<semaphore_mem>>)
      %mul3A_267 = arith.constant 8 : i32
      %mul3A_268 = arith.muli %scan3A_211, %mul3A_267 : i32
      %add3A_269 = arith.constant 2 : i32
      %add3A_270 = arith.addi %mul3A_268, %add3A_269 : i32
      %dma_wait3A_271 = arith.constant 0 : i32
      %dma_wait3A_272 = tpu.memref_slice %arg9[%add3A_270, %dma_wait3A_271] : memref<80x128xi32, #tpu.memory_space<vmem>> -> memref<1x128xi32, #tpu.memory_space<vmem>>
      %dma_wait3A_273 = tpu.memref_squeeze %dma_wait3A_272 : memref<1x128xi32, #tpu.memory_space<vmem>> -> memref<128xi32, #tpu.memory_space<vmem>>
      %dma_wait3A_274 = arith.constant 0 : i32
      %dma_wait3A_275 = arith.constant 0 : i32
      %dma_wait3A_276 = tpu.memref_slice %arg7[%dma_wait3A_274, %dma_wait3A_275] : memref<10112x16xf32, #tpu.memory_space<vmem_shared>> -> memref<10112x16xf32, #tpu.memory_space<vmem_shared>>
      tpu.wait_indirect_dma semaphore(%arg23 : memref<!tpu.dma_semaphore, #tpu.memory_space<semaphore_mem>>) src(%dma_wait3A_276 : memref<10112x16xf32, #tpu.memory_space<vmem_shared>>) dst(%arg15 : memref<128x16xf32, #tpu.memory_space<vmem>>)
      %dma_start3A_277 = arith.constant 0 : i32
      %dma_start3A_278 = tpu.memref_slice %arg10[%add3A_270, %dma_start3A_277] : memref<80x128xi32, #tpu.memory_space<vmem>> -> memref<1x128xi32, #tpu.memory_space<vmem>>
      %dma_start3A_279 = tpu.memref_squeeze %dma_start3A_278 : memref<1x128xi32, #tpu.memory_space<vmem>> -> memref<128xi32, #tpu.memory_space<vmem>>
      %dma_start3A_280 = arith.constant 0 : i32
      %dma_start3A_281 = arith.constant 0 : i32
      %dma_start3A_282 = tpu.memref_slice %arg8[%dma_start3A_280, %dma_start3A_281] : memref<10112x16xf32, #tpu.memory_space<vmem_shared>> -> memref<10112x16xf32, #tpu.memory_space<vmem_shared>>
      tpu.enqueue_indirect_dma source(%arg15 : memref<128x16xf32, #tpu.memory_space<vmem>>) target(%dma_start3A_282 : memref<10112x16xf32, #tpu.memory_space<vmem_shared>>) offsets(%dma_start3A_279 : memref<128xi32, #tpu.memory_space<vmem>>) semaphore(%arg31 : memref<!tpu.dma_semaphore, #tpu.memory_space<semaphore_mem>>) {add = true}
      %gt3A_283 = arith.constant 0 : i32
      %gt3A_284 = arith.cmpi sgt, %scan3A_211, %gt3A_283 : i32
      %convert_element_type3A_285 = arith.extui %gt3A_284 : i1 to i32
      %cond3A_286 = arith.constant 0 : i32
      %cond3A_287 = arith.cmpi ne, %convert_element_type3A_285, %cond3A_286 : i32
      scf.if %cond3A_287 {
        %dma_wait3A_408 = arith.constant 0 : i32
        %dma_wait3A_409 = tpu.memref_slice %arg10[%add3A_270, %dma_wait3A_408] : memref<80x128xi32, #tpu.memory_space<vmem>> -> memref<1x128xi32, #tpu.memory_space<vmem>>
        %dma_wait3A_410 = tpu.memref_squeeze %dma_wait3A_409 : memref<1x128xi32, #tpu.memory_space<vmem>> -> memref<128xi32, #tpu.memory_space<vmem>>
        %dma_wait3A_411 = arith.constant 0 : i32
        %dma_wait3A_412 = arith.constant 0 : i32
        %dma_wait3A_413 = tpu.memref_slice %arg8[%dma_wait3A_411, %dma_wait3A_412] : memref<10112x16xf32, #tpu.memory_space<vmem_shared>> -> memref<10112x16xf32, #tpu.memory_space<vmem_shared>>
        tpu.wait_indirect_dma semaphore(%arg35 : memref<!tpu.dma_semaphore, #tpu.memory_space<semaphore_mem>>) src(%arg19 : memref<128x16xf32, #tpu.memory_space<vmem>>) dst(%dma_wait3A_413 : memref<10112x16xf32, #tpu.memory_space<vmem_shared>>)
      } else {
      }
      %add3A_288 = arith.constant 4 : i32
      %add3A_289 = arith.addi %add3A_270, %add3A_288 : i32
      %dma_start3A_290 = arith.constant 0 : i32
      %dma_start3A_291 = tpu.memref_slice %arg9[%add3A_289, %dma_start3A_290] : memref<80x128xi32, #tpu.memory_space<vmem>> -> memref<1x128xi32, #tpu.memory_space<vmem>>
      %dma_start3A_292 = tpu.memref_squeeze %dma_start3A_291 : memref<1x128xi32, #tpu.memory_space<vmem>> -> memref<128xi32, #tpu.memory_space<vmem>>
      %dma_start3A_293 = arith.constant 0 : i32
      %dma_start3A_294 = arith.constant 0 : i32
      %dma_start3A_295 = tpu.memref_slice %arg7[%dma_start3A_293, %dma_start3A_294] : memref<10112x16xf32, #tpu.memory_space<vmem_shared>> -> memref<10112x16xf32, #tpu.memory_space<vmem_shared>>
      tpu.enqueue_indirect_dma source(%dma_start3A_295 : memref<10112x16xf32, #tpu.memory_space<vmem_shared>>) target(%arg19 : memref<128x16xf32, #tpu.memory_space<vmem>>) offsets(%dma_start3A_292 : memref<128xi32, #tpu.memory_space<vmem>>) semaphore(%arg27 : memref<!tpu.dma_semaphore, #tpu.memory_space<semaphore_mem>>)
      %mul3A_296 = arith.constant 8 : i32
      %mul3A_297 = arith.muli %scan3A_211, %mul3A_296 : i32
      %add3A_298 = arith.constant 3 : i32
      %add3A_299 = arith.addi %mul3A_297, %add3A_298 : i32
      %dma_wait3A_300 = arith.constant 0 : i32
      %dma_wait3A_301 = tpu.memref_slice %arg9[%add3A_299, %dma_wait3A_300] : memref<80x128xi32, #tpu.memory_space<vmem>> -> memref<1x128xi32, #tpu.memory_space<vmem>>
      %dma_wait3A_302 = tpu.memref_squeeze %dma_wait3A_301 : memref<1x128xi32, #tpu.memory_space<vmem>> -> memref<128xi32, #tpu.memory_space<vmem>>
      %dma_wait3A_303 = arith.constant 0 : i32
      %dma_wait3A_304 = arith.constant 0 : i32
      %dma_wait3A_305 = tpu.memref_slice %arg7[%dma_wait3A_303, %dma_wait3A_304] : memref<10112x16xf32, #tpu.memory_space<vmem_shared>> -> memref<10112x16xf32, #tpu.memory_space<vmem_shared>>
      tpu.wait_indirect_dma semaphore(%arg24 : memref<!tpu.dma_semaphore, #tpu.memory_space<semaphore_mem>>) src(%dma_wait3A_305 : memref<10112x16xf32, #tpu.memory_space<vmem_shared>>) dst(%arg16 : memref<128x16xf32, #tpu.memory_space<vmem>>)
      %dma_start3A_306 = arith.constant 0 : i32
      %dma_start3A_307 = tpu.memref_slice %arg10[%add3A_299, %dma_start3A_306] : memref<80x128xi32, #tpu.memory_space<vmem>> -> memref<1x128xi32, #tpu.memory_space<vmem>>
      %dma_start3A_308 = tpu.memref_squeeze %dma_start3A_307 : memref<1x128xi32, #tpu.memory_space<vmem>> -> memref<128xi32, #tpu.memory_space<vmem>>
      %dma_start3A_309 = arith.constant 0 : i32
      %dma_start3A_310 = arith.constant 0 : i32
      %dma_start3A_311 = tpu.memref_slice %arg8[%dma_start3A_309, %dma_start3A_310] : memref<10112x16xf32, #tpu.memory_space<vmem_shared>> -> memref<10112x16xf32, #tpu.memory_space<vmem_shared>>
      tpu.enqueue_indirect_dma source(%arg16 : memref<128x16xf32, #tpu.memory_space<vmem>>) target(%dma_start3A_311 : memref<10112x16xf32, #tpu.memory_space<vmem_shared>>) offsets(%dma_start3A_308 : memref<128xi32, #tpu.memory_space<vmem>>) semaphore(%arg32 : memref<!tpu.dma_semaphore, #tpu.memory_space<semaphore_mem>>) {add = true}
      %gt3A_312 = arith.constant 0 : i32
      %gt3A_313 = arith.cmpi sgt, %scan3A_211, %gt3A_312 : i32
      %convert_element_type3A_314 = arith.extui %gt3A_313 : i1 to i32
      %cond3A_315 = arith.constant 0 : i32
      %cond3A_316 = arith.cmpi ne, %convert_element_type3A_314, %cond3A_315 : i32
      scf.if %cond3A_316 {
        %dma_wait3A_408 = arith.constant 0 : i32
        %dma_wait3A_409 = tpu.memref_slice %arg10[%add3A_299, %dma_wait3A_408] : memref<80x128xi32, #tpu.memory_space<vmem>> -> memref<1x128xi32, #tpu.memory_space<vmem>>
        %dma_wait3A_410 = tpu.memref_squeeze %dma_wait3A_409 : memref<1x128xi32, #tpu.memory_space<vmem>> -> memref<128xi32, #tpu.memory_space<vmem>>
        %dma_wait3A_411 = arith.constant 0 : i32
        %dma_wait3A_412 = arith.constant 0 : i32
        %dma_wait3A_413 = tpu.memref_slice %arg8[%dma_wait3A_411, %dma_wait3A_412] : memref<10112x16xf32, #tpu.memory_space<vmem_shared>> -> memref<10112x16xf32, #tpu.memory_space<vmem_shared>>
        tpu.wait_indirect_dma semaphore(%arg36 : memref<!tpu.dma_semaphore, #tpu.memory_space<semaphore_mem>>) src(%arg20 : memref<128x16xf32, #tpu.memory_space<vmem>>) dst(%dma_wait3A_413 : memref<10112x16xf32, #tpu.memory_space<vmem_shared>>)
      } else {
      }
      %add3A_317 = arith.constant 4 : i32
      %add3A_318 = arith.addi %add3A_299, %add3A_317 : i32
      %dma_start3A_319 = arith.constant 0 : i32
      %dma_start3A_320 = tpu.memref_slice %arg9[%add3A_318, %dma_start3A_319] : memref<80x128xi32, #tpu.memory_space<vmem>> -> memref<1x128xi32, #tpu.memory_space<vmem>>
      %dma_start3A_321 = tpu.memref_squeeze %dma_start3A_320 : memref<1x128xi32, #tpu.memory_space<vmem>> -> memref<128xi32, #tpu.memory_space<vmem>>
      %dma_start3A_322 = arith.constant 0 : i32
      %dma_start3A_323 = arith.constant 0 : i32
      %dma_start3A_324 = tpu.memref_slice %arg7[%dma_start3A_322, %dma_start3A_323] : memref<10112x16xf32, #tpu.memory_space<vmem_shared>> -> memref<10112x16xf32, #tpu.memory_space<vmem_shared>>
      tpu.enqueue_indirect_dma source(%dma_start3A_324 : memref<10112x16xf32, #tpu.memory_space<vmem_shared>>) target(%arg20 : memref<128x16xf32, #tpu.memory_space<vmem>>) offsets(%dma_start3A_321 : memref<128xi32, #tpu.memory_space<vmem>>) semaphore(%arg28 : memref<!tpu.dma_semaphore, #tpu.memory_space<semaphore_mem>>)
      %mul3A_325 = arith.constant 8 : i32
      %mul3A_326 = arith.muli %scan3A_211, %mul3A_325 : i32
      %add3A_327 = arith.constant 4 : i32
      %add3A_328 = arith.addi %mul3A_326, %add3A_327 : i32
      %dma_wait3A_329 = arith.constant 0 : i32
      %dma_wait3A_330 = tpu.memref_slice %arg9[%add3A_328, %dma_wait3A_329] : memref<80x128xi32, #tpu.memory_space<vmem>> -> memref<1x128xi32, #tpu.memory_space<vmem>>
      %dma_wait3A_331 = tpu.memref_squeeze %dma_wait3A_330 : memref<1x128xi32, #tpu.memory_space<vmem>> -> memref<128xi32, #tpu.memory_space<vmem>>
      %dma_wait3A_332 = arith.constant 0 : i32
      %dma_wait3A_333 = arith.constant 0 : i32
      %dma_wait3A_334 = tpu.memref_slice %arg7[%dma_wait3A_332, %dma_wait3A_333] : memref<10112x16xf32, #tpu.memory_space<vmem_shared>> -> memref<10112x16xf32, #tpu.memory_space<vmem_shared>>
      tpu.wait_indirect_dma semaphore(%arg25 : memref<!tpu.dma_semaphore, #tpu.memory_space<semaphore_mem>>) src(%dma_wait3A_334 : memref<10112x16xf32, #tpu.memory_space<vmem_shared>>) dst(%arg17 : memref<128x16xf32, #tpu.memory_space<vmem>>)
      %dma_start3A_335 = arith.constant 0 : i32
      %dma_start3A_336 = tpu.memref_slice %arg10[%add3A_328, %dma_start3A_335] : memref<80x128xi32, #tpu.memory_space<vmem>> -> memref<1x128xi32, #tpu.memory_space<vmem>>
      %dma_start3A_337 = tpu.memref_squeeze %dma_start3A_336 : memref<1x128xi32, #tpu.memory_space<vmem>> -> memref<128xi32, #tpu.memory_space<vmem>>
      %dma_start3A_338 = arith.constant 0 : i32
      %dma_start3A_339 = arith.constant 0 : i32
      %dma_start3A_340 = tpu.memref_slice %arg8[%dma_start3A_338, %dma_start3A_339] : memref<10112x16xf32, #tpu.memory_space<vmem_shared>> -> memref<10112x16xf32, #tpu.memory_space<vmem_shared>>
      tpu.enqueue_indirect_dma source(%arg17 : memref<128x16xf32, #tpu.memory_space<vmem>>) target(%dma_start3A_340 : memref<10112x16xf32, #tpu.memory_space<vmem_shared>>) offsets(%dma_start3A_337 : memref<128xi32, #tpu.memory_space<vmem>>) semaphore(%arg33 : memref<!tpu.dma_semaphore, #tpu.memory_space<semaphore_mem>>) {add = true}
      %lt3A = arith.constant 9 : i32
      %lt3A_341 = arith.cmpi slt, %scan3A_211, %lt3A : i32
      %convert_element_type3A_342 = arith.extui %lt3A_341 : i1 to i32
      %cond3A_343 = arith.constant 0 : i32
      %cond3A_344 = arith.cmpi ne, %convert_element_type3A_342, %cond3A_343 : i32
      scf.if %cond3A_344 {
        %dma_wait3A_408 = arith.constant 0 : i32
        %dma_wait3A_409 = tpu.memref_slice %arg10[%add3A_328, %dma_wait3A_408] : memref<80x128xi32, #tpu.memory_space<vmem>> -> memref<1x128xi32, #tpu.memory_space<vmem>>
        %dma_wait3A_410 = tpu.memref_squeeze %dma_wait3A_409 : memref<1x128xi32, #tpu.memory_space<vmem>> -> memref<128xi32, #tpu.memory_space<vmem>>
        %dma_wait3A_411 = arith.constant 0 : i32
        %dma_wait3A_412 = arith.constant 0 : i32
        %dma_wait3A_413 = tpu.memref_slice %arg8[%dma_wait3A_411, %dma_wait3A_412] : memref<10112x16xf32, #tpu.memory_space<vmem_shared>> -> memref<10112x16xf32, #tpu.memory_space<vmem_shared>>
        tpu.wait_indirect_dma semaphore(%arg29 : memref<!tpu.dma_semaphore, #tpu.memory_space<semaphore_mem>>) src(%arg13 : memref<128x16xf32, #tpu.memory_space<vmem>>) dst(%dma_wait3A_413 : memref<10112x16xf32, #tpu.memory_space<vmem_shared>>)
        %add3A_414 = arith.constant 4 : i32
        %add3A_415 = arith.addi %add3A_328, %add3A_414 : i32
        %dma_start3A_416 = arith.constant 0 : i32
        %dma_start3A_417 = tpu.memref_slice %arg9[%add3A_415, %dma_start3A_416] : memref<80x128xi32, #tpu.memory_space<vmem>> -> memref<1x128xi32, #tpu.memory_space<vmem>>
        %dma_start3A_418 = tpu.memref_squeeze %dma_start3A_417 : memref<1x128xi32, #tpu.memory_space<vmem>> -> memref<128xi32, #tpu.memory_space<vmem>>
        %dma_start3A_419 = arith.constant 0 : i32
        %dma_start3A_420 = arith.constant 0 : i32
        %dma_start3A_421 = tpu.memref_slice %arg7[%dma_start3A_419, %dma_start3A_420] : memref<10112x16xf32, #tpu.memory_space<vmem_shared>> -> memref<10112x16xf32, #tpu.memory_space<vmem_shared>>
        tpu.enqueue_indirect_dma source(%dma_start3A_421 : memref<10112x16xf32, #tpu.memory_space<vmem_shared>>) target(%arg13 : memref<128x16xf32, #tpu.memory_space<vmem>>) offsets(%dma_start3A_418 : memref<128xi32, #tpu.memory_space<vmem>>) semaphore(%arg21 : memref<!tpu.dma_semaphore, #tpu.memory_space<semaphore_mem>>)
      } else {
      }
      %mul3A_345 = arith.constant 8 : i32
      %mul3A_346 = arith.muli %scan3A_211, %mul3A_345 : i32
      %add3A_347 = arith.constant 5 : i32
      %add3A_348 = arith.addi %mul3A_346, %add3A_347 : i32
      %dma_wait3A_349 = arith.constant 0 : i32
      %dma_wait3A_350 = tpu.memref_slice %arg9[%add3A_348, %dma_wait3A_349] : memref<80x128xi32, #tpu.memory_space<vmem>> -> memref<1x128xi32, #tpu.memory_space<vmem>>
      %dma_wait3A_351 = tpu.memref_squeeze %dma_wait3A_350 : memref<1x128xi32, #tpu.memory_space<vmem>> -> memref<128xi32, #tpu.memory_space<vmem>>
      %dma_wait3A_352 = arith.constant 0 : i32
      %dma_wait3A_353 = arith.constant 0 : i32
      %dma_wait3A_354 = tpu.memref_slice %arg7[%dma_wait3A_352, %dma_wait3A_353] : memref<10112x16xf32, #tpu.memory_space<vmem_shared>> -> memref<10112x16xf32, #tpu.memory_space<vmem_shared>>
      tpu.wait_indirect_dma semaphore(%arg26 : memref<!tpu.dma_semaphore, #tpu.memory_space<semaphore_mem>>) src(%dma_wait3A_354 : memref<10112x16xf32, #tpu.memory_space<vmem_shared>>) dst(%arg18 : memref<128x16xf32, #tpu.memory_space<vmem>>)
      %dma_start3A_355 = arith.constant 0 : i32
      %dma_start3A_356 = tpu.memref_slice %arg10[%add3A_348, %dma_start3A_355] : memref<80x128xi32, #tpu.memory_space<vmem>> -> memref<1x128xi32, #tpu.memory_space<vmem>>
      %dma_start3A_357 = tpu.memref_squeeze %dma_start3A_356 : memref<1x128xi32, #tpu.memory_space<vmem>> -> memref<128xi32, #tpu.memory_space<vmem>>
      %dma_start3A_358 = arith.constant 0 : i32
      %dma_start3A_359 = arith.constant 0 : i32
      %dma_start3A_360 = tpu.memref_slice %arg8[%dma_start3A_358, %dma_start3A_359] : memref<10112x16xf32, #tpu.memory_space<vmem_shared>> -> memref<10112x16xf32, #tpu.memory_space<vmem_shared>>
      tpu.enqueue_indirect_dma source(%arg18 : memref<128x16xf32, #tpu.memory_space<vmem>>) target(%dma_start3A_360 : memref<10112x16xf32, #tpu.memory_space<vmem_shared>>) offsets(%dma_start3A_357 : memref<128xi32, #tpu.memory_space<vmem>>) semaphore(%arg34 : memref<!tpu.dma_semaphore, #tpu.memory_space<semaphore_mem>>) {add = true}
      %lt3A_361 = arith.constant 9 : i32
      %lt3A_362 = arith.cmpi slt, %scan3A_211, %lt3A_361 : i32
      %convert_element_type3A_363 = arith.extui %lt3A_362 : i1 to i32
      %cond3A_364 = arith.constant 0 : i32
      %cond3A_365 = arith.cmpi ne, %convert_element_type3A_363, %cond3A_364 : i32
      scf.if %cond3A_365 {
        %dma_wait3A_408 = arith.constant 0 : i32
        %dma_wait3A_409 = tpu.memref_slice %arg10[%add3A_348, %dma_wait3A_408] : memref<80x128xi32, #tpu.memory_space<vmem>> -> memref<1x128xi32, #tpu.memory_space<vmem>>
        %dma_wait3A_410 = tpu.memref_squeeze %dma_wait3A_409 : memref<1x128xi32, #tpu.memory_space<vmem>> -> memref<128xi32, #tpu.memory_space<vmem>>
        %dma_wait3A_411 = arith.constant 0 : i32
        %dma_wait3A_412 = arith.constant 0 : i32
        %dma_wait3A_413 = tpu.memref_slice %arg8[%dma_wait3A_411, %dma_wait3A_412] : memref<10112x16xf32, #tpu.memory_space<vmem_shared>> -> memref<10112x16xf32, #tpu.memory_space<vmem_shared>>
        tpu.wait_indirect_dma semaphore(%arg30 : memref<!tpu.dma_semaphore, #tpu.memory_space<semaphore_mem>>) src(%arg14 : memref<128x16xf32, #tpu.memory_space<vmem>>) dst(%dma_wait3A_413 : memref<10112x16xf32, #tpu.memory_space<vmem_shared>>)
        %add3A_414 = arith.constant 4 : i32
        %add3A_415 = arith.addi %add3A_348, %add3A_414 : i32
        %dma_start3A_416 = arith.constant 0 : i32
        %dma_start3A_417 = tpu.memref_slice %arg9[%add3A_415, %dma_start3A_416] : memref<80x128xi32, #tpu.memory_space<vmem>> -> memref<1x128xi32, #tpu.memory_space<vmem>>
        %dma_start3A_418 = tpu.memref_squeeze %dma_start3A_417 : memref<1x128xi32, #tpu.memory_space<vmem>> -> memref<128xi32, #tpu.memory_space<vmem>>
        %dma_start3A_419 = arith.constant 0 : i32
        %dma_start3A_420 = arith.constant 0 : i32
        %dma_start3A_421 = tpu.memref_slice %arg7[%dma_start3A_419, %dma_start3A_420] : memref<10112x16xf32, #tpu.memory_space<vmem_shared>> -> memref<10112x16xf32, #tpu.memory_space<vmem_shared>>
        tpu.enqueue_indirect_dma source(%dma_start3A_421 : memref<10112x16xf32, #tpu.memory_space<vmem_shared>>) target(%arg14 : memref<128x16xf32, #tpu.memory_space<vmem>>) offsets(%dma_start3A_418 : memref<128xi32, #tpu.memory_space<vmem>>) semaphore(%arg22 : memref<!tpu.dma_semaphore, #tpu.memory_space<semaphore_mem>>)
      } else {
      }
      %mul3A_366 = arith.constant 8 : i32
      %mul3A_367 = arith.muli %scan3A_211, %mul3A_366 : i32
      %add3A_368 = arith.constant 6 : i32
      %add3A_369 = arith.addi %mul3A_367, %add3A_368 : i32
      %dma_wait3A_370 = arith.constant 0 : i32
      %dma_wait3A_371 = tpu.memref_slice %arg9[%add3A_369, %dma_wait3A_370] : memref<80x128xi32, #tpu.memory_space<vmem>> -> memref<1x128xi32, #tpu.memory_space<vmem>>
      %dma_wait3A_372 = tpu.memref_squeeze %dma_wait3A_371 : memref<1x128xi32, #tpu.memory_space<vmem>> -> memref<128xi32, #tpu.memory_space<vmem>>
      %dma_wait3A_373 = arith.constant 0 : i32
      %dma_wait3A_374 = arith.constant 0 : i32
      %dma_wait3A_375 = tpu.memref_slice %arg7[%dma_wait3A_373, %dma_wait3A_374] : memref<10112x16xf32, #tpu.memory_space<vmem_shared>> -> memref<10112x16xf32, #tpu.memory_space<vmem_shared>>
      tpu.wait_indirect_dma semaphore(%arg27 : memref<!tpu.dma_semaphore, #tpu.memory_space<semaphore_mem>>) src(%dma_wait3A_375 : memref<10112x16xf32, #tpu.memory_space<vmem_shared>>) dst(%arg19 : memref<128x16xf32, #tpu.memory_space<vmem>>)
      %dma_start3A_376 = arith.constant 0 : i32
      %dma_start3A_377 = tpu.memref_slice %arg10[%add3A_369, %dma_start3A_376] : memref<80x128xi32, #tpu.memory_space<vmem>> -> memref<1x128xi32, #tpu.memory_space<vmem>>
      %dma_start3A_378 = tpu.memref_squeeze %dma_start3A_377 : memref<1x128xi32, #tpu.memory_space<vmem>> -> memref<128xi32, #tpu.memory_space<vmem>>
      %dma_start3A_379 = arith.constant 0 : i32
      %dma_start3A_380 = arith.constant 0 : i32
      %dma_start3A_381 = tpu.memref_slice %arg8[%dma_start3A_379, %dma_start3A_380] : memref<10112x16xf32, #tpu.memory_space<vmem_shared>> -> memref<10112x16xf32, #tpu.memory_space<vmem_shared>>
      tpu.enqueue_indirect_dma source(%arg19 : memref<128x16xf32, #tpu.memory_space<vmem>>) target(%dma_start3A_381 : memref<10112x16xf32, #tpu.memory_space<vmem_shared>>) offsets(%dma_start3A_378 : memref<128xi32, #tpu.memory_space<vmem>>) semaphore(%arg35 : memref<!tpu.dma_semaphore, #tpu.memory_space<semaphore_mem>>) {add = true}
      %lt3A_382 = arith.constant 9 : i32
      %lt3A_383 = arith.cmpi slt, %scan3A_211, %lt3A_382 : i32
      %convert_element_type3A_384 = arith.extui %lt3A_383 : i1 to i32
      %cond3A_385 = arith.constant 0 : i32
      %cond3A_386 = arith.cmpi ne, %convert_element_type3A_384, %cond3A_385 : i32
      scf.if %cond3A_386 {
        %dma_wait3A_408 = arith.constant 0 : i32
        %dma_wait3A_409 = tpu.memref_slice %arg10[%add3A_369, %dma_wait3A_408] : memref<80x128xi32, #tpu.memory_space<vmem>> -> memref<1x128xi32, #tpu.memory_space<vmem>>
        %dma_wait3A_410 = tpu.memref_squeeze %dma_wait3A_409 : memref<1x128xi32, #tpu.memory_space<vmem>> -> memref<128xi32, #tpu.memory_space<vmem>>
        %dma_wait3A_411 = arith.constant 0 : i32
        %dma_wait3A_412 = arith.constant 0 : i32
        %dma_wait3A_413 = tpu.memref_slice %arg8[%dma_wait3A_411, %dma_wait3A_412] : memref<10112x16xf32, #tpu.memory_space<vmem_shared>> -> memref<10112x16xf32, #tpu.memory_space<vmem_shared>>
        tpu.wait_indirect_dma semaphore(%arg31 : memref<!tpu.dma_semaphore, #tpu.memory_space<semaphore_mem>>) src(%arg15 : memref<128x16xf32, #tpu.memory_space<vmem>>) dst(%dma_wait3A_413 : memref<10112x16xf32, #tpu.memory_space<vmem_shared>>)
        %add3A_414 = arith.constant 4 : i32
        %add3A_415 = arith.addi %add3A_369, %add3A_414 : i32
        %dma_start3A_416 = arith.constant 0 : i32
        %dma_start3A_417 = tpu.memref_slice %arg9[%add3A_415, %dma_start3A_416] : memref<80x128xi32, #tpu.memory_space<vmem>> -> memref<1x128xi32, #tpu.memory_space<vmem>>
        %dma_start3A_418 = tpu.memref_squeeze %dma_start3A_417 : memref<1x128xi32, #tpu.memory_space<vmem>> -> memref<128xi32, #tpu.memory_space<vmem>>
        %dma_start3A_419 = arith.constant 0 : i32
        %dma_start3A_420 = arith.constant 0 : i32
        %dma_start3A_421 = tpu.memref_slice %arg7[%dma_start3A_419, %dma_start3A_420] : memref<10112x16xf32, #tpu.memory_space<vmem_shared>> -> memref<10112x16xf32, #tpu.memory_space<vmem_shared>>
        tpu.enqueue_indirect_dma source(%dma_start3A_421 : memref<10112x16xf32, #tpu.memory_space<vmem_shared>>) target(%arg15 : memref<128x16xf32, #tpu.memory_space<vmem>>) offsets(%dma_start3A_418 : memref<128xi32, #tpu.memory_space<vmem>>) semaphore(%arg23 : memref<!tpu.dma_semaphore, #tpu.memory_space<semaphore_mem>>)
      } else {
      }
      %mul3A_387 = arith.constant 8 : i32
      %mul3A_388 = arith.muli %scan3A_211, %mul3A_387 : i32
      %add3A_389 = arith.constant 7 : i32
      %add3A_390 = arith.addi %mul3A_388, %add3A_389 : i32
      %dma_wait3A_391 = arith.constant 0 : i32
      %dma_wait3A_392 = tpu.memref_slice %arg9[%add3A_390, %dma_wait3A_391] : memref<80x128xi32, #tpu.memory_space<vmem>> -> memref<1x128xi32, #tpu.memory_space<vmem>>
      %dma_wait3A_393 = tpu.memref_squeeze %dma_wait3A_392 : memref<1x128xi32, #tpu.memory_space<vmem>> -> memref<128xi32, #tpu.memory_space<vmem>>
      %dma_wait3A_394 = arith.constant 0 : i32
      %dma_wait3A_395 = arith.constant 0 : i32
      %dma_wait3A_396 = tpu.memref_slice %arg7[%dma_wait3A_394, %dma_wait3A_395] : memref<10112x16xf32, #tpu.memory_space<vmem_shared>> -> memref<10112x16xf32, #tpu.memory_space<vmem_shared>>
      tpu.wait_indirect_dma semaphore(%arg28 : memref<!tpu.dma_semaphore, #tpu.memory_space<semaphore_mem>>) src(%dma_wait3A_396 : memref<10112x16xf32, #tpu.memory_space<vmem_shared>>) dst(%arg20 : memref<128x16xf32, #tpu.memory_space<vmem>>)
      %dma_start3A_397 = arith.constant 0 : i32
      %dma_start3A_398 = tpu.memref_slice %arg10[%add3A_390, %dma_start3A_397] : memref<80x128xi32, #tpu.memory_space<vmem>> -> memref<1x128xi32, #tpu.memory_space<vmem>>
      %dma_start3A_399 = tpu.memref_squeeze %dma_start3A_398 : memref<1x128xi32, #tpu.memory_space<vmem>> -> memref<128xi32, #tpu.memory_space<vmem>>
      %dma_start3A_400 = arith.constant 0 : i32
      %dma_start3A_401 = arith.constant 0 : i32
      %dma_start3A_402 = tpu.memref_slice %arg8[%dma_start3A_400, %dma_start3A_401] : memref<10112x16xf32, #tpu.memory_space<vmem_shared>> -> memref<10112x16xf32, #tpu.memory_space<vmem_shared>>
      tpu.enqueue_indirect_dma source(%arg20 : memref<128x16xf32, #tpu.memory_space<vmem>>) target(%dma_start3A_402 : memref<10112x16xf32, #tpu.memory_space<vmem_shared>>) offsets(%dma_start3A_399 : memref<128xi32, #tpu.memory_space<vmem>>) semaphore(%arg36 : memref<!tpu.dma_semaphore, #tpu.memory_space<semaphore_mem>>) {add = true}
      %lt3A_403 = arith.constant 9 : i32
      %lt3A_404 = arith.cmpi slt, %scan3A_211, %lt3A_403 : i32
      %convert_element_type3A_405 = arith.extui %lt3A_404 : i1 to i32
      %cond3A_406 = arith.constant 0 : i32
      %cond3A_407 = arith.cmpi ne, %convert_element_type3A_405, %cond3A_406 : i32
      scf.if %cond3A_407 {
        %dma_wait3A_408 = arith.constant 0 : i32
        %dma_wait3A_409 = tpu.memref_slice %arg10[%add3A_390, %dma_wait3A_408] : memref<80x128xi32, #tpu.memory_space<vmem>> -> memref<1x128xi32, #tpu.memory_space<vmem>>
        %dma_wait3A_410 = tpu.memref_squeeze %dma_wait3A_409 : memref<1x128xi32, #tpu.memory_space<vmem>> -> memref<128xi32, #tpu.memory_space<vmem>>
        %dma_wait3A_411 = arith.constant 0 : i32
        %dma_wait3A_412 = arith.constant 0 : i32
        %dma_wait3A_413 = tpu.memref_slice %arg8[%dma_wait3A_411, %dma_wait3A_412] : memref<10112x16xf32, #tpu.memory_space<vmem_shared>> -> memref<10112x16xf32, #tpu.memory_space<vmem_shared>>
        tpu.wait_indirect_dma semaphore(%arg32 : memref<!tpu.dma_semaphore, #tpu.memory_space<semaphore_mem>>) src(%arg16 : memref<128x16xf32, #tpu.memory_space<vmem>>) dst(%dma_wait3A_413 : memref<10112x16xf32, #tpu.memory_space<vmem_shared>>)
        %add3A_414 = arith.constant 4 : i32
        %add3A_415 = arith.addi %add3A_390, %add3A_414 : i32
        %dma_start3A_416 = arith.constant 0 : i32
        %dma_start3A_417 = tpu.memref_slice %arg9[%add3A_415, %dma_start3A_416] : memref<80x128xi32, #tpu.memory_space<vmem>> -> memref<1x128xi32, #tpu.memory_space<vmem>>
        %dma_start3A_418 = tpu.memref_squeeze %dma_start3A_417 : memref<1x128xi32, #tpu.memory_space<vmem>> -> memref<128xi32, #tpu.memory_space<vmem>>
        %dma_start3A_419 = arith.constant 0 : i32
        %dma_start3A_420 = arith.constant 0 : i32
        %dma_start3A_421 = tpu.memref_slice %arg7[%dma_start3A_419, %dma_start3A_420] : memref<10112x16xf32, #tpu.memory_space<vmem_shared>> -> memref<10112x16xf32, #tpu.memory_space<vmem_shared>>
        tpu.enqueue_indirect_dma source(%dma_start3A_421 : memref<10112x16xf32, #tpu.memory_space<vmem_shared>>) target(%arg16 : memref<128x16xf32, #tpu.memory_space<vmem>>) offsets(%dma_start3A_418 : memref<128xi32, #tpu.memory_space<vmem>>) semaphore(%arg24 : memref<!tpu.dma_semaphore, #tpu.memory_space<semaphore_mem>>)
      } else {
      }
    }
    %scan3A_153 = arith.constant 10 : i32
    %dma_wait3A_154 = arith.constant 0 : i32
    %dma_wait3A_155 = arith.constant 0 : i32
    %dma_wait3A_156 = tpu.memref_slice %arg10[%dma_wait3A_154, %dma_wait3A_155] : memref<80x128xi32, #tpu.memory_space<vmem>> -> memref<1x128xi32, #tpu.memory_space<vmem>>
    %dma_wait3A_157 = tpu.memref_squeeze %dma_wait3A_156 : memref<1x128xi32, #tpu.memory_space<vmem>> -> memref<128xi32, #tpu.memory_space<vmem>>
    %dma_wait3A_158 = arith.constant 0 : i32
    %dma_wait3A_159 = arith.constant 0 : i32
    %dma_wait3A_160 = tpu.memref_slice %arg8[%dma_wait3A_158, %dma_wait3A_159] : memref<10112x16xf32, #tpu.memory_space<vmem_shared>> -> memref<10112x16xf32, #tpu.memory_space<vmem_shared>>
    tpu.wait_indirect_dma semaphore(%arg29 : memref<!tpu.dma_semaphore, #tpu.memory_space<semaphore_mem>>) src(%arg13 : memref<128x16xf32, #tpu.memory_space<vmem>>) dst(%dma_wait3A_160 : memref<10112x16xf32, #tpu.memory_space<vmem_shared>>)
    %dma_wait3A_161 = arith.constant 0 : i32
    %dma_wait3A_162 = arith.constant 0 : i32
    %dma_wait3A_163 = tpu.memref_slice %arg10[%dma_wait3A_161, %dma_wait3A_162] : memref<80x128xi32, #tpu.memory_space<vmem>> -> memref<1x128xi32, #tpu.memory_space<vmem>>
    %dma_wait3A_164 = tpu.memref_squeeze %dma_wait3A_163 : memref<1x128xi32, #tpu.memory_space<vmem>> -> memref<128xi32, #tpu.memory_space<vmem>>
    %dma_wait3A_165 = arith.constant 0 : i32
    %dma_wait3A_166 = arith.constant 0 : i32
    %dma_wait3A_167 = tpu.memref_slice %arg8[%dma_wait3A_165, %dma_wait3A_166] : memref<10112x16xf32, #tpu.memory_space<vmem_shared>> -> memref<10112x16xf32, #tpu.memory_space<vmem_shared>>
    tpu.wait_indirect_dma semaphore(%arg30 : memref<!tpu.dma_semaphore, #tpu.memory_space<semaphore_mem>>) src(%arg14 : memref<128x16xf32, #tpu.memory_space<vmem>>) dst(%dma_wait3A_167 : memref<10112x16xf32, #tpu.memory_space<vmem_shared>>)
    %dma_wait3A_168 = arith.constant 0 : i32
    %dma_wait3A_169 = arith.constant 0 : i32
    %dma_wait3A_170 = tpu.memref_slice %arg10[%dma_wait3A_168, %dma_wait3A_169] : memref<80x128xi32, #tpu.memory_space<vmem>> -> memref<1x128xi32, #tpu.memory_space<vmem>>
    %dma_wait3A_171 = tpu.memref_squeeze %dma_wait3A_170 : memref<1x128xi32, #tpu.memory_space<vmem>> -> memref<128xi32, #tpu.memory_space<vmem>>
    %dma_wait3A_172 = arith.constant 0 : i32
    %dma_wait3A_173 = arith.constant 0 : i32
    %dma_wait3A_174 = tpu.memref_slice %arg8[%dma_wait3A_172, %dma_wait3A_173] : memref<10112x16xf32, #tpu.memory_space<vmem_shared>> -> memref<10112x16xf32, #tpu.memory_space<vmem_shared>>
    tpu.wait_indirect_dma semaphore(%arg31 : memref<!tpu.dma_semaphore, #tpu.memory_space<semaphore_mem>>) src(%arg15 : memref<128x16xf32, #tpu.memory_space<vmem>>) dst(%dma_wait3A_174 : memref<10112x16xf32, #tpu.memory_space<vmem_shared>>)
    %dma_wait3A_175 = arith.constant 0 : i32
    %dma_wait3A_176 = arith.constant 0 : i32
    %dma_wait3A_177 = tpu.memref_slice %arg10[%dma_wait3A_175, %dma_wait3A_176] : memref<80x128xi32, #tpu.memory_space<vmem>> -> memref<1x128xi32, #tpu.memory_space<vmem>>
    %dma_wait3A_178 = tpu.memref_squeeze %dma_wait3A_177 : memref<1x128xi32, #tpu.memory_space<vmem>> -> memref<128xi32, #tpu.memory_space<vmem>>
    %dma_wait3A_179 = arith.constant 0 : i32
    %dma_wait3A_180 = arith.constant 0 : i32
    %dma_wait3A_181 = tpu.memref_slice %arg8[%dma_wait3A_179, %dma_wait3A_180] : memref<10112x16xf32, #tpu.memory_space<vmem_shared>> -> memref<10112x16xf32, #tpu.memory_space<vmem_shared>>
    tpu.wait_indirect_dma semaphore(%arg32 : memref<!tpu.dma_semaphore, #tpu.memory_space<semaphore_mem>>) src(%arg16 : memref<128x16xf32, #tpu.memory_space<vmem>>) dst(%dma_wait3A_181 : memref<10112x16xf32, #tpu.memory_space<vmem_shared>>)
    %dma_wait3A_182 = arith.constant 0 : i32
    %dma_wait3A_183 = arith.constant 0 : i32
    %dma_wait3A_184 = tpu.memref_slice %arg10[%dma_wait3A_182, %dma_wait3A_183] : memref<80x128xi32, #tpu.memory_space<vmem>> -> memref<1x128xi32, #tpu.memory_space<vmem>>
    %dma_wait3A_185 = tpu.memref_squeeze %dma_wait3A_184 : memref<1x128xi32, #tpu.memory_space<vmem>> -> memref<128xi32, #tpu.memory_space<vmem>>
    %dma_wait3A_186 = arith.constant 0 : i32
    %dma_wait3A_187 = arith.constant 0 : i32
    %dma_wait3A_188 = tpu.memref_slice %arg8[%dma_wait3A_186, %dma_wait3A_187] : memref<10112x16xf32, #tpu.memory_space<vmem_shared>> -> memref<10112x16xf32, #tpu.memory_space<vmem_shared>>
    tpu.wait_indirect_dma semaphore(%arg33 : memref<!tpu.dma_semaphore, #tpu.memory_space<semaphore_mem>>) src(%arg17 : memref<128x16xf32, #tpu.memory_space<vmem>>) dst(%dma_wait3A_188 : memref<10112x16xf32, #tpu.memory_space<vmem_shared>>)
    %dma_wait3A_189 = arith.constant 0 : i32
    %dma_wait3A_190 = arith.constant 0 : i32
    %dma_wait3A_191 = tpu.memref_slice %arg10[%dma_wait3A_189, %dma_wait3A_190] : memref<80x128xi32, #tpu.memory_space<vmem>> -> memref<1x128xi32, #tpu.memory_space<vmem>>
    %dma_wait3A_192 = tpu.memref_squeeze %dma_wait3A_191 : memref<1x128xi32, #tpu.memory_space<vmem>> -> memref<128xi32, #tpu.memory_space<vmem>>
    %dma_wait3A_193 = arith.constant 0 : i32
    %dma_wait3A_194 = arith.constant 0 : i32
    %dma_wait3A_195 = tpu.memref_slice %arg8[%dma_wait3A_193, %dma_wait3A_194] : memref<10112x16xf32, #tpu.memory_space<vmem_shared>> -> memref<10112x16xf32, #tpu.memory_space<vmem_shared>>
    tpu.wait_indirect_dma semaphore(%arg34 : memref<!tpu.dma_semaphore, #tpu.memory_space<semaphore_mem>>) src(%arg18 : memref<128x16xf32, #tpu.memory_space<vmem>>) dst(%dma_wait3A_195 : memref<10112x16xf32, #tpu.memory_space<vmem_shared>>)
    %dma_wait3A_196 = arith.constant 0 : i32
    %dma_wait3A_197 = arith.constant 0 : i32
    %dma_wait3A_198 = tpu.memref_slice %arg10[%dma_wait3A_196, %dma_wait3A_197] : memref<80x128xi32, #tpu.memory_space<vmem>> -> memref<1x128xi32, #tpu.memory_space<vmem>>
    %dma_wait3A_199 = tpu.memref_squeeze %dma_wait3A_198 : memref<1x128xi32, #tpu.memory_space<vmem>> -> memref<128xi32, #tpu.memory_space<vmem>>
    %dma_wait3A_200 = arith.constant 0 : i32
    %dma_wait3A_201 = arith.constant 0 : i32
    %dma_wait3A_202 = tpu.memref_slice %arg8[%dma_wait3A_200, %dma_wait3A_201] : memref<10112x16xf32, #tpu.memory_space<vmem_shared>> -> memref<10112x16xf32, #tpu.memory_space<vmem_shared>>
    tpu.wait_indirect_dma semaphore(%arg35 : memref<!tpu.dma_semaphore, #tpu.memory_space<semaphore_mem>>) src(%arg19 : memref<128x16xf32, #tpu.memory_space<vmem>>) dst(%dma_wait3A_202 : memref<10112x16xf32, #tpu.memory_space<vmem_shared>>)
    %dma_wait3A_203 = arith.constant 0 : i32
    %dma_wait3A_204 = arith.constant 0 : i32
    %dma_wait3A_205 = tpu.memref_slice %arg10[%dma_wait3A_203, %dma_wait3A_204] : memref<80x128xi32, #tpu.memory_space<vmem>> -> memref<1x128xi32, #tpu.memory_space<vmem>>
    %dma_wait3A_206 = tpu.memref_squeeze %dma_wait3A_205 : memref<1x128xi32, #tpu.memory_space<vmem>> -> memref<128xi32, #tpu.memory_space<vmem>>
    %dma_wait3A_207 = arith.constant 0 : i32
    %dma_wait3A_208 = arith.constant 0 : i32
    %dma_wait3A_209 = tpu.memref_slice %arg8[%dma_wait3A_207, %dma_wait3A_208] : memref<10112x16xf32, #tpu.memory_space<vmem_shared>> -> memref<10112x16xf32, #tpu.memory_space<vmem_shared>>
    tpu.wait_indirect_dma semaphore(%arg36 : memref<!tpu.dma_semaphore, #tpu.memory_space<semaphore_mem>>) src(%arg20 : memref<128x16xf32, #tpu.memory_space<vmem>>) dst(%dma_wait3A_209 : memref<10112x16xf32, #tpu.memory_space<vmem_shared>>)
    %barrier3A_210 = arith.constant 0 : index
    tpu.barrier barrier_id(%barrier3A_210)
    "tpu.region"() ({
      %run_scoped3A = tpu.sem_alloc : memref<!tpu.dma_semaphore, #tpu.memory_space<semaphore_mem>>
      %dma_start3A_211 = arith.constant 0 : i32
      %dma_start3A_212 = tpu.memref_slice %arg6[%arg0, %mul3A_2, %dma_start3A_211] : memref<2x10112x16xf32, #tpu.memory_space<hbm>> -> memref<1x632x16xf32, #tpu.memory_space<hbm>>
      %dma_start3A_213 = tpu.memref_squeeze %dma_start3A_212 : memref<1x632x16xf32, #tpu.memory_space<hbm>> -> memref<632x16xf32, #tpu.memory_space<hbm>>
      %dma_start3A_214 = arith.constant 0 : i32
      %dma_start3A_215 = tpu.memref_slice %arg8[%mul3A_2, %dma_start3A_214] : memref<10112x16xf32, #tpu.memory_space<vmem_shared>> -> memref<632x16xf32, #tpu.memory_space<vmem_shared>>
      tpu.enqueue_dma source(%dma_start3A_215 : memref<632x16xf32, #tpu.memory_space<vmem_shared>>) target(%dma_start3A_213 : memref<632x16xf32, #tpu.memory_space<hbm>>) target_semaphore(%run_scoped3A : memref<!tpu.dma_semaphore, #tpu.memory_space<semaphore_mem>>)
      %dma_wait3A_216 = arith.constant 0 : i32
      %dma_wait3A_217 = tpu.memref_slice %arg6[%arg0, %mul3A_2, %dma_wait3A_216] : memref<2x10112x16xf32, #tpu.memory_space<hbm>> -> memref<1x632x16xf32, #tpu.memory_space<hbm>>
      %dma_wait3A_218 = tpu.memref_squeeze %dma_wait3A_217 : memref<1x632x16xf32, #tpu.memory_space<hbm>> -> memref<632x16xf32, #tpu.memory_space<hbm>>
      %dma_wait3A_219 = arith.constant 0 : i32
      %dma_wait3A_220 = tpu.memref_slice %arg8[%mul3A_2, %dma_wait3A_219] : memref<10112x16xf32, #tpu.memory_space<vmem_shared>> -> memref<632x16xf32, #tpu.memory_space<vmem_shared>>
      tpu.wait_dma2 semaphore(%run_scoped3A : memref<!tpu.dma_semaphore, #tpu.memory_space<semaphore_mem>>) src(%dma_wait3A_220 : memref<632x16xf32, #tpu.memory_space<vmem_shared>>) dst(%dma_wait3A_218 : memref<632x16xf32, #tpu.memory_space<hbm>>)
      tpu.yield
    }) : () -> ()
    return
  }
}

module attributes {stable_mosaic.version = 14 : i64} {
  func.func @_prep_body(%arg0: memref<2528x512xf32, #tpu.memory_space<vmem>>, %arg1: memref<512x128xf32, #tpu.memory_space<vmem>>, %arg2: memref<2528x128xf32, #tpu.memory_space<vmem>>) attributes {dimension_semantics = [], scalar_prefetch = 0 : i64, scratch_operands = 0 : i64, tpu.core_type = #tpu.core_type<tc>} {
    %get3A = arith.constant 0 : index
    %get3A_0 = arith.constant 0 : index
    %get3A_1 = vector.load %arg0[%get3A, %get3A_0] : memref<2528x512xf32, #tpu.memory_space<vmem>>, vector<2528x512xf32>
    %get3A_2 = arith.constant 0 : index
    %get3A_3 = arith.constant 0 : index
    %get3A_4 = vector.load %arg1[%get3A_2, %get3A_3] : memref<512x128xf32, #tpu.memory_space<vmem>>, vector<512x128xf32>
    %dot_general3A = arith.constant dense<0.000000e+00> : vector<2528x128xf32>
    %dot_general3A_5 = tpu.matmul %get3A_1, %get3A_4, %dot_general3A {dimension_numbers = #tpu.dot_dimension_numbers<[1], [0], [0], [1], [0, 0, 1, 1], [], []>, transpose_lhs_hint = false} : vector<2528x512xf32>, vector<512x128xf32>, vector<2528x128xf32> -> vector<2528x128xf32>
    %swap3A = arith.constant 0 : index
    %swap3A_6 = arith.constant 0 : index
    %swap3A_7 = vector.load %arg2[%swap3A, %swap3A_6] : memref<2528x128xf32, #tpu.memory_space<vmem>>, vector<2528x128xf32>
    tpu.vector_store %arg2[%swap3A, %swap3A_6], %dot_general3A_5 {strides = array<i32>} : memref<2528x128xf32, #tpu.memory_space<vmem>>, vector<2528x128xf32>,
    return
  }
}

module attributes {stable_mosaic.version = 14 : i64} {
  func.func @_edges_body(%arg0: memref<2x320000xi32, #tpu.memory_space<vmem>>, %arg1: memref<327680xi32, #tpu.memory_space<vmem>>, %arg2: memref<327680xi32, #tpu.memory_space<vmem>>) attributes {dimension_semantics = [], scalar_prefetch = 0 : i64, scratch_operands = 0 : i64, tpu.core_type = #tpu.core_type<tc>} {
    %iota3A = tpu.iota {dimensions = array<i32: 1>} : vector<1x7680xi32>
    %iota3A_0 = vector.shape_cast %iota3A : vector<1x7680xi32> to vector<7680xi32>
    %rem3A = arith.constant 112 : i32
    %rem3A_1 = vector.broadcast %rem3A : i32 to vector<7680xi32>
    %rem3A_2 = arith.remsi %iota3A_0, %rem3A_1 : vector<7680xi32>
    %add3A = arith.constant 10000 : i32
    %add3A_3 = vector.broadcast %add3A : i32 to vector<7680xi32>
    %add3A_4 = arith.addi %add3A_3, %rem3A_2 : vector<7680xi32>
    %get3A = arith.constant 0 : index
    %get3A_5 = arith.constant 0 : index
    %get3A_6 = vector.load %arg0[%get3A, %get3A_5] : memref<2x320000xi32, #tpu.memory_space<vmem>>, vector<1x320000xi32>
    %get3A_7 = vector.shape_cast %get3A_6 : vector<1x320000xi32> to vector<320000xi32>
    %swap3A = arith.constant 0 : index
    %swap3A_8 = vector.load %arg1[%swap3A] : memref<327680xi32, #tpu.memory_space<vmem>>, vector<320000xi32>
    tpu.vector_store %arg1[%swap3A], %get3A_7 {strides = array<i32>} : memref<327680xi32, #tpu.memory_space<vmem>>, vector<320000xi32>,
    %get3A_9 = arith.constant 1 : index
    %get3A_10 = arith.constant 0 : index
    %get3A_11 = vector.load %arg0[%get3A_9, %get3A_10] : memref<2x320000xi32, #tpu.memory_space<vmem>>, vector<1x320000xi32>
    %get3A_12 = vector.shape_cast %get3A_11 : vector<1x320000xi32> to vector<320000xi32>
    %swap3A_13 = arith.constant 0 : index
    %swap3A_14 = vector.load %arg2[%swap3A_13] : memref<327680xi32, #tpu.memory_space<vmem>>, vector<320000xi32>
    tpu.vector_store %arg2[%swap3A_13], %get3A_12 {strides = array<i32>} : memref<327680xi32, #tpu.memory_space<vmem>>, vector<320000xi32>,
    %swap3A_15 = arith.constant 320000 : index
    %swap3A_16 = vector.load %arg1[%swap3A_15] : memref<327680xi32, #tpu.memory_space<vmem>>, vector<7680xi32>
    tpu.vector_store %arg1[%swap3A_15], %add3A_4 {strides = array<i32>} : memref<327680xi32, #tpu.memory_space<vmem>>, vector<7680xi32>,
    %swap3A_17 = arith.constant 320000 : index
    %swap3A_18 = vector.load %arg2[%swap3A_17] : memref<327680xi32, #tpu.memory_space<vmem>>, vector<7680xi32>
    tpu.vector_store %arg2[%swap3A_17], %add3A_4 {strides = array<i32>} : memref<327680xi32, #tpu.memory_space<vmem>>, vector<7680xi32>,
    return
  }
}

module attributes {stable_mosaic.version = 14 : i64} {
  func.func @_mid1_body(%arg0: memref<2x2528x128xf32, #tpu.memory_space<vmem>>, %arg1: memref<2528x128xf32, #tpu.memory_space<vmem>>, %arg2: memref<2528x128xf32, #tpu.memory_space<vmem>>, %arg3: memref<1x128xf32, #tpu.memory_space<vmem>>, %arg4: memref<128x64xf32, #tpu.memory_space<vmem>>, %arg5: memref<2528x64xf32, #tpu.memory_space<vmem>>) attributes {dimension_semantics = [], scalar_prefetch = 0 : i64, scratch_operands = 0 : i64, tpu.core_type = #tpu.core_type<tc>} {
    %get3A = arith.constant 0 : index
    %get3A_0 = arith.constant 0 : index
    %get3A_1 = vector.load %arg2[%get3A, %get3A_0] : memref<2528x128xf32, #tpu.memory_space<vmem>>, vector<2528x128xf32>
    %get3A_2 = arith.constant 0 : index
    %get3A_3 = arith.constant 0 : index
    %get3A_4 = arith.constant 0 : index
    %get3A_5 = vector.load %arg0[%get3A_2, %get3A_3, %get3A_4] : memref<2x2528x128xf32, #tpu.memory_space<vmem>>, vector<1x2528x128xf32>
    %get3A_6 = vector.shape_cast %get3A_5 : vector<1x2528x128xf32> to vector<2528x128xf32>
    %get3A_7 = arith.constant 1 : index
    %get3A_8 = arith.constant 0 : index
    %get3A_9 = arith.constant 0 : index
    %get3A_10 = vector.load %arg0[%get3A_7, %get3A_8, %get3A_9] : memref<2x2528x128xf32, #tpu.memory_space<vmem>>, vector<1x2528x128xf32>
    %get3A_11 = vector.shape_cast %get3A_10 : vector<1x2528x128xf32> to vector<2528x128xf32>
    %add3A = arith.addf %get3A_6, %get3A_11 : vector<2528x128xf32>
    %get3A_12 = arith.constant 0 : index
    %get3A_13 = arith.constant 0 : index
    %get3A_14 = vector.load %arg1[%get3A_12, %get3A_13] : memref<2528x128xf32, #tpu.memory_space<vmem>>, vector<2528x128xf32>
    %mul3A = arith.mulf %get3A_1, %get3A_14 : vector<2528x128xf32>
    %add3A_15 = arith.addf %add3A, %mul3A : vector<2528x128xf32>
    %mul3A_16 = arith.mulf %get3A_1, %add3A_15 : vector<2528x128xf32>
    %get3A_17 = arith.constant 0 : index
    %get3A_18 = arith.constant 0 : index
    %get3A_19 = vector.load %arg3[%get3A_17, %get3A_18] : memref<1x128xf32, #tpu.memory_space<vmem>>, vector<1x128xf32>
    %add3A_20 = vector.broadcast %get3A_19 : vector<1x128xf32> to vector<2528x128xf32>
    %add3A_21 = arith.addf %mul3A_16, %add3A_20 : vector<2528x128xf32>
    %max3A = arith.constant 0.000000e+00 : f32
    %max3A_22 = vector.broadcast %max3A : f32 to vector<2528x128xf32>
    %max3A_23 = arith.maximumf %add3A_21, %max3A_22 : vector<2528x128xf32>
    %get3A_24 = arith.constant 0 : index
    %get3A_25 = arith.constant 0 : index
    %get3A_26 = vector.load %arg4[%get3A_24, %get3A_25] : memref<128x64xf32, #tpu.memory_space<vmem>>, vector<128x64xf32>
    %dot_general3A = arith.constant dense<0.000000e+00> : vector<2528x64xf32>
    %dot_general3A_27 = tpu.matmul %max3A_23, %get3A_26, %dot_general3A {dimension_numbers = #tpu.dot_dimension_numbers<[1], [0], [0], [1], [0, 0, 1, 1], [], []>, transpose_lhs_hint = false} : vector<2528x128xf32>, vector<128x64xf32>, vector<2528x64xf32> -> vector<2528x64xf32>
    %swap3A = arith.constant 0 : index
    %swap3A_28 = arith.constant 0 : index
    %swap3A_29 = vector.load %arg5[%swap3A, %swap3A_28] : memref<2528x64xf32, #tpu.memory_space<vmem>>, vector<2528x64xf32>
    tpu.vector_store %arg5[%swap3A, %swap3A_28], %dot_general3A_27 {strides = array<i32>} : memref<2528x64xf32, #tpu.memory_space<vmem>>, vector<2528x64xf32>,
    return
  }
}

module attributes {stable_mosaic.version = 14 : i64} {
  func.func @_mid2_body(%arg0: memref<2x1264x128xf32, #tpu.memory_space<vmem>>, %arg1: memref<1264x128xf32, #tpu.memory_space<vmem>>, %arg2: memref<1264x128xf32, #tpu.memory_space<vmem>>, %arg3: memref<1x128xf32, #tpu.memory_space<vmem>>, %arg4: memref<1264x128xf32, #tpu.memory_space<vmem>>) attributes {dimension_semantics = [], scalar_prefetch = 0 : i64, scratch_operands = 0 : i64, tpu.core_type = #tpu.core_type<tc>} {
    %get3A = arith.constant 0 : index
    %get3A_0 = arith.constant 0 : index
    %get3A_1 = vector.load %arg2[%get3A, %get3A_0] : memref<1264x128xf32, #tpu.memory_space<vmem>>, vector<1264x128xf32>
    %get3A_2 = arith.constant 0 : index
    %get3A_3 = arith.constant 0 : index
    %get3A_4 = arith.constant 0 : index
    %get3A_5 = vector.load %arg0[%get3A_2, %get3A_3, %get3A_4] : memref<2x1264x128xf32, #tpu.memory_space<vmem>>, vector<1x1264x128xf32>
    %get3A_6 = vector.shape_cast %get3A_5 : vector<1x1264x128xf32> to vector<1264x128xf32>
    %get3A_7 = arith.constant 1 : index
    %get3A_8 = arith.constant 0 : index
    %get3A_9 = arith.constant 0 : index
    %get3A_10 = vector.load %arg0[%get3A_7, %get3A_8, %get3A_9] : memref<2x1264x128xf32, #tpu.memory_space<vmem>>, vector<1x1264x128xf32>
    %get3A_11 = vector.shape_cast %get3A_10 : vector<1x1264x128xf32> to vector<1264x128xf32>
    %add3A = arith.addf %get3A_6, %get3A_11 : vector<1264x128xf32>
    %get3A_12 = arith.constant 0 : index
    %get3A_13 = arith.constant 0 : index
    %get3A_14 = vector.load %arg1[%get3A_12, %get3A_13] : memref<1264x128xf32, #tpu.memory_space<vmem>>, vector<1264x128xf32>
    %mul3A = arith.mulf %get3A_1, %get3A_14 : vector<1264x128xf32>
    %add3A_15 = arith.addf %add3A, %mul3A : vector<1264x128xf32>
    %mul3A_16 = arith.mulf %get3A_1, %add3A_15 : vector<1264x128xf32>
    %get3A_17 = arith.constant 0 : index
    %get3A_18 = arith.constant 0 : index
    %get3A_19 = vector.load %arg3[%get3A_17, %get3A_18] : memref<1x128xf32, #tpu.memory_space<vmem>>, vector<1x128xf32>
    %add3A_20 = vector.broadcast %get3A_19 : vector<1x128xf32> to vector<1264x128xf32>
    %add3A_21 = arith.addf %mul3A_16, %add3A_20 : vector<1264x128xf32>
    %max3A = arith.constant 0.000000e+00 : f32
    %max3A_22 = vector.broadcast %max3A : f32 to vector<1264x128xf32>
    %max3A_23 = arith.maximumf %add3A_21, %max3A_22 : vector<1264x128xf32>
    %mul3A_24 = arith.mulf %get3A_1, %max3A_23 : vector<1264x128xf32>
    %swap3A = arith.constant 0 : index
    %swap3A_25 = arith.constant 0 : index
    %swap3A_26 = vector.load %arg4[%swap3A, %swap3A_25] : memref<1264x128xf32, #tpu.memory_space<vmem>>, vector<1264x128xf32>
    tpu.vector_store %arg4[%swap3A, %swap3A_25], %mul3A_24 {strides = array<i32>} : memref<1264x128xf32, #tpu.memory_space<vmem>>, vector<1264x128xf32>,
    return
  }
}

module attributes {stable_mosaic.version = 14 : i64} {
  func.func @_final_body(%arg0: memref<2x1264x128xf32, #tpu.memory_space<vmem>>, %arg1: memref<1264x128xf32, #tpu.memory_space<vmem>>, %arg2: memref<1264x128xf32, #tpu.memory_space<vmem>>, %arg3: memref<128x16xf32, #tpu.memory_space<vmem>>, %arg4: memref<1x16xf32, #tpu.memory_space<vmem>>, %arg5: memref<16x16xf32, #tpu.memory_space<vmem>>, %arg6: memref<1264x16xf32, #tpu.memory_space<vmem>>) attributes {dimension_semantics = [], scalar_prefetch = 0 : i64, scratch_operands = 0 : i64, tpu.core_type = #tpu.core_type<tc>} {
    %get3A = arith.constant 0 : index
    %get3A_0 = arith.constant 0 : index
    %get3A_1 = arith.constant 0 : index
    %get3A_2 = vector.load %arg0[%get3A, %get3A_0, %get3A_1] : memref<2x1264x128xf32, #tpu.memory_space<vmem>>, vector<1x1264x128xf32>
    %get3A_3 = vector.shape_cast %get3A_2 : vector<1x1264x128xf32> to vector<1264x128xf32>
    %get3A_4 = arith.constant 1 : index
    %get3A_5 = arith.constant 0 : index
    %get3A_6 = arith.constant 0 : index
    %get3A_7 = vector.load %arg0[%get3A_4, %get3A_5, %get3A_6] : memref<2x1264x128xf32, #tpu.memory_space<vmem>>, vector<1x1264x128xf32>
    %get3A_8 = vector.shape_cast %get3A_7 : vector<1x1264x128xf32> to vector<1264x128xf32>
    %add3A = arith.addf %get3A_3, %get3A_8 : vector<1264x128xf32>
    %get3A_9 = arith.constant 0 : index
    %get3A_10 = arith.constant 0 : index
    %get3A_11 = vector.load %arg1[%get3A_9, %get3A_10] : memref<1264x128xf32, #tpu.memory_space<vmem>>, vector<1264x128xf32>
    %add3A_12 = arith.addf %add3A, %get3A_11 : vector<1264x128xf32>
    %get3A_13 = arith.constant 0 : index
    %get3A_14 = arith.constant 0 : index
    %get3A_15 = vector.load %arg2[%get3A_13, %get3A_14] : memref<1264x128xf32, #tpu.memory_space<vmem>>, vector<1264x128xf32>
    %mul3A = arith.mulf %get3A_15, %add3A_12 : vector<1264x128xf32>
    %get3A_16 = arith.constant 0 : index
    %get3A_17 = arith.constant 0 : index
    %get3A_18 = vector.load %arg3[%get3A_16, %get3A_17] : memref<128x16xf32, #tpu.memory_space<vmem>>, vector<128x16xf32>
    %dot_general3A = arith.constant dense<0.000000e+00> : vector<1264x16xf32>
    %dot_general3A_19 = tpu.matmul %mul3A, %get3A_18, %dot_general3A {dimension_numbers = #tpu.dot_dimension_numbers<[1], [0], [0], [1], [0, 0, 1, 1], [], []>, transpose_lhs_hint = false} : vector<1264x128xf32>, vector<128x16xf32>, vector<1264x16xf32> -> vector<1264x16xf32>
    %get3A_20 = arith.constant 0 : index
    %get3A_21 = arith.constant 0 : index
    %get3A_22 = vector.load %arg4[%get3A_20, %get3A_21] : memref<1x16xf32, #tpu.memory_space<vmem>>, vector<1x16xf32>
    %add3A_23 = vector.broadcast %get3A_22 : vector<1x16xf32> to vector<1264x16xf32>
    %add3A_24 = arith.addf %dot_general3A_19, %add3A_23 : vector<1264x16xf32>
    %get3A_25 = arith.constant 0 : index
    %get3A_26 = arith.constant 0 : index
    %get3A_27 = vector.load %arg5[%get3A_25, %get3A_26] : memref<16x16xf32, #tpu.memory_space<vmem>>, vector<16x16xf32>
    %dot_general3A_28 = arith.constant dense<0.000000e+00> : vector<1264x16xf32>
    %dot_general3A_29 = tpu.matmul %add3A_24, %get3A_27, %dot_general3A_28 {dimension_numbers = #tpu.dot_dimension_numbers<[1], [0], [0], [1], [0, 0, 1, 1], [], []>, transpose_lhs_hint = false} : vector<1264x16xf32>, vector<16x16xf32>, vector<1264x16xf32> -> vector<1264x16xf32>
    %max3A = arith.maximumf %add3A_24, %dot_general3A_29 : vector<1264x16xf32>
    %sub3A = arith.subf %add3A_24, %max3A : vector<1264x16xf32>
    %exp3A = math.exp %sub3A : vector<1264x16xf32>
    %get3A_30 = arith.constant 0 : index
    %get3A_31 = arith.constant 0 : index
    %get3A_32 = vector.load %arg5[%get3A_30, %get3A_31] : memref<16x16xf32, #tpu.memory_space<vmem>>, vector<16x16xf32>
    %dot_general3A_33 = arith.constant dense<0.000000e+00> : vector<1264x16xf32>
    %dot_general3A_34 = tpu.matmul %exp3A, %get3A_32, %dot_general3A_33 {dimension_numbers = #tpu.dot_dimension_numbers<[1], [0], [0], [1], [0, 0, 1, 1], [], []>, transpose_lhs_hint = false} : vector<1264x16xf32>, vector<16x16xf32>, vector<1264x16xf32> -> vector<1264x16xf32>
    %add3A_35 = arith.addf %exp3A, %dot_general3A_34 : vector<1264x16xf32>
    %sub3A_36 = arith.subf %add3A_24, %max3A : vector<1264x16xf32>
    %log3A = math.log %add3A_35 : vector<1264x16xf32>
    %sub3A_37 = arith.subf %sub3A_36, %log3A : vector<1264x16xf32>
    %swap3A = arith.constant 0 : index
    %swap3A_38 = arith.constant 0 : index
    %swap3A_39 = vector.load %arg6[%swap3A, %swap3A_38] : memref<1264x16xf32, #tpu.memory_space<vmem>>, vector<1264x16xf32>
    tpu.vector_store %arg6[%swap3A, %swap3A_38], %sub3A_37 {strides = array<i32>} : memref<1264x16xf32, #tpu.memory_space<vmem>>, vector<1264x16xf32>,
    return
  }
}

</mosaic_0001>

<sc_bundles>
// kernel: kernel.11.cloned.1.call-start
scs
__scs_entry_jumppad:
0x0: {  	(pc) =	sbr.rel $0x88, $3  }
0x1: {  	(tag) =	ssettag $0x0;
	lr =	simm.s32 $0x1  }
0x2: {  	[smem:$0x3F99] =	sst lr;
	_ =	strace $0xD0000000  }
0x3: {  	_ = 	snop  }
0x4: {  	_ = 	snop  }
0x5: {  	_ = 	snop  }
0x6: {  	_ = 	snop  }
0x7: {  	_ = 	snop  }
__scs_overlays_trampoline_lowered:
0x8: {  	[smem:$0x3FA8] =	sst s0  }
0x9: {  	[smem:$0x3FA9] =	sst s1  }
0xa: {  	[smem:$0x3FAA] =	sst s2  }
0xb: {  	[smem:$0x3FAB] =	sst s3  }
0xc: {  	[smem:$0x3FAC] =	sst s4  }
0xd: {  	[smem:$0x3FAD] =	sst s5  }
0xe: {  	[smem:$0x3FAE] =	sst s6  }
0xf: {  	[smem:$0x3FAF] =	sst s7  }
0x10: {  	[smem:$0x3FB0] =	sst s8  }
0x11: {  	[smem:$0x3FB1] =	sst s9;
	s0 =	simm.s32 @!p0 $0x0  }
0x12: {  	s1 =	sld [smem:$0x3F97];
	s0 =	simm.s32 @p0 $0x1  }
0x13: {  	[smem:$0x3FB2] =	sst s0;
	s0 =	simm.s32 @!p1 $0x0  }
0x14: {  	s2 =	sld [smem:$0x3F96];
	s0 =	simm.s32 @p1 $0x1  }
0x15: {  	[smem:$0x3FB3] =	sst s0;
	s0 =	simm.s32 @!p2 $0x0  }
0x16: {  	s3 =	sld [smem:$0x3FDB];
	s0 =	simm.s32 @p2 $0x1  }
0x17: {  	s4 =	simm.s32 $0x1BF5;
	[smem:$0x3FB5] =	sst s0  }
0x18: {  	s0 =	sld [smem:$0x3F98];
	_ =	swait.ge [sflag:s4], $0x0  }
0x19: {  	s7 =	sld [smem:$0x3F99]  }
0x1a: {  	s8 =	sadd.s32 $0xFFFFE003, lr  }
0x1b: {  	s9 =	sadd.s32 $0xFFFFFEF7, lr;
	s5 =	simm.s32 $0xFFFFFFFF;
	p2 =	slt.u32 s8, $0xFFFFF086  }
0x1c: {  	p1 =	slt.u32 s9, $0xF7A;
	s5 =	simm.s32 @!p2 $0x0  }
0x1d: {  	s5 =	simm.s32 @p1 $0x1;
	p0 =	seq.s32 s7, s2  }
0x1e: {  	s7 =	smul.u32 @!p0 $0xF7A, s2;
	p2 =	seq.s32 @!p0 s5, $0x0  }
0x1f: {  	s9 =	smul.u32 $0xF7A, s1;
	s8 =	simm.s32 @!p0 $0x1BF5;
	p2 =	por !p2, p0  }
0x20: {  	[sflag:s8] =	ssyncset.s32 @!p0 $0xFFFFF086;
	s6 =	sadd.s32 @!p0 s3, s7;
	s7 =	simm.s32 @!p0 $0x108  }
0x21: {  	s3 =	sadd.s32 s3, s9;
	s6 =	sadd.s32 @!p0 $0x88, s6;
	s7 =	simm.s32 @p2 $0x1082  }
0x22: {  	[simem:s7], [sflag:s8] =	dma.local @!p0 [hbm:s6], $0xF7A  }
0x23: {  	s9 =	sor.u32 $0xD0000000, s2;
	s6 =	simm.s32 $0x108;
	_ =	swait.ge @!p0 [sflag:s8], $0x0  }
0x24: {  	s3 =	sadd.s32 $0x88, s3;
	s6 =	simm.s32 @!p1 $0x1082;
	[sflag:s4] =	ssyncset.s32 $0xFFFFF086  }
0x25: {  	[simem:s6], [sflag:s4] =	dma.local [hbm:s3], $0xF7A  }
0x26: {  	[smem:$0x3F99] =	sst s1;
	(tag) =	ssettag s2;
	_ =	strace s9  }
0x27: {  	s1 =	sld [smem:$0x3FA9]  }
0x28: {  	s2 =	sld [smem:$0x3FAA]  }
0x29: {  	s4 =	sld [smem:$0x3FAC]  }
0x2a: {  	p0 =	seq.s32 s5, $0x0;
	s5 =	sld [smem:$0x3FAD]  }
0x2b: {  	s6 =	sld [smem:$0x3FAE]  }
0x2c: {  	s7 =	sld [smem:$0x3FAF]  }
0x2d: {  	s3 =	simm.s32 $0x108;
	s8 =	sld [smem:$0x3FB0]  }
0x2e: {  	s3 =	simm.s32 @!p0 $0x1082;
	s9 =	sld [smem:$0x3FB1]  }
0x2f: {  	lr =	sadd.s32 s0, s3;
	s0 =	sld [smem:$0x3FA8]  }
0x30: {  	s3 =	sld [smem:$0x3FAB]  }
0x31: {  	[smem:$0x3FB4] =	sst s10  }
0x32: {  	s10 =	sld [smem:$0x3FB2];
	_ =	sdelay $0x3  }
0x33: {  	p0 =	seq.s32 s10, $0x1;
	s10 =	sld [smem:$0x3FB4];
	_ =	sdelay $0x3  }
0x34: {  	[smem:$0x3FB4] =	sst s10  }
0x35: {  	s10 =	sld [smem:$0x3FB3];
	_ =	sdelay $0x3  }
0x36: {  	p1 =	seq.s32 s10, $0x1;
	s10 =	sld [smem:$0x3FB4];
	_ =	sdelay $0x3  }
0x37: {  	[smem:$0x3FB4] =	sst s10  }
0x38: {  	s10 =	sld [smem:$0x3FB5]  }
0x39: {  	_ = 	snop;
	(pc) =	sbr.ind lr, $3  }
0x3a: {  	_ = 	snop  }
0x3b: {  	_ = 	snop  }
0x3c: {  	p2 =	seq.s32 s10, $0x1;
	s10 =	sld [smem:$0x3FB4]  }
0x3d: {  	_ =	shalt  }
0x3e: {  	_ =	shalt  }
0x3f: {  	_ =	shalt  }
0x40: {  	_ =	shalt  }
0x41: {  	_ =	shalt  }
0x42: {  	_ =	shalt  }
0x43: {  	_ =	shalt  }
0x44: {  	_ =	shalt  }
0x45: {  	_ =	shalt  }
0x46: {  	_ =	shalt  }
0x47: {  	_ =	shalt  }
0x48: {  	_ =	shalt  }
0x49: {  	_ =	shalt  }
0x4a: {  	_ =	shalt  }
0x4b: {  	_ =	shalt  }
0x4c: {  	_ =	shalt  }
0x4d: {  	_ =	shalt  }
0x4e: {  	_ =	shalt  }
0x4f: {  	_ =	shalt  }
0x50: {  	_ =	shalt  }
0x51: {  	_ =	shalt  }
0x52: {  	_ =	shalt  }
0x53: {  	_ =	shalt  }
0x54: {  	_ =	shalt  }
0x55: {  	_ =	shalt  }
0x56: {  	_ =	shalt  }
0x57: {  	_ =	shalt  }
0x58: {  	_ =	shalt  }
0x59: {  	_ =	shalt  }
0x5a: {  	_ =	shalt  }
0x5b: {  	_ =	shalt  }
0x5c: {  	_ =	shalt  }
0x5d: {  	_ =	shalt  }
0x5e: {  	_ =	shalt  }
0x5f: {  	_ =	shalt  }
0x60: {  	_ =	shalt  }
0x61: {  	_ =	shalt  }
0x62: {  	_ =	shalt  }
0x63: {  	_ =	shalt  }
0x64: {  	_ =	shalt  }
0x65: {  	_ =	shalt  }
0x66: {  	_ =	shalt  }
0x67: {  	_ =	shalt  }
0x68: {  	_ =	shalt  }
0x69: {  	_ =	shalt  }
0x6a: {  	_ =	shalt  }
0x6b: {  	_ =	shalt  }
0x6c: {  	_ =	shalt  }
0x6d: {  	_ =	shalt  }
0x6e: {  	_ =	shalt  }
0x6f: {  	_ =	shalt  }
0x70: {  	_ =	shalt  }
0x71: {  	_ =	shalt  }
0x72: {  	_ =	shalt  }
0x73: {  	_ =	shalt  }
0x74: {  	_ =	shalt  }
0x75: {  	_ =	shalt  }
0x76: {  	_ =	shalt  }
0x77: {  	_ =	shalt  }
0x78: {  	_ =	shalt  }
0x79: {  	_ =	shalt  }
0x7a: {  	_ =	shalt  }
0x7b: {  	_ =	shalt  }
0x7c: {  	_ =	shalt  }
0x7d: {  	_ =	shalt  }
0x7e: {  	_ =	shalt  }
0x7f: {  	_ =	shalt  }
0x80: {  	_ =	shalt  }
0x81: {  	_ =	shalt  }
0x82: {  	_ =	shalt  }
0x83: {  	_ =	shalt  }
0x84: {  	_ =	shalt  }
0x85: {  	_ =	shalt  }
0x86: {  	_ =	shalt  }
0x87: {  	_ =	shalt  }
.Lfunc_end0:
.L_simem_size_0:
called_computation_lowered:
.L_overlay_start_0:
0x88: {  	s2 =	sld [smem:$0x3FD9]  }
0x89: {  	s3 =	sld [smem:$0x3FFE];
	_ =	sdelay $0x1  }
0x8a: {  	s1 =	srdreg.scid  }
0x8b: {  	s0 =	sand.u32 $0x1, s1  }
0x8c: {  	s17 =	sshll.u32 s0, $0xA;
	s2 =	sadd.s32 s3, s2  }
0x8d: {  	s2 =	sadd.s32 s2, s17  }
0x8e: {  	[smem:$0x3FC0] =	sst s2  }
0x8f: {  	_ = 	snop  }
0x90: {  	s2 =	sld [smem:$0x3FD0];
	(tm) =	ssettm $0x1  }
0x91: {  	s18 =	sld [smem:$0x3FFB];
	_ =	sdelay $0x3  }
0x92: {  	_ =	strace s18  }
0x93: {  	s3 =	sld [smem:$0x3FFC];
	_ =	sdelay $0x3  }
0x94: {  	_ =	strace s3  }
0x95: {  	s3 =	sld [smem:$0x3FFD];
	_ =	sdelay $0x3  }
0x96: {  	_ =	strace s3  }
0x97: {  	_ =	strace $0x8FFFFFFF  }
0x98: {  	s19 =	sld [smem:$0x3FDB];
	_ =	sdelay $0x1  }
0x99: {  	s4 =	simm.s32 $_scs_section_size  }
0x9a: {  	s5 =	simm.s32 $_size__tile_overlayer_lowered;
	s6 =	simm.s32 $_tile_overlayer_lowered  }
0x9b: {  	s22 =	simm.s32 $0x1BFF;
	s21 =	sshll.u32 s6, $0x1;
	s3 =	sadd.s32 s4, s19  }
0x9c: {  	s7 =	simm.s32 $0x0;
	s20 =	sshll.u32 s5, $0x1;
	s5 =	sadd.s32 s21, s3  }
0x9d: {  	[timem:s7], [sflag:s22] =	dma.local [hbm:s5], s20  }
0x9e: {  	_ =	swait.ge [sflag:s22], s20  }
0x9f: {  	s4 =	ssub.s32 $0x0, s20;
	[sflag:s22] =	ssyncset.done $0x0  }
0xa0: {  	[sflag:s22] =	ssyncadd.s32 s4;
	_ =	sdelay $0x1  }
0xa1: {  	s23 =	simm.s32 $0x1B8B  }
0xa2: {  	_ =	swait.ge [sflag:s23], $0x1  }
0xa3: {  	[sflag:s23] =	ssyncset.done $0x0  }
0xa4: {  	s25 =	simm.s32 $0x1B8E;
	s24 =	sld [smem:$0x3FFE];
	[sflag:s23] =	ssyncadd.s32 $0xFFFFFFFF  }
0xa5: {  	s26 =	simm.s32 $execute0_lowered;
	[smem:$0x3FD2] =	sst s25  }
0xa6: {  	s5 =	sshll.u32 s26, $0x1;
	_ =	strace $0x80000046;
	[dreg:$0x1] =	wrdreg $0xFFFFFFFF  }
0xa7: {  	s28 =	simm.s32 $_size_execute0_lowered;
	s3 =	sadd.s32 s3, s5;
	[dreg:$0x0] =	wrdreg $0x0  }
0xa8: {  	s5 =	sshll.u32 s28, $0x1;
	[dreg:$0x2] =	wrdreg s3  }
0xa9: {  	[dreg:$0x3] =	wrdreg s5  }
0xaa: {  	[dreg:$0x4] =	wrdreg $0xC0  }
0xab: {  	_ =	task [dreg:s7], $0x5FFFF  }
0xac: {  	[dreg:$0x1] =	wrdreg $0xFFFFFFFF  }
0xad: {  	[dreg:$0x0] =	wrdreg $0x60  }
0xae: {  	[dreg:$0x2] =	wrdreg s24  }
0xaf: {  	[dreg:$0x3] =	wrdreg s2  }
0xb0: {  	[dreg:$0x4] =	wrdreg $0x0  }
0xb1: {  	[dreg:$0x5] =	wrdreg $0x9  }
0xb2: {  	_ =	task.clear_ibuf [dreg:s7], $0x6FFFF;
	_ =	strace $0x90000046  }
0xb3: {  	s29 =	simm.s32 $0x9;
	_ =	strace $0x80000048  }
0xb4: {  	_ =	swait.ge [sflag:s29], $0x1  }
0xb5: {  	[sflag:s29] =	ssyncadd.s32 $0xFFFFFFFF  }
0xb6: {  	_ =	strace $0x90000048  }
0xb7: {  	_ =	sfence  }
0xb8: {  	s30 =	sld [smem:$0x0];
	_ =	sdelay $0x2  }
0xb9: {  	s31 =	sshll.u32 s1, $0xD;
	s1 =	sshrl.u32 s1, $0x2  }
0xba: {  	s3 =	sand.u32 $0x4000, s31;
	s1 =	sadd.s32 s1, s30  }
0xbb: {  	s0 =	sor.u32 s3, s0;
	s1 =	sshll.u32 s1, $0x11  }
0xbc: {  	s0 =	sor.u32 s1, s0  }
0xbd: {  	s0 =	sadd.s32 $0x8F2B, s0  }
0xbe: {  	[sflag:s0] =	ssyncadd.remote.s32 $0x1  }
0xbf: {  	_ =	sfence.sel $0xFFFF  }
0xc0: {  	[dreg:$0x0] =	wrdreg $0xFFFFFFFF;
	(pc) =	sbr.abs _section_cstart, $3  }
0xc1: {  	[dreg:$0x1] =	wrdreg $0xFFFFFFFF  }
0xc2: {  	_ =	task.clear_ibuf [dreg:s7], $0x2FFFF;
	_ =	strace $0x9FFFFFFF  }
0xc3: {  	(tm) =	ssettm $0x7FFFFFFF  }
tec
execute0_lowered:
.L_overlay_start_1:
0x0: {  	(tag) =	ssettag $0x1  }
0x1: {  	s0 =	rddreg [dreg:$0x0]  }
0x2: {  	s1 =	rddreg [dreg:$0x1]  }
0x3: {  	s2 =	rddreg [dreg:$0x2];
	s7 =	stileid.u32  }
0x4: {  	s4 =	simm.s32 $0x0;
	s6 =	srdreg.scid;
	s15 =	simm.s32 $0x278  }
0x5: {  	s16 =	simm.s32 $0x5;
	s17 =	simm.s32 $0x52F8;
	s18 =	simm.s32 $0x80  }
0x6: {  	s19 =	simm.s32 $0x5278;
	s23 =	simm.s32 $0x1;
	s3 =	smul.u32 $0xA00, s7  }
0x7: {  	s28 =	simm.s32 $0x5378;
	s29 =	simm.s32 $0x53F8;
	s24 =	smul.u32 $0x9E0, s7  }
0x8: {  	s30 =	simm.s32 $0x5478;
	s31 =	simm.s32 $0x54F8;
	s5 =	smul.u32 $0x4F0, s7  }
0x9: {  	[smem:$0x7FF] =	sst s4;
	s20 =	sand.u32 $0x1, s6;
	s21 =	smul.u32 $0x278, s7  }
0xa: {  	_ =	strace $0x80000047;
	s6 =	ssub.s32 $0x2, s20;
	p0 =	sne.s32 s20, $0x0  }
0xb: {  	s3 =	sadd.s32 s3, s0;
	s4 =	sadd.s32 s24, s0;
	s0 =	sadd.s32 s5, s0  }
0xc: {  	s25 =	sshrl.u32 s6, $0x1;
	s5 =	sadd.s32 s21, s2;
	s26 =	sshrl.u32 s21, $0x3  }
0xd: {  	s24 =	simm.s32 $0x2;
	s14 =	ssub.s32 s6, s25;
	s6 =	sadd.s32 $0x4000, s3  }
0xe: {  	v0 =	vlaneseq.u32;
	s7 =	sadd.s32 $0x80, s5;
	s8 =	sadd.s32 $0x100, s5;
	s9 =	sadd.s32 $0x180, s5  }
0xf: {  	v2 =	vmul.u32 $0xFFFFFFFF, v0;
	s10 =	sadd.s32 $0x200, s5;
	s11 =	sadd.s32 s1, s26;
	s12 =	sadd.s32 $0x18000, s4  }
0x10: {  	s13 =	sadd.s32 $0x21E00, s0;
	s25 =	simm.s32 $0x3;
	s26 =	simm.s32 $0x4  }
0x11: {  	v1 =	vimm.f32 $0.0e+00;
	v0 =	vimm.f32 $1.000000000e+00;
	v2 =	vadd.s32 $0x2710, v2;
	s0 =	simm.s32 $0x5578;
	s1 =	simm.s32 $0x0;
	s14 =	smax.u32 s14, $0x1  }
.LBB2_1:
0x12: {  	s3 =	simm.s32 $0x0  }
0x13: {  	[tilespmem:s15], [sflag:$0x5] =	stream.linear.gather [hbm4b:s6+s3], $0x5000, $0x38;
	[tilespmem:$0xCC80] =	vst v63  }
0x14: {  	_ =	swait.ge [sflag:s16], $0x5000  }
0x15: {  	[sflag:s16] =	ssyncset.done $0x0  }
0x16: {  	[sflag:s16] =	ssyncadd.s32 $0xFFFFB000  }
0x17: {  	[tilespmem:$0x5278] =	vst v0  }
0x18: {  	[tilespmem:$0x52F8] =	vst v1  }
0x19: {  	[tilespmem:$0x5288] =	vst v0  }
0x1a: {  	[tilespmem:$0x5308] =	vst v1  }
0x1b: {  	[tilespmem:$0x5298] =	vst v0  }
0x1c: {  	[tilespmem:$0x5318] =	vst v1  }
0x1d: {  	[tilespmem:$0x52A8] =	vst v0  }
0x1e: {  	[tilespmem:$0x5328] =	vst v1  }
0x1f: {  	[tilespmem:$0x52B8] =	vst v0  }
0x20: {  	[tilespmem:$0x5338] =	vst v1  }
0x21: {  	[tilespmem:$0x52C8] =	vst v0  }
0x22: {  	[tilespmem:$0x5348] =	vst v1  }
0x23: {  	[tilespmem:$0x52D8] =	vst v0  }
0x24: {  	[tilespmem:$0x5358] =	vst v1  }
0x25: {  	[tilespmem:$0x52E8] =	vst v0  }
0x26: {  	[tilespmem:$0x5368] =	vst v1  }
0x27: {  	[spmem:s5] =	stream.linear.scatter [tilespmem:s17], [sflag:$0x5], $0x80, $0x38;
	[tilespmem:$0xCC80] =	vst v63  }
0x28: {  	_ =	swait.ge [sflag:s16], $0x80  }
0x29: {  	[sflag:s16] =	ssyncset.done $0x0  }
0x2a: {  	[sflag:s16] =	ssyncadd.s32 $0xFFFFFF80  }
0x2b: {  	[spmem:s7] =	stream.linear.scatter [tilespmem:s17], [sflag:$0x5], $0x80, $0x38;
	[tilespmem:$0xCC80] =	vst v63  }
0x2c: {  	_ =	swait.ge [sflag:s16], $0x80  }
0x2d: {  	[sflag:s16] =	ssyncset.done $0x0  }
0x2e: {  	[sflag:s16] =	ssyncadd.s32 $0xFFFFFF80  }
0x2f: {  	[spmem:s8] =	stream.linear.scatter [tilespmem:s17], [sflag:$0x5], $0x80, $0x38;
	[tilespmem:$0xCC80] =	vst v63  }
0x30: {  	_ =	swait.ge [sflag:s16], $0x80  }
0x31: {  	[sflag:s16] =	ssyncset.done $0x0  }
0x32: {  	[sflag:s16] =	ssyncadd.s32 $0xFFFFFF80  }
0x33: {  	[spmem:s9] =	stream.linear.scatter [tilespmem:s17], [sflag:$0x5], $0x80, $0x38;
	[tilespmem:$0xCC80] =	vst v63  }
0x34: {  	_ =	swait.ge [sflag:s16], $0x80  }
0x35: {  	[sflag:s16] =	ssyncset.done $0x0  }
0x36: {  	[sflag:s16] =	ssyncadd.s32 $0xFFFFFF80  }
0x37: {  	[spmem:s10] =	stream.linear.scatter [tilespmem:s17], [sflag:$0x5], $0x78, $0x38;
	[tilespmem:$0xCC80] =	vst v63  }
0x38: {  	_ =	swait.ge [sflag:s16], $0x78  }
0x39: {  	[sflag:s16] =	ssyncset.done $0x0  }
0x3a: {  	[sflag:s16] =	ssyncadd.s32 $0xFFFFFF88  }
0x3b: {  	[bflag:$0x0] =	sbarrier.arrive $0xFFFF  }
0x3c: {  	[spmem:s2] =	stream.indirect.scatter.add.f32 [tilespmem:s19], [sflag:$0x1], $0x1, s15, s18, $0xb8;
	[tilespmem:$0xCC80] =	vst v63  }
0x3d: {  	s4 =	simm.s32 $0x2F8  }
0x3e: {  	[spmem:s2] =	stream.indirect.scatter.add.f32 [tilespmem:s19], [sflag:$0x2], $0x1, s4, s18, $0xb8;
	[tilespmem:$0xCC80] =	vst v63  }
0x3f: {  	s20 =	simm.s32 $0x378  }
0x40: {  	[spmem:s2] =	stream.indirect.scatter.add.f32 [tilespmem:s19], [sflag:$0x3], $0x1, s20, s18, $0xb8;
	[tilespmem:$0xCC80] =	vst v63  }
0x41: {  	s22 =	simm.s32 $0x3F8  }
0x42: {  	[spmem:s2] =	stream.indirect.scatter.add.f32 [tilespmem:s19], [sflag:$0x4], $0x1, s22, s18, $0xb8;
	[tilespmem:$0xCC80] =	vst v63  }
0x43: {  	_ =	swait.ge [sflag:s23], $0x80  }
0x44: {  	[sflag:s23] =	ssyncset.done $0x0  }
0x45: {  	s4 =	simm.s32 $0x478;
	[sflag:s23] =	ssyncadd.s32 $0xFFFFFF80  }
0x46: {  	[spmem:s2] =	stream.indirect.scatter.add.f32 [tilespmem:s19], [sflag:$0x1], $0x1, s4, s18, $0xb8;
	[tilespmem:$0xCC80] =	vst v63  }
0x47: {  	_ =	swait.ge [sflag:s24], $0x80  }
0x48: {  	[sflag:s24] =	ssyncset.done $0x0  }
0x49: {  	s20 =	simm.s32 $0x4F8;
	[sflag:s24] =	ssyncadd.s32 $0xFFFFFF80  }
0x4a: {  	[spmem:s2] =	stream.indirect.scatter.add.f32 [tilespmem:s19], [sflag:$0x2], $0x1, s20, s18, $0xb8;
	[tilespmem:$0xCC80] =	vst v63  }
0x4b: {  	_ =	swait.ge [sflag:s25], $0x80  }
0x4c: {  	[sflag:s25] =	ssyncset.done $0x0  }
0x4d: {  	s22 =	simm.s32 $0x578;
	[sflag:s25] =	ssyncadd.s32 $0xFFFFFF80  }
0x4e: {  	[spmem:s2] =	stream.indirect.scatter.add.f32 [tilespmem:s19], [sflag:$0x3], $0x1, s22, s18, $0xb8;
	[tilespmem:$0xCC80] =	vst v63  }
0x4f: {  	_ =	swait.ge [sflag:s26], $0x80  }
0x50: {  	[sflag:s26] =	ssyncset.done $0x0  }
0x51: {  	s3 =	simm.s32 $0xFFFED000;
	s4 =	simm.s32 $0x5F8;
	[sflag:s26] =	ssyncadd.s32 $0xFFFFFF80  }
.LBB2_2:
0x52: {  	[spmem:s2] =	stream.indirect.scatter.add.f32 [tilespmem:s19], [sflag:$0x4], $0x1, s4, s18, $0xb8;
	[tilespmem:$0xCC80] =	vst v63  }
0x53: {  	s4 =	smov.u32 s3  }
0x54: {  	p1 =	sne.s32 s3, $0xFFFFF800;
	s3 =	sadd.s32 $0x800, s3;
	_ =	swait.ge [sflag:s23], $0x80  }
0x55: {  	s4 =	sshra.s32 s4, $0x2;
	[sflag:s23] =	ssyncset.done $0x0  }
0x56: {  	s20 =	sadd.s32 $0x5278, s4;
	[sflag:s23] =	ssyncadd.s32 $0xFFFFFF80  }
0x57: {  	[spmem:s2] =	stream.indirect.scatter.add.f32 [tilespmem:s19], [sflag:$0x1], $0x1, s20, s18, $0xb8;
	[tilespmem:$0xCC80] =	vst v63  }
0x58: {  	_ =	swait.ge [sflag:s24], $0x80  }
0x59: {  	[sflag:s24] =	ssyncset.done $0x0  }
0x5a: {  	s20 =	sadd.s32 $0x52F8, s4;
	[sflag:s24] =	ssyncadd.s32 $0xFFFFFF80  }
0x5b: {  	[spmem:s2] =	stream.indirect.scatter.add.f32 [tilespmem:s19], [sflag:$0x2], $0x1, s20, s18, $0xb8;
	[tilespmem:$0xCC80] =	vst v63  }
0x5c: {  	_ =	swait.ge [sflag:s25], $0x80  }
0x5d: {  	[sflag:s25] =	ssyncset.done $0x0  }
.Ltmp0:
0x5e: {  	s20 =	sadd.s32 $0x5378, s4;
	[sflag:s25] =	ssyncadd.s32 $0xFFFFFF80;
	(pc) =	sbr.rel @p1 .LBB2_2-.Ltmp0, $4  }
0x5f: {  	[spmem:s2] =	stream.indirect.scatter.add.f32 [tilespmem:s19], [sflag:$0x3], $0x1, s20, s18, $0xb8;
	[tilespmem:$0xCC80] =	vst v63  }
0x60: {  	_ =	swait.ge [sflag:s26], $0x80  }
0x61: {  	[sflag:s26] =	ssyncset.done $0x0  }
0x62: {  	s4 =	sadd.s32 $0x53F8, s4;
	[sflag:s26] =	ssyncadd.s32 $0xFFFFFF80  }
0x63: {  	[spmem:s2] =	stream.indirect.scatter.add.f32 [tilespmem:s19], [sflag:$0x4], $0x1, s4, s18, $0xb8;
	[tilespmem:$0xCC80] =	vst v63  }
0x64: {  	_ =	swait.ge [sflag:s23], $0x80  }
0x65: {  	[sflag:s23] =	ssyncset.done $0x0  }
0x66: {  	[sflag:s23] =	ssyncadd.s32 $0xFFFFFF80  }
0x67: {  	_ =	swait.ge [sflag:s24], $0x80  }
0x68: {  	[sflag:s24] =	ssyncset.done $0x0  }
0x69: {  	[sflag:s24] =	ssyncadd.s32 $0xFFFFFF80  }
0x6a: {  	_ =	swait.ge [sflag:s25], $0x80  }
0x6b: {  	[sflag:s25] =	ssyncset.done $0x0  }
0x6c: {  	[sflag:s25] =	ssyncadd.s32 $0xFFFFFF80  }
0x6d: {  	_ =	swait.ge [sflag:s26], $0x80  }
0x6e: {  	[sflag:s26] =	ssyncset.done $0x0  }
0x6f: {  	[sflag:s26] =	ssyncadd.s32 $0xFFFFFF80  }
0x70: {  	[bflag:$0x0] =	sbarrier.arrive $0xFFFF  }
0x71: {  	[tilespmem:s28], [sflag:$0x5] =	stream.linear.gather [spmem:s5], $0x80, $0x38;
	[tilespmem:$0xCC80] =	vst v63  }
0x72: {  	_ =	swait.ge [sflag:s16], $0x80  }
0x73: {  	[sflag:s16] =	ssyncset.done $0x0  }
0x74: {  	[sflag:s16] =	ssyncadd.s32 $0xFFFFFF80  }
0x75: {  	[tilespmem:s29], [sflag:$0x5] =	stream.linear.gather [spmem:s7], $0x80, $0x38;
	[tilespmem:$0xCC80] =	vst v63  }
0x76: {  	_ =	swait.ge [sflag:s16], $0x80  }
0x77: {  	[sflag:s16] =	ssyncset.done $0x0  }
0x78: {  	[sflag:s16] =	ssyncadd.s32 $0xFFFFFF80  }
0x79: {  	[tilespmem:s30], [sflag:$0x5] =	stream.linear.gather [spmem:s8], $0x80, $0x38;
	[tilespmem:$0xCC80] =	vst v63  }
0x7a: {  	_ =	swait.ge [sflag:s16], $0x80  }
0x7b: {  	[sflag:s16] =	ssyncset.done $0x0  }
0x7c: {  	[sflag:s16] =	ssyncadd.s32 $0xFFFFFF80  }
0x7d: {  	[tilespmem:s31], [sflag:$0x5] =	stream.linear.gather [spmem:s9], $0x80, $0x38;
	[tilespmem:$0xCC80] =	vst v63  }
0x7e: {  	_ =	swait.ge [sflag:s16], $0x80  }
0x7f: {  	[sflag:s16] =	ssyncset.done $0x0  }
0x80: {  	[sflag:s16] =	ssyncadd.s32 $0xFFFFFF80  }
0x81: {  	[tilespmem:s0], [sflag:$0x5] =	stream.linear.gather [spmem:s10], $0x78, $0x38;
	[tilespmem:$0xCC80] =	vst v63  }
0x82: {  	_ =	swait.ge [sflag:s16], $0x78  }
0x83: {  	[sflag:s16] =	ssyncset.done $0x0  }
0x84: {  	s4 =	simm.s32 $0x0;
	[sflag:s16] =	ssyncadd.s32 $0xFFFFFF88  }
0x85: {  	v3 =	vld [tilespmem:s4+$0x5378];
	_ =	sdelay $0x4  }
0x86: {  	v3 =	vadd.f32 $1.000000000e+00, v3;
	_ =	sdelay $0x1  }
0x87: {  	v4 =	vshrl.u32 v3, $0x1;
	v3 =	vmul.f32 $5.000000000e-01, v3  }
0x88: {  	v4 =	vsub.s32 $0x5F3759DF, v4  }
0x89: {  	v5 =	vmul.f32 v4, v3;
	_ =	sdelay $0x1  }
0x8a: {  	v5 =	vmul.f32 v4, v5;
	_ =	sdelay $0x1  }
0x8b: {  	v5 =	vsub.f32 $1.500000000e+00, v5;
	_ =	sdelay $0x1  }
0x8c: {  	v4 =	vmul.f32 v4, v5;
	_ =	sdelay $0x1  }
0x8d: {  	v5 =	vmul.f32 v4, v3;
	_ =	sdelay $0x1  }
0x8e: {  	v5 =	vmul.f32 v5, v4;
	_ =	sdelay $0x1  }
0x8f: {  	v5 =	vsub.f32 $1.500000000e+00, v5;
	_ =	sdelay $0x1  }
0x90: {  	v4 =	vmul.f32 v5, v4;
	_ =	sdelay $0x1  }
0x91: {  	v3 =	vmul.f32 v4, v3;
	_ =	sdelay $0x1  }
0x92: {  	v3 =	vmul.f32 v3, v4;
	_ =	sdelay $0x1  }
0x93: {  	v3 =	vsub.f32 $1.500000000e+00, v3;
	_ =	sdelay $0x1  }
0x94: {  	v63 =	vmov s21;
	v3 =	vmul.f32 v3, v4  }
0x95: {  	vm0 =	vlt.u32 v63, v2  }
0x96: {  	s20 =	simm.s32 $0x0;
	v3 =	vnsel vm0, $0x0, v3  }
0x97: {  	s3 =	simm.s32 $0x10;
	s22 =	simm.s32 $0x80;
	[tilespmem:s4+$0x5378] =	vst v3;
	s4 =	smov.u32 s21  }
.LBB2_4:
0x98: {  	p1 =	sne.s32 s22, $0x9C0;
	v3 =	vld [tilespmem:s3+$0x5378];
	_ =	sdelay $0x4  }
0x99: {  	v3 =	vadd.f32 $1.000000000e+00, v3;
	_ =	sdelay $0x1  }
0x9a: {  	v4 =	vshrl.u32 v3, $0x1;
	v3 =	vmul.f32 $5.000000000e-01, v3  }
0x9b: {  	v4 =	vsub.s32 $0x5F3759DF, v4  }
0x9c: {  	v5 =	vmul.f32 v4, v3;
	_ =	sdelay $0x1  }
0x9d: {  	v5 =	vmul.f32 v4, v5;
	_ =	sdelay $0x1  }
0x9e: {  	v5 =	vsub.f32 $1.500000000e+00, v5;
	_ =	sdelay $0x1  }
0x9f: {  	v4 =	vmul.f32 v4, v5;
	_ =	sdelay $0x1  }
0xa0: {  	v5 =	vmul.f32 v4, v3;
	_ =	sdelay $0x1  }
0xa1: {  	v5 =	vmul.f32 v5, v4;
	_ =	sdelay $0x1  }
0xa2: {  	v5 =	vsub.f32 $1.500000000e+00, v5;
	_ =	sdelay $0x1  }
0xa3: {  	v4 =	vmul.f32 v5, v4;
	_ =	sdelay $0x1  }
0xa4: {  	v3 =	vmul.f32 v4, v3;
	_ =	sdelay $0x1  }
0xa5: {  	v3 =	vmul.f32 v3, v4;
	_ =	sdelay $0x1  }
0xa6: {  	v3 =	vsub.f32 $1.500000000e+00, v3  }
.Ltmp1:
0xa7: {  	s4 =	sadd.s32 $0x10, s4;
	(pc) =	sbr.rel @p1 .LBB2_4-.Ltmp1, $4  }
0xa8: {  	v3 =	vmul.f32 v3, v4;
	v4 =	vmov s4  }
0xa9: {  	vm0 =	vlt.u32 v4, v2  }
0xaa: {  	v3 =	vnsel vm0, $0x0, v3  }
0xab: {  	[tilespmem:s3+$0x5378] =	vst v3;
	s3 =	sshra.s32 s22, $0x2;
	s22 =	sadd.s32 $0x40, s22  }
0xac: {  	v3 =	vld [tilespmem:s3+$0x5378];
	_ =	sdelay $0x4  }
0xad: {  	v3 =	vadd.f32 $1.000000000e+00, v3;
	_ =	sdelay $0x1  }
0xae: {  	v4 =	vshrl.u32 v3, $0x1;
	v3 =	vmul.f32 $5.000000000e-01, v3  }
0xaf: {  	v4 =	vsub.s32 $0x5F3759DF, v4  }
0xb0: {  	v5 =	vmul.f32 v4, v3;
	_ =	sdelay $0x1  }
0xb1: {  	v5 =	vmul.f32 v4, v5;
	_ =	sdelay $0x1  }
0xb2: {  	v5 =	vsub.f32 $1.500000000e+00, v5;
	_ =	sdelay $0x1  }
0xb3: {  	v4 =	vmul.f32 v4, v5;
	_ =	sdelay $0x1  }
0xb4: {  	v5 =	vmul.f32 v4, v3;
	_ =	sdelay $0x1  }
0xb5: {  	v5 =	vmul.f32 v5, v4;
	_ =	sdelay $0x1  }
0xb6: {  	v5 =	vsub.f32 $1.500000000e+00, v5;
	_ =	sdelay $0x1  }
0xb7: {  	v4 =	vmul.f32 v5, v4;
	_ =	sdelay $0x1  }
0xb8: {  	v3 =	vmul.f32 v4, v3;
	_ =	sdelay $0x1  }
0xb9: {  	v3 =	vmul.f32 v3, v4;
	_ =	sdelay $0x1  }
0xba: {  	v3 =	vsub.f32 $1.500000000e+00, v3  }
0xbb: {  	s4 =	sadd.s32 $0x10, s4;
	v5 =	vmov s20  }
0xbc: {  	v3 =	vmul.f32 v3, v4;
	v4 =	vmov s4  }
0xbd: {  	vm0 =	vlt.u32 v4, v2  }
0xbe: {  	v3 =	vnsel vm0, $0x0, v3  }
0xbf: {  	[tilespmem:s3+$0x5378] =	vst v3  }
0xc0: {  	v3 =	vld.idx.msk [tilespmem:v5+s28+$0x0], $0xffff;
	_ =	sdelay $0x1  }
0xc1: {  	s4 =	simm.s32 $0x1  }
0xc2: {  	v4 =	vmov s4  }
0xc3: {  	s20 =	simm.s32 $0x5610  }
0xc4: {  	[tilespmem:s20+$0xFFFFFFF0] =	vst v3  }
0xc5: {  	s3 =	simm.s32 $0xA500;
	[tilespmem:s20+$0x0] =	vst v3  }
0xc6: {  	[tilespmem:s3+$0x0] =	vst v3  }
0xc7: {  	v3 =	vld.idx.msk [tilespmem:v4+s28+$0x0], $0xffff;
	_ =	sdelay $0x1  }
0xc8: {  	s22 =	simm.s32 $0x2  }
0xc9: {  	v4 =	vmov s22  }
0xca: {  	s4 =	simm.s32 $0x5630  }
0xcb: {  	s20 =	simm.s32 $0x3;
	[tilespmem:s4+$0xFFFFFFF0] =	vst v3  }
.LBB2_6:
0xcc: {  	p1 =	sne.s32 s20, $0x277;
	[tilespmem:s4+$0x0] =	vst v3;
	s3 =	sadd.s32 $0x10, s3  }
0xcd: {  	[tilespmem:s3+$0x0] =	vst v3  }
0xce: {  	v3 =	vld.idx.msk [tilespmem:v4+s28+$0x0], $0xffff;
	_ =	sdelay $0x1  }
.Ltmp2:
0xcf: {  	(pc) =	sbr.rel @p1 .LBB2_6-.Ltmp2, $4  }
0xd0: {  	_ = 	snop  }
0xd1: {  	v4 =	vmov s20  }
0xd2: {  	s4 =	sadd.s32 $0x20, s4  }
0xd3: {  	s20 =	sadd.s32 $0x1, s20;
	[tilespmem:s4+$0xFFFFFFF0] =	vst v3  }
0xd4: {  	_ =	sdelay $0x1  }
0xd5: {  	[tilespmem:s4+$0x0] =	vst v3;
	s3 =	sadd.s32 $0x10, s3  }
0xd6: {  	[tilespmem:s3+$0x0] =	vst v3  }
0xd7: {  	v3 =	vld.idx.msk [tilespmem:v4+s28+$0x0], $0xffff;
	_ =	sdelay $0x3  }
0xd8: {  	s22 =	sadd.s32 $0x20, s4  }
0xd9: {  	[tilespmem:s22+$0xFFFFFFF0] =	vst v3  }
0xda: {  	s3 =	sadd.s32 $0x10, s3;
	[tilespmem:s22+$0x0] =	vst v3  }
0xdb: {  	s4 =	simm.s32 @!p0 $0x5378;
	[tilespmem:s3+$0x0] =	vst v3;
	s3 =	simm.s32 @!p0 $0x0  }
0xdc: {  	[hbm4b:s11+s3] =	stream.linear.scatter @!p0 [tilespmem:s4], [sflag:$0x5], $0x278, $0x38;
	[tilespmem:$0xCC80] =	vst v63  }
0xdd: {  	s4 =	simm.s32 @!p0 $0x5  }
0xde: {  	_ =	swait.ge @!p0 [sflag:s4], $0x278  }
0xdf: {  	[sflag:s4] =	ssyncset.done @!p0 $0x0  }
0xe0: {  	s20 =	simm.s32 @!p0 $0x5600;
	[sflag:s4] =	ssyncadd.s32 @!p0 $0xFFFFFD88  }
0xe1: {  	[hbm4b:s12+s3] =	stream.linear.scatter @!p0 [tilespmem:s20], [sflag:$0x5], $0x4F00, $0x38;
	[tilespmem:$0xCC80] =	vst v63  }
0xe2: {  	s1 =	sadd.s32 $0x1, s1;
	_ =	swait.ge @!p0 [sflag:s4], $0x4F00  }
0xe3: {  	p1 =	sne.s32 s1, s14;
	[sflag:s4] =	ssyncset.done @!p0 $0x0  }
.Ltmp3:
0xe4: {  	s20 =	simm.s32 @!p0 $0xA500;
	[sflag:s4] =	ssyncadd.s32 @!p0 $0xFFFFB100;
	(pc) =	sbr.rel @p1 .LBB2_1-.Ltmp3, $4  }
0xe5: {  	[hbm4b:s13+s3] =	stream.linear.scatter @!p0 [tilespmem:s20], [sflag:$0x5], $0x2780, $0x38;
	[tilespmem:$0xCC80] =	vst v63  }
0xe6: {  	_ =	swait.ge @!p0 [sflag:s4], $0x2780  }
0xe7: {  	[sflag:s4] =	ssyncset.done @!p0 $0x0  }
0xe8: {  	[sflag:s4] =	ssyncadd.s32 @!p0 $0xFFFFD880  }
0xe9: {  	_ =	sfence.sel $0x180000  }
0xea: {  	[bflag:$0x0] =	sbarrier.arrive $0xFFFF  }
0xeb: {  	_ =	strace $0x90000047  }
0xec: {  	s0 =	stileid.u32;
	[bflag:$0x2] =	sbarrier.arrive $0xFFFF  }
0xed: {  	p0 =	sne.s32 s0, $0x0;
	s0 =	rddreg [dreg:$0x3]  }
0xee: {  	s0 =	sadd.s32 @!p0 $0x100000, s0  }
0xef: {  	[sflag:s0] =	ssyncadd.tile.s32 @!p0 $0x1;
	_ =	shalt  }
.Lfunc_end2:
_tile_overlayer_lowered:
.L_overlay_start_2:
0xf0: {  	(tag) =	ssettag $0x2  }
0xf1: {  	s0 =	rddreg [dreg:$0x0];
	s2 =	stileid.u32  }
0xf2: {  	s1 =	rddreg [dreg:$0x1];
	p0 =	sne.s32 s2, $0x0  }
0xf3: {  	s3 =	rddreg [dreg:$0x2];
	[bflag:$0x3] =	sbarrier.arrive $0xFFFF;
	s2 =	simm.s32 @!p0 $0x1C05  }
0xf4: {  	[timem:s3], [sflag:s2] =	dma.local @!p0 [hbm:s0], s1  }
0xf5: {  	s0 =	simm.s32 @!p0 $0x5  }
0xf6: {  	_ =	swait.ge @!p0 [sflag:s0], s1  }
0xf7: {  	s1 =	ssub.s32 @!p0 $0x0, s1;
	[sflag:s0] =	ssyncset.done @!p0 $0x0  }
0xf8: {  	[sflag:s0] =	ssyncadd.s32 @!p0 s1  }
0xf9: {  	[bflag:$0x3] =	sbarrier.arrive $0xFFFF  }
0xfa: {  	_ =	shalt  }

// kernel: kernel.14.cloned.1.call-start
scs
__scs_entry_jumppad:
0x0: {  	(pc) =	sbr.rel $0x88, $3  }
0x1: {  	(tag) =	ssettag $0x0;
	lr =	simm.s32 $0x1  }
0x2: {  	[smem:$0x3F99] =	sst lr;
	_ =	strace $0xD0000000  }
0x3: {  	_ = 	snop  }
0x4: {  	_ = 	snop  }
0x5: {  	_ = 	snop  }
0x6: {  	_ = 	snop  }
0x7: {  	_ = 	snop  }
__scs_overlays_trampoline_lowered:
0x8: {  	[smem:$0x3FA8] =	sst s0  }
0x9: {  	[smem:$0x3FA9] =	sst s1  }
0xa: {  	[smem:$0x3FAA] =	sst s2  }
0xb: {  	[smem:$0x3FAB] =	sst s3  }
0xc: {  	[smem:$0x3FAC] =	sst s4  }
0xd: {  	[smem:$0x3FAD] =	sst s5  }
0xe: {  	[smem:$0x3FAE] =	sst s6  }
0xf: {  	[smem:$0x3FAF] =	sst s7  }
0x10: {  	[smem:$0x3FB0] =	sst s8  }
0x11: {  	[smem:$0x3FB1] =	sst s9;
	s0 =	simm.s32 @!p0 $0x0  }
0x12: {  	s1 =	sld [smem:$0x3F97];
	s0 =	simm.s32 @p0 $0x1  }
0x13: {  	[smem:$0x3FB2] =	sst s0;
	s0 =	simm.s32 @!p1 $0x0  }
0x14: {  	s2 =	sld [smem:$0x3F96];
	s0 =	simm.s32 @p1 $0x1  }
0x15: {  	[smem:$0x3FB3] =	sst s0;
	s0 =	simm.s32 @!p2 $0x0  }
0x16: {  	s3 =	sld [smem:$0x3FDB];
	s0 =	simm.s32 @p2 $0x1  }
0x17: {  	s4 =	simm.s32 $0x1BF5;
	[smem:$0x3FB5] =	sst s0  }
0x18: {  	s0 =	sld [smem:$0x3F98];
	_ =	swait.ge [sflag:s4], $0x0  }
0x19: {  	s7 =	sld [smem:$0x3F99]  }
0x1a: {  	s8 =	sadd.s32 $0xFFFFE003, lr  }
0x1b: {  	s9 =	sadd.s32 $0xFFFFFEF7, lr;
	s5 =	simm.s32 $0xFFFFFFFF;
	p2 =	slt.u32 s8, $0xFFFFF086  }
0x1c: {  	p1 =	slt.u32 s9, $0xF7A;
	s5 =	simm.s32 @!p2 $0x0  }
0x1d: {  	s5 =	simm.s32 @p1 $0x1;
	p0 =	seq.s32 s7, s2  }
0x1e: {  	s7 =	smul.u32 @!p0 $0xF7A, s2;
	p2 =	seq.s32 @!p0 s5, $0x0  }
0x1f: {  	s9 =	smul.u32 $0xF7A, s1;
	s8 =	simm.s32 @!p0 $0x1BF5;
	p2 =	por !p2, p0  }
0x20: {  	[sflag:s8] =	ssyncset.s32 @!p0 $0xFFFFF086;
	s6 =	sadd.s32 @!p0 s3, s7;
	s7 =	simm.s32 @!p0 $0x108  }
0x21: {  	s3 =	sadd.s32 s3, s9;
	s6 =	sadd.s32 @!p0 $0x88, s6;
	s7 =	simm.s32 @p2 $0x1082  }
0x22: {  	[simem:s7], [sflag:s8] =	dma.local @!p0 [hbm:s6], $0xF7A  }
0x23: {  	s9 =	sor.u32 $0xD0000000, s2;
	s6 =	simm.s32 $0x108;
	_ =	swait.ge @!p0 [sflag:s8], $0x0  }
0x24: {  	s3 =	sadd.s32 $0x88, s3;
	s6 =	simm.s32 @!p1 $0x1082;
	[sflag:s4] =	ssyncset.s32 $0xFFFFF086  }
0x25: {  	[simem:s6], [sflag:s4] =	dma.local [hbm:s3], $0xF7A  }
0x26: {  	[smem:$0x3F99] =	sst s1;
	(tag) =	ssettag s2;
	_ =	strace s9  }
0x27: {  	s1 =	sld [smem:$0x3FA9]  }
0x28: {  	s2 =	sld [smem:$0x3FAA]  }
0x29: {  	s4 =	sld [smem:$0x3FAC]  }
0x2a: {  	p0 =	seq.s32 s5, $0x0;
	s5 =	sld [smem:$0x3FAD]  }
0x2b: {  	s6 =	sld [smem:$0x3FAE]  }
0x2c: {  	s7 =	sld [smem:$0x3FAF]  }
0x2d: {  	s3 =	simm.s32 $0x108;
	s8 =	sld [smem:$0x3FB0]  }
0x2e: {  	s3 =	simm.s32 @!p0 $0x1082;
	s9 =	sld [smem:$0x3FB1]  }
0x2f: {  	lr =	sadd.s32 s0, s3;
	s0 =	sld [smem:$0x3FA8]  }
0x30: {  	s3 =	sld [smem:$0x3FAB]  }
0x31: {  	[smem:$0x3FB4] =	sst s10  }
0x32: {  	s10 =	sld [smem:$0x3FB2];
	_ =	sdelay $0x3  }
0x33: {  	p0 =	seq.s32 s10, $0x1;
	s10 =	sld [smem:$0x3FB4];
	_ =	sdelay $0x3  }
0x34: {  	[smem:$0x3FB4] =	sst s10  }
0x35: {  	s10 =	sld [smem:$0x3FB3];
	_ =	sdelay $0x3  }
0x36: {  	p1 =	seq.s32 s10, $0x1;
	s10 =	sld [smem:$0x3FB4];
	_ =	sdelay $0x3  }
0x37: {  	[smem:$0x3FB4] =	sst s10  }
0x38: {  	s10 =	sld [smem:$0x3FB5]  }
0x39: {  	_ = 	snop;
	(pc) =	sbr.ind lr, $3  }
0x3a: {  	_ = 	snop  }
0x3b: {  	_ = 	snop  }
0x3c: {  	p2 =	seq.s32 s10, $0x1;
	s10 =	sld [smem:$0x3FB4]  }
0x3d: {  	_ =	shalt  }
0x3e: {  	_ =	shalt  }
0x3f: {  	_ =	shalt  }
0x40: {  	_ =	shalt  }
0x41: {  	_ =	shalt  }
0x42: {  	_ =	shalt  }
0x43: {  	_ =	shalt  }
0x44: {  	_ =	shalt  }
0x45: {  	_ =	shalt  }
0x46: {  	_ =	shalt  }
0x47: {  	_ =	shalt  }
0x48: {  	_ =	shalt  }
0x49: {  	_ =	shalt  }
0x4a: {  	_ =	shalt  }
0x4b: {  	_ =	shalt  }
0x4c: {  	_ =	shalt  }
0x4d: {  	_ =	shalt  }
0x4e: {  	_ =	shalt  }
0x4f: {  	_ =	shalt  }
0x50: {  	_ =	shalt  }
0x51: {  	_ =	shalt  }
0x52: {  	_ =	shalt  }
0x53: {  	_ =	shalt  }
0x54: {  	_ =	shalt  }
0x55: {  	_ =	shalt  }
0x56: {  	_ =	shalt  }
0x57: {  	_ =	shalt  }
0x58: {  	_ =	shalt  }
0x59: {  	_ =	shalt  }
0x5a: {  	_ =	shalt  }
0x5b: {  	_ =	shalt  }
0x5c: {  	_ =	shalt  }
0x5d: {  	_ =	shalt  }
0x5e: {  	_ =	shalt  }
0x5f: {  	_ =	shalt  }
0x60: {  	_ =	shalt  }
0x61: {  	_ =	shalt  }
0x62: {  	_ =	shalt  }
0x63: {  	_ =	shalt  }
0x64: {  	_ =	shalt  }
0x65: {  	_ =	shalt  }
0x66: {  	_ =	shalt  }
0x67: {  	_ =	shalt  }
0x68: {  	_ =	shalt  }
0x69: {  	_ =	shalt  }
0x6a: {  	_ =	shalt  }
0x6b: {  	_ =	shalt  }
0x6c: {  	_ =	shalt  }
0x6d: {  	_ =	shalt  }
0x6e: {  	_ =	shalt  }
0x6f: {  	_ =	shalt  }
0x70: {  	_ =	shalt  }
0x71: {  	_ =	shalt  }
0x72: {  	_ =	shalt  }
0x73: {  	_ =	shalt  }
0x74: {  	_ =	shalt  }
0x75: {  	_ =	shalt  }
0x76: {  	_ =	shalt  }
0x77: {  	_ =	shalt  }
0x78: {  	_ =	shalt  }
0x79: {  	_ =	shalt  }
0x7a: {  	_ =	shalt  }
0x7b: {  	_ =	shalt  }
0x7c: {  	_ =	shalt  }
0x7d: {  	_ =	shalt  }
0x7e: {  	_ =	shalt  }
0x7f: {  	_ =	shalt  }
0x80: {  	_ =	shalt  }
0x81: {  	_ =	shalt  }
0x82: {  	_ =	shalt  }
0x83: {  	_ =	shalt  }
0x84: {  	_ =	shalt  }
0x85: {  	_ =	shalt  }
0x86: {  	_ =	shalt  }
0x87: {  	_ =	shalt  }
.Lfunc_end0:
.L_simem_size_0:
called_computation.1_lowered:
.L_overlay_start_0:
0x88: {  	s2 =	sld [smem:$0x3FD9]  }
0x89: {  	s3 =	sld [smem:$0x3FFE];
	_ =	sdelay $0x1  }
0x8a: {  	s1 =	srdreg.scid  }
0x8b: {  	s0 =	sand.u32 $0x1, s1  }
0x8c: {  	s17 =	sshll.u32 s0, $0xA;
	s2 =	sadd.s32 s3, s2  }
0x8d: {  	s2 =	sadd.s32 s2, s17  }
0x8e: {  	[smem:$0x3FC0] =	sst s2  }
0x8f: {  	_ = 	snop  }
0x90: {  	s2 =	sld [smem:$0x3FD0];
	(tm) =	ssettm $0x1  }
0x91: {  	s18 =	sld [smem:$0x3FFB];
	_ =	sdelay $0x3  }
0x92: {  	_ =	strace s18  }
0x93: {  	s3 =	sld [smem:$0x3FFC];
	_ =	sdelay $0x3  }
0x94: {  	_ =	strace s3  }
0x95: {  	s3 =	sld [smem:$0x3FFD];
	_ =	sdelay $0x3  }
0x96: {  	_ =	strace s3  }
0x97: {  	_ =	strace $0x8FFFFFFF  }
0x98: {  	s19 =	sld [smem:$0x3FDB];
	_ =	sdelay $0x1  }
0x99: {  	s4 =	simm.s32 $_scs_section_size  }
0x9a: {  	s5 =	simm.s32 $_size__tile_overlayer_lowered;
	s6 =	simm.s32 $_tile_overlayer_lowered  }
0x9b: {  	s22 =	simm.s32 $0x1BFF;
	s21 =	sshll.u32 s6, $0x1;
	s3 =	sadd.s32 s4, s19  }
0x9c: {  	s7 =	simm.s32 $0x0;
	s20 =	sshll.u32 s5, $0x1;
	s5 =	sadd.s32 s21, s3  }
0x9d: {  	[timem:s7], [sflag:s22] =	dma.local [hbm:s5], s20  }
0x9e: {  	_ =	swait.ge [sflag:s22], s20  }
0x9f: {  	s4 =	ssub.s32 $0x0, s20;
	[sflag:s22] =	ssyncset.done $0x0  }
0xa0: {  	[sflag:s22] =	ssyncadd.s32 s4;
	_ =	sdelay $0x1  }
0xa1: {  	s23 =	simm.s32 $0x1B8B  }
0xa2: {  	_ =	swait.ge [sflag:s23], $0x1  }
0xa3: {  	[sflag:s23] =	ssyncset.done $0x0  }
0xa4: {  	s25 =	simm.s32 $0x1B8E;
	s24 =	sld [smem:$0x3FFE];
	[sflag:s23] =	ssyncadd.s32 $0xFFFFFFFF  }
0xa5: {  	s26 =	simm.s32 $execute0_lowered;
	[smem:$0x3FD2] =	sst s25  }
0xa6: {  	s5 =	sshll.u32 s26, $0x1;
	_ =	strace $0x80000049;
	[dreg:$0x1] =	wrdreg $0xFFFFFFFF  }
0xa7: {  	s28 =	simm.s32 $_size_execute0_lowered;
	s3 =	sadd.s32 s3, s5;
	[dreg:$0x0] =	wrdreg $0x0  }
0xa8: {  	s5 =	sshll.u32 s28, $0x1;
	[dreg:$0x2] =	wrdreg s3  }
0xa9: {  	[dreg:$0x3] =	wrdreg s5  }
0xaa: {  	[dreg:$0x4] =	wrdreg $0xC0  }
0xab: {  	_ =	task [dreg:s7], $0x5FFFF  }
0xac: {  	[dreg:$0x1] =	wrdreg $0xFFFFFFFF  }
0xad: {  	[dreg:$0x0] =	wrdreg $0x60  }
0xae: {  	[dreg:$0x2] =	wrdreg s24  }
0xaf: {  	[dreg:$0x3] =	wrdreg s2  }
0xb0: {  	[dreg:$0x4] =	wrdreg $0x4F000  }
0xb1: {  	[dreg:$0x5] =	wrdreg $0x0  }
0xb2: {  	[dreg:$0x6] =	wrdreg $0x9  }
0xb3: {  	_ =	task.clear_ibuf [dreg:s7], $0x7FFFF;
	_ =	strace $0x90000049  }
0xb4: {  	s29 =	simm.s32 $0x9;
	_ =	strace $0x8000004B  }
0xb5: {  	_ =	swait.ge [sflag:s29], $0x1  }
0xb6: {  	[sflag:s29] =	ssyncadd.s32 $0xFFFFFFFF  }
0xb7: {  	_ =	strace $0x9000004B  }
0xb8: {  	_ =	sfence  }
0xb9: {  	s30 =	sld [smem:$0x0];
	_ =	sdelay $0x2  }
0xba: {  	s31 =	sshll.u32 s1, $0xD;
	s1 =	sshrl.u32 s1, $0x2  }
0xbb: {  	s3 =	sand.u32 $0x4000, s31;
	s1 =	sadd.s32 s1, s30  }
0xbc: {  	s0 =	sor.u32 s3, s0;
	s1 =	sshll.u32 s1, $0x11  }
0xbd: {  	s0 =	sor.u32 s1, s0  }
0xbe: {  	s0 =	sadd.s32 $0x8F2B, s0  }
0xbf: {  	[sflag:s0] =	ssyncadd.remote.s32 $0x1  }
0xc0: {  	_ =	sfence.sel $0xFFFF  }
0xc1: {  	[dreg:$0x0] =	wrdreg $0xFFFFFFFF;
	(pc) =	sbr.abs _section_cstart, $3  }
0xc2: {  	[dreg:$0x1] =	wrdreg $0xFFFFFFFF  }
0xc3: {  	_ =	task.clear_ibuf [dreg:s7], $0x2FFFF;
	_ =	strace $0x9FFFFFFF  }
0xc4: {  	(tm) =	ssettm $0x7FFFFFFF  }
0xc5: {  	_ =	shalt  }
tec
execute0_lowered:
.L_overlay_start_1:
0x0: {  	(tag) =	ssettag $0x1  }
0x1: {  	s0 =	rddreg [dreg:$0x0]  }
0x2: {  	s1 =	rddreg [dreg:$0x1]  }
0x3: {  	s11 =	stileid.u32;
	s3 =	srdreg.scid  }
0x4: {  	s2 =	rddreg [dreg:$0x2];
	s14 =	simm.s32 $0x0;
	s28 =	simm.s32 $0x9  }
0x5: {  	s29 =	simm.s32 $0xA;
	s30 =	simm.s32 $0xB;
	s31 =	simm.s32 $0xC  }
0x6: {  	s12 =	simm.s32 $0x5;
	s13 =	simm.s32 $0x8;
	s6 =	smul.u32 $0x4F00, s11  }
0x7: {  	s5 =	sand.u32 $0x1, s3;
	s3 =	rddreg [dreg:$0x3];
	s10 =	smul.u32 $0x13C00, s11  }
0x8: {  	s4 =	sshll.u32 s11, $0x1;
	[smem:$0x7FF] =	sst s14;
	s11 =	smul.u32 $0x4F, s11  }
0x9: {  	s7 =	sor.u32 s5, s4;
	s8 =	smul.u32 $0x4F000, s5;
	_ =	strace $0x8000004A  }
0xa: {  	s5 =	ssub.s32 $0x2, s5;
	s7 =	smul.u32 $0x500, s7;
	s9 =	sshrl.u32 s6, $0x3  }
0xb: {  	s15 =	sshrl.u32 s5, $0x1;
	s17 =	sshrl.u32 s10, $0x2;
	s1 =	sadd.s32 s1, s11  }
0xc: {  	s24 =	sadd.s32 s6, s2;
	s25 =	sadd.s32 s6, s3;
	s10 =	simm.s32 $0x19F78  }
0xd: {  	s11 =	simm.s32 $0x1AF78;
	s9 =	sadd.s32 s9, s0;
	s8 =	sadd.s32 s6, s8  }
0xe: {  	s5 =	ssub.s32 s5, s15;
	[dreg:$0x6] =	wrdreg s1;
	s19 =	sadd.s32 s17, s2  }
0xf: {  	[dreg:$0xe] =	wrdreg s25;
	s25 =	simm.s32 $0x2;
	s6 =	simm.s32 $0x16F78  }
0x10: {  	s17 =	simm.s32 $0x7;
	[dreg:$0x9] =	wrdreg s24;
	s16 =	sadd.s32 $0x26E00, s9  }
0x11: {  	s7 =	sadd.s32 s7, s0;
	s21 =	sadd.s32 $0x1000, s19;
	[dreg:$0x5] =	wrdreg s16  }
0x12: {  	s8 =	sshrl.u32 s8, $0x3;
	s22 =	sadd.s32 $0x2000, s19;
	[dreg:$0xa] =	wrdreg s21  }
0x13: {  	s23 =	sadd.s32 $0x3000, s19;
	s1 =	sadd.s32 $0x4000, s19;
	[dreg:$0xb] =	wrdreg s22  }
0x14: {  	s26 =	smax.u32 s5, $0x1;
	s5 =	simm.s32 $0x15F78;
	[dreg:$0xc] =	wrdreg s23  }
0x15: {  	s0 =	sadd.s32 s8, s0;
	s18 =	sadd.s32 $0xE000, s7;
	[dreg:$0xd] =	wrdreg s1  }
0x16: {  	s20 =	sadd.s32 $0x4000, s7;
	[dreg:$0x10] =	wrdreg s26;
	s21 =	simm.s32 $0x13F78  }
.Ltmp0:
0x17: {  	s22 =	simm.s32 $0x1;
	s23 =	simm.s32 $0x4;
	(pc) =	sbr.rel .LBB2_1-.Ltmp0, $4  }
0x18: {  	s26 =	simm.s32 $0x3;
	s1 =	simm.s32 $0xD;
	s7 =	simm.s32 $0x17F78  }
0x19: {  	s8 =	simm.s32 $0x18F78;
	s16 =	simm.s32 $0x0;
	[dreg:$0x7] =	wrdreg s18  }
0x1a: {  	[dreg:$0x8] =	wrdreg s20;
	s0 =	sadd.s32 $0x30C00, s0;
	s18 =	simm.s32 $0x13D00  }
0x1b: {  	v0 =	vimm.f32 $0.0e+00;
	s20 =	simm.s32 $0x80;
	[dreg:$0xf] =	wrdreg s0;
	s0 =	simm.s32 $0x14F78  }
.LBB2_8:
0x1c: {  	_ =	swait.ge [sflag:s13], $0x1000  }
0x1d: {  	[sflag:s13] =	ssyncset.done $0x0  }
0x1e: {  	[sflag:s13] =	ssyncadd.s32 $0xFFFFF000  }
0x1f: {  	[spmem:s2] =	stream.indirect.scatter.add.f32 [tilespmem:s11], [sflag:$0x10], $0x20, s15, s20, $0xb8;
	[tilespmem:$0x1BF78] =	vst v63  }
0x20: {  	_ =	swait.ge [sflag:s28], $0x1000  }
0x21: {  	[sflag:s28] =	ssyncset.done $0x0  }
0x22: {  	[sflag:s28] =	ssyncadd.s32 $0xFFFFF000  }
0x23: {  	_ =	swait.ge [sflag:s29], $0x1000  }
0x24: {  	[sflag:s29] =	ssyncset.done $0x0  }
0x25: {  	[sflag:s29] =	ssyncadd.s32 $0xFFFFF000  }
0x26: {  	_ =	swait.ge [sflag:s30], $0x1000  }
0x27: {  	[sflag:s30] =	ssyncset.done $0x0  }
0x28: {  	[sflag:s30] =	ssyncadd.s32 $0xFFFFF000  }
0x29: {  	_ =	swait.ge [sflag:s31], $0x1000  }
0x2a: {  	[sflag:s31] =	ssyncset.done $0x0  }
0x2b: {  	[sflag:s31] =	ssyncadd.s32 $0xFFFFF000  }
0x2c: {  	_ =	swait.ge [sflag:s1], $0x1000  }
0x2d: {  	[sflag:s1] =	ssyncset.done $0x0  }
0x2e: {  	s4 =	simm.s32 $0xE;
	[sflag:s1] =	ssyncadd.s32 $0xFFFFF000  }
0x2f: {  	_ =	swait.ge [sflag:s4], $0x1000  }
0x30: {  	[sflag:s4] =	ssyncset.done $0x0  }
0x31: {  	s24 =	simm.s32 $0xF;
	[sflag:s4] =	ssyncadd.s32 $0xFFFFF000  }
0x32: {  	_ =	swait.ge [sflag:s24], $0x1000  }
0x33: {  	[sflag:s24] =	ssyncset.done $0x0  }
0x34: {  	s9 =	simm.s32 $0x10;
	[sflag:s24] =	ssyncadd.s32 $0xFFFFF000  }
0x35: {  	_ =	swait.ge [sflag:s9], $0x1000  }
0x36: {  	[sflag:s9] =	ssyncset.done $0x0  }
0x37: {  	[sflag:s9] =	ssyncadd.s32 $0xFFFFF000  }
0x38: {  	s14 =	stileid.u32;
	[bflag:$0x0] =	sbarrier.arrive $0xFFFF  }
0x39: {  	s15 =	simm.s32 $0x11;
	s4 =	sshll.u32 s14, $0x6;
	s24 =	rddreg [dreg:$0x9]  }
0x3a: {  	s4 =	sor.u32 $0x1C11, s4;
	s14 =	rddreg [dreg:$0xf];
	s9 =	sshrl.u32 s24, $0x3  }
0x3b: {  	[hbm:s14], [sflag:s4] =	dma.local [spmem:s9], $0x9E0  }
0x3c: {  	_ =	swait.ge [sflag:s15], $0x9E0  }
0x3d: {  	s16 =	sadd.s32 $0x1, s16;
	s19 =	rddreg [dreg:$0x10]  }
0x3e: {  	p0 =	sne.s32 s16, s19  }
.Ltmp1:
0x3f: {  	_ = 	snop;
	(pc) =	sbr.rel @!p0 .LBB2_9-.Ltmp1, $3  }
0x40: {  	_ =	sdelay $0x1  }
0x41: {  	[sflag:s15] =	ssyncset.done $0x0  }
0x42: {  	[sflag:s15] =	ssyncadd.s32 $0xFFFFF620  }
.LBB2_1:
0x43: {  	s4 =	simm.s32 $0x0;
	s9 =	rddreg [dreg:$0x5];
	s14 =	simm.s32 $0xEE00  }
0x44: {  	[tilespmem:s14], [sflag:$0x1] =	stream.linear.gather [hbm4b:s9+s4], $0x4F00, $0x38;
	[tilespmem:$0x1BF78] =	vst v63  }
0x45: {  	s14 =	rddreg [dreg:$0x6]  }
0x46: {  	[tilespmem:s18], [sflag:$0x4] =	stream.linear.gather [hbm4b:s14+s4], $0x278, $0x38;
	[tilespmem:$0x1BF78] =	vst v63  }
0x47: {  	s15 =	rddreg [dreg:$0x7];
	s19 =	simm.s32 $0x9E00  }
0x48: {  	[tilespmem:s19], [sflag:$0x2] =	stream.linear.gather [hbm4b:s15+s4], $0x2800, $0x38;
	[tilespmem:$0x1BF78] =	vst v63  }
0x49: {  	s15 =	rddreg [dreg:$0x8];
	s19 =	simm.s32 $0xC600  }
0x4a: {  	[tilespmem:s19], [sflag:$0x3] =	stream.linear.gather [hbm4b:s15+s4], $0x2800, $0x38;
	[tilespmem:$0x1BF78] =	vst v63  }
0x4b: {  	s14 =	simm.s32 $0x80;
	s15 =	simm.s32 $0x0  }
.LBB2_2:
0x4c: {  	p0 =	sne.s32 s14, $0x3F80;
	[tilespmem:s15+$0x13F78] =	vst v0;
	s19 =	smov.u32 s14;
	s14 =	sadd.s32 $0x80, s14  }
.Ltmp2:
0x4d: {  	[tilespmem:s15+$0x13F88] =	vst v0;
	(pc) =	sbr.rel @p0 .LBB2_2-.Ltmp2, $2  }
0x4e: {  	_ =	sdelay $0x2  }
0x4f: {  	s15 =	sshra.s32 s19, $0x2  }
0x50: {  	[tilespmem:s15+$0x13F78] =	vst v0  }
0x51: {  	[tilespmem:s15+$0x13F88] =	vst v0  }
0x52: {  	[spmem:s24] =	stream.linear.scatter [tilespmem:s21], [sflag:$0x9], $0x1000, $0x38;
	[tilespmem:$0x1BF78] =	vst v63  }
0x53: {  	s4 =	rddreg [dreg:$0xa]  }
0x54: {  	[spmem:s4] =	stream.linear.scatter [tilespmem:s21], [sflag:$0xA], $0x1000, $0x38;
	[tilespmem:$0x1BF78] =	vst v63  }
0x55: {  	s14 =	rddreg [dreg:$0xb]  }
0x56: {  	[spmem:s14] =	stream.linear.scatter [tilespmem:s21], [sflag:$0xB], $0x1000, $0x38;
	[tilespmem:$0x1BF78] =	vst v63  }
0x57: {  	s15 =	rddreg [dreg:$0xc]  }
0x58: {  	[spmem:s15] =	stream.linear.scatter [tilespmem:s21], [sflag:$0xC], $0x1000, $0x38;
	[tilespmem:$0x1BF78] =	vst v63  }
0x59: {  	s19 =	rddreg [dreg:$0xd]  }
0x5a: {  	[spmem:s19] =	stream.linear.scatter [tilespmem:s21], [sflag:$0xD], $0xF00, $0x38;
	[tilespmem:$0x1BF78] =	vst v63  }
0x5b: {  	_ =	swait.ge [sflag:s22], $0x4F00  }
0x5c: {  	s14 =	simm.s32 $0x0;
	[sflag:s22] =	ssyncset.done $0x0  }
0x5d: {  	v1 =	vmov s14;
	[sflag:s22] =	ssyncadd.s32 $0xFFFFB100  }
0x5e: {  	_ =	swait.ge [sflag:s23], $0x278  }
0x5f: {  	[sflag:s23] =	ssyncset.done $0x0  }
0x60: {  	s14 =	simm.s32 $0xEE10;
	[sflag:s23] =	ssyncadd.s32 $0xFFFFFD88  }
0x61: {  	v2 =	vld [tilespmem:s14+$0xFFFFFFF0]  }
0x62: {  	v3 =	vld.idx.msk [tilespmem:v1+s18+$0x0], $0xffff  }
0x63: {  	v4 =	vld [tilespmem:s14+$0x0];
	_ =	sdelay $0x2  }
0x64: {  	s24 =	simm.s32 $0x1  }
0x65: {  	s15 =	simm.s32 $0x2;
	s19 =	simm.s32 $0xEE10;
	v1 =	vmov s24  }
.LBB2_4:
0x66: {  	p0 =	sne.s32 s15, $0x277;
	v2 =	vmul.f32 v2, v3;
	v3 =	vmul.f32 v4, v3;
	_ =	sdelay $0x1  }
0x67: {  	s19 =	sadd.s32 $0x20, s19;
	[tilespmem:s14+$0xFFFFFFF0] =	vst v2  }
0x68: {  	v2 =	vld [tilespmem:s19+$0xFFFFFFF0];
	[tilespmem:s14+$0x0] =	vst v3;
	s14 =	smov.u32 s19  }
0x69: {  	v3 =	vld.idx.msk [tilespmem:v1+s18+$0x0], $0xffff  }
.Ltmp3:
0x6a: {  	v4 =	vld [tilespmem:s19+$0x0];
	(pc) =	sbr.rel @p0 .LBB2_4-.Ltmp3, $2  }
0x6b: {  	_ =	sdelay $0x2  }
0x6c: {  	v1 =	vmov s15;
	s15 =	sadd.s32 $0x1, s15  }
0x6d: {  	v2 =	vmul.f32 v2, v3  }
0x6e: {  	v3 =	vmul.f32 v4, v3  }
0x6f: {  	s15 =	sadd.s32 $0x20, s19;
	[tilespmem:s14+$0xFFFFFFF0] =	vst v2  }
0x70: {  	v2 =	vld [tilespmem:s15+$0xFFFFFFF0];
	[tilespmem:s14+$0x0] =	vst v3  }
0x71: {  	v1 =	vld.idx.msk [tilespmem:v1+s18+$0x0], $0xffff  }
0x72: {  	v3 =	vld [tilespmem:s15+$0x0];
	_ =	sdelay $0x3  }
0x73: {  	v2 =	vmul.f32 v2, v1  }
0x74: {  	v1 =	vmul.f32 v3, v1  }
0x75: {  	[tilespmem:s15+$0xFFFFFFF0] =	vst v2  }
0x76: {  	s4 =	rddreg [dreg:$0xe];
	s9 =	simm.s32 $0xEE00;
	[tilespmem:s15+$0x0] =	vst v1  }
0x77: {  	[spmem:s4] =	stream.linear.scatter [tilespmem:s9], [sflag:$0x11], $0x4F00, $0x38;
	[tilespmem:$0x1BF78] =	vst v63  }
0x78: {  	s9 =	simm.s32 $0x11  }
0x79: {  	_ =	swait.ge [sflag:s9], $0x4F00  }
0x7a: {  	[sflag:s9] =	ssyncset.done $0x0  }
0x7b: {  	[sflag:s9] =	ssyncadd.s32 $0xFFFFB100  }
0x7c: {  	_ =	swait.ge [sflag:s25], $0x2800  }
0x7d: {  	[sflag:s25] =	ssyncset.done $0x0  }
0x7e: {  	[sflag:s25] =	ssyncadd.s32 $0xFFFFD800  }
0x7f: {  	_ =	swait.ge [sflag:s26], $0x2800  }
0x80: {  	[sflag:s26] =	ssyncset.done $0x0  }
0x81: {  	[sflag:s26] =	ssyncadd.s32 $0xFFFFD800  }
0x82: {  	_ =	swait.ge [sflag:s28], $0x1000  }
0x83: {  	[sflag:s28] =	ssyncset.done $0x0  }
0x84: {  	[sflag:s28] =	ssyncadd.s32 $0xFFFFF000  }
0x85: {  	_ =	swait.ge [sflag:s29], $0x1000  }
0x86: {  	[sflag:s29] =	ssyncset.done $0x0  }
0x87: {  	[sflag:s29] =	ssyncadd.s32 $0xFFFFF000  }
0x88: {  	_ =	swait.ge [sflag:s30], $0x1000  }
0x89: {  	[sflag:s30] =	ssyncset.done $0x0  }
0x8a: {  	[sflag:s30] =	ssyncadd.s32 $0xFFFFF000  }
0x8b: {  	_ =	swait.ge [sflag:s31], $0x1000  }
0x8c: {  	[sflag:s31] =	ssyncset.done $0x0  }
0x8d: {  	[sflag:s31] =	ssyncadd.s32 $0xFFFFF000  }
0x8e: {  	_ =	swait.ge [sflag:s1], $0xF00  }
0x8f: {  	[sflag:s1] =	ssyncset.done $0x0  }
0x90: {  	[sflag:s1] =	ssyncadd.s32 $0xFFFFF100  }
0x91: {  	s14 =	simm.s32 $0x9E00;
	[bflag:$0x0] =	sbarrier.arrive $0xFFFF  }
0x92: {  	[tilespmem:s21], [sflag:$0x1] =	stream.indirect.gather [spmem:s3], $0x20, s14, s20, $0xb8;
	[tilespmem:$0x1BF78] =	vst v63  }
0x93: {  	s15 =	simm.s32 $0x9E80  }
0x94: {  	[tilespmem:s0], [sflag:$0x2] =	stream.indirect.gather [spmem:s3], $0x20, s15, s20, $0xb8;
	[tilespmem:$0x1BF78] =	vst v63  }
0x95: {  	s19 =	simm.s32 $0x9F00  }
0x96: {  	[tilespmem:s5], [sflag:$0x3] =	stream.indirect.gather [spmem:s3], $0x20, s19, s20, $0xb8;
	[tilespmem:$0x1BF78] =	vst v63  }
0x97: {  	s24 =	simm.s32 $0x9F80;
	s14 =	simm.s32 $0x0  }
0x98: {  	[tilespmem:s6], [sflag:$0x4] =	stream.indirect.gather [spmem:s3], $0x20, s24, s20, $0xb8;
	[tilespmem:$0x1BF78] =	vst v63  }
.LBB2_6:
0x99: {  	_ =	swait.ge [sflag:s22], $0x1000  }
0x9a: {  	s19 =	sshra.s32 s14, $0x2;
	[sflag:s22] =	ssyncset.done $0x0  }
0x9b: {  	p0 =	seq.s32 s14, $0x0;
	s15 =	sadd.s32 $0xC600, s19;
	[sflag:s22] =	ssyncadd.s32 $0xFFFFF000  }
0x9c: {  	[spmem:s2] =	stream.indirect.scatter.add.f32 [tilespmem:s21], [sflag:$0x9], $0x20, s15, s20, $0xb8;
	[tilespmem:$0x1BF78] =	vst v63  }
0x9d: {  	s15 =	simm.s32 @!p0 $0xD  }
0x9e: {  	_ =	swait.ge @!p0 [sflag:s15], $0x1000  }
0x9f: {  	[sflag:s15] =	ssyncset.done @!p0 $0x0  }
0xa0: {  	s4 =	sadd.s32 $0xA000, s19;
	[sflag:s15] =	ssyncadd.s32 @!p0 $0xFFFFF000  }
0xa1: {  	[tilespmem:s7], [sflag:$0x5] =	stream.indirect.gather [spmem:s3], $0x20, s4, s20, $0xb8;
	[tilespmem:$0x1BF78] =	vst v63  }
0xa2: {  	_ =	swait.ge [sflag:s25], $0x1000  }
0xa3: {  	[sflag:s25] =	ssyncset.done $0x0  }
0xa4: {  	s9 =	sadd.s32 $0xC680, s19;
	s15 =	simm.s32 @!p0 $0xE;
	[sflag:s25] =	ssyncadd.s32 $0xFFFFF000  }
0xa5: {  	[spmem:s2] =	stream.indirect.scatter.add.f32 [tilespmem:s0], [sflag:$0xA], $0x20, s9, s20, $0xb8;
	[tilespmem:$0x1BF78] =	vst v63  }
0xa6: {  	_ =	swait.ge @!p0 [sflag:s15], $0x1000  }
0xa7: {  	[sflag:s15] =	ssyncset.done @!p0 $0x0  }
0xa8: {  	s24 =	sadd.s32 $0xA080, s19;
	[sflag:s15] =	ssyncadd.s32 @!p0 $0xFFFFF000  }
0xa9: {  	[tilespmem:s8], [sflag:$0x6] =	stream.indirect.gather [spmem:s3], $0x20, s24, s20, $0xb8;
	[tilespmem:$0x1BF78] =	vst v63  }
0xaa: {  	_ =	swait.ge [sflag:s26], $0x1000  }
0xab: {  	[sflag:s26] =	ssyncset.done $0x0  }
0xac: {  	s4 =	sadd.s32 $0xC700, s19;
	s15 =	simm.s32 @!p0 $0xF;
	[sflag:s26] =	ssyncadd.s32 $0xFFFFF000  }
0xad: {  	[spmem:s2] =	stream.indirect.scatter.add.f32 [tilespmem:s5], [sflag:$0xB], $0x20, s4, s20, $0xb8;
	[tilespmem:$0x1BF78] =	vst v63  }
0xae: {  	_ =	swait.ge @!p0 [sflag:s15], $0x1000  }
0xaf: {  	[sflag:s15] =	ssyncset.done @!p0 $0x0  }
0xb0: {  	s9 =	sadd.s32 $0xA100, s19;
	[sflag:s15] =	ssyncadd.s32 @!p0 $0xFFFFF000  }
0xb1: {  	[tilespmem:s10], [sflag:$0x7] =	stream.indirect.gather [spmem:s3], $0x20, s9, s20, $0xb8;
	[tilespmem:$0x1BF78] =	vst v63  }
0xb2: {  	_ =	swait.ge [sflag:s23], $0x1000  }
0xb3: {  	[sflag:s23] =	ssyncset.done $0x0  }
0xb4: {  	s24 =	sadd.s32 $0xC780, s19;
	s15 =	simm.s32 @!p0 $0x10;
	[sflag:s23] =	ssyncadd.s32 $0xFFFFF000  }
0xb5: {  	[spmem:s2] =	stream.indirect.scatter.add.f32 [tilespmem:s6], [sflag:$0xC], $0x20, s24, s20, $0xb8;
	[tilespmem:$0x1BF78] =	vst v63  }
0xb6: {  	_ =	swait.ge @!p0 [sflag:s15], $0x1000  }
0xb7: {  	[sflag:s15] =	ssyncset.done @!p0 $0x0  }
0xb8: {  	s4 =	sadd.s32 $0xA180, s19;
	[sflag:s15] =	ssyncadd.s32 @!p0 $0xFFFFF000  }
0xb9: {  	[tilespmem:s11], [sflag:$0x8] =	stream.indirect.gather [spmem:s3], $0x20, s4, s20, $0xb8;
	[tilespmem:$0x1BF78] =	vst v63  }
0xba: {  	_ =	swait.ge [sflag:s12], $0x1000  }
0xbb: {  	p0 =	seq.s32 s14, $0x9000;
	[sflag:s12] =	ssyncset.done $0x0  }
0xbc: {  	s9 =	sadd.s32 $0xC800, s19;
	s15 =	simm.s32 @p0 $0x6;
	[sflag:s12] =	ssyncadd.s32 $0xFFFFF000  }
0xbd: {  	[spmem:s2] =	stream.indirect.scatter.add.f32 [tilespmem:s7], [sflag:$0xD], $0x20, s9, s20, $0xb8;
	[tilespmem:$0x1BF78] =	vst v63  }
0xbe: {  	_ =	swait.ge @p0 [sflag:s15], $0x1000  }
0xbf: {  	[sflag:s15] =	ssyncset.done @p0 $0x0  }
0xc0: {  	[sflag:s15] =	ssyncadd.s32 @p0 $0xFFFFF000;
	s15 =	sshra.s32 @p0 s14, $0x2  }
0xc1: {  	s4 =	simm.s32 @p0 $0x80;
	s9 =	simm.s32 @p0 $0x18F78;
	s15 =	sadd.s32 @p0 $0xC880, s15  }
0xc2: {  	[spmem:s2] =	stream.indirect.scatter.add.f32 @p0 [tilespmem:s9], [sflag:$0xE], $0x20, s15, s4, $0xb8;
	[tilespmem:$0x1BF78] =	vst v63  }
0xc3: {  	s4 =	simm.s32 @!p0 $0x9  }
0xc4: {  	_ =	swait.ge @!p0 [sflag:s4], $0x1000  }
0xc5: {  	[sflag:s4] =	ssyncset.done @!p0 $0x0  }
0xc6: {  	[sflag:s4] =	ssyncadd.s32 @!p0 $0xFFFFF000;
	s4 =	sshra.s32 @!p0 s14, $0x2  }
0xc7: {  	s24 =	simm.s32 @!p0 $0x13F78;
	s15 =	simm.s32 @!p0 $0x80;
	s9 =	sadd.s32 @!p0 $0xA200, s4  }
0xc8: {  	[tilespmem:s24], [sflag:$0x1] =	stream.indirect.gather @!p0 [spmem:s3], $0x20, s9, s15, $0xb8;
	[tilespmem:$0x1BF78] =	vst v63  }
0xc9: {  	s9 =	simm.s32 @!p0 $0x6  }
0xca: {  	_ =	swait.ge @!p0 [sflag:s9], $0x1000  }
0xcb: {  	[sflag:s9] =	ssyncset.done @!p0 $0x0  }
0xcc: {  	s24 =	simm.s32 @!p0 $0x18F78;
	[sflag:s9] =	ssyncadd.s32 @!p0 $0xFFFFF000;
	s9 =	sadd.s32 @!p0 $0xC880, s4  }
0xcd: {  	[spmem:s2] =	stream.indirect.scatter.add.f32 @!p0 [tilespmem:s24], [sflag:$0xE], $0x20, s9, s15, $0xb8;
	[tilespmem:$0x1BF78] =	vst v63  }
0xce: {  	s9 =	simm.s32 @!p0 $0xA  }
0xcf: {  	_ =	swait.ge @!p0 [sflag:s9], $0x1000  }
0xd0: {  	[sflag:s9] =	ssyncset.done @!p0 $0x0  }
0xd1: {  	s4 =	sadd.s32 @!p0 $0xA280, s4;
	[sflag:s9] =	ssyncadd.s32 @!p0 $0xFFFFF000;
	s9 =	simm.s32 @!p0 $0x14F78  }
0xd2: {  	[tilespmem:s9], [sflag:$0x2] =	stream.indirect.gather @!p0 [spmem:s3], $0x20, s4, s15, $0xb8;
	[tilespmem:$0x1BF78] =	vst v63  }
.Ltmp4:
0xd3: {  	_ = 	snop;
	(pc) =	sbr.rel @p0 .LBB2_8-.Ltmp4, $4  }
0xd4: {  	_ =	swait.ge [sflag:s17], $0x1000  }
0xd5: {  	[sflag:s17] =	ssyncset.done $0x0  }
0xd6: {  	s24 =	sadd.s32 $0xC900, s19;
	s15 =	sadd.s32 $0xC980, s19;
	[sflag:s17] =	ssyncadd.s32 $0xFFFFF000  }
0xd7: {  	[spmem:s2] =	stream.indirect.scatter.add.f32 [tilespmem:s10], [sflag:$0xF], $0x20, s24, s20, $0xb8;
	[tilespmem:$0x1BF78] =	vst v63  }
0xd8: {  	_ =	swait.ge [sflag:s30], $0x1000  }
0xd9: {  	[sflag:s30] =	ssyncset.done $0x0  }
0xda: {  	s4 =	sadd.s32 $0xA300, s19;
	[sflag:s30] =	ssyncadd.s32 $0xFFFFF000  }
0xdb: {  	[tilespmem:s5], [sflag:$0x3] =	stream.indirect.gather [spmem:s3], $0x20, s4, s20, $0xb8;
	[tilespmem:$0x1BF78] =	vst v63  }
0xdc: {  	_ =	swait.ge [sflag:s13], $0x1000  }
0xdd: {  	[sflag:s13] =	ssyncset.done $0x0  }
0xde: {  	[sflag:s13] =	ssyncadd.s32 $0xFFFFF000  }
0xdf: {  	[spmem:s2] =	stream.indirect.scatter.add.f32 [tilespmem:s11], [sflag:$0x10], $0x20, s15, s20, $0xb8;
	[tilespmem:$0x1BF78] =	vst v63  }
.Ltmp5:
0xe0: {  	_ = 	snop;
	(pc) =	sbr.rel .LBB2_6-.Ltmp5, $4  }
0xe1: {  	_ =	swait.ge [sflag:s31], $0x1000  }
0xe2: {  	[sflag:s31] =	ssyncset.done $0x0  }
0xe3: {  	s24 =	sadd.s32 $0xA380, s19;
	s14 =	sadd.s32 $0x1000, s14;
	[sflag:s31] =	ssyncadd.s32 $0xFFFFF000  }
0xe4: {  	[tilespmem:s6], [sflag:$0x4] =	stream.indirect.gather [spmem:s3], $0x20, s24, s20, $0xb8;
	[tilespmem:$0x1BF78] =	vst v63  }
.LBB2_9:
0xe5: {  	_ =	sfence.sel $0x180000  }
0xe6: {  	[bflag:$0x0] =	sbarrier.arrive $0xFFFF  }
0xe7: {  	_ =	strace $0x9000004A  }
0xe8: {  	s0 =	stileid.u32;
	[bflag:$0x2] =	sbarrier.arrive $0xFFFF  }
0xe9: {  	p0 =	sne.s32 s0, $0x0;
	s0 =	rddreg [dreg:$0x4]  }
0xea: {  	s0 =	sadd.s32 @!p0 $0x100000, s0  }
0xeb: {  	[sflag:s0] =	ssyncadd.tile.s32 @!p0 $0x1;
	_ =	shalt  }
.Lfunc_end2:
_tile_overlayer_lowered:
.L_overlay_start_2:
0xec: {  	(tag) =	ssettag $0x2  }
0xed: {  	s0 =	rddreg [dreg:$0x0];
	s2 =	stileid.u32  }
0xee: {  	s1 =	rddreg [dreg:$0x1];
	p0 =	sne.s32 s2, $0x0  }
0xef: {  	s3 =	rddreg [dreg:$0x2];
	[bflag:$0x3] =	sbarrier.arrive $0xFFFF;
	s2 =	simm.s32 @!p0 $0x1C11  }
0xf0: {  	[timem:s3], [sflag:s2] =	dma.local @!p0 [hbm:s0], s1  }
0xf1: {  	s0 =	simm.s32 @!p0 $0x11  }
0xf2: {  	_ =	swait.ge @!p0 [sflag:s0], s1  }
0xf3: {  	s1 =	ssub.s32 @!p0 $0x0, s1;
	[sflag:s0] =	ssyncset.done @!p0 $0x0  }
0xf4: {  	[sflag:s0] =	ssyncadd.s32 @!p0 s1  }
0xf5: {  	[bflag:$0x3] =	sbarrier.arrive $0xFFFF  }
0xf6: {  	_ =	shalt  }

// kernel: kernel.17.cloned.1.call-start
scs
__scs_entry_jumppad:
0x0: {  	(pc) =	sbr.rel $0x88, $3  }
0x1: {  	(tag) =	ssettag $0x0;
	lr =	simm.s32 $0x1  }
0x2: {  	[smem:$0x3F99] =	sst lr;
	_ =	strace $0xD0000000  }
0x3: {  	_ = 	snop  }
0x4: {  	_ = 	snop  }
0x5: {  	_ = 	snop  }
0x6: {  	_ = 	snop  }
0x7: {  	_ = 	snop  }
__scs_overlays_trampoline_lowered:
0x8: {  	[smem:$0x3FA8] =	sst s0  }
0x9: {  	[smem:$0x3FA9] =	sst s1  }
0xa: {  	[smem:$0x3FAA] =	sst s2  }
0xb: {  	[smem:$0x3FAB] =	sst s3  }
0xc: {  	[smem:$0x3FAC] =	sst s4  }
0xd: {  	[smem:$0x3FAD] =	sst s5  }
0xe: {  	[smem:$0x3FAE] =	sst s6  }
0xf: {  	[smem:$0x3FAF] =	sst s7  }
0x10: {  	[smem:$0x3FB0] =	sst s8  }
0x11: {  	[smem:$0x3FB1] =	sst s9;
	s0 =	simm.s32 @!p0 $0x0  }
0x12: {  	s1 =	sld [smem:$0x3F97];
	s0 =	simm.s32 @p0 $0x1  }
0x13: {  	[smem:$0x3FB2] =	sst s0;
	s0 =	simm.s32 @!p1 $0x0  }
0x14: {  	s2 =	sld [smem:$0x3F96];
	s0 =	simm.s32 @p1 $0x1  }
0x15: {  	[smem:$0x3FB3] =	sst s0;
	s0 =	simm.s32 @!p2 $0x0  }
0x16: {  	s3 =	sld [smem:$0x3FDB];
	s0 =	simm.s32 @p2 $0x1  }
0x17: {  	s4 =	simm.s32 $0x1BF5;
	[smem:$0x3FB5] =	sst s0  }
0x18: {  	s0 =	sld [smem:$0x3F98];
	_ =	swait.ge [sflag:s4], $0x0  }
0x19: {  	s7 =	sld [smem:$0x3F99]  }
0x1a: {  	s8 =	sadd.s32 $0xFFFFE003, lr  }
0x1b: {  	s9 =	sadd.s32 $0xFFFFFEF7, lr;
	s5 =	simm.s32 $0xFFFFFFFF;
	p2 =	slt.u32 s8, $0xFFFFF086  }
0x1c: {  	p1 =	slt.u32 s9, $0xF7A;
	s5 =	simm.s32 @!p2 $0x0  }
0x1d: {  	s5 =	simm.s32 @p1 $0x1;
	p0 =	seq.s32 s7, s2  }
0x1e: {  	s7 =	smul.u32 @!p0 $0xF7A, s2;
	p2 =	seq.s32 @!p0 s5, $0x0  }
0x1f: {  	s9 =	smul.u32 $0xF7A, s1;
	s8 =	simm.s32 @!p0 $0x1BF5;
	p2 =	por !p2, p0  }
0x20: {  	[sflag:s8] =	ssyncset.s32 @!p0 $0xFFFFF086;
	s6 =	sadd.s32 @!p0 s3, s7;
	s7 =	simm.s32 @!p0 $0x108  }
0x21: {  	s3 =	sadd.s32 s3, s9;
	s6 =	sadd.s32 @!p0 $0x88, s6;
	s7 =	simm.s32 @p2 $0x1082  }
0x22: {  	[simem:s7], [sflag:s8] =	dma.local @!p0 [hbm:s6], $0xF7A  }
0x23: {  	s9 =	sor.u32 $0xD0000000, s2;
	s6 =	simm.s32 $0x108;
	_ =	swait.ge @!p0 [sflag:s8], $0x0  }
0x24: {  	s3 =	sadd.s32 $0x88, s3;
	s6 =	simm.s32 @!p1 $0x1082;
	[sflag:s4] =	ssyncset.s32 $0xFFFFF086  }
0x25: {  	[simem:s6], [sflag:s4] =	dma.local [hbm:s3], $0xF7A  }
0x26: {  	[smem:$0x3F99] =	sst s1;
	(tag) =	ssettag s2;
	_ =	strace s9  }
0x27: {  	s1 =	sld [smem:$0x3FA9]  }
0x28: {  	s2 =	sld [smem:$0x3FAA]  }
0x29: {  	s4 =	sld [smem:$0x3FAC]  }
0x2a: {  	p0 =	seq.s32 s5, $0x0;
	s5 =	sld [smem:$0x3FAD]  }
0x2b: {  	s6 =	sld [smem:$0x3FAE]  }
0x2c: {  	s7 =	sld [smem:$0x3FAF]  }
0x2d: {  	s3 =	simm.s32 $0x108;
	s8 =	sld [smem:$0x3FB0]  }
0x2e: {  	s3 =	simm.s32 @!p0 $0x1082;
	s9 =	sld [smem:$0x3FB1]  }
0x2f: {  	lr =	sadd.s32 s0, s3;
	s0 =	sld [smem:$0x3FA8]  }
0x30: {  	s3 =	sld [smem:$0x3FAB]  }
0x31: {  	[smem:$0x3FB4] =	sst s10  }
0x32: {  	s10 =	sld [smem:$0x3FB2];
	_ =	sdelay $0x3  }
0x33: {  	p0 =	seq.s32 s10, $0x1;
	s10 =	sld [smem:$0x3FB4];
	_ =	sdelay $0x3  }
0x34: {  	[smem:$0x3FB4] =	sst s10  }
0x35: {  	s10 =	sld [smem:$0x3FB3];
	_ =	sdelay $0x3  }
0x36: {  	p1 =	seq.s32 s10, $0x1;
	s10 =	sld [smem:$0x3FB4];
	_ =	sdelay $0x3  }
0x37: {  	[smem:$0x3FB4] =	sst s10  }
0x38: {  	s10 =	sld [smem:$0x3FB5]  }
0x39: {  	_ = 	snop;
	(pc) =	sbr.ind lr, $3  }
0x3a: {  	_ = 	snop  }
0x3b: {  	_ = 	snop  }
0x3c: {  	p2 =	seq.s32 s10, $0x1;
	s10 =	sld [smem:$0x3FB4]  }
0x3d: {  	_ =	shalt  }
0x3e: {  	_ =	shalt  }
0x3f: {  	_ =	shalt  }
0x40: {  	_ =	shalt  }
0x41: {  	_ =	shalt  }
0x42: {  	_ =	shalt  }
0x43: {  	_ =	shalt  }
0x44: {  	_ =	shalt  }
0x45: {  	_ =	shalt  }
0x46: {  	_ =	shalt  }
0x47: {  	_ =	shalt  }
0x48: {  	_ =	shalt  }
0x49: {  	_ =	shalt  }
0x4a: {  	_ =	shalt  }
0x4b: {  	_ =	shalt  }
0x4c: {  	_ =	shalt  }
0x4d: {  	_ =	shalt  }
0x4e: {  	_ =	shalt  }
0x4f: {  	_ =	shalt  }
0x50: {  	_ =	shalt  }
0x51: {  	_ =	shalt  }
0x52: {  	_ =	shalt  }
0x53: {  	_ =	shalt  }
0x54: {  	_ =	shalt  }
0x55: {  	_ =	shalt  }
0x56: {  	_ =	shalt  }
0x57: {  	_ =	shalt  }
0x58: {  	_ =	shalt  }
0x59: {  	_ =	shalt  }
0x5a: {  	_ =	shalt  }
0x5b: {  	_ =	shalt  }
0x5c: {  	_ =	shalt  }
0x5d: {  	_ =	shalt  }
0x5e: {  	_ =	shalt  }
0x5f: {  	_ =	shalt  }
0x60: {  	_ =	shalt  }
0x61: {  	_ =	shalt  }
0x62: {  	_ =	shalt  }
0x63: {  	_ =	shalt  }
0x64: {  	_ =	shalt  }
0x65: {  	_ =	shalt  }
0x66: {  	_ =	shalt  }
0x67: {  	_ =	shalt  }
0x68: {  	_ =	shalt  }
0x69: {  	_ =	shalt  }
0x6a: {  	_ =	shalt  }
0x6b: {  	_ =	shalt  }
0x6c: {  	_ =	shalt  }
0x6d: {  	_ =	shalt  }
0x6e: {  	_ =	shalt  }
0x6f: {  	_ =	shalt  }
0x70: {  	_ =	shalt  }
0x71: {  	_ =	shalt  }
0x72: {  	_ =	shalt  }
0x73: {  	_ =	shalt  }
0x74: {  	_ =	shalt  }
0x75: {  	_ =	shalt  }
0x76: {  	_ =	shalt  }
0x77: {  	_ =	shalt  }
0x78: {  	_ =	shalt  }
0x79: {  	_ =	shalt  }
0x7a: {  	_ =	shalt  }
0x7b: {  	_ =	shalt  }
0x7c: {  	_ =	shalt  }
0x7d: {  	_ =	shalt  }
0x7e: {  	_ =	shalt  }
0x7f: {  	_ =	shalt  }
0x80: {  	_ =	shalt  }
0x81: {  	_ =	shalt  }
0x82: {  	_ =	shalt  }
0x83: {  	_ =	shalt  }
0x84: {  	_ =	shalt  }
0x85: {  	_ =	shalt  }
0x86: {  	_ =	shalt  }
0x87: {  	_ =	shalt  }
.Lfunc_end0:
.L_simem_size_0:
called_computation.2_lowered:
.L_overlay_start_0:
0x88: {  	s2 =	sld [smem:$0x3FD9]  }
0x89: {  	s3 =	sld [smem:$0x3FFE];
	_ =	sdelay $0x1  }
0x8a: {  	s1 =	srdreg.scid  }
0x8b: {  	s0 =	sand.u32 $0x1, s1  }
0x8c: {  	s17 =	sshll.u32 s0, $0xA;
	s2 =	sadd.s32 s3, s2  }
0x8d: {  	s2 =	sadd.s32 s2, s17  }
0x8e: {  	[smem:$0x3FC0] =	sst s2  }
0x8f: {  	_ = 	snop  }
0x90: {  	s2 =	sld [smem:$0x3FD0];
	(tm) =	ssettm $0x1  }
0x91: {  	s18 =	sld [smem:$0x3FFB];
	_ =	sdelay $0x3  }
0x92: {  	_ =	strace s18  }
0x93: {  	s3 =	sld [smem:$0x3FFC];
	_ =	sdelay $0x3  }
0x94: {  	_ =	strace s3  }
0x95: {  	s3 =	sld [smem:$0x3FFD];
	_ =	sdelay $0x3  }
0x96: {  	_ =	strace s3  }
0x97: {  	_ =	strace $0x8FFFFFFF  }
0x98: {  	s19 =	sld [smem:$0x3FDB];
	_ =	sdelay $0x1  }
0x99: {  	s4 =	simm.s32 $_scs_section_size  }
0x9a: {  	s5 =	simm.s32 $_size__tile_overlayer_lowered;
	s6 =	simm.s32 $_tile_overlayer_lowered  }
0x9b: {  	s22 =	simm.s32 $0x1BFF;
	s21 =	sshll.u32 s6, $0x1;
	s3 =	sadd.s32 s4, s19  }
0x9c: {  	s7 =	simm.s32 $0x0;
	s20 =	sshll.u32 s5, $0x1;
	s5 =	sadd.s32 s21, s3  }
0x9d: {  	[timem:s7], [sflag:s22] =	dma.local [hbm:s5], s20  }
0x9e: {  	_ =	swait.ge [sflag:s22], s20  }
0x9f: {  	s4 =	ssub.s32 $0x0, s20;
	[sflag:s22] =	ssyncset.done $0x0  }
0xa0: {  	[sflag:s22] =	ssyncadd.s32 s4;
	_ =	sdelay $0x1  }
0xa1: {  	s23 =	simm.s32 $0x1B8B  }
0xa2: {  	_ =	swait.ge [sflag:s23], $0x1  }
0xa3: {  	[sflag:s23] =	ssyncset.done $0x0  }
0xa4: {  	s25 =	simm.s32 $0x1B8E;
	s24 =	sld [smem:$0x3FFE];
	[sflag:s23] =	ssyncadd.s32 $0xFFFFFFFF  }
0xa5: {  	s26 =	simm.s32 $execute0_lowered;
	[smem:$0x3FD2] =	sst s25  }
0xa6: {  	s5 =	sshll.u32 s26, $0x1;
	_ =	strace $0x8000004C;
	[dreg:$0x1] =	wrdreg $0xFFFFFFFF  }
0xa7: {  	s28 =	simm.s32 $_size_execute0_lowered;
	s3 =	sadd.s32 s3, s5;
	[dreg:$0x0] =	wrdreg $0x0  }
0xa8: {  	s5 =	sshll.u32 s28, $0x1;
	[dreg:$0x2] =	wrdreg s3  }
0xa9: {  	[dreg:$0x3] =	wrdreg s5  }
0xaa: {  	[dreg:$0x4] =	wrdreg $0xC0  }
0xab: {  	_ =	task [dreg:s7], $0x5FFFF  }
0xac: {  	[dreg:$0x1] =	wrdreg $0xFFFFFFFF  }
0xad: {  	[dreg:$0x0] =	wrdreg $0x60  }
0xae: {  	[dreg:$0x2] =	wrdreg s24  }
0xaf: {  	[dreg:$0x3] =	wrdreg s2  }
0xb0: {  	[dreg:$0x4] =	wrdreg $0x27800  }
0xb1: {  	[dreg:$0x5] =	wrdreg $0x0  }
0xb2: {  	[dreg:$0x6] =	wrdreg $0x9  }
0xb3: {  	_ =	task.clear_ibuf [dreg:s7], $0x7FFFF;
	_ =	strace $0x9000004C  }
0xb4: {  	s29 =	simm.s32 $0x9;
	_ =	strace $0x8000004E  }
0xb5: {  	_ =	swait.ge [sflag:s29], $0x1  }
0xb6: {  	[sflag:s29] =	ssyncadd.s32 $0xFFFFFFFF  }
0xb7: {  	_ =	strace $0x9000004E  }
0xb8: {  	_ =	sfence  }
0xb9: {  	s30 =	sld [smem:$0x0];
	_ =	sdelay $0x2  }
0xba: {  	s31 =	sshll.u32 s1, $0xD;
	s1 =	sshrl.u32 s1, $0x2  }
0xbb: {  	s3 =	sand.u32 $0x4000, s31;
	s1 =	sadd.s32 s1, s30  }
0xbc: {  	s0 =	sor.u32 s3, s0;
	s1 =	sshll.u32 s1, $0x11  }
0xbd: {  	s0 =	sor.u32 s1, s0  }
0xbe: {  	s0 =	sadd.s32 $0x8F2B, s0  }
0xbf: {  	[sflag:s0] =	ssyncadd.remote.s32 $0x1  }
0xc0: {  	_ =	sfence.sel $0xFFFF  }
0xc1: {  	[dreg:$0x0] =	wrdreg $0xFFFFFFFF;
	(pc) =	sbr.abs _section_cstart, $3  }
0xc2: {  	[dreg:$0x1] =	wrdreg $0xFFFFFFFF  }
0xc3: {  	_ =	task.clear_ibuf [dreg:s7], $0x2FFFF;
	_ =	strace $0x9FFFFFFF  }
0xc4: {  	(tm) =	ssettm $0x7FFFFFFF  }
0xc5: {  	_ =	shalt  }
tec
execute0_lowered:
.L_overlay_start_1:
0x0: {  	(tag) =	ssettag $0x1  }
0x1: {  	s0 =	rddreg [dreg:$0x0]  }
0x2: {  	s1 =	rddreg [dreg:$0x1];
	s11 =	stileid.u32  }
0x3: {  	s3 =	srdreg.scid;
	s2 =	rddreg [dreg:$0x2]  }
0x4: {  	s15 =	simm.s32 $0x0;
	s28 =	simm.s32 $0x9;
	s29 =	simm.s32 $0xA  }
0x5: {  	s30 =	simm.s32 $0xB;
	s31 =	simm.s32 $0xC;
	s12 =	simm.s32 $0x5  }
0x6: {  	s13 =	simm.s32 $0x8;
	s5 =	sand.u32 $0x1, s3;
	s6 =	smul.u32 $0x2780, s11  }
0x7: {  	s4 =	sshll.u32 s11, $0x1;
	s3 =	rddreg [dreg:$0x3];
	s10 =	smul.u32 $0x9E00, s11  }
0x8: {  	[smem:$0x7FF] =	sst s15;
	s11 =	smul.u32 $0x4F, s11;
	s7 =	sor.u32 s5, s4  }
0x9: {  	s8 =	smul.u32 $0x27800, s5;
	_ =	strace $0x8000004D;
	s5 =	ssub.s32 $0x2, s5  }
0xa: {  	s7 =	smul.u32 $0x500, s7;
	s9 =	sshrl.u32 s6, $0x3;
	s16 =	sshrl.u32 s5, $0x1  }
0xb: {  	s18 =	sshrl.u32 s10, $0x2;
	s1 =	sadd.s32 s1, s11;
	s25 =	sadd.s32 s6, s3  }
0xc: {  	s10 =	simm.s32 $0xF8F8;
	s11 =	simm.s32 $0x100F8;
	s9 =	sadd.s32 s9, s0  }
0xd: {  	s8 =	sadd.s32 s6, s8;
	s5 =	ssub.s32 s5, s16;
	[dreg:$0x6] =	wrdreg s1  }
0xe: {  	s20 =	sadd.s32 s18, s2;
	[dreg:$0xe] =	wrdreg s25;
	s18 =	simm.s32 $0xC680  }
0xf: {  	s25 =	simm.s32 $0x2;
	s16 =	simm.s32 $0x0;
	s17 =	sadd.s32 $0x18000, s9  }
0x10: {  	s7 =	sadd.s32 s7, s0;
	s22 =	sadd.s32 $0x800, s20;
	[dreg:$0x5] =	wrdreg s17  }
0x11: {  	s8 =	sshrl.u32 s8, $0x3;
	s23 =	sadd.s32 $0x1000, s20;
	[dreg:$0xa] =	wrdreg s22  }
0x12: {  	s24 =	sadd.s32 $0x1800, s20;
	s1 =	sadd.s32 $0x2000, s20;
	[dreg:$0xb] =	wrdreg s23  }
0x13: {  	s26 =	smax.u32 s5, $0x1;
	s20 =	simm.s32 $0x80;
	[dreg:$0xc] =	wrdreg s24  }
0x14: {  	s5 =	simm.s32 $0xD8F8;
	s0 =	sadd.s32 s8, s0;
	[dreg:$0xd] =	wrdreg s1  }
0x15: {  	s19 =	sadd.s32 $0xE000, s7;
	s21 =	sadd.s32 $0x4000, s7;
	[dreg:$0x10] =	wrdreg s26  }
0x16: {  	s24 =	simm.s32 $0x9F00;
	s22 =	simm.s32 $0x1;
	s23 =	simm.s32 $0x4  }
.Ltmp0:
0x17: {  	s26 =	simm.s32 $0x3;
	s1 =	simm.s32 $0xD;
	(pc) =	sbr.rel .LBB2_1-.Ltmp0, $4  }
0x18: {  	s7 =	simm.s32 $0xE8F8;
	s8 =	simm.s32 $0xF0F8;
	[dreg:$0x7] =	wrdreg s19  }
0x19: {  	s17 =	simm.s32 $0x7;
	[dreg:$0x8] =	wrdreg s21;
	s0 =	sadd.s32 $0x26E00, s0  }
0x1a: {  	s19 =	sadd.s32 s6, s2;
	s21 =	simm.s32 $0xC8F8;
	[dreg:$0xf] =	wrdreg s0  }
0x1b: {  	v0 =	vimm.f32 $0.0e+00;
	s6 =	simm.s32 $0xE0F8;
	s0 =	simm.s32 $0xD0F8;
	[dreg:$0x9] =	wrdreg s19  }
.LBB2_8:
0x1c: {  	_ =	swait.ge [sflag:s13], $0x800  }
0x1d: {  	[sflag:s13] =	ssyncset.done $0x0  }
0x1e: {  	[sflag:s13] =	ssyncadd.s32 $0xFFFFF800  }
0x1f: {  	[spmem:s2] =	stream.indirect.scatter.add.f32 [tilespmem:s11], [sflag:$0x10], $0x10, s15, s20, $0xb8;
	[tilespmem:$0x108F8] =	vst v63  }
0x20: {  	_ =	swait.ge [sflag:s28], $0x800  }
0x21: {  	[sflag:s28] =	ssyncset.done $0x0  }
0x22: {  	[sflag:s28] =	ssyncadd.s32 $0xFFFFF800  }
0x23: {  	_ =	swait.ge [sflag:s29], $0x800  }
0x24: {  	[sflag:s29] =	ssyncset.done $0x0  }
0x25: {  	[sflag:s29] =	ssyncadd.s32 $0xFFFFF800  }
0x26: {  	_ =	swait.ge [sflag:s30], $0x800  }
0x27: {  	[sflag:s30] =	ssyncset.done $0x0  }
0x28: {  	[sflag:s30] =	ssyncadd.s32 $0xFFFFF800  }
0x29: {  	_ =	swait.ge [sflag:s31], $0x800  }
0x2a: {  	[sflag:s31] =	ssyncset.done $0x0  }
0x2b: {  	[sflag:s31] =	ssyncadd.s32 $0xFFFFF800  }
0x2c: {  	_ =	swait.ge [sflag:s1], $0x800  }
0x2d: {  	[sflag:s1] =	ssyncset.done $0x0  }
0x2e: {  	s4 =	simm.s32 $0xE;
	[sflag:s1] =	ssyncadd.s32 $0xFFFFF800  }
0x2f: {  	_ =	swait.ge [sflag:s4], $0x800  }
0x30: {  	[sflag:s4] =	ssyncset.done $0x0  }
0x31: {  	s24 =	simm.s32 $0xF;
	[sflag:s4] =	ssyncadd.s32 $0xFFFFF800  }
0x32: {  	_ =	swait.ge [sflag:s24], $0x800  }
0x33: {  	[sflag:s24] =	ssyncset.done $0x0  }
0x34: {  	s9 =	simm.s32 $0x10;
	[sflag:s24] =	ssyncadd.s32 $0xFFFFF800  }
0x35: {  	_ =	swait.ge [sflag:s9], $0x800  }
0x36: {  	[sflag:s9] =	ssyncset.done $0x0  }
0x37: {  	[sflag:s9] =	ssyncadd.s32 $0xFFFFF800  }
0x38: {  	s14 =	stileid.u32;
	[bflag:$0x0] =	sbarrier.arrive $0xFFFF  }
0x39: {  	s15 =	simm.s32 $0x11;
	s4 =	sshll.u32 s14, $0x6;
	s19 =	rddreg [dreg:$0x9]  }
0x3a: {  	s4 =	sor.u32 $0x1C11, s4;
	s14 =	rddreg [dreg:$0xf];
	s9 =	sshrl.u32 s19, $0x3  }
0x3b: {  	[hbm:s14], [sflag:s4] =	dma.local [spmem:s9], $0x4F0  }
0x3c: {  	_ =	swait.ge [sflag:s15], $0x4F0  }
0x3d: {  	s16 =	sadd.s32 $0x1, s16;
	s24 =	rddreg [dreg:$0x10]  }
0x3e: {  	p0 =	sne.s32 s16, s24  }
.Ltmp1:
0x3f: {  	_ = 	snop;
	(pc) =	sbr.rel @!p0 .LBB2_9-.Ltmp1, $3  }
0x40: {  	_ =	sdelay $0x1  }
0x41: {  	[sflag:s15] =	ssyncset.done $0x0  }
0x42: {  	[sflag:s15] =	ssyncadd.s32 $0xFFFFFB10;
	s24 =	simm.s32 $0x9F00  }
.LBB2_1:
0x43: {  	s4 =	simm.s32 $0x0;
	s9 =	rddreg [dreg:$0x5]  }
0x44: {  	[tilespmem:s24], [sflag:$0x1] =	stream.linear.gather [hbm4b:s9+s4], $0x2780, $0x38;
	[tilespmem:$0x108F8] =	vst v63  }
0x45: {  	s14 =	rddreg [dreg:$0x6]  }
0x46: {  	[tilespmem:s18], [sflag:$0x4] =	stream.linear.gather [hbm4b:s14+s4], $0x278, $0x38;
	[tilespmem:$0x108F8] =	vst v63  }
0x47: {  	s15 =	rddreg [dreg:$0x7];
	s14 =	simm.s32 $0x4F00  }
0x48: {  	[tilespmem:s14], [sflag:$0x2] =	stream.linear.gather [hbm4b:s15+s4], $0x2800, $0x38;
	[tilespmem:$0x108F8] =	vst v63  }
0x49: {  	s14 =	rddreg [dreg:$0x8];
	s15 =	simm.s32 $0x7700  }
0x4a: {  	[tilespmem:s15], [sflag:$0x3] =	stream.linear.gather [hbm4b:s14+s4], $0x2800, $0x38;
	[tilespmem:$0x108F8] =	vst v63  }
0x4b: {  	s14 =	simm.s32 $0x40;
	s15 =	simm.s32 $0x0  }
.LBB2_2:
0x4c: {  	p0 =	sne.s32 s14, $0x1FC0;
	[tilespmem:s15+$0xC8F8] =	vst v0;
	s15 =	smov.u32 s14;
	s14 =	sadd.s32 $0x40, s14  }
.Ltmp2:
0x4d: {  	(pc) =	sbr.rel @p0 .LBB2_2-.Ltmp2, $2  }
0x4e: {  	_ =	sdelay $0x2  }
0x4f: {  	s15 =	sshra.s32 s15, $0x2  }
0x50: {  	[tilespmem:s15+$0xC8F8] =	vst v0  }
0x51: {  	[spmem:s19] =	stream.linear.scatter [tilespmem:s21], [sflag:$0x9], $0x800, $0x38;
	[tilespmem:$0x108F8] =	vst v63  }
0x52: {  	s4 =	rddreg [dreg:$0xa]  }
0x53: {  	[spmem:s4] =	stream.linear.scatter [tilespmem:s21], [sflag:$0xA], $0x800, $0x38;
	[tilespmem:$0x108F8] =	vst v63  }
0x54: {  	s9 =	rddreg [dreg:$0xb]  }
0x55: {  	[spmem:s9] =	stream.linear.scatter [tilespmem:s21], [sflag:$0xB], $0x800, $0x38;
	[tilespmem:$0x108F8] =	vst v63  }
0x56: {  	s14 =	rddreg [dreg:$0xc]  }
0x57: {  	[spmem:s14] =	stream.linear.scatter [tilespmem:s21], [sflag:$0xC], $0x800, $0x38;
	[tilespmem:$0x108F8] =	vst v63  }
0x58: {  	s15 =	rddreg [dreg:$0xd]  }
0x59: {  	[spmem:s15] =	stream.linear.scatter [tilespmem:s21], [sflag:$0xD], $0x780, $0x38;
	[tilespmem:$0x108F8] =	vst v63  }
0x5a: {  	s14 =	simm.s32 $0x0;
	_ =	swait.ge [sflag:s22], $0x2780  }
0x5b: {  	v1 =	vmov s14;
	[sflag:s22] =	ssyncset.done $0x0  }
0x5c: {  	[sflag:s22] =	ssyncadd.s32 $0xFFFFD880  }
0x5d: {  	_ =	swait.ge [sflag:s23], $0x278  }
0x5e: {  	[sflag:s23] =	ssyncset.done $0x0  }
0x5f: {  	[sflag:s23] =	ssyncadd.s32 $0xFFFFFD88  }
0x60: {  	s14 =	simm.s32 $0x9F00;
	v1 =	vld.idx.msk [tilespmem:v1+s18+$0x0], $0xffff  }
0x61: {  	v3 =	vld [tilespmem:s14+$0x0];
	_ =	sdelay $0x1  }
0x62: {  	s19 =	simm.s32 $0x1  }
0x63: {  	v2 =	vmov s19;
	s19 =	simm.s32 $0x2  }
.LBB2_4:
0x64: {  	p0 =	sne.s32 s19, $0x277  }
0x65: {  	v1 =	vmul.f32 v3, v1;
	_ =	sdelay $0x1  }
0x66: {  	[tilespmem:s14+$0x0] =	vst v1  }
.Ltmp3:
0x67: {  	s14 =	sadd.s32 $0x10, s14;
	v1 =	vld.idx.msk [tilespmem:v2+s18+$0x0], $0xffff;
	(pc) =	sbr.rel @p0 .LBB2_4-.Ltmp3, $2  }
0x68: {  	v3 =	vld [tilespmem:s14+$0x0];
	_ =	sdelay $0x2  }
0x69: {  	v2 =	vmov s19;
	s19 =	sadd.s32 $0x1, s19  }
0x6a: {  	_ = 	snop  }
0x6b: {  	v1 =	vmul.f32 v3, v1;
	_ =	sdelay $0x1  }
0x6c: {  	[tilespmem:s14+$0x0] =	vst v1  }
0x6d: {  	s4 =	sadd.s32 $0x10, s14;
	v1 =	vld.idx.msk [tilespmem:v2+s18+$0x0], $0xffff  }
0x6e: {  	v2 =	vld [tilespmem:s4+$0x0];
	_ =	sdelay $0x4  }
0x6f: {  	v1 =	vmul.f32 v2, v1;
	_ =	sdelay $0x1  }
0x70: {  	s9 =	simm.s32 $0x11;
	[tilespmem:s4+$0x0] =	vst v1;
	s4 =	rddreg [dreg:$0xe]  }
0x71: {  	[spmem:s4] =	stream.linear.scatter [tilespmem:s24], [sflag:$0x11], $0x2780, $0x38;
	[tilespmem:$0x108F8] =	vst v63  }
0x72: {  	_ =	swait.ge [sflag:s9], $0x2780  }
0x73: {  	[sflag:s9] =	ssyncset.done $0x0  }
0x74: {  	[sflag:s9] =	ssyncadd.s32 $0xFFFFD880  }
0x75: {  	_ =	swait.ge [sflag:s25], $0x2800  }
0x76: {  	[sflag:s25] =	ssyncset.done $0x0  }
0x77: {  	[sflag:s25] =	ssyncadd.s32 $0xFFFFD800  }
0x78: {  	_ =	swait.ge [sflag:s26], $0x2800  }
0x79: {  	[sflag:s26] =	ssyncset.done $0x0  }
0x7a: {  	[sflag:s26] =	ssyncadd.s32 $0xFFFFD800  }
0x7b: {  	_ =	swait.ge [sflag:s28], $0x800  }
0x7c: {  	[sflag:s28] =	ssyncset.done $0x0  }
0x7d: {  	[sflag:s28] =	ssyncadd.s32 $0xFFFFF800  }
0x7e: {  	_ =	swait.ge [sflag:s29], $0x800  }
0x7f: {  	[sflag:s29] =	ssyncset.done $0x0  }
0x80: {  	[sflag:s29] =	ssyncadd.s32 $0xFFFFF800  }
0x81: {  	_ =	swait.ge [sflag:s30], $0x800  }
0x82: {  	[sflag:s30] =	ssyncset.done $0x0  }
0x83: {  	[sflag:s30] =	ssyncadd.s32 $0xFFFFF800  }
0x84: {  	_ =	swait.ge [sflag:s31], $0x800  }
0x85: {  	[sflag:s31] =	ssyncset.done $0x0  }
0x86: {  	[sflag:s31] =	ssyncadd.s32 $0xFFFFF800  }
0x87: {  	_ =	swait.ge [sflag:s1], $0x780  }
0x88: {  	[sflag:s1] =	ssyncset.done $0x0  }
0x89: {  	[sflag:s1] =	ssyncadd.s32 $0xFFFFF880  }
0x8a: {  	s14 =	simm.s32 $0x4F00;
	[bflag:$0x0] =	sbarrier.arrive $0xFFFF  }
0x8b: {  	[tilespmem:s21], [sflag:$0x1] =	stream.indirect.gather [spmem:s3], $0x10, s14, s20, $0xb8;
	[tilespmem:$0x108F8] =	vst v63  }
0x8c: {  	s15 =	simm.s32 $0x4F80  }
0x8d: {  	[tilespmem:s0], [sflag:$0x2] =	stream.indirect.gather [spmem:s3], $0x10, s15, s20, $0xb8;
	[tilespmem:$0x108F8] =	vst v63  }
0x8e: {  	s19 =	simm.s32 $0x5000  }
0x8f: {  	[tilespmem:s5], [sflag:$0x3] =	stream.indirect.gather [spmem:s3], $0x10, s19, s20, $0xb8;
	[tilespmem:$0x108F8] =	vst v63  }
0x90: {  	s24 =	simm.s32 $0x5080;
	s14 =	simm.s32 $0x0  }
0x91: {  	[tilespmem:s6], [sflag:$0x4] =	stream.indirect.gather [spmem:s3], $0x10, s24, s20, $0xb8;
	[tilespmem:$0x108F8] =	vst v63  }
.LBB2_6:
0x92: {  	_ =	swait.ge [sflag:s22], $0x800  }
0x93: {  	s19 =	sshra.s32 s14, $0x2;
	[sflag:s22] =	ssyncset.done $0x0  }
0x94: {  	p0 =	seq.s32 s14, $0x0;
	s15 =	sadd.s32 $0x7700, s19;
	[sflag:s22] =	ssyncadd.s32 $0xFFFFF800  }
0x95: {  	[spmem:s2] =	stream.indirect.scatter.add.f32 [tilespmem:s21], [sflag:$0x9], $0x10, s15, s20, $0xb8;
	[tilespmem:$0x108F8] =	vst v63  }
0x96: {  	s15 =	simm.s32 @!p0 $0xD  }
0x97: {  	_ =	swait.ge @!p0 [sflag:s15], $0x800  }
0x98: {  	[sflag:s15] =	ssyncset.done @!p0 $0x0  }
0x99: {  	s4 =	sadd.s32 $0x5100, s19;
	[sflag:s15] =	ssyncadd.s32 @!p0 $0xFFFFF800  }
0x9a: {  	[tilespmem:s7], [sflag:$0x5] =	stream.indirect.gather [spmem:s3], $0x10, s4, s20, $0xb8;
	[tilespmem:$0x108F8] =	vst v63  }
0x9b: {  	_ =	swait.ge [sflag:s25], $0x800  }
0x9c: {  	[sflag:s25] =	ssyncset.done $0x0  }
0x9d: {  	s9 =	sadd.s32 $0x7780, s19;
	s15 =	simm.s32 @!p0 $0xE;
	[sflag:s25] =	ssyncadd.s32 $0xFFFFF800  }
0x9e: {  	[spmem:s2] =	stream.indirect.scatter.add.f32 [tilespmem:s0], [sflag:$0xA], $0x10, s9, s20, $0xb8;
	[tilespmem:$0x108F8] =	vst v63  }
0x9f: {  	_ =	swait.ge @!p0 [sflag:s15], $0x800  }
0xa0: {  	[sflag:s15] =	ssyncset.done @!p0 $0x0  }
0xa1: {  	s24 =	sadd.s32 $0x5180, s19;
	[sflag:s15] =	ssyncadd.s32 @!p0 $0xFFFFF800  }
0xa2: {  	[tilespmem:s8], [sflag:$0x6] =	stream.indirect.gather [spmem:s3], $0x10, s24, s20, $0xb8;
	[tilespmem:$0x108F8] =	vst v63  }
0xa3: {  	_ =	swait.ge [sflag:s26], $0x800  }
0xa4: {  	[sflag:s26] =	ssyncset.done $0x0  }
0xa5: {  	s4 =	sadd.s32 $0x7800, s19;
	s15 =	simm.s32 @!p0 $0xF;
	[sflag:s26] =	ssyncadd.s32 $0xFFFFF800  }
0xa6: {  	[spmem:s2] =	stream.indirect.scatter.add.f32 [tilespmem:s5], [sflag:$0xB], $0x10, s4, s20, $0xb8;
	[tilespmem:$0x108F8] =	vst v63  }
0xa7: {  	_ =	swait.ge @!p0 [sflag:s15], $0x800  }
0xa8: {  	[sflag:s15] =	ssyncset.done @!p0 $0x0  }
0xa9: {  	s9 =	sadd.s32 $0x5200, s19;
	[sflag:s15] =	ssyncadd.s32 @!p0 $0xFFFFF800  }
0xaa: {  	[tilespmem:s10], [sflag:$0x7] =	stream.indirect.gather [spmem:s3], $0x10, s9, s20, $0xb8;
	[tilespmem:$0x108F8] =	vst v63  }
0xab: {  	_ =	swait.ge [sflag:s23], $0x800  }
0xac: {  	[sflag:s23] =	ssyncset.done $0x0  }
0xad: {  	s24 =	sadd.s32 $0x7880, s19;
	s15 =	simm.s32 @!p0 $0x10;
	[sflag:s23] =	ssyncadd.s32 $0xFFFFF800  }
0xae: {  	[spmem:s2] =	stream.indirect.scatter.add.f32 [tilespmem:s6], [sflag:$0xC], $0x10, s24, s20, $0xb8;
	[tilespmem:$0x108F8] =	vst v63  }
0xaf: {  	_ =	swait.ge @!p0 [sflag:s15], $0x800  }
0xb0: {  	[sflag:s15] =	ssyncset.done @!p0 $0x0  }
0xb1: {  	s4 =	sadd.s32 $0x5280, s19;
	[sflag:s15] =	ssyncadd.s32 @!p0 $0xFFFFF800  }
0xb2: {  	[tilespmem:s11], [sflag:$0x8] =	stream.indirect.gather [spmem:s3], $0x10, s4, s20, $0xb8;
	[tilespmem:$0x108F8] =	vst v63  }
0xb3: {  	_ =	swait.ge [sflag:s12], $0x800  }
0xb4: {  	p0 =	seq.s32 s14, $0x9000;
	[sflag:s12] =	ssyncset.done $0x0  }
0xb5: {  	s9 =	sadd.s32 $0x7900, s19;
	s15 =	simm.s32 @p0 $0x6;
	[sflag:s12] =	ssyncadd.s32 $0xFFFFF800  }
0xb6: {  	[spmem:s2] =	stream.indirect.scatter.add.f32 [tilespmem:s7], [sflag:$0xD], $0x10, s9, s20, $0xb8;
	[tilespmem:$0x108F8] =	vst v63  }
0xb7: {  	_ =	swait.ge @p0 [sflag:s15], $0x800  }
0xb8: {  	[sflag:s15] =	ssyncset.done @p0 $0x0  }
0xb9: {  	[sflag:s15] =	ssyncadd.s32 @p0 $0xFFFFF800;
	s15 =	sshra.s32 @p0 s14, $0x2  }
0xba: {  	s4 =	simm.s32 @p0 $0x80;
	s9 =	simm.s32 @p0 $0xF0F8;
	s15 =	sadd.s32 @p0 $0x7980, s15  }
0xbb: {  	[spmem:s2] =	stream.indirect.scatter.add.f32 @p0 [tilespmem:s9], [sflag:$0xE], $0x10, s15, s4, $0xb8;
	[tilespmem:$0x108F8] =	vst v63  }
0xbc: {  	s4 =	simm.s32 @!p0 $0x9  }
0xbd: {  	_ =	swait.ge @!p0 [sflag:s4], $0x800  }
0xbe: {  	[sflag:s4] =	ssyncset.done @!p0 $0x0  }
0xbf: {  	[sflag:s4] =	ssyncadd.s32 @!p0 $0xFFFFF800;
	s4 =	sshra.s32 @!p0 s14, $0x2  }
0xc0: {  	s24 =	simm.s32 @!p0 $0xC8F8;
	s15 =	simm.s32 @!p0 $0x80;
	s9 =	sadd.s32 @!p0 $0x5300, s4  }
0xc1: {  	[tilespmem:s24], [sflag:$0x1] =	stream.indirect.gather @!p0 [spmem:s3], $0x10, s9, s15, $0xb8;
	[tilespmem:$0x108F8] =	vst v63  }
0xc2: {  	s9 =	simm.s32 @!p0 $0x6  }
0xc3: {  	_ =	swait.ge @!p0 [sflag:s9], $0x800  }
0xc4: {  	[sflag:s9] =	ssyncset.done @!p0 $0x0  }
0xc5: {  	s24 =	simm.s32 @!p0 $0xF0F8;
	[sflag:s9] =	ssyncadd.s32 @!p0 $0xFFFFF800;
	s9 =	sadd.s32 @!p0 $0x7980, s4  }
0xc6: {  	[spmem:s2] =	stream.indirect.scatter.add.f32 @!p0 [tilespmem:s24], [sflag:$0xE], $0x10, s9, s15, $0xb8;
	[tilespmem:$0x108F8] =	vst v63  }
0xc7: {  	s9 =	simm.s32 @!p0 $0xA  }
0xc8: {  	_ =	swait.ge @!p0 [sflag:s9], $0x800  }
0xc9: {  	[sflag:s9] =	ssyncset.done @!p0 $0x0  }
0xca: {  	s4 =	sadd.s32 @!p0 $0x5380, s4;
	[sflag:s9] =	ssyncadd.s32 @!p0 $0xFFFFF800;
	s9 =	simm.s32 @!p0 $0xD0F8  }
0xcb: {  	[tilespmem:s9], [sflag:$0x2] =	stream.indirect.gather @!p0 [spmem:s3], $0x10, s4, s15, $0xb8;
	[tilespmem:$0x108F8] =	vst v63  }
.Ltmp4:
0xcc: {  	_ = 	snop;
	(pc) =	sbr.rel @p0 .LBB2_8-.Ltmp4, $4  }
0xcd: {  	_ =	swait.ge [sflag:s17], $0x800  }
0xce: {  	[sflag:s17] =	ssyncset.done $0x0  }
0xcf: {  	s24 =	sadd.s32 $0x7A00, s19;
	s15 =	sadd.s32 $0x7A80, s19;
	[sflag:s17] =	ssyncadd.s32 $0xFFFFF800  }
0xd0: {  	[spmem:s2] =	stream.indirect.scatter.add.f32 [tilespmem:s10], [sflag:$0xF], $0x10, s24, s20, $0xb8;
	[tilespmem:$0x108F8] =	vst v63  }
0xd1: {  	_ =	swait.ge [sflag:s30], $0x800  }
0xd2: {  	[sflag:s30] =	ssyncset.done $0x0  }
0xd3: {  	s4 =	sadd.s32 $0x5400, s19;
	[sflag:s30] =	ssyncadd.s32 $0xFFFFF800  }
0xd4: {  	[tilespmem:s5], [sflag:$0x3] =	stream.indirect.gather [spmem:s3], $0x10, s4, s20, $0xb8;
	[tilespmem:$0x108F8] =	vst v63  }
0xd5: {  	_ =	swait.ge [sflag:s13], $0x800  }
0xd6: {  	[sflag:s13] =	ssyncset.done $0x0  }
0xd7: {  	[sflag:s13] =	ssyncadd.s32 $0xFFFFF800  }
0xd8: {  	[spmem:s2] =	stream.indirect.scatter.add.f32 [tilespmem:s11], [sflag:$0x10], $0x10, s15, s20, $0xb8;
	[tilespmem:$0x108F8] =	vst v63  }
.Ltmp5:
0xd9: {  	_ = 	snop;
	(pc) =	sbr.rel .LBB2_6-.Ltmp5, $4  }
0xda: {  	_ =	swait.ge [sflag:s31], $0x800  }
0xdb: {  	[sflag:s31] =	ssyncset.done $0x0  }
0xdc: {  	s24 =	sadd.s32 $0x5480, s19;
	s14 =	sadd.s32 $0x1000, s14;
	[sflag:s31] =	ssyncadd.s32 $0xFFFFF800  }
0xdd: {  	[tilespmem:s6], [sflag:$0x4] =	stream.indirect.gather [spmem:s3], $0x10, s24, s20, $0xb8;
	[tilespmem:$0x108F8] =	vst v63  }
.LBB2_9:
0xde: {  	_ =	sfence.sel $0x180000  }
0xdf: {  	[bflag:$0x0] =	sbarrier.arrive $0xFFFF  }
0xe0: {  	_ =	strace $0x9000004D  }
0xe1: {  	s0 =	stileid.u32;
	[bflag:$0x2] =	sbarrier.arrive $0xFFFF  }
0xe2: {  	p0 =	sne.s32 s0, $0x0;
	s0 =	rddreg [dreg:$0x4]  }
0xe3: {  	s0 =	sadd.s32 @!p0 $0x100000, s0  }
0xe4: {  	[sflag:s0] =	ssyncadd.tile.s32 @!p0 $0x1;
	_ =	shalt  }
.Lfunc_end2:
_tile_overlayer_lowered:
.L_overlay_start_2:
0xe5: {  	(tag) =	ssettag $0x2  }
0xe6: {  	s0 =	rddreg [dreg:$0x0];
	s2 =	stileid.u32  }
0xe7: {  	s1 =	rddreg [dreg:$0x1];
	p0 =	sne.s32 s2, $0x0  }
0xe8: {  	s3 =	rddreg [dreg:$0x2];
	[bflag:$0x3] =	sbarrier.arrive $0xFFFF;
	s2 =	simm.s32 @!p0 $0x1C11  }
0xe9: {  	[timem:s3], [sflag:s2] =	dma.local @!p0 [hbm:s0], s1  }
0xea: {  	s0 =	simm.s32 @!p0 $0x11  }
0xeb: {  	_ =	swait.ge @!p0 [sflag:s0], s1  }
0xec: {  	s1 =	ssub.s32 @!p0 $0x0, s1;
	[sflag:s0] =	ssyncset.done @!p0 $0x0  }
0xed: {  	[sflag:s0] =	ssyncadd.s32 @!p0 s1  }
0xee: {  	[bflag:$0x3] =	sbarrier.arrive $0xFFFF  }
0xef: {  	_ =	shalt  }

// kernel: kernel.20.cloned.1.call-start
scs
__scs_entry_jumppad:
0x0: {  	(pc) =	sbr.rel $0x88, $3  }
0x1: {  	(tag) =	ssettag $0x0;
	lr =	simm.s32 $0x1  }
0x2: {  	[smem:$0x3F99] =	sst lr;
	_ =	strace $0xD0000000  }
0x3: {  	_ = 	snop  }
0x4: {  	_ = 	snop  }
0x5: {  	_ = 	snop  }
0x6: {  	_ = 	snop  }
0x7: {  	_ = 	snop  }
__scs_overlays_trampoline_lowered:
0x8: {  	[smem:$0x3FA8] =	sst s0  }
0x9: {  	[smem:$0x3FA9] =	sst s1  }
0xa: {  	[smem:$0x3FAA] =	sst s2  }
0xb: {  	[smem:$0x3FAB] =	sst s3  }
0xc: {  	[smem:$0x3FAC] =	sst s4  }
0xd: {  	[smem:$0x3FAD] =	sst s5  }
0xe: {  	[smem:$0x3FAE] =	sst s6  }
0xf: {  	[smem:$0x3FAF] =	sst s7  }
0x10: {  	[smem:$0x3FB0] =	sst s8  }
0x11: {  	[smem:$0x3FB1] =	sst s9;
	s0 =	simm.s32 @!p0 $0x0  }
0x12: {  	s1 =	sld [smem:$0x3F97];
	s0 =	simm.s32 @p0 $0x1  }
0x13: {  	[smem:$0x3FB2] =	sst s0;
	s0 =	simm.s32 @!p1 $0x0  }
0x14: {  	s2 =	sld [smem:$0x3F96];
	s0 =	simm.s32 @p1 $0x1  }
0x15: {  	[smem:$0x3FB3] =	sst s0;
	s0 =	simm.s32 @!p2 $0x0  }
0x16: {  	s3 =	sld [smem:$0x3FDB];
	s0 =	simm.s32 @p2 $0x1  }
0x17: {  	s4 =	simm.s32 $0x1BF5;
	[smem:$0x3FB5] =	sst s0  }
0x18: {  	s0 =	sld [smem:$0x3F98];
	_ =	swait.ge [sflag:s4], $0x0  }
0x19: {  	s7 =	sld [smem:$0x3F99]  }
0x1a: {  	s8 =	sadd.s32 $0xFFFFE003, lr  }
0x1b: {  	s9 =	sadd.s32 $0xFFFFFEF7, lr;
	s5 =	simm.s32 $0xFFFFFFFF;
	p2 =	slt.u32 s8, $0xFFFFF086  }
0x1c: {  	p1 =	slt.u32 s9, $0xF7A;
	s5 =	simm.s32 @!p2 $0x0  }
0x1d: {  	s5 =	simm.s32 @p1 $0x1;
	p0 =	seq.s32 s7, s2  }
0x1e: {  	s7 =	smul.u32 @!p0 $0xF7A, s2;
	p2 =	seq.s32 @!p0 s5, $0x0  }
0x1f: {  	s9 =	smul.u32 $0xF7A, s1;
	s8 =	simm.s32 @!p0 $0x1BF5;
	p2 =	por !p2, p0  }
0x20: {  	[sflag:s8] =	ssyncset.s32 @!p0 $0xFFFFF086;
	s6 =	sadd.s32 @!p0 s3, s7;
	s7 =	simm.s32 @!p0 $0x108  }
0x21: {  	s3 =	sadd.s32 s3, s9;
	s6 =	sadd.s32 @!p0 $0x88, s6;
	s7 =	simm.s32 @p2 $0x1082  }
0x22: {  	[simem:s7], [sflag:s8] =	dma.local @!p0 [hbm:s6], $0xF7A  }
0x23: {  	s9 =	sor.u32 $0xD0000000, s2;
	s6 =	simm.s32 $0x108;
	_ =	swait.ge @!p0 [sflag:s8], $0x0  }
0x24: {  	s3 =	sadd.s32 $0x88, s3;
	s6 =	simm.s32 @!p1 $0x1082;
	[sflag:s4] =	ssyncset.s32 $0xFFFFF086  }
0x25: {  	[simem:s6], [sflag:s4] =	dma.local [hbm:s3], $0xF7A  }
0x26: {  	[smem:$0x3F99] =	sst s1;
	(tag) =	ssettag s2;
	_ =	strace s9  }
0x27: {  	s1 =	sld [smem:$0x3FA9]  }
0x28: {  	s2 =	sld [smem:$0x3FAA]  }
0x29: {  	s4 =	sld [smem:$0x3FAC]  }
0x2a: {  	p0 =	seq.s32 s5, $0x0;
	s5 =	sld [smem:$0x3FAD]  }
0x2b: {  	s6 =	sld [smem:$0x3FAE]  }
0x2c: {  	s7 =	sld [smem:$0x3FAF]  }
0x2d: {  	s3 =	simm.s32 $0x108;
	s8 =	sld [smem:$0x3FB0]  }
0x2e: {  	s3 =	simm.s32 @!p0 $0x1082;
	s9 =	sld [smem:$0x3FB1]  }
0x2f: {  	lr =	sadd.s32 s0, s3;
	s0 =	sld [smem:$0x3FA8]  }
0x30: {  	s3 =	sld [smem:$0x3FAB]  }
0x31: {  	[smem:$0x3FB4] =	sst s10  }
0x32: {  	s10 =	sld [smem:$0x3FB2];
	_ =	sdelay $0x3  }
0x33: {  	p0 =	seq.s32 s10, $0x1;
	s10 =	sld [smem:$0x3FB4];
	_ =	sdelay $0x3  }
0x34: {  	[smem:$0x3FB4] =	sst s10  }
0x35: {  	s10 =	sld [smem:$0x3FB3];
	_ =	sdelay $0x3  }
0x36: {  	p1 =	seq.s32 s10, $0x1;
	s10 =	sld [smem:$0x3FB4];
	_ =	sdelay $0x3  }
0x37: {  	[smem:$0x3FB4] =	sst s10  }
0x38: {  	s10 =	sld [smem:$0x3FB5]  }
0x39: {  	_ = 	snop;
	(pc) =	sbr.ind lr, $3  }
0x3a: {  	_ = 	snop  }
0x3b: {  	_ = 	snop  }
0x3c: {  	p2 =	seq.s32 s10, $0x1;
	s10 =	sld [smem:$0x3FB4]  }
0x3d: {  	_ =	shalt  }
0x3e: {  	_ =	shalt  }
0x3f: {  	_ =	shalt  }
0x40: {  	_ =	shalt  }
0x41: {  	_ =	shalt  }
0x42: {  	_ =	shalt  }
0x43: {  	_ =	shalt  }
0x44: {  	_ =	shalt  }
0x45: {  	_ =	shalt  }
0x46: {  	_ =	shalt  }
0x47: {  	_ =	shalt  }
0x48: {  	_ =	shalt  }
0x49: {  	_ =	shalt  }
0x4a: {  	_ =	shalt  }
0x4b: {  	_ =	shalt  }
0x4c: {  	_ =	shalt  }
0x4d: {  	_ =	shalt  }
0x4e: {  	_ =	shalt  }
0x4f: {  	_ =	shalt  }
0x50: {  	_ =	shalt  }
0x51: {  	_ =	shalt  }
0x52: {  	_ =	shalt  }
0x53: {  	_ =	shalt  }
0x54: {  	_ =	shalt  }
0x55: {  	_ =	shalt  }
0x56: {  	_ =	shalt  }
0x57: {  	_ =	shalt  }
0x58: {  	_ =	shalt  }
0x59: {  	_ =	shalt  }
0x5a: {  	_ =	shalt  }
0x5b: {  	_ =	shalt  }
0x5c: {  	_ =	shalt  }
0x5d: {  	_ =	shalt  }
0x5e: {  	_ =	shalt  }
0x5f: {  	_ =	shalt  }
0x60: {  	_ =	shalt  }
0x61: {  	_ =	shalt  }
0x62: {  	_ =	shalt  }
0x63: {  	_ =	shalt  }
0x64: {  	_ =	shalt  }
0x65: {  	_ =	shalt  }
0x66: {  	_ =	shalt  }
0x67: {  	_ =	shalt  }
0x68: {  	_ =	shalt  }
0x69: {  	_ =	shalt  }
0x6a: {  	_ =	shalt  }
0x6b: {  	_ =	shalt  }
0x6c: {  	_ =	shalt  }
0x6d: {  	_ =	shalt  }
0x6e: {  	_ =	shalt  }
0x6f: {  	_ =	shalt  }
0x70: {  	_ =	shalt  }
0x71: {  	_ =	shalt  }
0x72: {  	_ =	shalt  }
0x73: {  	_ =	shalt  }
0x74: {  	_ =	shalt  }
0x75: {  	_ =	shalt  }
0x76: {  	_ =	shalt  }
0x77: {  	_ =	shalt  }
0x78: {  	_ =	shalt  }
0x79: {  	_ =	shalt  }
0x7a: {  	_ =	shalt  }
0x7b: {  	_ =	shalt  }
0x7c: {  	_ =	shalt  }
0x7d: {  	_ =	shalt  }
0x7e: {  	_ =	shalt  }
0x7f: {  	_ =	shalt  }
0x80: {  	_ =	shalt  }
0x81: {  	_ =	shalt  }
0x82: {  	_ =	shalt  }
0x83: {  	_ =	shalt  }
0x84: {  	_ =	shalt  }
0x85: {  	_ =	shalt  }
0x86: {  	_ =	shalt  }
0x87: {  	_ =	shalt  }
.Lfunc_end0:
.L_simem_size_0:
called_computation.3_lowered:
.L_overlay_start_0:
0x88: {  	s2 =	sld [smem:$0x3FD9]  }
0x89: {  	s3 =	sld [smem:$0x3FFE];
	_ =	sdelay $0x1  }
0x8a: {  	s1 =	srdreg.scid  }
0x8b: {  	s0 =	sand.u32 $0x1, s1  }
0x8c: {  	s16 =	sshll.u32 s0, $0xA;
	s2 =	sadd.s32 s3, s2  }
0x8d: {  	s2 =	sadd.s32 s2, s16  }
0x8e: {  	[smem:$0x3FC0] =	sst s2  }
0x8f: {  	_ = 	snop  }
0x90: {  	(tm) =	ssettm $0x1  }
0x91: {  	s17 =	sld [smem:$0x3FFB];
	_ =	sdelay $0x3  }
0x92: {  	_ =	strace s17  }
0x93: {  	s2 =	sld [smem:$0x3FFC];
	_ =	sdelay $0x3  }
0x94: {  	_ =	strace s2  }
0x95: {  	s2 =	sld [smem:$0x3FFD];
	_ =	sdelay $0x3  }
0x96: {  	_ =	strace s2  }
0x97: {  	_ =	strace $0x8FFFFFFF  }
0x98: {  	s18 =	sld [smem:$0x3FDB];
	_ =	sdelay $0x1  }
0x99: {  	s19 =	simm.s32 $_scs_section_size  }
0x9a: {  	s4 =	simm.s32 $_size__tile_overlayer_lowered;
	s5 =	simm.s32 $_tile_overlayer_lowered  }
0x9b: {  	s22 =	simm.s32 $0x1BFF;
	s21 =	sshll.u32 s5, $0x1;
	s2 =	sadd.s32 s19, s18  }
0x9c: {  	s6 =	simm.s32 $0x0;
	s20 =	sshll.u32 s4, $0x1;
	s4 =	sadd.s32 s21, s2  }
0x9d: {  	[timem:s6], [sflag:s22] =	dma.local [hbm:s4], s20  }
0x9e: {  	_ =	swait.ge [sflag:s22], s20  }
0x9f: {  	s3 =	ssub.s32 $0x0, s20;
	[sflag:s22] =	ssyncset.done $0x0  }
0xa0: {  	[sflag:s22] =	ssyncadd.s32 s3;
	_ =	sdelay $0x1  }
0xa1: {  	s23 =	simm.s32 $0x1B8B  }
0xa2: {  	_ =	swait.ge [sflag:s23], $0x1  }
0xa3: {  	[sflag:s23] =	ssyncset.done $0x0  }
0xa4: {  	s25 =	simm.s32 $0x1B8E;
	s24 =	sld [smem:$0x3FFE];
	[sflag:s23] =	ssyncadd.s32 $0xFFFFFFFF  }
0xa5: {  	s26 =	simm.s32 $execute0_lowered;
	[smem:$0x3FD2] =	sst s25  }
0xa6: {  	s4 =	sshll.u32 s26, $0x1;
	_ =	strace $0x8000004F;
	[dreg:$0x1] =	wrdreg $0xFFFFFFFF  }
0xa7: {  	s28 =	simm.s32 $_size_execute0_lowered;
	s2 =	sadd.s32 s2, s4;
	[dreg:$0x0] =	wrdreg $0x0  }
0xa8: {  	s4 =	sshll.u32 s28, $0x1;
	[dreg:$0x2] =	wrdreg s2  }
0xa9: {  	[dreg:$0x3] =	wrdreg s4  }
0xaa: {  	[dreg:$0x4] =	wrdreg $0xC0  }
0xab: {  	_ =	task [dreg:s6], $0x5FFFF  }
0xac: {  	[dreg:$0x1] =	wrdreg $0xFFFFFFFF  }
0xad: {  	[dreg:$0x0] =	wrdreg $0x60  }
0xae: {  	[dreg:$0x2] =	wrdreg s24  }
0xaf: {  	[dreg:$0x3] =	wrdreg $0x0  }
0xb0: {  	[dreg:$0x4] =	wrdreg $0x27800  }
0xb1: {  	[dreg:$0x5] =	wrdreg $0x9  }
0xb2: {  	_ =	task.clear_ibuf [dreg:s6], $0x6FFFF;
	_ =	strace $0x9000004F  }
0xb3: {  	s29 =	simm.s32 $0x9;
	_ =	strace $0x80000051  }
0xb4: {  	_ =	swait.ge [sflag:s29], $0x1  }
0xb5: {  	[sflag:s29] =	ssyncadd.s32 $0xFFFFFFFF  }
0xb6: {  	_ =	strace $0x90000051  }
0xb7: {  	_ =	sfence  }
0xb8: {  	s30 =	sld [smem:$0x0];
	_ =	sdelay $0x2  }
0xb9: {  	s31 =	sshll.u32 s1, $0xD;
	s1 =	sshrl.u32 s1, $0x2  }
0xba: {  	s3 =	sand.u32 $0x4000, s31;
	s1 =	sadd.s32 s1, s30  }
0xbb: {  	s0 =	sor.u32 s3, s0;
	s1 =	sshll.u32 s1, $0x11  }
0xbc: {  	s0 =	sor.u32 s1, s0  }
0xbd: {  	s0 =	sadd.s32 $0x8F2B, s0  }
0xbe: {  	[sflag:s0] =	ssyncadd.remote.s32 $0x1  }
0xbf: {  	_ =	sfence.sel $0xFFFF  }
0xc0: {  	[dreg:$0x0] =	wrdreg $0xFFFFFFFF;
	(pc) =	sbr.abs _section_cstart, $3  }
0xc1: {  	[dreg:$0x1] =	wrdreg $0xFFFFFFFF  }
0xc2: {  	_ =	task.clear_ibuf [dreg:s6], $0x2FFFF;
	_ =	strace $0x9FFFFFFF  }
0xc3: {  	(tm) =	ssettm $0x7FFFFFFF  }
tec
execute0_lowered:
.L_overlay_start_1:
0x0: {  	(tag) =	ssettag $0x1  }
0x1: {  	s0 =	rddreg [dreg:$0x0]  }
0x2: {  	s2 =	rddreg [dreg:$0x1]  }
0x3: {  	s3 =	rddreg [dreg:$0x2];
	s9 =	stileid.u32  }
0x4: {  	s1 =	srdreg.scid;
	s7 =	simm.s32 $0x0;
	s28 =	simm.s32 $0xC  }
0x5: {  	s29 =	simm.s32 $0xD;
	s30 =	simm.s32 $0x80;
	s31 =	simm.s32 $0xBF00  }
0x6: {  	s11 =	simm.s32 $0x7;
	s4 =	smul.u32 $0x2780, s9;
	s1 =	sand.u32 $0x1, s1  }
0x7: {  	s5 =	sshll.u32 s9, $0x1;
	[smem:$0x7FF] =	sst s7;
	s8 =	smul.u32 $0x9E00, s9  }
0x8: {  	s9 =	sshll.u32 s9, $0x6;
	s5 =	sor.u32 s1, s5;
	s6 =	smul.u32 $0x27800, s1  }
0x9: {  	_ =	strace $0x80000050;
	s1 =	ssub.s32 $0x2, s1;
	[dreg:$0x4] =	wrdreg s9  }
0xa: {  	s17 =	sor.u32 $0x1C01, s9;
	s9 =	simm.s32 $0x5;
	s14 =	sshrl.u32 s4, $0x3  }
0xb: {  	s5 =	smul.u32 $0x500, s5;
	s15 =	sshrl.u32 s1, $0x1;
	s16 =	sadd.s32 s4, s2  }
0xc: {  	[dreg:$0x6] =	wrdreg s17;
	s18 =	sshrl.u32 s8, $0x2;
	s10 =	sadd.s32 s4, s3  }
0xd: {  	s17 =	simm.s32 $0x4F00;
	s8 =	simm.s32 $0xD700;
	s7 =	sadd.s32 s14, s0  }
0xe: {  	s6 =	sadd.s32 s4, s6;
	s1 =	ssub.s32 s1, s15;
	s20 =	sadd.s32 s18, s3  }
0xf: {  	s26 =	sshrl.u32 s16, $0x3;
	s4 =	simm.s32 $0xC700;
	s15 =	simm.s32 $0x0  }
0x10: {  	s5 =	sadd.s32 s5, s0;
	s7 =	sadd.s32 $0x18000, s7;
	[dreg:$0xf] =	wrdreg s26  }
0x11: {  	s6 =	sshrl.u32 s6, $0x3;
	s21 =	sadd.s32 $0x800, s20;
	[dreg:$0x5] =	wrdreg s7  }
0x12: {  	s22 =	sadd.s32 $0x1000, s20;
	s23 =	sadd.s32 $0x1800, s20;
	[dreg:$0x9] =	wrdreg s21  }
0x13: {  	s24 =	sadd.s32 $0x2000, s20;
	s25 =	smax.u32 s1, $0x1;
	[dreg:$0xa] =	wrdreg s22  }
0x14: {  	s20 =	simm.s32 $0x9F00;
	s26 =	simm.s32 $0xB;
	[dreg:$0xb] =	wrdreg s23  }
0x15: {  	s1 =	simm.s32 $0xB700;
	s0 =	sadd.s32 s6, s0;
	[dreg:$0xc] =	wrdreg s24  }
0x16: {  	s19 =	sadd.s32 $0xE000, s5;
	s5 =	sadd.s32 $0x4000, s5;
	[dreg:$0xe] =	wrdreg s25  }
.Ltmp0:
0x17: {  	s21 =	simm.s32 $0x1;
	s22 =	simm.s32 $0x2;
	(pc) =	sbr.rel .LBB2_1-.Ltmp0, $4  }
0x18: {  	s23 =	simm.s32 $0x3;
	s24 =	simm.s32 $0x9;
	s25 =	simm.s32 $0xA  }
0x19: {  	s6 =	simm.s32 $0xCF00;
	s7 =	simm.s32 $0x4;
	[dreg:$0x7] =	wrdreg s19  }
0x1a: {  	[dreg:$0x8] =	wrdreg s5;
	s0 =	sadd.s32 $0x1D000, s0;
	s19 =	simm.s32 $0xAF00  }
0x1b: {  	v0 =	vimm.f32 $0.0e+00;
	s5 =	simm.s32 $0x8;
	[dreg:$0xd] =	wrdreg s0;
	s0 =	simm.s32 $0xA700  }
.LBB2_6:
0x1c: {  	_ =	swait.ge [sflag:s5], $0x800  }
0x1d: {  	[sflag:s5] =	ssyncset.done $0x0  }
0x1e: {  	[sflag:s5] =	ssyncadd.s32 $0xFFFFF800  }
0x1f: {  	[spmem:s3] =	stream.indirect.scatter.add.f32 [tilespmem:s8], [sflag:$0x10], $0x10, s12, s30, $0xb8;
	[tilespmem:$0xDF00] =	vst v63  }
0x20: {  	_ =	swait.ge [sflag:s24], $0x800  }
0x21: {  	[sflag:s24] =	ssyncset.done $0x0  }
0x22: {  	[sflag:s24] =	ssyncadd.s32 $0xFFFFF800  }
0x23: {  	_ =	swait.ge [sflag:s25], $0x800  }
0x24: {  	[sflag:s25] =	ssyncset.done $0x0  }
0x25: {  	[sflag:s25] =	ssyncadd.s32 $0xFFFFF800  }
0x26: {  	_ =	swait.ge [sflag:s26], $0x800  }
0x27: {  	[sflag:s26] =	ssyncset.done $0x0  }
0x28: {  	[sflag:s26] =	ssyncadd.s32 $0xFFFFF800  }
0x29: {  	_ =	swait.ge [sflag:s28], $0x800  }
0x2a: {  	[sflag:s28] =	ssyncset.done $0x0  }
0x2b: {  	[sflag:s28] =	ssyncadd.s32 $0xFFFFF800  }
0x2c: {  	_ =	swait.ge [sflag:s29], $0x800  }
0x2d: {  	[sflag:s29] =	ssyncset.done $0x0  }
0x2e: {  	s18 =	simm.s32 $0xE;
	[sflag:s29] =	ssyncadd.s32 $0xFFFFF800  }
0x2f: {  	_ =	swait.ge [sflag:s18], $0x800  }
0x30: {  	[sflag:s18] =	ssyncset.done $0x0  }
0x31: {  	s13 =	simm.s32 $0xF;
	[sflag:s18] =	ssyncadd.s32 $0xFFFFF800  }
0x32: {  	_ =	swait.ge [sflag:s13], $0x800  }
0x33: {  	[sflag:s13] =	ssyncset.done $0x0  }
0x34: {  	s14 =	simm.s32 $0x10;
	[sflag:s13] =	ssyncadd.s32 $0xFFFFF800  }
0x35: {  	_ =	swait.ge [sflag:s14], $0x800  }
0x36: {  	[sflag:s14] =	ssyncset.done $0x0  }
0x37: {  	[sflag:s14] =	ssyncadd.s32 $0xFFFFF800  }
0x38: {  	[bflag:$0x0] =	sbarrier.arrive $0xFFFF  }
0x39: {  	s17 =	simm.s32 $0x11;
	s16 =	rddreg [dreg:$0x4]  }
0x3a: {  	s13 =	sshrl.u32 s10, $0x3;
	s14 =	rddreg [dreg:$0xd];
	s12 =	sor.u32 $0x1C11, s16  }
0x3b: {  	[hbm:s14], [sflag:s12] =	dma.local [spmem:s13], $0x4F0  }
0x3c: {  	_ =	swait.ge [sflag:s17], $0x4F0  }
0x3d: {  	s15 =	sadd.s32 $0x1, s15;
	s18 =	rddreg [dreg:$0xe]  }
0x3e: {  	p0 =	sne.s32 s15, s18  }
.Ltmp1:
0x3f: {  	_ = 	snop;
	(pc) =	sbr.rel @!p0 .LBB2_7-.Ltmp1, $3  }
0x40: {  	_ =	sdelay $0x1  }
0x41: {  	[sflag:s17] =	ssyncset.done $0x0  }
0x42: {  	[sflag:s17] =	ssyncadd.s32 $0xFFFFFB10;
	s17 =	simm.s32 $0x4F00  }
.LBB2_1:
0x43: {  	s12 =	rddreg [dreg:$0x5]  }
0x44: {  	s13 =	rddreg [dreg:$0x6]  }
0x45: {  	s14 =	rddreg [dreg:$0xf]  }
0x46: {  	[spmem:s14], [sflag:s13] =	dma.local [hbm:s12], $0x4F0  }
0x47: {  	s14 =	simm.s32 $0x0;
	s13 =	rddreg [dreg:$0x7]  }
0x48: {  	[tilespmem:s17], [sflag:$0x2] =	stream.linear.gather [hbm4b:s13+s14], $0x2800, $0x38;
	[tilespmem:$0xDF00] =	vst v63  }
0x49: {  	s18 =	simm.s32 $0x7700;
	s16 =	rddreg [dreg:$0x8]  }
0x4a: {  	[tilespmem:s18], [sflag:$0x3] =	stream.linear.gather [hbm4b:s16+s14], $0x2800, $0x38;
	[tilespmem:$0xDF00] =	vst v63  }
0x4b: {  	s12 =	simm.s32 $0x40;
	s16 =	simm.s32 $0x0  }
.LBB2_2:
0x4c: {  	p0 =	sne.s32 s12, $0x1FC0;
	[tilespmem:s16+$0x9F00] =	vst v0;
	s16 =	smov.u32 s12;
	s12 =	sadd.s32 $0x40, s12  }
.Ltmp2:
0x4d: {  	(pc) =	sbr.rel @p0 .LBB2_2-.Ltmp2, $2  }
0x4e: {  	_ =	sdelay $0x2  }
0x4f: {  	s16 =	sshra.s32 s16, $0x2  }
0x50: {  	[tilespmem:s16+$0x9F00] =	vst v0  }
0x51: {  	[spmem:s10] =	stream.linear.scatter [tilespmem:s20], [sflag:$0x9], $0x800, $0x38;
	[tilespmem:$0xDF00] =	vst v63  }
0x52: {  	s12 =	rddreg [dreg:$0x9]  }
0x53: {  	[spmem:s12] =	stream.linear.scatter [tilespmem:s20], [sflag:$0xA], $0x800, $0x38;
	[tilespmem:$0xDF00] =	vst v63  }
0x54: {  	s18 =	rddreg [dreg:$0xa]  }
0x55: {  	[spmem:s18] =	stream.linear.scatter [tilespmem:s20], [sflag:$0xB], $0x800, $0x38;
	[tilespmem:$0xDF00] =	vst v63  }
0x56: {  	s13 =	rddreg [dreg:$0xb]  }
0x57: {  	[spmem:s13] =	stream.linear.scatter [tilespmem:s20], [sflag:$0xC], $0x800, $0x38;
	[tilespmem:$0xDF00] =	vst v63  }
0x58: {  	s14 =	rddreg [dreg:$0xc]  }
0x59: {  	[spmem:s14] =	stream.linear.scatter [tilespmem:s20], [sflag:$0xD], $0x780, $0x38;
	[tilespmem:$0xDF00] =	vst v63  }
0x5a: {  	_ =	swait.ge [sflag:s21], $0x4F0  }
0x5b: {  	[sflag:s21] =	ssyncset.done $0x0  }
0x5c: {  	[sflag:s21] =	ssyncadd.s32 $0xFFFFFB10  }
0x5d: {  	_ =	swait.ge [sflag:s22], $0x2800  }
0x5e: {  	[sflag:s22] =	ssyncset.done $0x0  }
0x5f: {  	[sflag:s22] =	ssyncadd.s32 $0xFFFFD800  }
0x60: {  	_ =	swait.ge [sflag:s23], $0x2800  }
0x61: {  	[sflag:s23] =	ssyncset.done $0x0  }
0x62: {  	[sflag:s23] =	ssyncadd.s32 $0xFFFFD800  }
0x63: {  	_ =	swait.ge [sflag:s24], $0x800  }
0x64: {  	[sflag:s24] =	ssyncset.done $0x0  }
0x65: {  	[sflag:s24] =	ssyncadd.s32 $0xFFFFF800  }
0x66: {  	_ =	swait.ge [sflag:s25], $0x800  }
0x67: {  	[sflag:s25] =	ssyncset.done $0x0  }
0x68: {  	[sflag:s25] =	ssyncadd.s32 $0xFFFFF800  }
0x69: {  	_ =	swait.ge [sflag:s26], $0x800  }
0x6a: {  	[sflag:s26] =	ssyncset.done $0x0  }
0x6b: {  	[sflag:s26] =	ssyncadd.s32 $0xFFFFF800  }
0x6c: {  	_ =	swait.ge [sflag:s28], $0x800  }
0x6d: {  	[sflag:s28] =	ssyncset.done $0x0  }
0x6e: {  	[sflag:s28] =	ssyncadd.s32 $0xFFFFF800  }
0x6f: {  	_ =	swait.ge [sflag:s29], $0x780  }
0x70: {  	[sflag:s29] =	ssyncset.done $0x0  }
0x71: {  	[sflag:s29] =	ssyncadd.s32 $0xFFFFF880  }
0x72: {  	[bflag:$0x0] =	sbarrier.arrive $0xFFFF  }
0x73: {  	[tilespmem:s20], [sflag:$0x1] =	stream.indirect.gather [spmem:s2], $0x10, s17, s30, $0xb8;
	[tilespmem:$0xDF00] =	vst v63  }
0x74: {  	s16 =	simm.s32 $0x4F80  }
0x75: {  	[tilespmem:s0], [sflag:$0x2] =	stream.indirect.gather [spmem:s2], $0x10, s16, s30, $0xb8;
	[tilespmem:$0xDF00] =	vst v63  }
0x76: {  	s17 =	simm.s32 $0x5000  }
0x77: {  	[tilespmem:s19], [sflag:$0x3] =	stream.indirect.gather [spmem:s2], $0x10, s17, s30, $0xb8;
	[tilespmem:$0xDF00] =	vst v63  }
0x78: {  	s18 =	simm.s32 $0x5080;
	s16 =	simm.s32 $0x0  }
0x79: {  	[tilespmem:s1], [sflag:$0x4] =	stream.indirect.gather [spmem:s2], $0x10, s18, s30, $0xb8;
	[tilespmem:$0xDF00] =	vst v63  }
.LBB2_4:
0x7a: {  	_ =	swait.ge [sflag:s21], $0x800  }
0x7b: {  	s17 =	sshra.s32 s16, $0x2;
	[sflag:s21] =	ssyncset.done $0x0  }
0x7c: {  	p0 =	seq.s32 s16, $0x0;
	s12 =	sadd.s32 $0x7700, s17;
	[sflag:s21] =	ssyncadd.s32 $0xFFFFF800  }
0x7d: {  	[spmem:s3] =	stream.indirect.scatter.add.f32 [tilespmem:s20], [sflag:$0x9], $0x10, s12, s30, $0xb8;
	[tilespmem:$0xDF00] =	vst v63  }
0x7e: {  	s12 =	simm.s32 @!p0 $0xD  }
0x7f: {  	_ =	swait.ge @!p0 [sflag:s12], $0x800  }
0x80: {  	[sflag:s12] =	ssyncset.done @!p0 $0x0  }
0x81: {  	s13 =	sadd.s32 $0x5100, s17;
	[sflag:s12] =	ssyncadd.s32 @!p0 $0xFFFFF800  }
0x82: {  	[tilespmem:s31], [sflag:$0x5] =	stream.indirect.gather [spmem:s2], $0x10, s13, s30, $0xb8;
	[tilespmem:$0xDF00] =	vst v63  }
0x83: {  	_ =	swait.ge [sflag:s22], $0x800  }
0x84: {  	[sflag:s22] =	ssyncset.done $0x0  }
0x85: {  	s14 =	sadd.s32 $0x7780, s17;
	s12 =	simm.s32 @!p0 $0xE;
	[sflag:s22] =	ssyncadd.s32 $0xFFFFF800  }
0x86: {  	[spmem:s3] =	stream.indirect.scatter.add.f32 [tilespmem:s0], [sflag:$0xA], $0x10, s14, s30, $0xb8;
	[tilespmem:$0xDF00] =	vst v63  }
0x87: {  	_ =	swait.ge @!p0 [sflag:s12], $0x800  }
0x88: {  	[sflag:s12] =	ssyncset.done @!p0 $0x0  }
0x89: {  	s18 =	sadd.s32 $0x5180, s17;
	[sflag:s12] =	ssyncadd.s32 @!p0 $0xFFFFF800  }
0x8a: {  	[tilespmem:s4], [sflag:$0x6] =	stream.indirect.gather [spmem:s2], $0x10, s18, s30, $0xb8;
	[tilespmem:$0xDF00] =	vst v63  }
0x8b: {  	_ =	swait.ge [sflag:s23], $0x800  }
0x8c: {  	[sflag:s23] =	ssyncset.done $0x0  }
0x8d: {  	s13 =	sadd.s32 $0x7800, s17;
	s12 =	simm.s32 @!p0 $0xF;
	[sflag:s23] =	ssyncadd.s32 $0xFFFFF800  }
0x8e: {  	[spmem:s3] =	stream.indirect.scatter.add.f32 [tilespmem:s19], [sflag:$0xB], $0x10, s13, s30, $0xb8;
	[tilespmem:$0xDF00] =	vst v63  }
0x8f: {  	_ =	swait.ge @!p0 [sflag:s12], $0x800  }
0x90: {  	[sflag:s12] =	ssyncset.done @!p0 $0x0  }
0x91: {  	s14 =	sadd.s32 $0x5200, s17;
	[sflag:s12] =	ssyncadd.s32 @!p0 $0xFFFFF800  }
0x92: {  	[tilespmem:s6], [sflag:$0x7] =	stream.indirect.gather [spmem:s2], $0x10, s14, s30, $0xb8;
	[tilespmem:$0xDF00] =	vst v63  }
0x93: {  	_ =	swait.ge [sflag:s7], $0x800  }
0x94: {  	[sflag:s7] =	ssyncset.done $0x0  }
0x95: {  	s18 =	sadd.s32 $0x7880, s17;
	s12 =	simm.s32 @!p0 $0x10;
	[sflag:s7] =	ssyncadd.s32 $0xFFFFF800  }
0x96: {  	[spmem:s3] =	stream.indirect.scatter.add.f32 [tilespmem:s1], [sflag:$0xC], $0x10, s18, s30, $0xb8;
	[tilespmem:$0xDF00] =	vst v63  }
0x97: {  	_ =	swait.ge @!p0 [sflag:s12], $0x800  }
0x98: {  	[sflag:s12] =	ssyncset.done @!p0 $0x0  }
0x99: {  	s13 =	sadd.s32 $0x5280, s17;
	[sflag:s12] =	ssyncadd.s32 @!p0 $0xFFFFF800  }
0x9a: {  	[tilespmem:s8], [sflag:$0x8] =	stream.indirect.gather [spmem:s2], $0x10, s13, s30, $0xb8;
	[tilespmem:$0xDF00] =	vst v63  }
0x9b: {  	_ =	swait.ge [sflag:s9], $0x800  }
0x9c: {  	p0 =	seq.s32 s16, $0x9000;
	[sflag:s9] =	ssyncset.done $0x0  }
0x9d: {  	s14 =	sadd.s32 $0x7900, s17;
	s12 =	simm.s32 @p0 $0x6;
	[sflag:s9] =	ssyncadd.s32 $0xFFFFF800  }
0x9e: {  	[spmem:s3] =	stream.indirect.scatter.add.f32 [tilespmem:s31], [sflag:$0xD], $0x10, s14, s30, $0xb8;
	[tilespmem:$0xDF00] =	vst v63  }
0x9f: {  	_ =	swait.ge @p0 [sflag:s12], $0x800  }
0xa0: {  	[sflag:s12] =	ssyncset.done @p0 $0x0  }
0xa1: {  	[sflag:s12] =	ssyncadd.s32 @p0 $0xFFFFF800;
	s12 =	sshra.s32 @p0 s16, $0x2  }
0xa2: {  	s13 =	simm.s32 @p0 $0x80;
	s18 =	simm.s32 @p0 $0xC700;
	s12 =	sadd.s32 @p0 $0x7980, s12  }
0xa3: {  	[spmem:s3] =	stream.indirect.scatter.add.f32 @p0 [tilespmem:s18], [sflag:$0xE], $0x10, s12, s13, $0xb8;
	[tilespmem:$0xDF00] =	vst v63  }
0xa4: {  	s12 =	simm.s32 @!p0 $0x9  }
0xa5: {  	_ =	swait.ge @!p0 [sflag:s12], $0x800  }
0xa6: {  	[sflag:s12] =	ssyncset.done @!p0 $0x0  }
0xa7: {  	[sflag:s12] =	ssyncadd.s32 @!p0 $0xFFFFF800;
	s12 =	sshra.s32 @!p0 s16, $0x2  }
0xa8: {  	s14 =	simm.s32 @!p0 $0x9F00;
	s18 =	simm.s32 @!p0 $0x80;
	s13 =	sadd.s32 @!p0 $0x5300, s12  }
0xa9: {  	[tilespmem:s14], [sflag:$0x1] =	stream.indirect.gather @!p0 [spmem:s2], $0x10, s13, s18, $0xb8;
	[tilespmem:$0xDF00] =	vst v63  }
0xaa: {  	s13 =	simm.s32 @!p0 $0x6  }
0xab: {  	_ =	swait.ge @!p0 [sflag:s13], $0x800  }
0xac: {  	[sflag:s13] =	ssyncset.done @!p0 $0x0  }
0xad: {  	s14 =	simm.s32 @!p0 $0xC700;
	[sflag:s13] =	ssyncadd.s32 @!p0 $0xFFFFF800;
	s13 =	sadd.s32 @!p0 $0x7980, s12  }
0xae: {  	[spmem:s3] =	stream.indirect.scatter.add.f32 @!p0 [tilespmem:s14], [sflag:$0xE], $0x10, s13, s18, $0xb8;
	[tilespmem:$0xDF00] =	vst v63  }
0xaf: {  	s13 =	simm.s32 @!p0 $0xA  }
0xb0: {  	_ =	swait.ge @!p0 [sflag:s13], $0x800  }
0xb1: {  	[sflag:s13] =	ssyncset.done @!p0 $0x0  }
0xb2: {  	s12 =	sadd.s32 @!p0 $0x5380, s12;
	[sflag:s13] =	ssyncadd.s32 @!p0 $0xFFFFF800;
	s13 =	simm.s32 @!p0 $0xA700  }
0xb3: {  	[tilespmem:s13], [sflag:$0x2] =	stream.indirect.gather @!p0 [spmem:s2], $0x10, s12, s18, $0xb8;
	[tilespmem:$0xDF00] =	vst v63  }
.Ltmp3:
0xb4: {  	_ = 	snop;
	(pc) =	sbr.rel @p0 .LBB2_6-.Ltmp3, $4  }
0xb5: {  	_ =	swait.ge [sflag:s11], $0x800  }
0xb6: {  	[sflag:s11] =	ssyncset.done $0x0  }
0xb7: {  	s18 =	sadd.s32 $0x7A00, s17;
	s12 =	sadd.s32 $0x7A80, s17;
	[sflag:s11] =	ssyncadd.s32 $0xFFFFF800  }
0xb8: {  	[spmem:s3] =	stream.indirect.scatter.add.f32 [tilespmem:s6], [sflag:$0xF], $0x10, s18, s30, $0xb8;
	[tilespmem:$0xDF00] =	vst v63  }
0xb9: {  	_ =	swait.ge [sflag:s26], $0x800  }
0xba: {  	[sflag:s26] =	ssyncset.done $0x0  }
0xbb: {  	s13 =	sadd.s32 $0x5400, s17;
	[sflag:s26] =	ssyncadd.s32 $0xFFFFF800  }
0xbc: {  	[tilespmem:s19], [sflag:$0x3] =	stream.indirect.gather [spmem:s2], $0x10, s13, s30, $0xb8;
	[tilespmem:$0xDF00] =	vst v63  }
0xbd: {  	_ =	swait.ge [sflag:s5], $0x800  }
0xbe: {  	[sflag:s5] =	ssyncset.done $0x0  }
0xbf: {  	[sflag:s5] =	ssyncadd.s32 $0xFFFFF800  }
0xc0: {  	[spmem:s3] =	stream.indirect.scatter.add.f32 [tilespmem:s8], [sflag:$0x10], $0x10, s12, s30, $0xb8;
	[tilespmem:$0xDF00] =	vst v63  }
.Ltmp4:
0xc1: {  	_ = 	snop;
	(pc) =	sbr.rel .LBB2_4-.Ltmp4, $4  }
0xc2: {  	_ =	swait.ge [sflag:s28], $0x800  }
0xc3: {  	[sflag:s28] =	ssyncset.done $0x0  }
0xc4: {  	s18 =	sadd.s32 $0x5480, s17;
	s16 =	sadd.s32 $0x1000, s16;
	[sflag:s28] =	ssyncadd.s32 $0xFFFFF800  }
0xc5: {  	[tilespmem:s1], [sflag:$0x4] =	stream.indirect.gather [spmem:s2], $0x10, s18, s30, $0xb8;
	[tilespmem:$0xDF00] =	vst v63  }
.LBB2_7:
0xc6: {  	_ =	sfence.sel $0x180000  }
0xc7: {  	[bflag:$0x0] =	sbarrier.arrive $0xFFFF  }
0xc8: {  	_ =	strace $0x90000050  }
0xc9: {  	s0 =	stileid.u32;
	[bflag:$0x2] =	sbarrier.arrive $0xFFFF  }
0xca: {  	p0 =	sne.s32 s0, $0x0;
	s0 =	rddreg [dreg:$0x3]  }
0xcb: {  	s0 =	sadd.s32 @!p0 $0x100000, s0  }
0xcc: {  	[sflag:s0] =	ssyncadd.tile.s32 @!p0 $0x1;
	_ =	shalt  }
.Lfunc_end2:
_tile_overlayer_lowered:
.L_overlay_start_2:
0xcd: {  	(tag) =	ssettag $0x2  }
0xce: {  	s0 =	rddreg [dreg:$0x0];
	s2 =	stileid.u32  }
0xcf: {  	s1 =	rddreg [dreg:$0x1];
	p0 =	sne.s32 s2, $0x0  }
0xd0: {  	s3 =	rddreg [dreg:$0x2];
	[bflag:$0x3] =	sbarrier.arrive $0xFFFF;
	s2 =	simm.s32 @!p0 $0x1C11  }
0xd1: {  	[timem:s3], [sflag:s2] =	dma.local @!p0 [hbm:s0], s1  }
0xd2: {  	s0 =	simm.s32 @!p0 $0x11  }
0xd3: {  	_ =	swait.ge @!p0 [sflag:s0], s1  }
0xd4: {  	s1 =	ssub.s32 @!p0 $0x0, s1;
	[sflag:s0] =	ssyncset.done @!p0 $0x0  }
0xd5: {  	[sflag:s0] =	ssyncadd.s32 @!p0 s1  }
0xd6: {  	[bflag:$0x3] =	sbarrier.arrive $0xFFFF  }
0xd7: {  	_ =	shalt  }

</sc_bundles>
